<compile_context>
chip_gen: v7x
topology: tpu7x:2x2x1
jax: 0.10.2.dev20260603
libtpu: 0.0.44.dev20260713+nightly
codegen_flags: <defaults>
</compile_context>

<pallas_src>
import functools

import jax
import jax.numpy as jnp
from jax import lax
from jax.experimental import pallas as pl
from jax.experimental.pallas import tpu as pltpu
from jax.experimental.pallas import tpu_sc as plsc

N = 10000
E = 320000
D = 128
K_HOPS = 2

NC = 2
NS = 16
NW = NC * NS
EPW = E // NW
CH = 125
NCHUNK = EPW // CH
NHALF = NCHUNK // 2
RPT = 624
RTAIL = N - NS * RPT
DW = D

def _sc_prop_body(src_hbm, dst_hbm, t_hbm, zeros_hbm, out_hbm,
                  acc_sh, srcidx, dstidx, rows0, rows1, sem0, sem1):
    c = lax.axis_index("c")
    s = lax.axis_index("s")
    pltpu.sync_copy(zeros_hbm.at[pl.ds(s * RPT, RPT)],
                    acc_sh.at[pl.ds(s * RPT, RPT)])

    @pl.when(s == NS - 1)
    def _():
        pltpu.sync_copy(zeros_hbm.at[pl.ds(NS * RPT, RTAIL)],
                        acc_sh.at[pl.ds(NS * RPT, RTAIL)])

    plsc.subcore_barrier()

    wid = c * NS + s
    for h in range(2):
        pltpu.sync_copy(src_hbm.at[wid].at[h], srcidx)
        pltpu.sync_copy(dst_hbm.at[wid].at[h], dstidx)
        pltpu.async_copy(t_hbm.at[srcidx.at[0]], rows0, sem0)

        def chunk(j, carry):
            i0 = 2 * j
            pltpu.make_async_copy(t_hbm.at[srcidx.at[i0]], rows0, sem0).wait()
            pltpu.async_copy(t_hbm.at[srcidx.at[i0 + 1]], rows1, sem1)
            pltpu.sync_copy(rows0, acc_sh.at[dstidx.at[i0]], add=True)
            pltpu.make_async_copy(t_hbm.at[srcidx.at[i0 + 1]], rows1,
                                  sem1).wait()

            @pl.when(j < NHALF // 2 - 1)
            def _():
                pltpu.async_copy(t_hbm.at[srcidx.at[i0 + 2]], rows0, sem0)

            pltpu.sync_copy(rows1, acc_sh.at[dstidx.at[i0 + 1]], add=True)
            return carry

        lax.fori_loop(0, NHALF // 2, chunk, 0)
    plsc.subcore_barrier()
    pltpu.sync_copy(acc_sh.at[pl.ds(s * RPT, RPT)],
                    out_hbm.at[c].at[pl.ds(s * RPT, RPT)])

    @pl.when(s == NS - 1)
    def _():
        pltpu.sync_copy(acc_sh.at[pl.ds(NS * RPT, RTAIL)],
                        out_hbm.at[c].at[pl.ds(NS * RPT, RTAIL)])


@functools.cache
def _get_sc_prop():
    mesh = plsc.VectorSubcoreMesh(core_axis_name="c", subcore_axis_name="s")
    return pl.kernel(
        _sc_prop_body,
        out_type=jax.ShapeDtypeStruct((NC, N, D), jnp.float32),
        mesh=mesh,
        scratch_types=[
            pltpu.VMEM_SHARED((N, D), jnp.float32),
            pltpu.VMEM((NHALF, CH), jnp.int32),
            pltpu.VMEM((NHALF, CH), jnp.int32),
            pltpu.VMEM((CH, D), jnp.float32),
            pltpu.VMEM((CH, D), jnp.float32),
            pltpu.SemaphoreType.DMA,
            pltpu.SemaphoreType.DMA,
        ],
    )


def _sc_prop(src, dst, t, zeros):
    return _get_sc_prop()(src, dst, t, zeros)


def _sc_deg_body(dst_hbm, ones_hbm, zeros_hbm, out_hbm, acc_sh, dstidx, ones_v):
    c = lax.axis_index("c")
    s = lax.axis_index("s")
    pltpu.sync_copy(zeros_hbm.at[pl.ds(s * RPT, RPT)],
                    acc_sh.at[pl.ds(s * RPT, RPT)])

    @pl.when(s == NS - 1)
    def _():
        pltpu.sync_copy(zeros_hbm.at[pl.ds(NS * RPT, RTAIL)],
                        acc_sh.at[pl.ds(NS * RPT, RTAIL)])

    plsc.subcore_barrier()
    wid = c * NS + s
    pltpu.sync_copy(ones_hbm, ones_v)
    for h in range(2):
        pltpu.sync_copy(dst_hbm.at[wid].at[h], dstidx)

        def chunk(i, carry):
            pltpu.sync_copy(ones_v, acc_sh.at[dstidx.at[i]], add=True)
            return carry

        lax.fori_loop(0, NHALF, chunk, 0)
    plsc.subcore_barrier()
    pltpu.sync_copy(acc_sh.at[pl.ds(s * RPT, RPT)],
                    out_hbm.at[c].at[pl.ds(s * RPT, RPT)])

    @pl.when(s == NS - 1)
    def _():
        pltpu.sync_copy(acc_sh.at[pl.ds(NS * RPT, RTAIL)],
                        out_hbm.at[c].at[pl.ds(NS * RPT, RTAIL)])


@functools.cache
def _get_sc_deg():
    mesh = plsc.VectorSubcoreMesh(core_axis_name="c", subcore_axis_name="s")
    return pl.kernel(
        _sc_deg_body,
        out_type=jax.ShapeDtypeStruct((NC, N, DW), jnp.float32),
        mesh=mesh,
        scratch_types=[
            pltpu.VMEM_SHARED((N, DW), jnp.float32),
            pltpu.VMEM((NHALF, CH), jnp.int32),
            pltpu.VMEM((CH, DW), jnp.float32),
        ],
    )



_BLK = 1000
_NBLK = N // _BLK


def _prep_body(x_ref, degp_ref, t0_ref, normb_ref):
    deg = degp_ref[0, :, :1] + degp_ref[1, :, :1]
    norm = jnp.broadcast_to(lax.rsqrt(jnp.maximum(deg, 1.0)), (_BLK, D))
    normb_ref[...] = norm
    t0_ref[...] = norm * jnp.nan_to_num(x_ref[...])


def _tc_prep(x, degp):
    return pl.pallas_call(
        _prep_body,
        grid=(_NBLK,),
        in_specs=[
            pl.BlockSpec((_BLK, D), lambda i: (i, 0)),
            pl.BlockSpec((NC, _BLK, DW), lambda i: (0, i, 0)),
        ],
        out_specs=[
            pl.BlockSpec((_BLK, D), lambda i: (i, 0)),
            pl.BlockSpec((_BLK, D), lambda i: (i, 0)),
        ],
        out_shape=[
            jax.ShapeDtypeStruct((N, D), jnp.float32),
            jax.ShapeDtypeStruct((N, D), jnp.float32),
        ],
    )(x, degp)


def _mid_body(sp_ref, normb_ref, t_ref):
    nb = normb_ref[...]
    t_ref[...] = nb * nb * (sp_ref[0] + sp_ref[1])


def _tc_mid(sp, normb):
    return pl.pallas_call(
        _mid_body,
        grid=(_NBLK,),
        in_specs=[
            pl.BlockSpec((NC, _BLK, D), lambda i: (0, i, 0)),
            pl.BlockSpec((_BLK, D), lambda i: (i, 0)),
        ],
        out_specs=pl.BlockSpec((_BLK, D), lambda i: (i, 0)),
        out_shape=jax.ShapeDtypeStruct((N, D), jnp.float32),
    )(sp, normb)


def _layer_body(feat_ref, s1_ref, s2_ref, normb_ref, w_ref, b_ref,
                h_ref, t_ref):
    nb = normb_ref[...]
    f = jnp.nan_to_num(feat_ref[...])
    h1 = nb * (s1_ref[0] + s1_ref[1])
    h2 = nb * (s2_ref[0] + s2_ref[1])
    cat = jnp.concatenate([f, h1, h2], axis=1)
    out = jnp.dot(cat, w_ref[...], preferred_element_type=jnp.float32)
    out = jnp.maximum(out + b_ref[...], 0.0)
    h_ref[...] = out
    t_ref[...] = nb * out


def _tc_layer(feat, s1p, s2p, normb, W, b):
    return pl.pallas_call(
        _layer_body,
        grid=(_NBLK,),
        in_specs=[
            pl.BlockSpec((_BLK, D), lambda i: (i, 0)),
            pl.BlockSpec((NC, _BLK, D), lambda i: (0, i, 0)),
            pl.BlockSpec((NC, _BLK, D), lambda i: (0, i, 0)),
            pl.BlockSpec((_BLK, D), lambda i: (i, 0)),
            pl.BlockSpec((3 * D, D), lambda i: (0, 0)),
            pl.BlockSpec((1, D), lambda i: (0, 0)),
        ],
        out_specs=[
            pl.BlockSpec((_BLK, D), lambda i: (i, 0)),
            pl.BlockSpec((_BLK, D), lambda i: (i, 0)),
        ],
        out_shape=[
            jax.ShapeDtypeStruct((N, D), jnp.float32),
            jax.ShapeDtypeStruct((N, D), jnp.float32),
        ],
    )(feat, s1p, s2p, normb, W, b)


def _layer3_body(feat_ref, s1_ref, s2_ref, normb_ref, w_ref, b_ref,
                 wc_ref, bc_ref, out_ref, acc_ref):
    i = pl.program_id(0)
    nb = normb_ref[...]
    f = jnp.nan_to_num(feat_ref[...])
    h1 = nb * (s1_ref[0] + s1_ref[1])
    h2 = nb * (s2_ref[0] + s2_ref[1])
    cat = jnp.concatenate([f, h1, h2], axis=1)
    out = jnp.dot(cat, w_ref[...], preferred_element_type=jnp.float32)
    out = jnp.maximum(out + b_ref[...], 0.0)

    @pl.when(i == 0)
    def _():
        acc_ref[...] = jnp.zeros_like(acc_ref)

    acc_ref[...] += jnp.sum(out, axis=0, keepdims=True)

    @pl.when(i == _NBLK - 1)
    def _():
        hg = acc_ref[...] * (1.0 / N)
        out_ref[...] = jnp.dot(hg, wc_ref[...],
                               preferred_element_type=jnp.float32) + bc_ref[...]


def _tc_layer3(feat, s1p, s2p, normb, W, b, Wc, bc):
    return pl.pallas_call(
        _layer3_body,
        grid=(_NBLK,),
        in_specs=[
            pl.BlockSpec((_BLK, D), lambda i: (i, 0)),
            pl.BlockSpec((NC, _BLK, D), lambda i: (0, i, 0)),
            pl.BlockSpec((NC, _BLK, D), lambda i: (0, i, 0)),
            pl.BlockSpec((_BLK, D), lambda i: (i, 0)),
            pl.BlockSpec((3 * D, D), lambda i: (0, 0)),
            pl.BlockSpec((1, D), lambda i: (0, 0)),
            pl.BlockSpec((D, 1), lambda i: (0, 0)),
            pl.BlockSpec((1, 1), lambda i: (0, 0)),
        ],
        out_specs=pl.BlockSpec((1, 1), lambda i: (0, 0)),
        out_shape=jax.ShapeDtypeStruct((1, 1), jnp.float32),
        scratch_shapes=[pltpu.VMEM((1, D), jnp.float32)],
    )(feat, s1p, s2p, normb, W, b, Wc, bc)


def kernel(x, edge_index, W1, b1, W2, b2, W3, b3, Wc, bc):
    src = edge_index[0].reshape(NW, 2, NHALF, CH)
    dst = edge_index[1].reshape(NW, 2, NHALF, CH)
    zeros = jnp.zeros((N, D), jnp.float32)
    ones_chunk = jnp.ones((CH, DW), jnp.float32)
    b1r = b1.reshape(1, D)
    b2r = b2.reshape(1, D)
    b3r = b3.reshape(1, D)
    bcr = bc.reshape(1, 1)

    degp = _get_sc_deg()(dst, ones_chunk, zeros)
    t, normb = _tc_prep(x, degp)

    feat = x
    for W, b in ((W1, b1r), (W2, b2r)):
        s1p = _sc_prop(src, dst, t, zeros)
        t1 = _tc_mid(s1p, normb)
        s2p = _sc_prop(src, dst, t1, zeros)
        feat, t = _tc_layer(feat, s1p, s2p, normb, W, b)

    s1p = _sc_prop(src, dst, t, zeros)
    t1 = _tc_mid(s1p, normb)
    s2p = _sc_prop(src, dst, t1, zeros)
    return _tc_layer3(feat, s1p, s2p, normb, W3, b3r, Wc, bcr)

# --- scband reference (transcript-rebuilt; emitter-appended) ---
"""Pipeline reference for scband-gnn-24927990186433 (READ-ONLY COPY).

The authoritative reference and input builder live on the scoring server;
editing this copy changes nothing except your own understanding.
"""

import jax, jax.numpy as jnp
import numpy as np

N = 10000
E = 320000
D = 128
H = 128
K_HOPS = 2  # DGL TAGConv default k=2


def _uniform(key, shape, fan_in):
    s = 1.0 / np.sqrt(fan_in)
    return jax.random.uniform(key, shape, minval=-s, maxval=s, dtype=jnp.float32)


def setup_inputs(seed: int = 0) -> dict:
    key = jax.random.key(seed)
    ks = jax.random.split(key, 12)
    x = jax.random.normal(ks[0], (N, D), dtype=jnp.float32)
    edge_index = jax.random.randint(ks[1], (2, E), 0, N, dtype=jnp.int32)
    # TAGConv lin: in_feats*(k+1) -> out_feats
    W1 = _uniform(ks[2], (D * (K_HOPS + 1), H), D * (K_HOPS + 1))
    b1 = _uniform(ks[3], (H,), D * (K_HOPS + 1))
    W2 = _uniform(ks[4], (H * (K_HOPS + 1), H), H * (K_HOPS + 1))
    b2 = _uniform(ks[5], (H,), H * (K_HOPS + 1))
    W3 = _uniform(ks[6], (H * (K_HOPS + 1), H), H * (K_HOPS + 1))
    b3 = _uniform(ks[7], (H,), H * (K_HOPS + 1))
    Wc = _uniform(ks[8], (H, 1), H)
    bc = _uniform(ks[9], (1,), H)
    return {"x": x, "edge_index": edge_index, "W1": W1, "b1": b1,
            "W2": W2, "b2": b2, "W3": W3, "b3": b3, "Wc": Wc, "bc": bc}


def reference(x, edge_index, W1, b1, W2, b2, W3, b3, Wc, bc):
    x = jnp.nan_to_num(x)
    src = edge_index[0]
    dst = edge_index[1]
    # DGL TAGConv normalization: in_degree clamped to 1, ^-0.5 applied on both sides
    deg = jax.ops.segment_sum(jnp.ones((E,), dtype=jnp.float32), dst, num_segments=N)
    norm = jnp.power(jnp.maximum(deg, 1.0), -0.5)[:, None]

    def tagconv(feat, W, b):
        fstack = [feat]
        h = feat
        for _ in range(K_HOPS):
            h = h * norm
            h = jax.ops.segment_sum(h[src], dst, num_segments=N)
            h = h * norm
            fstack.append(h)
        return jnp.concatenate(fstack, axis=-1) @ W + b

    h = jax.nn.relu(tagconv(x, W1, b1))
    h = jax.nn.relu(tagconv(h, W2, b2))
    h = jax.nn.relu(tagconv(h, W3, b3))
    # dgl.mean_nodes over a single graph -> [1, H]
    hg = jnp.mean(h, axis=0, keepdims=True)
    return hg @ Wc + bc

if __name__ == "__main__":
    import jax
    _d = setup_inputs()
    print(jax.jit(kernel)(*tuple(_d.values())))

</pallas_src>

<mosaic_0001>
#map = affine_map<(d0, d1) -> (0, 0, 0, 0)>
#map1 = affine_map<(d0, d1) -> (0, 0)>
#map2 = affine_map<(d0, d1) -> (0, 0, 0)>
module attributes {stable_mosaic.version = 14 : i64} {
  func.func @_sc_prop_body(%arg0: i32, %arg1: i32, %arg2: memref<32x2x40x125xi32, #tpu.memory_space<hbm>>, %arg3: memref<32x2x40x125xi32, #tpu.memory_space<hbm>>, %arg4: memref<10000x128xf32, #tpu.memory_space<hbm>>, %arg5: memref<10000x128xf32, #tpu.memory_space<hbm>>, %arg6: memref<2x10000x128xf32, #tpu.memory_space<hbm>>, %arg7: memref<10000x128xf32, #tpu.memory_space<vmem_shared>>, %arg8: memref<40x125xi32, #tpu.memory_space<vmem>>, %arg9: memref<40x125xi32, #tpu.memory_space<vmem>>, %arg10: memref<125x128xf32, #tpu.memory_space<vmem>>, %arg11: memref<125x128xf32, #tpu.memory_space<vmem>>, %arg12: memref<!tpu.dma_semaphore, #tpu.memory_space<semaphore_mem>>, %arg13: memref<!tpu.dma_semaphore, #tpu.memory_space<semaphore_mem>>) attributes {dimension_semantics = [#tpu.dimension_semantics<core_parallel>, #tpu.dimension_semantics<subcore_parallel>], iteration_bounds = array<i64: 2, 16>, scalar_prefetch = 0 : i64, scratch_operands = 7 : i64, tpu.core_type = #tpu.core_type<sc_vector_subcore>, window_params = [{transform_indices = #map}, {transform_indices = #map}, {transform_indices = #map1}, {transform_indices = #map1}, {transform_indices = #map2}]} {
    %mul3A = arith.constant 624 : i32
    %mul3A_0 = arith.muli %arg1, %mul3A : i32
    %mul3A_1 = arith.constant 624 : i32
    %mul3A_2 = arith.muli %arg1, %mul3A_1 : i32
    "tpu.region"() ({
      %run_scoped3A_44 = tpu.sem_alloc : memref<!tpu.dma_semaphore, #tpu.memory_space<semaphore_mem>>
      %dma_start3A_45 = arith.constant 0 : i32
      %dma_start3A_46 = tpu.memref_slice %arg7[%mul3A_2, %dma_start3A_45] : memref<10000x128xf32, #tpu.memory_space<vmem_shared>> -> memref<624x128xf32, #tpu.memory_space<vmem_shared>>
      %dma_start3A_47 = arith.constant 0 : i32
      %dma_start3A_48 = tpu.memref_slice %arg5[%mul3A_0, %dma_start3A_47] : memref<10000x128xf32, #tpu.memory_space<hbm>> -> memref<624x128xf32, #tpu.memory_space<hbm>>
      tpu.enqueue_dma source(%dma_start3A_48 : memref<624x128xf32, #tpu.memory_space<hbm>>) target(%dma_start3A_46 : memref<624x128xf32, #tpu.memory_space<vmem_shared>>) target_semaphore(%run_scoped3A_44 : memref<!tpu.dma_semaphore, #tpu.memory_space<semaphore_mem>>)
      %dma_wait3A = arith.constant 0 : i32
      %dma_wait3A_49 = tpu.memref_slice %arg7[%mul3A_2, %dma_wait3A] : memref<10000x128xf32, #tpu.memory_space<vmem_shared>> -> memref<624x128xf32, #tpu.memory_space<vmem_shared>>
      %dma_wait3A_50 = arith.constant 0 : i32
      %dma_wait3A_51 = tpu.memref_slice %arg5[%mul3A_0, %dma_wait3A_50] : memref<10000x128xf32, #tpu.memory_space<hbm>> -> memref<624x128xf32, #tpu.memory_space<hbm>>
      tpu.wait_dma2 semaphore(%run_scoped3A_44 : memref<!tpu.dma_semaphore, #tpu.memory_space<semaphore_mem>>) src(%dma_wait3A_51 : memref<624x128xf32, #tpu.memory_space<hbm>>) dst(%dma_wait3A_49 : memref<624x128xf32, #tpu.memory_space<vmem_shared>>)
      tpu.yield
    }) : () -> ()
    %eq3A = arith.constant 15 : i32
    %eq3A_3 = arith.cmpi eq, %arg1, %eq3A : i32
    %convert_element_type3A = arith.extui %eq3A_3 : i1 to i32
    %cond3A = arith.constant 0 : i32
    %cond3A_4 = arith.cmpi ne, %convert_element_type3A, %cond3A : i32
    scf.if %cond3A_4 {
      "tpu.region"() ({
        %run_scoped3A_44 = tpu.sem_alloc : memref<!tpu.dma_semaphore, #tpu.memory_space<semaphore_mem>>
        %dma_start3A_45 = arith.constant 9984 : i32
        %dma_start3A_46 = arith.constant 0 : i32
        %dma_start3A_47 = tpu.memref_slice %arg7[%dma_start3A_45, %dma_start3A_46] : memref<10000x128xf32, #tpu.memory_space<vmem_shared>> -> memref<16x128xf32, #tpu.memory_space<vmem_shared>>
        %dma_start3A_48 = arith.constant 9984 : i32
        %dma_start3A_49 = arith.constant 0 : i32
        %dma_start3A_50 = tpu.memref_slice %arg5[%dma_start3A_48, %dma_start3A_49] : memref<10000x128xf32, #tpu.memory_space<hbm>> -> memref<16x128xf32, #tpu.memory_space<hbm>>
        tpu.enqueue_dma source(%dma_start3A_50 : memref<16x128xf32, #tpu.memory_space<hbm>>) target(%dma_start3A_47 : memref<16x128xf32, #tpu.memory_space<vmem_shared>>) target_semaphore(%run_scoped3A_44 : memref<!tpu.dma_semaphore, #tpu.memory_space<semaphore_mem>>)
        %dma_wait3A = arith.constant 9984 : i32
        %dma_wait3A_51 = arith.constant 0 : i32
        %dma_wait3A_52 = tpu.memref_slice %arg7[%dma_wait3A, %dma_wait3A_51] : memref<10000x128xf32, #tpu.memory_space<vmem_shared>> -> memref<16x128xf32, #tpu.memory_space<vmem_shared>>
        %dma_wait3A_53 = arith.constant 9984 : i32
        %dma_wait3A_54 = arith.constant 0 : i32
        %dma_wait3A_55 = tpu.memref_slice %arg5[%dma_wait3A_53, %dma_wait3A_54] : memref<10000x128xf32, #tpu.memory_space<hbm>> -> memref<16x128xf32, #tpu.memory_space<hbm>>
        tpu.wait_dma2 semaphore(%run_scoped3A_44 : memref<!tpu.dma_semaphore, #tpu.memory_space<semaphore_mem>>) src(%dma_wait3A_55 : memref<16x128xf32, #tpu.memory_space<hbm>>) dst(%dma_wait3A_52 : memref<16x128xf32, #tpu.memory_space<vmem_shared>>)
        tpu.yield
      }) : () -> ()
    } else {
    }
    %barrier3A = arith.constant 0 : index
    tpu.barrier barrier_id(%barrier3A)
    %mul3A_5 = arith.constant 16 : i32
    %mul3A_6 = arith.muli %arg0, %mul3A_5 : i32
    %add3A = arith.addi %mul3A_6, %arg1 : i32
    %run_scoped3A = arith.constant 0 : i32
    "tpu.region"() ({
      %run_scoped3A_44 = tpu.sem_alloc : memref<!tpu.dma_semaphore, #tpu.memory_space<semaphore_mem>>
      %dma_start3A_45 = arith.constant 0 : i32
      %dma_start3A_46 = arith.constant 0 : i32
      %dma_start3A_47 = arith.constant 0 : i32
      %dma_start3A_48 = tpu.memref_slice %arg2[%add3A, %dma_start3A_45, %dma_start3A_46, %dma_start3A_47] : memref<32x2x40x125xi32, #tpu.memory_space<hbm>> -> memref<1x2x40x125xi32, #tpu.memory_space<hbm>>
      %dma_start3A_49 = tpu.memref_squeeze %dma_start3A_48 : memref<1x2x40x125xi32, #tpu.memory_space<hbm>> -> memref<2x40x125xi32, #tpu.memory_space<hbm>>
      %dma_start3A_50 = arith.constant 0 : i32
      %dma_start3A_51 = arith.constant 0 : i32
      %dma_start3A_52 = tpu.memref_slice %dma_start3A_49[%run_scoped3A, %dma_start3A_50, %dma_start3A_51] : memref<2x40x125xi32, #tpu.memory_space<hbm>> -> memref<1x40x125xi32, #tpu.memory_space<hbm>>
      %dma_start3A_53 = tpu.memref_squeeze %dma_start3A_52 : memref<1x40x125xi32, #tpu.memory_space<hbm>> -> memref<40x125xi32, #tpu.memory_space<hbm>>
      %dma_start3A_54 = arith.constant 0 : i32
      %dma_start3A_55 = arith.constant 0 : i32
      %dma_start3A_56 = arith.constant 0 : i32
      %dma_start3A_57 = tpu.memref_slice %arg2[%add3A, %dma_start3A_54, %dma_start3A_55, %dma_start3A_56] : memref<32x2x40x125xi32, #tpu.memory_space<hbm>> -> memref<1x2x40x125xi32, #tpu.memory_space<hbm>>
      %dma_start3A_58 = tpu.memref_squeeze %dma_start3A_57 : memref<1x2x40x125xi32, #tpu.memory_space<hbm>> -> memref<2x40x125xi32, #tpu.memory_space<hbm>>
      %dma_start3A_59 = arith.constant 0 : i32
      %dma_start3A_60 = arith.constant 0 : i32
      %dma_start3A_61 = tpu.memref_slice %dma_start3A_58[%run_scoped3A, %dma_start3A_59, %dma_start3A_60] : memref<2x40x125xi32, #tpu.memory_space<hbm>> -> memref<1x40x125xi32, #tpu.memory_space<hbm>>
      %dma_start3A_62 = tpu.memref_squeeze %dma_start3A_61 : memref<1x40x125xi32, #tpu.memory_space<hbm>> -> memref<40x125xi32, #tpu.memory_space<hbm>>
      tpu.enqueue_dma source(%dma_start3A_62 : memref<40x125xi32, #tpu.memory_space<hbm>>) target(%arg8 : memref<40x125xi32, #tpu.memory_space<vmem>>) target_semaphore(%run_scoped3A_44 : memref<!tpu.dma_semaphore, #tpu.memory_space<semaphore_mem>>)
      %dma_wait3A = arith.constant 0 : i32
      %dma_wait3A_63 = arith.constant 0 : i32
      %dma_wait3A_64 = arith.constant 0 : i32
      %dma_wait3A_65 = tpu.memref_slice %arg2[%add3A, %dma_wait3A, %dma_wait3A_63, %dma_wait3A_64] : memref<32x2x40x125xi32, #tpu.memory_space<hbm>> -> memref<1x2x40x125xi32, #tpu.memory_space<hbm>>
      %dma_wait3A_66 = tpu.memref_squeeze %dma_wait3A_65 : memref<1x2x40x125xi32, #tpu.memory_space<hbm>> -> memref<2x40x125xi32, #tpu.memory_space<hbm>>
      %dma_wait3A_67 = arith.constant 0 : i32
      %dma_wait3A_68 = arith.constant 0 : i32
      %dma_wait3A_69 = tpu.memref_slice %dma_wait3A_66[%run_scoped3A, %dma_wait3A_67, %dma_wait3A_68] : memref<2x40x125xi32, #tpu.memory_space<hbm>> -> memref<1x40x125xi32, #tpu.memory_space<hbm>>
      %dma_wait3A_70 = tpu.memref_squeeze %dma_wait3A_69 : memref<1x40x125xi32, #tpu.memory_space<hbm>> -> memref<40x125xi32, #tpu.memory_space<hbm>>
      %dma_wait3A_71 = arith.constant 0 : i32
      %dma_wait3A_72 = arith.constant 0 : i32
      %dma_wait3A_73 = arith.constant 0 : i32
      %dma_wait3A_74 = tpu.memref_slice %arg2[%add3A, %dma_wait3A_71, %dma_wait3A_72, %dma_wait3A_73] : memref<32x2x40x125xi32, #tpu.memory_space<hbm>> -> memref<1x2x40x125xi32, #tpu.memory_space<hbm>>
      %dma_wait3A_75 = tpu.memref_squeeze %dma_wait3A_74 : memref<1x2x40x125xi32, #tpu.memory_space<hbm>> -> memref<2x40x125xi32, #tpu.memory_space<hbm>>
      %dma_wait3A_76 = arith.constant 0 : i32
      %dma_wait3A_77 = arith.constant 0 : i32
      %dma_wait3A_78 = tpu.memref_slice %dma_wait3A_75[%run_scoped3A, %dma_wait3A_76, %dma_wait3A_77] : memref<2x40x125xi32, #tpu.memory_space<hbm>> -> memref<1x40x125xi32, #tpu.memory_space<hbm>>
      %dma_wait3A_79 = tpu.memref_squeeze %dma_wait3A_78 : memref<1x40x125xi32, #tpu.memory_space<hbm>> -> memref<40x125xi32, #tpu.memory_space<hbm>>
      tpu.wait_dma2 semaphore(%run_scoped3A_44 : memref<!tpu.dma_semaphore, #tpu.memory_space<semaphore_mem>>) src(%dma_wait3A_79 : memref<40x125xi32, #tpu.memory_space<hbm>>) dst(%arg8 : memref<40x125xi32, #tpu.memory_space<vmem>>)
      tpu.yield
    }) : () -> ()
    %run_scoped3A_7 = arith.constant 0 : i32
    "tpu.region"() ({
      %run_scoped3A_44 = tpu.sem_alloc : memref<!tpu.dma_semaphore, #tpu.memory_space<semaphore_mem>>
      %dma_start3A_45 = arith.constant 0 : i32
      %dma_start3A_46 = arith.constant 0 : i32
      %dma_start3A_47 = arith.constant 0 : i32
      %dma_start3A_48 = tpu.memref_slice %arg3[%add3A, %dma_start3A_45, %dma_start3A_46, %dma_start3A_47] : memref<32x2x40x125xi32, #tpu.memory_space<hbm>> -> memref<1x2x40x125xi32, #tpu.memory_space<hbm>>
      %dma_start3A_49 = tpu.memref_squeeze %dma_start3A_48 : memref<1x2x40x125xi32, #tpu.memory_space<hbm>> -> memref<2x40x125xi32, #tpu.memory_space<hbm>>
      %dma_start3A_50 = arith.constant 0 : i32
      %dma_start3A_51 = arith.constant 0 : i32
      %dma_start3A_52 = tpu.memref_slice %dma_start3A_49[%run_scoped3A_7, %dma_start3A_50, %dma_start3A_51] : memref<2x40x125xi32, #tpu.memory_space<hbm>> -> memref<1x40x125xi32, #tpu.memory_space<hbm>>
      %dma_start3A_53 = tpu.memref_squeeze %dma_start3A_52 : memref<1x40x125xi32, #tpu.memory_space<hbm>> -> memref<40x125xi32, #tpu.memory_space<hbm>>
      %dma_start3A_54 = arith.constant 0 : i32
      %dma_start3A_55 = arith.constant 0 : i32
      %dma_start3A_56 = arith.constant 0 : i32
      %dma_start3A_57 = tpu.memref_slice %arg3[%add3A, %dma_start3A_54, %dma_start3A_55, %dma_start3A_56] : memref<32x2x40x125xi32, #tpu.memory_space<hbm>> -> memref<1x2x40x125xi32, #tpu.memory_space<hbm>>
      %dma_start3A_58 = tpu.memref_squeeze %dma_start3A_57 : memref<1x2x40x125xi32, #tpu.memory_space<hbm>> -> memref<2x40x125xi32, #tpu.memory_space<hbm>>
      %dma_start3A_59 = arith.constant 0 : i32
      %dma_start3A_60 = arith.constant 0 : i32
      %dma_start3A_61 = tpu.memref_slice %dma_start3A_58[%run_scoped3A_7, %dma_start3A_59, %dma_start3A_60] : memref<2x40x125xi32, #tpu.memory_space<hbm>> -> memref<1x40x125xi32, #tpu.memory_space<hbm>>
      %dma_start3A_62 = tpu.memref_squeeze %dma_start3A_61 : memref<1x40x125xi32, #tpu.memory_space<hbm>> -> memref<40x125xi32, #tpu.memory_space<hbm>>
      tpu.enqueue_dma source(%dma_start3A_62 : memref<40x125xi32, #tpu.memory_space<hbm>>) target(%arg9 : memref<40x125xi32, #tpu.memory_space<vmem>>) target_semaphore(%run_scoped3A_44 : memref<!tpu.dma_semaphore, #tpu.memory_space<semaphore_mem>>)
      %dma_wait3A = arith.constant 0 : i32
      %dma_wait3A_63 = arith.constant 0 : i32
      %dma_wait3A_64 = arith.constant 0 : i32
      %dma_wait3A_65 = tpu.memref_slice %arg3[%add3A, %dma_wait3A, %dma_wait3A_63, %dma_wait3A_64] : memref<32x2x40x125xi32, #tpu.memory_space<hbm>> -> memref<1x2x40x125xi32, #tpu.memory_space<hbm>>
      %dma_wait3A_66 = tpu.memref_squeeze %dma_wait3A_65 : memref<1x2x40x125xi32, #tpu.memory_space<hbm>> -> memref<2x40x125xi32, #tpu.memory_space<hbm>>
      %dma_wait3A_67 = arith.constant 0 : i32
      %dma_wait3A_68 = arith.constant 0 : i32
      %dma_wait3A_69 = tpu.memref_slice %dma_wait3A_66[%run_scoped3A_7, %dma_wait3A_67, %dma_wait3A_68] : memref<2x40x125xi32, #tpu.memory_space<hbm>> -> memref<1x40x125xi32, #tpu.memory_space<hbm>>
      %dma_wait3A_70 = tpu.memref_squeeze %dma_wait3A_69 : memref<1x40x125xi32, #tpu.memory_space<hbm>> -> memref<40x125xi32, #tpu.memory_space<hbm>>
      %dma_wait3A_71 = arith.constant 0 : i32
      %dma_wait3A_72 = arith.constant 0 : i32
      %dma_wait3A_73 = arith.constant 0 : i32
      %dma_wait3A_74 = tpu.memref_slice %arg3[%add3A, %dma_wait3A_71, %dma_wait3A_72, %dma_wait3A_73] : memref<32x2x40x125xi32, #tpu.memory_space<hbm>> -> memref<1x2x40x125xi32, #tpu.memory_space<hbm>>
      %dma_wait3A_75 = tpu.memref_squeeze %dma_wait3A_74 : memref<1x2x40x125xi32, #tpu.memory_space<hbm>> -> memref<2x40x125xi32, #tpu.memory_space<hbm>>
      %dma_wait3A_76 = arith.constant 0 : i32
      %dma_wait3A_77 = arith.constant 0 : i32
      %dma_wait3A_78 = tpu.memref_slice %dma_wait3A_75[%run_scoped3A_7, %dma_wait3A_76, %dma_wait3A_77] : memref<2x40x125xi32, #tpu.memory_space<hbm>> -> memref<1x40x125xi32, #tpu.memory_space<hbm>>
      %dma_wait3A_79 = tpu.memref_squeeze %dma_wait3A_78 : memref<1x40x125xi32, #tpu.memory_space<hbm>> -> memref<40x125xi32, #tpu.memory_space<hbm>>
      tpu.wait_dma2 semaphore(%run_scoped3A_44 : memref<!tpu.dma_semaphore, #tpu.memory_space<semaphore_mem>>) src(%dma_wait3A_79 : memref<40x125xi32, #tpu.memory_space<hbm>>) dst(%arg9 : memref<40x125xi32, #tpu.memory_space<vmem>>)
      tpu.yield
    }) : () -> ()
    %dma_start3A = arith.constant 0 : i32
    %dma_start3A_8 = arith.constant 0 : i32
    %dma_start3A_9 = tpu.memref_slice %arg8[%dma_start3A, %dma_start3A_8] : memref<40x125xi32, #tpu.memory_space<vmem>> -> memref<1x125xi32, #tpu.memory_space<vmem>>
    %dma_start3A_10 = tpu.memref_squeeze %dma_start3A_9 : memref<1x125xi32, #tpu.memory_space<vmem>> -> memref<125xi32, #tpu.memory_space<vmem>>
    %dma_start3A_11 = arith.constant 0 : i32
    %dma_start3A_12 = arith.constant 0 : i32
    %dma_start3A_13 = tpu.memref_slice %arg4[%dma_start3A_11, %dma_start3A_12] : memref<10000x128xf32, #tpu.memory_space<hbm>> -> memref<10000x128xf32, #tpu.memory_space<hbm>>
    tpu.enqueue_indirect_dma source(%dma_start3A_13 : memref<10000x128xf32, #tpu.memory_space<hbm>>) target(%arg10 : memref<125x128xf32, #tpu.memory_space<vmem>>) offsets(%dma_start3A_10 : memref<125xi32, #tpu.memory_space<vmem>>) semaphore(%arg12 : memref<!tpu.dma_semaphore, #tpu.memory_space<semaphore_mem>>)
    %scan3A = arith.constant 0 : i32
    %scan3A_14 = arith.constant 0 : i32
    %scan3A_15 = arith.constant 20 : i32
    %scan3A_16 = arith.addi %scan3A_14, %scan3A_15 : i32
    %scan3A_17 = arith.constant 1 : i32
    scf.for %scan3A_44 = %scan3A_14 to %scan3A_16 step %scan3A_17  : i32 {
      %mul3A_45 = arith.constant 2 : i32
      %mul3A_46 = arith.muli %mul3A_45, %scan3A_44 : i32
      %dma_wait3A = arith.constant 0 : i32
      %dma_wait3A_47 = tpu.memref_slice %arg8[%mul3A_46, %dma_wait3A] : memref<40x125xi32, #tpu.memory_space<vmem>> -> memref<1x125xi32, #tpu.memory_space<vmem>>
      %dma_wait3A_48 = tpu.memref_squeeze %dma_wait3A_47 : memref<1x125xi32, #tpu.memory_space<vmem>> -> memref<125xi32, #tpu.memory_space<vmem>>
      %dma_wait3A_49 = arith.constant 0 : i32
      %dma_wait3A_50 = arith.constant 0 : i32
      %dma_wait3A_51 = tpu.memref_slice %arg4[%dma_wait3A_49, %dma_wait3A_50] : memref<10000x128xf32, #tpu.memory_space<hbm>> -> memref<10000x128xf32, #tpu.memory_space<hbm>>
      tpu.wait_indirect_dma semaphore(%arg12 : memref<!tpu.dma_semaphore, #tpu.memory_space<semaphore_mem>>) src(%dma_wait3A_51 : memref<10000x128xf32, #tpu.memory_space<hbm>>) dst(%arg10 : memref<125x128xf32, #tpu.memory_space<vmem>>)
      %add3A_52 = arith.constant 1 : i32
      %add3A_53 = arith.addi %mul3A_46, %add3A_52 : i32
      %dma_start3A_54 = arith.constant 0 : i32
      %dma_start3A_55 = tpu.memref_slice %arg8[%add3A_53, %dma_start3A_54] : memref<40x125xi32, #tpu.memory_space<vmem>> -> memref<1x125xi32, #tpu.memory_space<vmem>>
      %dma_start3A_56 = tpu.memref_squeeze %dma_start3A_55 : memref<1x125xi32, #tpu.memory_space<vmem>> -> memref<125xi32, #tpu.memory_space<vmem>>
      %dma_start3A_57 = arith.constant 0 : i32
      %dma_start3A_58 = arith.constant 0 : i32
      %dma_start3A_59 = tpu.memref_slice %arg4[%dma_start3A_57, %dma_start3A_58] : memref<10000x128xf32, #tpu.memory_space<hbm>> -> memref<10000x128xf32, #tpu.memory_space<hbm>>
      tpu.enqueue_indirect_dma source(%dma_start3A_59 : memref<10000x128xf32, #tpu.memory_space<hbm>>) target(%arg11 : memref<125x128xf32, #tpu.memory_space<vmem>>) offsets(%dma_start3A_56 : memref<125xi32, #tpu.memory_space<vmem>>) semaphore(%arg13 : memref<!tpu.dma_semaphore, #tpu.memory_space<semaphore_mem>>)
      "tpu.region"() ({
        %run_scoped3A_74 = tpu.sem_alloc : memref<!tpu.dma_semaphore, #tpu.memory_space<semaphore_mem>>
        %dma_start3A_75 = arith.constant 0 : i32
        %dma_start3A_76 = tpu.memref_slice %arg9[%mul3A_46, %dma_start3A_75] : memref<40x125xi32, #tpu.memory_space<vmem>> -> memref<1x125xi32, #tpu.memory_space<vmem>>
        %dma_start3A_77 = tpu.memref_squeeze %dma_start3A_76 : memref<1x125xi32, #tpu.memory_space<vmem>> -> memref<125xi32, #tpu.memory_space<vmem>>
        %dma_start3A_78 = arith.constant 0 : i32
        %dma_start3A_79 = arith.constant 0 : i32
        %dma_start3A_80 = tpu.memref_slice %arg7[%dma_start3A_78, %dma_start3A_79] : memref<10000x128xf32, #tpu.memory_space<vmem_shared>> -> memref<10000x128xf32, #tpu.memory_space<vmem_shared>>
        tpu.enqueue_indirect_dma source(%arg10 : memref<125x128xf32, #tpu.memory_space<vmem>>) target(%dma_start3A_80 : memref<10000x128xf32, #tpu.memory_space<vmem_shared>>) offsets(%dma_start3A_77 : memref<125xi32, #tpu.memory_space<vmem>>) semaphore(%run_scoped3A_74 : memref<!tpu.dma_semaphore, #tpu.memory_space<semaphore_mem>>) {add = true}
        %dma_wait3A_81 = arith.constant 0 : i32
        %dma_wait3A_82 = tpu.memref_slice %arg9[%mul3A_46, %dma_wait3A_81] : memref<40x125xi32, #tpu.memory_space<vmem>> -> memref<1x125xi32, #tpu.memory_space<vmem>>
        %dma_wait3A_83 = tpu.memref_squeeze %dma_wait3A_82 : memref<1x125xi32, #tpu.memory_space<vmem>> -> memref<125xi32, #tpu.memory_space<vmem>>
        %dma_wait3A_84 = arith.constant 0 : i32
        %dma_wait3A_85 = arith.constant 0 : i32
        %dma_wait3A_86 = tpu.memref_slice %arg7[%dma_wait3A_84, %dma_wait3A_85] : memref<10000x128xf32, #tpu.memory_space<vmem_shared>> -> memref<10000x128xf32, #tpu.memory_space<vmem_shared>>
        tpu.wait_indirect_dma semaphore(%run_scoped3A_74 : memref<!tpu.dma_semaphore, #tpu.memory_space<semaphore_mem>>) src(%arg10 : memref<125x128xf32, #tpu.memory_space<vmem>>) dst(%dma_wait3A_86 : memref<10000x128xf32, #tpu.memory_space<vmem_shared>>)
        tpu.yield
      }) : () -> ()
      %add3A_60 = arith.constant 1 : i32
      %add3A_61 = arith.addi %mul3A_46, %add3A_60 : i32
      %dma_wait3A_62 = arith.constant 0 : i32
      %dma_wait3A_63 = tpu.memref_slice %arg8[%add3A_61, %dma_wait3A_62] : memref<40x125xi32, #tpu.memory_space<vmem>> -> memref<1x125xi32, #tpu.memory_space<vmem>>
      %dma_wait3A_64 = tpu.memref_squeeze %dma_wait3A_63 : memref<1x125xi32, #tpu.memory_space<vmem>> -> memref<125xi32, #tpu.memory_space<vmem>>
      %dma_wait3A_65 = arith.constant 0 : i32
      %dma_wait3A_66 = arith.constant 0 : i32
      %dma_wait3A_67 = tpu.memref_slice %arg4[%dma_wait3A_65, %dma_wait3A_66] : memref<10000x128xf32, #tpu.memory_space<hbm>> -> memref<10000x128xf32, #tpu.memory_space<hbm>>
      tpu.wait_indirect_dma semaphore(%arg13 : memref<!tpu.dma_semaphore, #tpu.memory_space<semaphore_mem>>) src(%dma_wait3A_67 : memref<10000x128xf32, #tpu.memory_space<hbm>>) dst(%arg11 : memref<125x128xf32, #tpu.memory_space<vmem>>)
      %lt3A = arith.constant 19 : i32
      %lt3A_68 = arith.cmpi slt, %scan3A_44, %lt3A : i32
      %convert_element_type3A_69 = arith.extui %lt3A_68 : i1 to i32
      %cond3A_70 = arith.constant 0 : i32
      %cond3A_71 = arith.cmpi ne, %convert_element_type3A_69, %cond3A_70 : i32
      scf.if %cond3A_71 {
        %add3A_74 = arith.constant 2 : i32
        %add3A_75 = arith.addi %mul3A_46, %add3A_74 : i32
        %dma_start3A_76 = arith.constant 0 : i32
        %dma_start3A_77 = tpu.memref_slice %arg8[%add3A_75, %dma_start3A_76] : memref<40x125xi32, #tpu.memory_space<vmem>> -> memref<1x125xi32, #tpu.memory_space<vmem>>
        %dma_start3A_78 = tpu.memref_squeeze %dma_start3A_77 : memref<1x125xi32, #tpu.memory_space<vmem>> -> memref<125xi32, #tpu.memory_space<vmem>>
        %dma_start3A_79 = arith.constant 0 : i32
        %dma_start3A_80 = arith.constant 0 : i32
        %dma_start3A_81 = tpu.memref_slice %arg4[%dma_start3A_79, %dma_start3A_80] : memref<10000x128xf32, #tpu.memory_space<hbm>> -> memref<10000x128xf32, #tpu.memory_space<hbm>>
        tpu.enqueue_indirect_dma source(%dma_start3A_81 : memref<10000x128xf32, #tpu.memory_space<hbm>>) target(%arg10 : memref<125x128xf32, #tpu.memory_space<vmem>>) offsets(%dma_start3A_78 : memref<125xi32, #tpu.memory_space<vmem>>) semaphore(%arg12 : memref<!tpu.dma_semaphore, #tpu.memory_space<semaphore_mem>>)
      } else {
      }
      %add3A_72 = arith.constant 1 : i32
      %add3A_73 = arith.addi %mul3A_46, %add3A_72 : i32
      "tpu.region"() ({
        %run_scoped3A_74 = tpu.sem_alloc : memref<!tpu.dma_semaphore, #tpu.memory_space<semaphore_mem>>
        %dma_start3A_75 = arith.constant 0 : i32
        %dma_start3A_76 = tpu.memref_slice %arg9[%add3A_73, %dma_start3A_75] : memref<40x125xi32, #tpu.memory_space<vmem>> -> memref<1x125xi32, #tpu.memory_space<vmem>>
        %dma_start3A_77 = tpu.memref_squeeze %dma_start3A_76 : memref<1x125xi32, #tpu.memory_space<vmem>> -> memref<125xi32, #tpu.memory_space<vmem>>
        %dma_start3A_78 = arith.constant 0 : i32
        %dma_start3A_79 = arith.constant 0 : i32
        %dma_start3A_80 = tpu.memref_slice %arg7[%dma_start3A_78, %dma_start3A_79] : memref<10000x128xf32, #tpu.memory_space<vmem_shared>> -> memref<10000x128xf32, #tpu.memory_space<vmem_shared>>
        tpu.enqueue_indirect_dma source(%arg11 : memref<125x128xf32, #tpu.memory_space<vmem>>) target(%dma_start3A_80 : memref<10000x128xf32, #tpu.memory_space<vmem_shared>>) offsets(%dma_start3A_77 : memref<125xi32, #tpu.memory_space<vmem>>) semaphore(%run_scoped3A_74 : memref<!tpu.dma_semaphore, #tpu.memory_space<semaphore_mem>>) {add = true}
        %dma_wait3A_81 = arith.constant 0 : i32
        %dma_wait3A_82 = tpu.memref_slice %arg9[%add3A_73, %dma_wait3A_81] : memref<40x125xi32, #tpu.memory_space<vmem>> -> memref<1x125xi32, #tpu.memory_space<vmem>>
        %dma_wait3A_83 = tpu.memref_squeeze %dma_wait3A_82 : memref<1x125xi32, #tpu.memory_space<vmem>> -> memref<125xi32, #tpu.memory_space<vmem>>
        %dma_wait3A_84 = arith.constant 0 : i32
        %dma_wait3A_85 = arith.constant 0 : i32
        %dma_wait3A_86 = tpu.memref_slice %arg7[%dma_wait3A_84, %dma_wait3A_85] : memref<10000x128xf32, #tpu.memory_space<vmem_shared>> -> memref<10000x128xf32, #tpu.memory_space<vmem_shared>>
        tpu.wait_indirect_dma semaphore(%run_scoped3A_74 : memref<!tpu.dma_semaphore, #tpu.memory_space<semaphore_mem>>) src(%arg11 : memref<125x128xf32, #tpu.memory_space<vmem>>) dst(%dma_wait3A_86 : memref<10000x128xf32, #tpu.memory_space<vmem_shared>>)
        tpu.yield
      }) : () -> ()
    }
    %scan3A_18 = arith.constant 20 : i32
    %run_scoped3A_19 = arith.constant 1 : i32
    "tpu.region"() ({
      %run_scoped3A_44 = tpu.sem_alloc : memref<!tpu.dma_semaphore, #tpu.memory_space<semaphore_mem>>
      %dma_start3A_45 = arith.constant 0 : i32
      %dma_start3A_46 = arith.constant 0 : i32
      %dma_start3A_47 = arith.constant 0 : i32
      %dma_start3A_48 = tpu.memref_slice %arg2[%add3A, %dma_start3A_45, %dma_start3A_46, %dma_start3A_47] : memref<32x2x40x125xi32, #tpu.memory_space<hbm>> -> memref<1x2x40x125xi32, #tpu.memory_space<hbm>>
      %dma_start3A_49 = tpu.memref_squeeze %dma_start3A_48 : memref<1x2x40x125xi32, #tpu.memory_space<hbm>> -> memref<2x40x125xi32, #tpu.memory_space<hbm>>
      %dma_start3A_50 = arith.constant 0 : i32
      %dma_start3A_51 = arith.constant 0 : i32
      %dma_start3A_52 = tpu.memref_slice %dma_start3A_49[%run_scoped3A_19, %dma_start3A_50, %dma_start3A_51] : memref<2x40x125xi32, #tpu.memory_space<hbm>> -> memref<1x40x125xi32, #tpu.memory_space<hbm>>
      %dma_start3A_53 = tpu.memref_squeeze %dma_start3A_52 : memref<1x40x125xi32, #tpu.memory_space<hbm>> -> memref<40x125xi32, #tpu.memory_space<hbm>>
      %dma_start3A_54 = arith.constant 0 : i32
      %dma_start3A_55 = arith.constant 0 : i32
      %dma_start3A_56 = arith.constant 0 : i32
      %dma_start3A_57 = tpu.memref_slice %arg2[%add3A, %dma_start3A_54, %dma_start3A_55, %dma_start3A_56] : memref<32x2x40x125xi32, #tpu.memory_space<hbm>> -> memref<1x2x40x125xi32, #tpu.memory_space<hbm>>
      %dma_start3A_58 = tpu.memref_squeeze %dma_start3A_57 : memref<1x2x40x125xi32, #tpu.memory_space<hbm>> -> memref<2x40x125xi32, #tpu.memory_space<hbm>>
      %dma_start3A_59 = arith.constant 0 : i32
      %dma_start3A_60 = arith.constant 0 : i32
      %dma_start3A_61 = tpu.memref_slice %dma_start3A_58[%run_scoped3A_19, %dma_start3A_59, %dma_start3A_60] : memref<2x40x125xi32, #tpu.memory_space<hbm>> -> memref<1x40x125xi32, #tpu.memory_space<hbm>>
      %dma_start3A_62 = tpu.memref_squeeze %dma_start3A_61 : memref<1x40x125xi32, #tpu.memory_space<hbm>> -> memref<40x125xi32, #tpu.memory_space<hbm>>
      tpu.enqueue_dma source(%dma_start3A_62 : memref<40x125xi32, #tpu.memory_space<hbm>>) target(%arg8 : memref<40x125xi32, #tpu.memory_space<vmem>>) target_semaphore(%run_scoped3A_44 : memref<!tpu.dma_semaphore, #tpu.memory_space<semaphore_mem>>)
      %dma_wait3A = arith.constant 0 : i32
      %dma_wait3A_63 = arith.constant 0 : i32
      %dma_wait3A_64 = arith.constant 0 : i32
      %dma_wait3A_65 = tpu.memref_slice %arg2[%add3A, %dma_wait3A, %dma_wait3A_63, %dma_wait3A_64] : memref<32x2x40x125xi32, #tpu.memory_space<hbm>> -> memref<1x2x40x125xi32, #tpu.memory_space<hbm>>
      %dma_wait3A_66 = tpu.memref_squeeze %dma_wait3A_65 : memref<1x2x40x125xi32, #tpu.memory_space<hbm>> -> memref<2x40x125xi32, #tpu.memory_space<hbm>>
      %dma_wait3A_67 = arith.constant 0 : i32
      %dma_wait3A_68 = arith.constant 0 : i32
      %dma_wait3A_69 = tpu.memref_slice %dma_wait3A_66[%run_scoped3A_19, %dma_wait3A_67, %dma_wait3A_68] : memref<2x40x125xi32, #tpu.memory_space<hbm>> -> memref<1x40x125xi32, #tpu.memory_space<hbm>>
      %dma_wait3A_70 = tpu.memref_squeeze %dma_wait3A_69 : memref<1x40x125xi32, #tpu.memory_space<hbm>> -> memref<40x125xi32, #tpu.memory_space<hbm>>
      %dma_wait3A_71 = arith.constant 0 : i32
      %dma_wait3A_72 = arith.constant 0 : i32
      %dma_wait3A_73 = arith.constant 0 : i32
      %dma_wait3A_74 = tpu.memref_slice %arg2[%add3A, %dma_wait3A_71, %dma_wait3A_72, %dma_wait3A_73] : memref<32x2x40x125xi32, #tpu.memory_space<hbm>> -> memref<1x2x40x125xi32, #tpu.memory_space<hbm>>
      %dma_wait3A_75 = tpu.memref_squeeze %dma_wait3A_74 : memref<1x2x40x125xi32, #tpu.memory_space<hbm>> -> memref<2x40x125xi32, #tpu.memory_space<hbm>>
      %dma_wait3A_76 = arith.constant 0 : i32
      %dma_wait3A_77 = arith.constant 0 : i32
      %dma_wait3A_78 = tpu.memref_slice %dma_wait3A_75[%run_scoped3A_19, %dma_wait3A_76, %dma_wait3A_77] : memref<2x40x125xi32, #tpu.memory_space<hbm>> -> memref<1x40x125xi32, #tpu.memory_space<hbm>>
      %dma_wait3A_79 = tpu.memref_squeeze %dma_wait3A_78 : memref<1x40x125xi32, #tpu.memory_space<hbm>> -> memref<40x125xi32, #tpu.memory_space<hbm>>
      tpu.wait_dma2 semaphore(%run_scoped3A_44 : memref<!tpu.dma_semaphore, #tpu.memory_space<semaphore_mem>>) src(%dma_wait3A_79 : memref<40x125xi32, #tpu.memory_space<hbm>>) dst(%arg8 : memref<40x125xi32, #tpu.memory_space<vmem>>)
      tpu.yield
    }) : () -> ()
    %run_scoped3A_20 = arith.constant 1 : i32
    "tpu.region"() ({
      %run_scoped3A_44 = tpu.sem_alloc : memref<!tpu.dma_semaphore, #tpu.memory_space<semaphore_mem>>
      %dma_start3A_45 = arith.constant 0 : i32
      %dma_start3A_46 = arith.constant 0 : i32
      %dma_start3A_47 = arith.constant 0 : i32
      %dma_start3A_48 = tpu.memref_slice %arg3[%add3A, %dma_start3A_45, %dma_start3A_46, %dma_start3A_47] : memref<32x2x40x125xi32, #tpu.memory_space<hbm>> -> memref<1x2x40x125xi32, #tpu.memory_space<hbm>>
      %dma_start3A_49 = tpu.memref_squeeze %dma_start3A_48 : memref<1x2x40x125xi32, #tpu.memory_space<hbm>> -> memref<2x40x125xi32, #tpu.memory_space<hbm>>
      %dma_start3A_50 = arith.constant 0 : i32
      %dma_start3A_51 = arith.constant 0 : i32
      %dma_start3A_52 = tpu.memref_slice %dma_start3A_49[%run_scoped3A_20, %dma_start3A_50, %dma_start3A_51] : memref<2x40x125xi32, #tpu.memory_space<hbm>> -> memref<1x40x125xi32, #tpu.memory_space<hbm>>
      %dma_start3A_53 = tpu.memref_squeeze %dma_start3A_52 : memref<1x40x125xi32, #tpu.memory_space<hbm>> -> memref<40x125xi32, #tpu.memory_space<hbm>>
      %dma_start3A_54 = arith.constant 0 : i32
      %dma_start3A_55 = arith.constant 0 : i32
      %dma_start3A_56 = arith.constant 0 : i32
      %dma_start3A_57 = tpu.memref_slice %arg3[%add3A, %dma_start3A_54, %dma_start3A_55, %dma_start3A_56] : memref<32x2x40x125xi32, #tpu.memory_space<hbm>> -> memref<1x2x40x125xi32, #tpu.memory_space<hbm>>
      %dma_start3A_58 = tpu.memref_squeeze %dma_start3A_57 : memref<1x2x40x125xi32, #tpu.memory_space<hbm>> -> memref<2x40x125xi32, #tpu.memory_space<hbm>>
      %dma_start3A_59 = arith.constant 0 : i32
      %dma_start3A_60 = arith.constant 0 : i32
      %dma_start3A_61 = tpu.memref_slice %dma_start3A_58[%run_scoped3A_20, %dma_start3A_59, %dma_start3A_60] : memref<2x40x125xi32, #tpu.memory_space<hbm>> -> memref<1x40x125xi32, #tpu.memory_space<hbm>>
      %dma_start3A_62 = tpu.memref_squeeze %dma_start3A_61 : memref<1x40x125xi32, #tpu.memory_space<hbm>> -> memref<40x125xi32, #tpu.memory_space<hbm>>
      tpu.enqueue_dma source(%dma_start3A_62 : memref<40x125xi32, #tpu.memory_space<hbm>>) target(%arg9 : memref<40x125xi32, #tpu.memory_space<vmem>>) target_semaphore(%run_scoped3A_44 : memref<!tpu.dma_semaphore, #tpu.memory_space<semaphore_mem>>)
      %dma_wait3A = arith.constant 0 : i32
      %dma_wait3A_63 = arith.constant 0 : i32
      %dma_wait3A_64 = arith.constant 0 : i32
      %dma_wait3A_65 = tpu.memref_slice %arg3[%add3A, %dma_wait3A, %dma_wait3A_63, %dma_wait3A_64] : memref<32x2x40x125xi32, #tpu.memory_space<hbm>> -> memref<1x2x40x125xi32, #tpu.memory_space<hbm>>
      %dma_wait3A_66 = tpu.memref_squeeze %dma_wait3A_65 : memref<1x2x40x125xi32, #tpu.memory_space<hbm>> -> memref<2x40x125xi32, #tpu.memory_space<hbm>>
      %dma_wait3A_67 = arith.constant 0 : i32
      %dma_wait3A_68 = arith.constant 0 : i32
      %dma_wait3A_69 = tpu.memref_slice %dma_wait3A_66[%run_scoped3A_20, %dma_wait3A_67, %dma_wait3A_68] : memref<2x40x125xi32, #tpu.memory_space<hbm>> -> memref<1x40x125xi32, #tpu.memory_space<hbm>>
      %dma_wait3A_70 = tpu.memref_squeeze %dma_wait3A_69 : memref<1x40x125xi32, #tpu.memory_space<hbm>> -> memref<40x125xi32, #tpu.memory_space<hbm>>
      %dma_wait3A_71 = arith.constant 0 : i32
      %dma_wait3A_72 = arith.constant 0 : i32
      %dma_wait3A_73 = arith.constant 0 : i32
      %dma_wait3A_74 = tpu.memref_slice %arg3[%add3A, %dma_wait3A_71, %dma_wait3A_72, %dma_wait3A_73] : memref<32x2x40x125xi32, #tpu.memory_space<hbm>> -> memref<1x2x40x125xi32, #tpu.memory_space<hbm>>
      %dma_wait3A_75 = tpu.memref_squeeze %dma_wait3A_74 : memref<1x2x40x125xi32, #tpu.memory_space<hbm>> -> memref<2x40x125xi32, #tpu.memory_space<hbm>>
      %dma_wait3A_76 = arith.constant 0 : i32
      %dma_wait3A_77 = arith.constant 0 : i32
      %dma_wait3A_78 = tpu.memref_slice %dma_wait3A_75[%run_scoped3A_20, %dma_wait3A_76, %dma_wait3A_77] : memref<2x40x125xi32, #tpu.memory_space<hbm>> -> memref<1x40x125xi32, #tpu.memory_space<hbm>>
      %dma_wait3A_79 = tpu.memref_squeeze %dma_wait3A_78 : memref<1x40x125xi32, #tpu.memory_space<hbm>> -> memref<40x125xi32, #tpu.memory_space<hbm>>
      tpu.wait_dma2 semaphore(%run_scoped3A_44 : memref<!tpu.dma_semaphore, #tpu.memory_space<semaphore_mem>>) src(%dma_wait3A_79 : memref<40x125xi32, #tpu.memory_space<hbm>>) dst(%arg9 : memref<40x125xi32, #tpu.memory_space<vmem>>)
      tpu.yield
    }) : () -> ()
    %dma_start3A_21 = arith.constant 0 : i32
    %dma_start3A_22 = arith.constant 0 : i32
    %dma_start3A_23 = tpu.memref_slice %arg8[%dma_start3A_21, %dma_start3A_22] : memref<40x125xi32, #tpu.memory_space<vmem>> -> memref<1x125xi32, #tpu.memory_space<vmem>>
    %dma_start3A_24 = tpu.memref_squeeze %dma_start3A_23 : memref<1x125xi32, #tpu.memory_space<vmem>> -> memref<125xi32, #tpu.memory_space<vmem>>
    %dma_start3A_25 = arith.constant 0 : i32
    %dma_start3A_26 = arith.constant 0 : i32
    %dma_start3A_27 = tpu.memref_slice %arg4[%dma_start3A_25, %dma_start3A_26] : memref<10000x128xf32, #tpu.memory_space<hbm>> -> memref<10000x128xf32, #tpu.memory_space<hbm>>
    tpu.enqueue_indirect_dma source(%dma_start3A_27 : memref<10000x128xf32, #tpu.memory_space<hbm>>) target(%arg10 : memref<125x128xf32, #tpu.memory_space<vmem>>) offsets(%dma_start3A_24 : memref<125xi32, #tpu.memory_space<vmem>>) semaphore(%arg12 : memref<!tpu.dma_semaphore, #tpu.memory_space<semaphore_mem>>)
    %scan3A_28 = arith.constant 0 : i32
    %scan3A_29 = arith.constant 0 : i32
    %scan3A_30 = arith.constant 20 : i32
    %scan3A_31 = arith.addi %scan3A_29, %scan3A_30 : i32
    %scan3A_32 = arith.constant 1 : i32
    scf.for %scan3A_44 = %scan3A_29 to %scan3A_31 step %scan3A_32  : i32 {
      %mul3A_45 = arith.constant 2 : i32
      %mul3A_46 = arith.muli %mul3A_45, %scan3A_44 : i32
      %dma_wait3A = arith.constant 0 : i32
      %dma_wait3A_47 = tpu.memref_slice %arg8[%mul3A_46, %dma_wait3A] : memref<40x125xi32, #tpu.memory_space<vmem>> -> memref<1x125xi32, #tpu.memory_space<vmem>>
      %dma_wait3A_48 = tpu.memref_squeeze %dma_wait3A_47 : memref<1x125xi32, #tpu.memory_space<vmem>> -> memref<125xi32, #tpu.memory_space<vmem>>
      %dma_wait3A_49 = arith.constant 0 : i32
      %dma_wait3A_50 = arith.constant 0 : i32
      %dma_wait3A_51 = tpu.memref_slice %arg4[%dma_wait3A_49, %dma_wait3A_50] : memref<10000x128xf32, #tpu.memory_space<hbm>> -> memref<10000x128xf32, #tpu.memory_space<hbm>>
      tpu.wait_indirect_dma semaphore(%arg12 : memref<!tpu.dma_semaphore, #tpu.memory_space<semaphore_mem>>) src(%dma_wait3A_51 : memref<10000x128xf32, #tpu.memory_space<hbm>>) dst(%arg10 : memref<125x128xf32, #tpu.memory_space<vmem>>)
      %add3A_52 = arith.constant 1 : i32
      %add3A_53 = arith.addi %mul3A_46, %add3A_52 : i32
      %dma_start3A_54 = arith.constant 0 : i32
      %dma_start3A_55 = tpu.memref_slice %arg8[%add3A_53, %dma_start3A_54] : memref<40x125xi32, #tpu.memory_space<vmem>> -> memref<1x125xi32, #tpu.memory_space<vmem>>
      %dma_start3A_56 = tpu.memref_squeeze %dma_start3A_55 : memref<1x125xi32, #tpu.memory_space<vmem>> -> memref<125xi32, #tpu.memory_space<vmem>>
      %dma_start3A_57 = arith.constant 0 : i32
      %dma_start3A_58 = arith.constant 0 : i32
      %dma_start3A_59 = tpu.memref_slice %arg4[%dma_start3A_57, %dma_start3A_58] : memref<10000x128xf32, #tpu.memory_space<hbm>> -> memref<10000x128xf32, #tpu.memory_space<hbm>>
      tpu.enqueue_indirect_dma source(%dma_start3A_59 : memref<10000x128xf32, #tpu.memory_space<hbm>>) target(%arg11 : memref<125x128xf32, #tpu.memory_space<vmem>>) offsets(%dma_start3A_56 : memref<125xi32, #tpu.memory_space<vmem>>) semaphore(%arg13 : memref<!tpu.dma_semaphore, #tpu.memory_space<semaphore_mem>>)
      "tpu.region"() ({
        %run_scoped3A_74 = tpu.sem_alloc : memref<!tpu.dma_semaphore, #tpu.memory_space<semaphore_mem>>
        %dma_start3A_75 = arith.constant 0 : i32
        %dma_start3A_76 = tpu.memref_slice %arg9[%mul3A_46, %dma_start3A_75] : memref<40x125xi32, #tpu.memory_space<vmem>> -> memref<1x125xi32, #tpu.memory_space<vmem>>
        %dma_start3A_77 = tpu.memref_squeeze %dma_start3A_76 : memref<1x125xi32, #tpu.memory_space<vmem>> -> memref<125xi32, #tpu.memory_space<vmem>>
        %dma_start3A_78 = arith.constant 0 : i32
        %dma_start3A_79 = arith.constant 0 : i32
        %dma_start3A_80 = tpu.memref_slice %arg7[%dma_start3A_78, %dma_start3A_79] : memref<10000x128xf32, #tpu.memory_space<vmem_shared>> -> memref<10000x128xf32, #tpu.memory_space<vmem_shared>>
        tpu.enqueue_indirect_dma source(%arg10 : memref<125x128xf32, #tpu.memory_space<vmem>>) target(%dma_start3A_80 : memref<10000x128xf32, #tpu.memory_space<vmem_shared>>) offsets(%dma_start3A_77 : memref<125xi32, #tpu.memory_space<vmem>>) semaphore(%run_scoped3A_74 : memref<!tpu.dma_semaphore, #tpu.memory_space<semaphore_mem>>) {add = true}
        %dma_wait3A_81 = arith.constant 0 : i32
        %dma_wait3A_82 = tpu.memref_slice %arg9[%mul3A_46, %dma_wait3A_81] : memref<40x125xi32, #tpu.memory_space<vmem>> -> memref<1x125xi32, #tpu.memory_space<vmem>>
        %dma_wait3A_83 = tpu.memref_squeeze %dma_wait3A_82 : memref<1x125xi32, #tpu.memory_space<vmem>> -> memref<125xi32, #tpu.memory_space<vmem>>
        %dma_wait3A_84 = arith.constant 0 : i32
        %dma_wait3A_85 = arith.constant 0 : i32
        %dma_wait3A_86 = tpu.memref_slice %arg7[%dma_wait3A_84, %dma_wait3A_85] : memref<10000x128xf32, #tpu.memory_space<vmem_shared>> -> memref<10000x128xf32, #tpu.memory_space<vmem_shared>>
        tpu.wait_indirect_dma semaphore(%run_scoped3A_74 : memref<!tpu.dma_semaphore, #tpu.memory_space<semaphore_mem>>) src(%arg10 : memref<125x128xf32, #tpu.memory_space<vmem>>) dst(%dma_wait3A_86 : memref<10000x128xf32, #tpu.memory_space<vmem_shared>>)
        tpu.yield
      }) : () -> ()
      %add3A_60 = arith.constant 1 : i32
      %add3A_61 = arith.addi %mul3A_46, %add3A_60 : i32
      %dma_wait3A_62 = arith.constant 0 : i32
      %dma_wait3A_63 = tpu.memref_slice %arg8[%add3A_61, %dma_wait3A_62] : memref<40x125xi32, #tpu.memory_space<vmem>> -> memref<1x125xi32, #tpu.memory_space<vmem>>
      %dma_wait3A_64 = tpu.memref_squeeze %dma_wait3A_63 : memref<1x125xi32, #tpu.memory_space<vmem>> -> memref<125xi32, #tpu.memory_space<vmem>>
      %dma_wait3A_65 = arith.constant 0 : i32
      %dma_wait3A_66 = arith.constant 0 : i32
      %dma_wait3A_67 = tpu.memref_slice %arg4[%dma_wait3A_65, %dma_wait3A_66] : memref<10000x128xf32, #tpu.memory_space<hbm>> -> memref<10000x128xf32, #tpu.memory_space<hbm>>
      tpu.wait_indirect_dma semaphore(%arg13 : memref<!tpu.dma_semaphore, #tpu.memory_space<semaphore_mem>>) src(%dma_wait3A_67 : memref<10000x128xf32, #tpu.memory_space<hbm>>) dst(%arg11 : memref<125x128xf32, #tpu.memory_space<vmem>>)
      %lt3A = arith.constant 19 : i32
      %lt3A_68 = arith.cmpi slt, %scan3A_44, %lt3A : i32
      %convert_element_type3A_69 = arith.extui %lt3A_68 : i1 to i32
      %cond3A_70 = arith.constant 0 : i32
      %cond3A_71 = arith.cmpi ne, %convert_element_type3A_69, %cond3A_70 : i32
      scf.if %cond3A_71 {
        %add3A_74 = arith.constant 2 : i32
        %add3A_75 = arith.addi %mul3A_46, %add3A_74 : i32
        %dma_start3A_76 = arith.constant 0 : i32
        %dma_start3A_77 = tpu.memref_slice %arg8[%add3A_75, %dma_start3A_76] : memref<40x125xi32, #tpu.memory_space<vmem>> -> memref<1x125xi32, #tpu.memory_space<vmem>>
        %dma_start3A_78 = tpu.memref_squeeze %dma_start3A_77 : memref<1x125xi32, #tpu.memory_space<vmem>> -> memref<125xi32, #tpu.memory_space<vmem>>
        %dma_start3A_79 = arith.constant 0 : i32
        %dma_start3A_80 = arith.constant 0 : i32
        %dma_start3A_81 = tpu.memref_slice %arg4[%dma_start3A_79, %dma_start3A_80] : memref<10000x128xf32, #tpu.memory_space<hbm>> -> memref<10000x128xf32, #tpu.memory_space<hbm>>
        tpu.enqueue_indirect_dma source(%dma_start3A_81 : memref<10000x128xf32, #tpu.memory_space<hbm>>) target(%arg10 : memref<125x128xf32, #tpu.memory_space<vmem>>) offsets(%dma_start3A_78 : memref<125xi32, #tpu.memory_space<vmem>>) semaphore(%arg12 : memref<!tpu.dma_semaphore, #tpu.memory_space<semaphore_mem>>)
      } else {
      }
      %add3A_72 = arith.constant 1 : i32
      %add3A_73 = arith.addi %mul3A_46, %add3A_72 : i32
      "tpu.region"() ({
        %run_scoped3A_74 = tpu.sem_alloc : memref<!tpu.dma_semaphore, #tpu.memory_space<semaphore_mem>>
        %dma_start3A_75 = arith.constant 0 : i32
        %dma_start3A_76 = tpu.memref_slice %arg9[%add3A_73, %dma_start3A_75] : memref<40x125xi32, #tpu.memory_space<vmem>> -> memref<1x125xi32, #tpu.memory_space<vmem>>
        %dma_start3A_77 = tpu.memref_squeeze %dma_start3A_76 : memref<1x125xi32, #tpu.memory_space<vmem>> -> memref<125xi32, #tpu.memory_space<vmem>>
        %dma_start3A_78 = arith.constant 0 : i32
        %dma_start3A_79 = arith.constant 0 : i32
        %dma_start3A_80 = tpu.memref_slice %arg7[%dma_start3A_78, %dma_start3A_79] : memref<10000x128xf32, #tpu.memory_space<vmem_shared>> -> memref<10000x128xf32, #tpu.memory_space<vmem_shared>>
        tpu.enqueue_indirect_dma source(%arg11 : memref<125x128xf32, #tpu.memory_space<vmem>>) target(%dma_start3A_80 : memref<10000x128xf32, #tpu.memory_space<vmem_shared>>) offsets(%dma_start3A_77 : memref<125xi32, #tpu.memory_space<vmem>>) semaphore(%run_scoped3A_74 : memref<!tpu.dma_semaphore, #tpu.memory_space<semaphore_mem>>) {add = true}
        %dma_wait3A_81 = arith.constant 0 : i32
        %dma_wait3A_82 = tpu.memref_slice %arg9[%add3A_73, %dma_wait3A_81] : memref<40x125xi32, #tpu.memory_space<vmem>> -> memref<1x125xi32, #tpu.memory_space<vmem>>
        %dma_wait3A_83 = tpu.memref_squeeze %dma_wait3A_82 : memref<1x125xi32, #tpu.memory_space<vmem>> -> memref<125xi32, #tpu.memory_space<vmem>>
        %dma_wait3A_84 = arith.constant 0 : i32
        %dma_wait3A_85 = arith.constant 0 : i32
        %dma_wait3A_86 = tpu.memref_slice %arg7[%dma_wait3A_84, %dma_wait3A_85] : memref<10000x128xf32, #tpu.memory_space<vmem_shared>> -> memref<10000x128xf32, #tpu.memory_space<vmem_shared>>
        tpu.wait_indirect_dma semaphore(%run_scoped3A_74 : memref<!tpu.dma_semaphore, #tpu.memory_space<semaphore_mem>>) src(%arg11 : memref<125x128xf32, #tpu.memory_space<vmem>>) dst(%dma_wait3A_86 : memref<10000x128xf32, #tpu.memory_space<vmem_shared>>)
        tpu.yield
      }) : () -> ()
    }
    %scan3A_33 = arith.constant 20 : i32
    %barrier3A_34 = arith.constant 0 : index
    tpu.barrier barrier_id(%barrier3A_34)
    %mul3A_35 = arith.constant 624 : i32
    %mul3A_36 = arith.muli %arg1, %mul3A_35 : i32
    %mul3A_37 = arith.constant 624 : i32
    %mul3A_38 = arith.muli %arg1, %mul3A_37 : i32
    "tpu.region"() ({
      %run_scoped3A_44 = tpu.sem_alloc : memref<!tpu.dma_semaphore, #tpu.memory_space<semaphore_mem>>
      %dma_start3A_45 = arith.constant 0 : i32
      %dma_start3A_46 = arith.constant 0 : i32
      %dma_start3A_47 = tpu.memref_slice %arg6[%arg0, %dma_start3A_45, %dma_start3A_46] : memref<2x10000x128xf32, #tpu.memory_space<hbm>> -> memref<1x10000x128xf32, #tpu.memory_space<hbm>>
      %dma_start3A_48 = tpu.memref_squeeze %dma_start3A_47 : memref<1x10000x128xf32, #tpu.memory_space<hbm>> -> memref<10000x128xf32, #tpu.memory_space<hbm>>
      %dma_start3A_49 = arith.constant 0 : i32
      %dma_start3A_50 = tpu.memref_slice %dma_start3A_48[%mul3A_38, %dma_start3A_49] : memref<10000x128xf32, #tpu.memory_space<hbm>> -> memref<624x128xf32, #tpu.memory_space<hbm>>
      %dma_start3A_51 = arith.constant 0 : i32
      %dma_start3A_52 = tpu.memref_slice %arg7[%mul3A_36, %dma_start3A_51] : memref<10000x128xf32, #tpu.memory_space<vmem_shared>> -> memref<624x128xf32, #tpu.memory_space<vmem_shared>>
      tpu.enqueue_dma source(%dma_start3A_52 : memref<624x128xf32, #tpu.memory_space<vmem_shared>>) target(%dma_start3A_50 : memref<624x128xf32, #tpu.memory_space<hbm>>) target_semaphore(%run_scoped3A_44 : memref<!tpu.dma_semaphore, #tpu.memory_space<semaphore_mem>>)
      %dma_wait3A = arith.constant 0 : i32
      %dma_wait3A_53 = arith.constant 0 : i32
      %dma_wait3A_54 = tpu.memref_slice %arg6[%arg0, %dma_wait3A, %dma_wait3A_53] : memref<2x10000x128xf32, #tpu.memory_space<hbm>> -> memref<1x10000x128xf32, #tpu.memory_space<hbm>>
      %dma_wait3A_55 = tpu.memref_squeeze %dma_wait3A_54 : memref<1x10000x128xf32, #tpu.memory_space<hbm>> -> memref<10000x128xf32, #tpu.memory_space<hbm>>
      %dma_wait3A_56 = arith.constant 0 : i32
      %dma_wait3A_57 = tpu.memref_slice %dma_wait3A_55[%mul3A_38, %dma_wait3A_56] : memref<10000x128xf32, #tpu.memory_space<hbm>> -> memref<624x128xf32, #tpu.memory_space<hbm>>
      %dma_wait3A_58 = arith.constant 0 : i32
      %dma_wait3A_59 = tpu.memref_slice %arg7[%mul3A_36, %dma_wait3A_58] : memref<10000x128xf32, #tpu.memory_space<vmem_shared>> -> memref<624x128xf32, #tpu.memory_space<vmem_shared>>
      tpu.wait_dma2 semaphore(%run_scoped3A_44 : memref<!tpu.dma_semaphore, #tpu.memory_space<semaphore_mem>>) src(%dma_wait3A_59 : memref<624x128xf32, #tpu.memory_space<vmem_shared>>) dst(%dma_wait3A_57 : memref<624x128xf32, #tpu.memory_space<hbm>>)
      tpu.yield
    }) : () -> ()
    %eq3A_39 = arith.constant 15 : i32
    %eq3A_40 = arith.cmpi eq, %arg1, %eq3A_39 : i32
    %convert_element_type3A_41 = arith.extui %eq3A_40 : i1 to i32
    %cond3A_42 = arith.constant 0 : i32
    %cond3A_43 = arith.cmpi ne, %convert_element_type3A_41, %cond3A_42 : i32
    scf.if %cond3A_43 {
      "tpu.region"() ({
        %run_scoped3A_44 = tpu.sem_alloc : memref<!tpu.dma_semaphore, #tpu.memory_space<semaphore_mem>>
        %dma_start3A_45 = arith.constant 0 : i32
        %dma_start3A_46 = arith.constant 0 : i32
        %dma_start3A_47 = tpu.memref_slice %arg6[%arg0, %dma_start3A_45, %dma_start3A_46] : memref<2x10000x128xf32, #tpu.memory_space<hbm>> -> memref<1x10000x128xf32, #tpu.memory_space<hbm>>
        %dma_start3A_48 = tpu.memref_squeeze %dma_start3A_47 : memref<1x10000x128xf32, #tpu.memory_space<hbm>> -> memref<10000x128xf32, #tpu.memory_space<hbm>>
        %dma_start3A_49 = arith.constant 9984 : i32
        %dma_start3A_50 = arith.constant 0 : i32
        %dma_start3A_51 = tpu.memref_slice %dma_start3A_48[%dma_start3A_49, %dma_start3A_50] : memref<10000x128xf32, #tpu.memory_space<hbm>> -> memref<16x128xf32, #tpu.memory_space<hbm>>
        %dma_start3A_52 = arith.constant 9984 : i32
        %dma_start3A_53 = arith.constant 0 : i32
        %dma_start3A_54 = tpu.memref_slice %arg7[%dma_start3A_52, %dma_start3A_53] : memref<10000x128xf32, #tpu.memory_space<vmem_shared>> -> memref<16x128xf32, #tpu.memory_space<vmem_shared>>
        tpu.enqueue_dma source(%dma_start3A_54 : memref<16x128xf32, #tpu.memory_space<vmem_shared>>) target(%dma_start3A_51 : memref<16x128xf32, #tpu.memory_space<hbm>>) target_semaphore(%run_scoped3A_44 : memref<!tpu.dma_semaphore, #tpu.memory_space<semaphore_mem>>)
        %dma_wait3A = arith.constant 0 : i32
        %dma_wait3A_55 = arith.constant 0 : i32
        %dma_wait3A_56 = tpu.memref_slice %arg6[%arg0, %dma_wait3A, %dma_wait3A_55] : memref<2x10000x128xf32, #tpu.memory_space<hbm>> -> memref<1x10000x128xf32, #tpu.memory_space<hbm>>
        %dma_wait3A_57 = tpu.memref_squeeze %dma_wait3A_56 : memref<1x10000x128xf32, #tpu.memory_space<hbm>> -> memref<10000x128xf32, #tpu.memory_space<hbm>>
        %dma_wait3A_58 = arith.constant 9984 : i32
        %dma_wait3A_59 = arith.constant 0 : i32
        %dma_wait3A_60 = tpu.memref_slice %dma_wait3A_57[%dma_wait3A_58, %dma_wait3A_59] : memref<10000x128xf32, #tpu.memory_space<hbm>> -> memref<16x128xf32, #tpu.memory_space<hbm>>
        %dma_wait3A_61 = arith.constant 9984 : i32
        %dma_wait3A_62 = arith.constant 0 : i32
        %dma_wait3A_63 = tpu.memref_slice %arg7[%dma_wait3A_61, %dma_wait3A_62] : memref<10000x128xf32, #tpu.memory_space<vmem_shared>> -> memref<16x128xf32, #tpu.memory_space<vmem_shared>>
        tpu.wait_dma2 semaphore(%run_scoped3A_44 : memref<!tpu.dma_semaphore, #tpu.memory_space<semaphore_mem>>) src(%dma_wait3A_63 : memref<16x128xf32, #tpu.memory_space<vmem_shared>>) dst(%dma_wait3A_60 : memref<16x128xf32, #tpu.memory_space<hbm>>)
        tpu.yield
      }) : () -> ()
    } else {
    }
    return
  }
}

#map = affine_map<(d0, d1) -> (0, 0, 0, 0)>
#map1 = affine_map<(d0, d1) -> (0, 0)>
#map2 = affine_map<(d0, d1) -> (0, 0, 0)>
module attributes {stable_mosaic.version = 14 : i64} {
  func.func @_sc_deg_body(%arg0: i32, %arg1: i32, %arg2: memref<32x2x40x125xi32, #tpu.memory_space<hbm>>, %arg3: memref<125x128xf32, #tpu.memory_space<hbm>>, %arg4: memref<10000x128xf32, #tpu.memory_space<hbm>>, %arg5: memref<2x10000x128xf32, #tpu.memory_space<hbm>>, %arg6: memref<10000x128xf32, #tpu.memory_space<vmem_shared>>, %arg7: memref<40x125xi32, #tpu.memory_space<vmem>>, %arg8: memref<125x128xf32, #tpu.memory_space<vmem>>) attributes {dimension_semantics = [#tpu.dimension_semantics<core_parallel>, #tpu.dimension_semantics<subcore_parallel>], iteration_bounds = array<i64: 2, 16>, scalar_prefetch = 0 : i64, scratch_operands = 3 : i64, tpu.core_type = #tpu.core_type<sc_vector_subcore>, window_params = [{transform_indices = #map}, {transform_indices = #map1}, {transform_indices = #map1}, {transform_indices = #map2}]} {
    %mul3A = arith.constant 624 : i32
    %mul3A_0 = arith.muli %arg1, %mul3A : i32
    %mul3A_1 = arith.constant 624 : i32
    %mul3A_2 = arith.muli %arg1, %mul3A_1 : i32
    "tpu.region"() ({
      %run_scoped3A_29 = tpu.sem_alloc : memref<!tpu.dma_semaphore, #tpu.memory_space<semaphore_mem>>
      %dma_start3A = arith.constant 0 : i32
      %dma_start3A_30 = tpu.memref_slice %arg6[%mul3A_2, %dma_start3A] : memref<10000x128xf32, #tpu.memory_space<vmem_shared>> -> memref<624x128xf32, #tpu.memory_space<vmem_shared>>
      %dma_start3A_31 = arith.constant 0 : i32
      %dma_start3A_32 = tpu.memref_slice %arg4[%mul3A_0, %dma_start3A_31] : memref<10000x128xf32, #tpu.memory_space<hbm>> -> memref<624x128xf32, #tpu.memory_space<hbm>>
      tpu.enqueue_dma source(%dma_start3A_32 : memref<624x128xf32, #tpu.memory_space<hbm>>) target(%dma_start3A_30 : memref<624x128xf32, #tpu.memory_space<vmem_shared>>) target_semaphore(%run_scoped3A_29 : memref<!tpu.dma_semaphore, #tpu.memory_space<semaphore_mem>>)
      %dma_wait3A = arith.constant 0 : i32
      %dma_wait3A_33 = tpu.memref_slice %arg6[%mul3A_2, %dma_wait3A] : memref<10000x128xf32, #tpu.memory_space<vmem_shared>> -> memref<624x128xf32, #tpu.memory_space<vmem_shared>>
      %dma_wait3A_34 = arith.constant 0 : i32
      %dma_wait3A_35 = tpu.memref_slice %arg4[%mul3A_0, %dma_wait3A_34] : memref<10000x128xf32, #tpu.memory_space<hbm>> -> memref<624x128xf32, #tpu.memory_space<hbm>>
      tpu.wait_dma2 semaphore(%run_scoped3A_29 : memref<!tpu.dma_semaphore, #tpu.memory_space<semaphore_mem>>) src(%dma_wait3A_35 : memref<624x128xf32, #tpu.memory_space<hbm>>) dst(%dma_wait3A_33 : memref<624x128xf32, #tpu.memory_space<vmem_shared>>)
      tpu.yield
    }) : () -> ()
    %eq3A = arith.constant 15 : i32
    %eq3A_3 = arith.cmpi eq, %arg1, %eq3A : i32
    %convert_element_type3A = arith.extui %eq3A_3 : i1 to i32
    %cond3A = arith.constant 0 : i32
    %cond3A_4 = arith.cmpi ne, %convert_element_type3A, %cond3A : i32
    scf.if %cond3A_4 {
      "tpu.region"() ({
        %run_scoped3A_29 = tpu.sem_alloc : memref<!tpu.dma_semaphore, #tpu.memory_space<semaphore_mem>>
        %dma_start3A = arith.constant 9984 : i32
        %dma_start3A_30 = arith.constant 0 : i32
        %dma_start3A_31 = tpu.memref_slice %arg6[%dma_start3A, %dma_start3A_30] : memref<10000x128xf32, #tpu.memory_space<vmem_shared>> -> memref<16x128xf32, #tpu.memory_space<vmem_shared>>
        %dma_start3A_32 = arith.constant 9984 : i32
        %dma_start3A_33 = arith.constant 0 : i32
        %dma_start3A_34 = tpu.memref_slice %arg4[%dma_start3A_32, %dma_start3A_33] : memref<10000x128xf32, #tpu.memory_space<hbm>> -> memref<16x128xf32, #tpu.memory_space<hbm>>
        tpu.enqueue_dma source(%dma_start3A_34 : memref<16x128xf32, #tpu.memory_space<hbm>>) target(%dma_start3A_31 : memref<16x128xf32, #tpu.memory_space<vmem_shared>>) target_semaphore(%run_scoped3A_29 : memref<!tpu.dma_semaphore, #tpu.memory_space<semaphore_mem>>)
        %dma_wait3A = arith.constant 9984 : i32
        %dma_wait3A_35 = arith.constant 0 : i32
        %dma_wait3A_36 = tpu.memref_slice %arg6[%dma_wait3A, %dma_wait3A_35] : memref<10000x128xf32, #tpu.memory_space<vmem_shared>> -> memref<16x128xf32, #tpu.memory_space<vmem_shared>>
        %dma_wait3A_37 = arith.constant 9984 : i32
        %dma_wait3A_38 = arith.constant 0 : i32
        %dma_wait3A_39 = tpu.memref_slice %arg4[%dma_wait3A_37, %dma_wait3A_38] : memref<10000x128xf32, #tpu.memory_space<hbm>> -> memref<16x128xf32, #tpu.memory_space<hbm>>
        tpu.wait_dma2 semaphore(%run_scoped3A_29 : memref<!tpu.dma_semaphore, #tpu.memory_space<semaphore_mem>>) src(%dma_wait3A_39 : memref<16x128xf32, #tpu.memory_space<hbm>>) dst(%dma_wait3A_36 : memref<16x128xf32, #tpu.memory_space<vmem_shared>>)
        tpu.yield
      }) : () -> ()
    } else {
    }
    %barrier3A = arith.constant 0 : index
    tpu.barrier barrier_id(%barrier3A)
    %mul3A_5 = arith.constant 16 : i32
    %mul3A_6 = arith.muli %arg0, %mul3A_5 : i32
    %add3A = arith.addi %mul3A_6, %arg1 : i32
    "tpu.region"() ({
      %run_scoped3A_29 = tpu.sem_alloc : memref<!tpu.dma_semaphore, #tpu.memory_space<semaphore_mem>>
      tpu.enqueue_dma source(%arg3 : memref<125x128xf32, #tpu.memory_space<hbm>>) target(%arg8 : memref<125x128xf32, #tpu.memory_space<vmem>>) target_semaphore(%run_scoped3A_29 : memref<!tpu.dma_semaphore, #tpu.memory_space<semaphore_mem>>)
      tpu.wait_dma2 semaphore(%run_scoped3A_29 : memref<!tpu.dma_semaphore, #tpu.memory_space<semaphore_mem>>) src(%arg3 : memref<125x128xf32, #tpu.memory_space<hbm>>) dst(%arg8 : memref<125x128xf32, #tpu.memory_space<vmem>>)
      tpu.yield
    }) : () -> ()
    %run_scoped3A = arith.constant 0 : i32
    "tpu.region"() ({
      %run_scoped3A_29 = tpu.sem_alloc : memref<!tpu.dma_semaphore, #tpu.memory_space<semaphore_mem>>
      %dma_start3A = arith.constant 0 : i32
      %dma_start3A_30 = arith.constant 0 : i32
      %dma_start3A_31 = arith.constant 0 : i32
      %dma_start3A_32 = tpu.memref_slice %arg2[%add3A, %dma_start3A, %dma_start3A_30, %dma_start3A_31] : memref<32x2x40x125xi32, #tpu.memory_space<hbm>> -> memref<1x2x40x125xi32, #tpu.memory_space<hbm>>
      %dma_start3A_33 = tpu.memref_squeeze %dma_start3A_32 : memref<1x2x40x125xi32, #tpu.memory_space<hbm>> -> memref<2x40x125xi32, #tpu.memory_space<hbm>>
      %dma_start3A_34 = arith.constant 0 : i32
      %dma_start3A_35 = arith.constant 0 : i32
      %dma_start3A_36 = tpu.memref_slice %dma_start3A_33[%run_scoped3A, %dma_start3A_34, %dma_start3A_35] : memref<2x40x125xi32, #tpu.memory_space<hbm>> -> memref<1x40x125xi32, #tpu.memory_space<hbm>>
      %dma_start3A_37 = tpu.memref_squeeze %dma_start3A_36 : memref<1x40x125xi32, #tpu.memory_space<hbm>> -> memref<40x125xi32, #tpu.memory_space<hbm>>
      %dma_start3A_38 = arith.constant 0 : i32
      %dma_start3A_39 = arith.constant 0 : i32
      %dma_start3A_40 = arith.constant 0 : i32
      %dma_start3A_41 = tpu.memref_slice %arg2[%add3A, %dma_start3A_38, %dma_start3A_39, %dma_start3A_40] : memref<32x2x40x125xi32, #tpu.memory_space<hbm>> -> memref<1x2x40x125xi32, #tpu.memory_space<hbm>>
      %dma_start3A_42 = tpu.memref_squeeze %dma_start3A_41 : memref<1x2x40x125xi32, #tpu.memory_space<hbm>> -> memref<2x40x125xi32, #tpu.memory_space<hbm>>
      %dma_start3A_43 = arith.constant 0 : i32
      %dma_start3A_44 = arith.constant 0 : i32
      %dma_start3A_45 = tpu.memref_slice %dma_start3A_42[%run_scoped3A, %dma_start3A_43, %dma_start3A_44] : memref<2x40x125xi32, #tpu.memory_space<hbm>> -> memref<1x40x125xi32, #tpu.memory_space<hbm>>
      %dma_start3A_46 = tpu.memref_squeeze %dma_start3A_45 : memref<1x40x125xi32, #tpu.memory_space<hbm>> -> memref<40x125xi32, #tpu.memory_space<hbm>>
      tpu.enqueue_dma source(%dma_start3A_46 : memref<40x125xi32, #tpu.memory_space<hbm>>) target(%arg7 : memref<40x125xi32, #tpu.memory_space<vmem>>) target_semaphore(%run_scoped3A_29 : memref<!tpu.dma_semaphore, #tpu.memory_space<semaphore_mem>>)
      %dma_wait3A = arith.constant 0 : i32
      %dma_wait3A_47 = arith.constant 0 : i32
      %dma_wait3A_48 = arith.constant 0 : i32
      %dma_wait3A_49 = tpu.memref_slice %arg2[%add3A, %dma_wait3A, %dma_wait3A_47, %dma_wait3A_48] : memref<32x2x40x125xi32, #tpu.memory_space<hbm>> -> memref<1x2x40x125xi32, #tpu.memory_space<hbm>>
      %dma_wait3A_50 = tpu.memref_squeeze %dma_wait3A_49 : memref<1x2x40x125xi32, #tpu.memory_space<hbm>> -> memref<2x40x125xi32, #tpu.memory_space<hbm>>
      %dma_wait3A_51 = arith.constant 0 : i32
      %dma_wait3A_52 = arith.constant 0 : i32
      %dma_wait3A_53 = tpu.memref_slice %dma_wait3A_50[%run_scoped3A, %dma_wait3A_51, %dma_wait3A_52] : memref<2x40x125xi32, #tpu.memory_space<hbm>> -> memref<1x40x125xi32, #tpu.memory_space<hbm>>
      %dma_wait3A_54 = tpu.memref_squeeze %dma_wait3A_53 : memref<1x40x125xi32, #tpu.memory_space<hbm>> -> memref<40x125xi32, #tpu.memory_space<hbm>>
      %dma_wait3A_55 = arith.constant 0 : i32
      %dma_wait3A_56 = arith.constant 0 : i32
      %dma_wait3A_57 = arith.constant 0 : i32
      %dma_wait3A_58 = tpu.memref_slice %arg2[%add3A, %dma_wait3A_55, %dma_wait3A_56, %dma_wait3A_57] : memref<32x2x40x125xi32, #tpu.memory_space<hbm>> -> memref<1x2x40x125xi32, #tpu.memory_space<hbm>>
      %dma_wait3A_59 = tpu.memref_squeeze %dma_wait3A_58 : memref<1x2x40x125xi32, #tpu.memory_space<hbm>> -> memref<2x40x125xi32, #tpu.memory_space<hbm>>
      %dma_wait3A_60 = arith.constant 0 : i32
      %dma_wait3A_61 = arith.constant 0 : i32
      %dma_wait3A_62 = tpu.memref_slice %dma_wait3A_59[%run_scoped3A, %dma_wait3A_60, %dma_wait3A_61] : memref<2x40x125xi32, #tpu.memory_space<hbm>> -> memref<1x40x125xi32, #tpu.memory_space<hbm>>
      %dma_wait3A_63 = tpu.memref_squeeze %dma_wait3A_62 : memref<1x40x125xi32, #tpu.memory_space<hbm>> -> memref<40x125xi32, #tpu.memory_space<hbm>>
      tpu.wait_dma2 semaphore(%run_scoped3A_29 : memref<!tpu.dma_semaphore, #tpu.memory_space<semaphore_mem>>) src(%dma_wait3A_63 : memref<40x125xi32, #tpu.memory_space<hbm>>) dst(%arg7 : memref<40x125xi32, #tpu.memory_space<vmem>>)
      tpu.yield
    }) : () -> ()
    %scan3A = arith.constant 0 : i32
    %scan3A_7 = arith.constant 0 : i32
    %scan3A_8 = arith.constant 40 : i32
    %scan3A_9 = arith.addi %scan3A_7, %scan3A_8 : i32
    %scan3A_10 = arith.constant 1 : i32
    scf.for %scan3A_29 = %scan3A_7 to %scan3A_9 step %scan3A_10  : i32 {
      "tpu.region"() ({
        %run_scoped3A_30 = tpu.sem_alloc : memref<!tpu.dma_semaphore, #tpu.memory_space<semaphore_mem>>
        %dma_start3A = arith.constant 0 : i32
        %dma_start3A_31 = tpu.memref_slice %arg7[%scan3A_29, %dma_start3A] : memref<40x125xi32, #tpu.memory_space<vmem>> -> memref<1x125xi32, #tpu.memory_space<vmem>>
        %dma_start3A_32 = tpu.memref_squeeze %dma_start3A_31 : memref<1x125xi32, #tpu.memory_space<vmem>> -> memref<125xi32, #tpu.memory_space<vmem>>
        %dma_start3A_33 = arith.constant 0 : i32
        %dma_start3A_34 = arith.constant 0 : i32
        %dma_start3A_35 = tpu.memref_slice %arg6[%dma_start3A_33, %dma_start3A_34] : memref<10000x128xf32, #tpu.memory_space<vmem_shared>> -> memref<10000x128xf32, #tpu.memory_space<vmem_shared>>
        tpu.enqueue_indirect_dma source(%arg8 : memref<125x128xf32, #tpu.memory_space<vmem>>) target(%dma_start3A_35 : memref<10000x128xf32, #tpu.memory_space<vmem_shared>>) offsets(%dma_start3A_32 : memref<125xi32, #tpu.memory_space<vmem>>) semaphore(%run_scoped3A_30 : memref<!tpu.dma_semaphore, #tpu.memory_space<semaphore_mem>>) {add = true}
        %dma_wait3A = arith.constant 0 : i32
        %dma_wait3A_36 = tpu.memref_slice %arg7[%scan3A_29, %dma_wait3A] : memref<40x125xi32, #tpu.memory_space<vmem>> -> memref<1x125xi32, #tpu.memory_space<vmem>>
        %dma_wait3A_37 = tpu.memref_squeeze %dma_wait3A_36 : memref<1x125xi32, #tpu.memory_space<vmem>> -> memref<125xi32, #tpu.memory_space<vmem>>
        %dma_wait3A_38 = arith.constant 0 : i32
        %dma_wait3A_39 = arith.constant 0 : i32
        %dma_wait3A_40 = tpu.memref_slice %arg6[%dma_wait3A_38, %dma_wait3A_39] : memref<10000x128xf32, #tpu.memory_space<vmem_shared>> -> memref<10000x128xf32, #tpu.memory_space<vmem_shared>>
        tpu.wait_indirect_dma semaphore(%run_scoped3A_30 : memref<!tpu.dma_semaphore, #tpu.memory_space<semaphore_mem>>) src(%arg8 : memref<125x128xf32, #tpu.memory_space<vmem>>) dst(%dma_wait3A_40 : memref<10000x128xf32, #tpu.memory_space<vmem_shared>>)
        tpu.yield
      }) : () -> ()
    }
    %scan3A_11 = arith.constant 40 : i32
    %run_scoped3A_12 = arith.constant 1 : i32
    "tpu.region"() ({
      %run_scoped3A_29 = tpu.sem_alloc : memref<!tpu.dma_semaphore, #tpu.memory_space<semaphore_mem>>
      %dma_start3A = arith.constant 0 : i32
      %dma_start3A_30 = arith.constant 0 : i32
      %dma_start3A_31 = arith.constant 0 : i32
      %dma_start3A_32 = tpu.memref_slice %arg2[%add3A, %dma_start3A, %dma_start3A_30, %dma_start3A_31] : memref<32x2x40x125xi32, #tpu.memory_space<hbm>> -> memref<1x2x40x125xi32, #tpu.memory_space<hbm>>
      %dma_start3A_33 = tpu.memref_squeeze %dma_start3A_32 : memref<1x2x40x125xi32, #tpu.memory_space<hbm>> -> memref<2x40x125xi32, #tpu.memory_space<hbm>>
      %dma_start3A_34 = arith.constant 0 : i32
      %dma_start3A_35 = arith.constant 0 : i32
      %dma_start3A_36 = tpu.memref_slice %dma_start3A_33[%run_scoped3A_12, %dma_start3A_34, %dma_start3A_35] : memref<2x40x125xi32, #tpu.memory_space<hbm>> -> memref<1x40x125xi32, #tpu.memory_space<hbm>>
      %dma_start3A_37 = tpu.memref_squeeze %dma_start3A_36 : memref<1x40x125xi32, #tpu.memory_space<hbm>> -> memref<40x125xi32, #tpu.memory_space<hbm>>
      %dma_start3A_38 = arith.constant 0 : i32
      %dma_start3A_39 = arith.constant 0 : i32
      %dma_start3A_40 = arith.constant 0 : i32
      %dma_start3A_41 = tpu.memref_slice %arg2[%add3A, %dma_start3A_38, %dma_start3A_39, %dma_start3A_40] : memref<32x2x40x125xi32, #tpu.memory_space<hbm>> -> memref<1x2x40x125xi32, #tpu.memory_space<hbm>>
      %dma_start3A_42 = tpu.memref_squeeze %dma_start3A_41 : memref<1x2x40x125xi32, #tpu.memory_space<hbm>> -> memref<2x40x125xi32, #tpu.memory_space<hbm>>
      %dma_start3A_43 = arith.constant 0 : i32
      %dma_start3A_44 = arith.constant 0 : i32
      %dma_start3A_45 = tpu.memref_slice %dma_start3A_42[%run_scoped3A_12, %dma_start3A_43, %dma_start3A_44] : memref<2x40x125xi32, #tpu.memory_space<hbm>> -> memref<1x40x125xi32, #tpu.memory_space<hbm>>
      %dma_start3A_46 = tpu.memref_squeeze %dma_start3A_45 : memref<1x40x125xi32, #tpu.memory_space<hbm>> -> memref<40x125xi32, #tpu.memory_space<hbm>>
      tpu.enqueue_dma source(%dma_start3A_46 : memref<40x125xi32, #tpu.memory_space<hbm>>) target(%arg7 : memref<40x125xi32, #tpu.memory_space<vmem>>) target_semaphore(%run_scoped3A_29 : memref<!tpu.dma_semaphore, #tpu.memory_space<semaphore_mem>>)
      %dma_wait3A = arith.constant 0 : i32
      %dma_wait3A_47 = arith.constant 0 : i32
      %dma_wait3A_48 = arith.constant 0 : i32
      %dma_wait3A_49 = tpu.memref_slice %arg2[%add3A, %dma_wait3A, %dma_wait3A_47, %dma_wait3A_48] : memref<32x2x40x125xi32, #tpu.memory_space<hbm>> -> memref<1x2x40x125xi32, #tpu.memory_space<hbm>>
      %dma_wait3A_50 = tpu.memref_squeeze %dma_wait3A_49 : memref<1x2x40x125xi32, #tpu.memory_space<hbm>> -> memref<2x40x125xi32, #tpu.memory_space<hbm>>
      %dma_wait3A_51 = arith.constant 0 : i32
      %dma_wait3A_52 = arith.constant 0 : i32
      %dma_wait3A_53 = tpu.memref_slice %dma_wait3A_50[%run_scoped3A_12, %dma_wait3A_51, %dma_wait3A_52] : memref<2x40x125xi32, #tpu.memory_space<hbm>> -> memref<1x40x125xi32, #tpu.memory_space<hbm>>
      %dma_wait3A_54 = tpu.memref_squeeze %dma_wait3A_53 : memref<1x40x125xi32, #tpu.memory_space<hbm>> -> memref<40x125xi32, #tpu.memory_space<hbm>>
      %dma_wait3A_55 = arith.constant 0 : i32
      %dma_wait3A_56 = arith.constant 0 : i32
      %dma_wait3A_57 = arith.constant 0 : i32
      %dma_wait3A_58 = tpu.memref_slice %arg2[%add3A, %dma_wait3A_55, %dma_wait3A_56, %dma_wait3A_57] : memref<32x2x40x125xi32, #tpu.memory_space<hbm>> -> memref<1x2x40x125xi32, #tpu.memory_space<hbm>>
      %dma_wait3A_59 = tpu.memref_squeeze %dma_wait3A_58 : memref<1x2x40x125xi32, #tpu.memory_space<hbm>> -> memref<2x40x125xi32, #tpu.memory_space<hbm>>
      %dma_wait3A_60 = arith.constant 0 : i32
      %dma_wait3A_61 = arith.constant 0 : i32
      %dma_wait3A_62 = tpu.memref_slice %dma_wait3A_59[%run_scoped3A_12, %dma_wait3A_60, %dma_wait3A_61] : memref<2x40x125xi32, #tpu.memory_space<hbm>> -> memref<1x40x125xi32, #tpu.memory_space<hbm>>
      %dma_wait3A_63 = tpu.memref_squeeze %dma_wait3A_62 : memref<1x40x125xi32, #tpu.memory_space<hbm>> -> memref<40x125xi32, #tpu.memory_space<hbm>>
      tpu.wait_dma2 semaphore(%run_scoped3A_29 : memref<!tpu.dma_semaphore, #tpu.memory_space<semaphore_mem>>) src(%dma_wait3A_63 : memref<40x125xi32, #tpu.memory_space<hbm>>) dst(%arg7 : memref<40x125xi32, #tpu.memory_space<vmem>>)
      tpu.yield
    }) : () -> ()
    %scan3A_13 = arith.constant 0 : i32
    %scan3A_14 = arith.constant 0 : i32
    %scan3A_15 = arith.constant 40 : i32
    %scan3A_16 = arith.addi %scan3A_14, %scan3A_15 : i32
    %scan3A_17 = arith.constant 1 : i32
    scf.for %scan3A_29 = %scan3A_14 to %scan3A_16 step %scan3A_17  : i32 {
      "tpu.region"() ({
        %run_scoped3A_30 = tpu.sem_alloc : memref<!tpu.dma_semaphore, #tpu.memory_space<semaphore_mem>>
        %dma_start3A = arith.constant 0 : i32
        %dma_start3A_31 = tpu.memref_slice %arg7[%scan3A_29, %dma_start3A] : memref<40x125xi32, #tpu.memory_space<vmem>> -> memref<1x125xi32, #tpu.memory_space<vmem>>
        %dma_start3A_32 = tpu.memref_squeeze %dma_start3A_31 : memref<1x125xi32, #tpu.memory_space<vmem>> -> memref<125xi32, #tpu.memory_space<vmem>>
        %dma_start3A_33 = arith.constant 0 : i32
        %dma_start3A_34 = arith.constant 0 : i32
        %dma_start3A_35 = tpu.memref_slice %arg6[%dma_start3A_33, %dma_start3A_34] : memref<10000x128xf32, #tpu.memory_space<vmem_shared>> -> memref<10000x128xf32, #tpu.memory_space<vmem_shared>>
        tpu.enqueue_indirect_dma source(%arg8 : memref<125x128xf32, #tpu.memory_space<vmem>>) target(%dma_start3A_35 : memref<10000x128xf32, #tpu.memory_space<vmem_shared>>) offsets(%dma_start3A_32 : memref<125xi32, #tpu.memory_space<vmem>>) semaphore(%run_scoped3A_30 : memref<!tpu.dma_semaphore, #tpu.memory_space<semaphore_mem>>) {add = true}
        %dma_wait3A = arith.constant 0 : i32
        %dma_wait3A_36 = tpu.memref_slice %arg7[%scan3A_29, %dma_wait3A] : memref<40x125xi32, #tpu.memory_space<vmem>> -> memref<1x125xi32, #tpu.memory_space<vmem>>
        %dma_wait3A_37 = tpu.memref_squeeze %dma_wait3A_36 : memref<1x125xi32, #tpu.memory_space<vmem>> -> memref<125xi32, #tpu.memory_space<vmem>>
        %dma_wait3A_38 = arith.constant 0 : i32
        %dma_wait3A_39 = arith.constant 0 : i32
        %dma_wait3A_40 = tpu.memref_slice %arg6[%dma_wait3A_38, %dma_wait3A_39] : memref<10000x128xf32, #tpu.memory_space<vmem_shared>> -> memref<10000x128xf32, #tpu.memory_space<vmem_shared>>
        tpu.wait_indirect_dma semaphore(%run_scoped3A_30 : memref<!tpu.dma_semaphore, #tpu.memory_space<semaphore_mem>>) src(%arg8 : memref<125x128xf32, #tpu.memory_space<vmem>>) dst(%dma_wait3A_40 : memref<10000x128xf32, #tpu.memory_space<vmem_shared>>)
        tpu.yield
      }) : () -> ()
    }
    %scan3A_18 = arith.constant 40 : i32
    %barrier3A_19 = arith.constant 0 : index
    tpu.barrier barrier_id(%barrier3A_19)
    %mul3A_20 = arith.constant 624 : i32
    %mul3A_21 = arith.muli %arg1, %mul3A_20 : i32
    %mul3A_22 = arith.constant 624 : i32
    %mul3A_23 = arith.muli %arg1, %mul3A_22 : i32
    "tpu.region"() ({
      %run_scoped3A_29 = tpu.sem_alloc : memref<!tpu.dma_semaphore, #tpu.memory_space<semaphore_mem>>
      %dma_start3A = arith.constant 0 : i32
      %dma_start3A_30 = arith.constant 0 : i32
      %dma_start3A_31 = tpu.memref_slice %arg5[%arg0, %dma_start3A, %dma_start3A_30] : memref<2x10000x128xf32, #tpu.memory_space<hbm>> -> memref<1x10000x128xf32, #tpu.memory_space<hbm>>
      %dma_start3A_32 = tpu.memref_squeeze %dma_start3A_31 : memref<1x10000x128xf32, #tpu.memory_space<hbm>> -> memref<10000x128xf32, #tpu.memory_space<hbm>>
      %dma_start3A_33 = arith.constant 0 : i32
      %dma_start3A_34 = tpu.memref_slice %dma_start3A_32[%mul3A_23, %dma_start3A_33] : memref<10000x128xf32, #tpu.memory_space<hbm>> -> memref<624x128xf32, #tpu.memory_space<hbm>>
      %dma_start3A_35 = arith.constant 0 : i32
      %dma_start3A_36 = tpu.memref_slice %arg6[%mul3A_21, %dma_start3A_35] : memref<10000x128xf32, #tpu.memory_space<vmem_shared>> -> memref<624x128xf32, #tpu.memory_space<vmem_shared>>
      tpu.enqueue_dma source(%dma_start3A_36 : memref<624x128xf32, #tpu.memory_space<vmem_shared>>) target(%dma_start3A_34 : memref<624x128xf32, #tpu.memory_space<hbm>>) target_semaphore(%run_scoped3A_29 : memref<!tpu.dma_semaphore, #tpu.memory_space<semaphore_mem>>)
      %dma_wait3A = arith.constant 0 : i32
      %dma_wait3A_37 = arith.constant 0 : i32
      %dma_wait3A_38 = tpu.memref_slice %arg5[%arg0, %dma_wait3A, %dma_wait3A_37] : memref<2x10000x128xf32, #tpu.memory_space<hbm>> -> memref<1x10000x128xf32, #tpu.memory_space<hbm>>
      %dma_wait3A_39 = tpu.memref_squeeze %dma_wait3A_38 : memref<1x10000x128xf32, #tpu.memory_space<hbm>> -> memref<10000x128xf32, #tpu.memory_space<hbm>>
      %dma_wait3A_40 = arith.constant 0 : i32
      %dma_wait3A_41 = tpu.memref_slice %dma_wait3A_39[%mul3A_23, %dma_wait3A_40] : memref<10000x128xf32, #tpu.memory_space<hbm>> -> memref<624x128xf32, #tpu.memory_space<hbm>>
      %dma_wait3A_42 = arith.constant 0 : i32
      %dma_wait3A_43 = tpu.memref_slice %arg6[%mul3A_21, %dma_wait3A_42] : memref<10000x128xf32, #tpu.memory_space<vmem_shared>> -> memref<624x128xf32, #tpu.memory_space<vmem_shared>>
      tpu.wait_dma2 semaphore(%run_scoped3A_29 : memref<!tpu.dma_semaphore, #tpu.memory_space<semaphore_mem>>) src(%dma_wait3A_43 : memref<624x128xf32, #tpu.memory_space<vmem_shared>>) dst(%dma_wait3A_41 : memref<624x128xf32, #tpu.memory_space<hbm>>)
      tpu.yield
    }) : () -> ()
    %eq3A_24 = arith.constant 15 : i32
    %eq3A_25 = arith.cmpi eq, %arg1, %eq3A_24 : i32
    %convert_element_type3A_26 = arith.extui %eq3A_25 : i1 to i32
    %cond3A_27 = arith.constant 0 : i32
    %cond3A_28 = arith.cmpi ne, %convert_element_type3A_26, %cond3A_27 : i32
    scf.if %cond3A_28 {
      "tpu.region"() ({
        %run_scoped3A_29 = tpu.sem_alloc : memref<!tpu.dma_semaphore, #tpu.memory_space<semaphore_mem>>
        %dma_start3A = arith.constant 0 : i32
        %dma_start3A_30 = arith.constant 0 : i32
        %dma_start3A_31 = tpu.memref_slice %arg5[%arg0, %dma_start3A, %dma_start3A_30] : memref<2x10000x128xf32, #tpu.memory_space<hbm>> -> memref<1x10000x128xf32, #tpu.memory_space<hbm>>
        %dma_start3A_32 = tpu.memref_squeeze %dma_start3A_31 : memref<1x10000x128xf32, #tpu.memory_space<hbm>> -> memref<10000x128xf32, #tpu.memory_space<hbm>>
        %dma_start3A_33 = arith.constant 9984 : i32
        %dma_start3A_34 = arith.constant 0 : i32
        %dma_start3A_35 = tpu.memref_slice %dma_start3A_32[%dma_start3A_33, %dma_start3A_34] : memref<10000x128xf32, #tpu.memory_space<hbm>> -> memref<16x128xf32, #tpu.memory_space<hbm>>
        %dma_start3A_36 = arith.constant 9984 : i32
        %dma_start3A_37 = arith.constant 0 : i32
        %dma_start3A_38 = tpu.memref_slice %arg6[%dma_start3A_36, %dma_start3A_37] : memref<10000x128xf32, #tpu.memory_space<vmem_shared>> -> memref<16x128xf32, #tpu.memory_space<vmem_shared>>
        tpu.enqueue_dma source(%dma_start3A_38 : memref<16x128xf32, #tpu.memory_space<vmem_shared>>) target(%dma_start3A_35 : memref<16x128xf32, #tpu.memory_space<hbm>>) target_semaphore(%run_scoped3A_29 : memref<!tpu.dma_semaphore, #tpu.memory_space<semaphore_mem>>)
        %dma_wait3A = arith.constant 0 : i32
        %dma_wait3A_39 = arith.constant 0 : i32
        %dma_wait3A_40 = tpu.memref_slice %arg5[%arg0, %dma_wait3A, %dma_wait3A_39] : memref<2x10000x128xf32, #tpu.memory_space<hbm>> -> memref<1x10000x128xf32, #tpu.memory_space<hbm>>
        %dma_wait3A_41 = tpu.memref_squeeze %dma_wait3A_40 : memref<1x10000x128xf32, #tpu.memory_space<hbm>> -> memref<10000x128xf32, #tpu.memory_space<hbm>>
        %dma_wait3A_42 = arith.constant 9984 : i32
        %dma_wait3A_43 = arith.constant 0 : i32
        %dma_wait3A_44 = tpu.memref_slice %dma_wait3A_41[%dma_wait3A_42, %dma_wait3A_43] : memref<10000x128xf32, #tpu.memory_space<hbm>> -> memref<16x128xf32, #tpu.memory_space<hbm>>
        %dma_wait3A_45 = arith.constant 9984 : i32
        %dma_wait3A_46 = arith.constant 0 : i32
        %dma_wait3A_47 = tpu.memref_slice %arg6[%dma_wait3A_45, %dma_wait3A_46] : memref<10000x128xf32, #tpu.memory_space<vmem_shared>> -> memref<16x128xf32, #tpu.memory_space<vmem_shared>>
        tpu.wait_dma2 semaphore(%run_scoped3A_29 : memref<!tpu.dma_semaphore, #tpu.memory_space<semaphore_mem>>) src(%dma_wait3A_47 : memref<16x128xf32, #tpu.memory_space<vmem_shared>>) dst(%dma_wait3A_44 : memref<16x128xf32, #tpu.memory_space<hbm>>)
        tpu.yield
      }) : () -> ()
    } else {
    }
    return
  }
}

#map = affine_map<(d0, d1) -> (0, 0, 0, 0)>
#map1 = affine_map<(d0, d1) -> (0, 0)>
#map2 = affine_map<(d0, d1) -> (0, 0, 0)>
module attributes {stable_mosaic.version = 14 : i64} {
  func.func @_sc_prop_body(%arg0: i32, %arg1: i32, %arg2: memref<32x2x40x125xi32, #tpu.memory_space<hbm>>, %arg3: memref<32x2x40x125xi32, #tpu.memory_space<hbm>>, %arg4: memref<10000x128xf32, #tpu.memory_space<hbm>>, %arg5: memref<10000x128xf32, #tpu.memory_space<hbm>>, %arg6: memref<2x10000x128xf32, #tpu.memory_space<hbm>>, %arg7: memref<10000x128xf32, #tpu.memory_space<vmem_shared>>, %arg8: memref<40x125xi32, #tpu.memory_space<vmem>>, %arg9: memref<40x125xi32, #tpu.memory_space<vmem>>, %arg10: memref<125x128xf32, #tpu.memory_space<vmem>>, %arg11: memref<125x128xf32, #tpu.memory_space<vmem>>, %arg12: memref<!tpu.dma_semaphore, #tpu.memory_space<semaphore_mem>>, %arg13: memref<!tpu.dma_semaphore, #tpu.memory_space<semaphore_mem>>) attributes {dimension_semantics = [#tpu.dimension_semantics<core_parallel>, #tpu.dimension_semantics<subcore_parallel>], iteration_bounds = array<i64: 2, 16>, scalar_prefetch = 0 : i64, scratch_operands = 7 : i64, tpu.core_type = #tpu.core_type<sc_vector_subcore>, window_params = [{transform_indices = #map}, {transform_indices = #map}, {transform_indices = #map1}, {transform_indices = #map1}, {transform_indices = #map2}]} {
    %mul3A = arith.constant 624 : i32
    %mul3A_0 = arith.muli %arg1, %mul3A : i32
    %mul3A_1 = arith.constant 624 : i32
    %mul3A_2 = arith.muli %arg1, %mul3A_1 : i32
    "tpu.region"() ({
      %run_scoped3A_44 = tpu.sem_alloc : memref<!tpu.dma_semaphore, #tpu.memory_space<semaphore_mem>>
      %dma_start3A_45 = arith.constant 0 : i32
      %dma_start3A_46 = tpu.memref_slice %arg7[%mul3A_2, %dma_start3A_45] : memref<10000x128xf32, #tpu.memory_space<vmem_shared>> -> memref<624x128xf32, #tpu.memory_space<vmem_shared>>
      %dma_start3A_47 = arith.constant 0 : i32
      %dma_start3A_48 = tpu.memref_slice %arg5[%mul3A_0, %dma_start3A_47] : memref<10000x128xf32, #tpu.memory_space<hbm>> -> memref<624x128xf32, #tpu.memory_space<hbm>>
      tpu.enqueue_dma source(%dma_start3A_48 : memref<624x128xf32, #tpu.memory_space<hbm>>) target(%dma_start3A_46 : memref<624x128xf32, #tpu.memory_space<vmem_shared>>) target_semaphore(%run_scoped3A_44 : memref<!tpu.dma_semaphore, #tpu.memory_space<semaphore_mem>>)
      %dma_wait3A = arith.constant 0 : i32
      %dma_wait3A_49 = tpu.memref_slice %arg7[%mul3A_2, %dma_wait3A] : memref<10000x128xf32, #tpu.memory_space<vmem_shared>> -> memref<624x128xf32, #tpu.memory_space<vmem_shared>>
      %dma_wait3A_50 = arith.constant 0 : i32
      %dma_wait3A_51 = tpu.memref_slice %arg5[%mul3A_0, %dma_wait3A_50] : memref<10000x128xf32, #tpu.memory_space<hbm>> -> memref<624x128xf32, #tpu.memory_space<hbm>>
      tpu.wait_dma2 semaphore(%run_scoped3A_44 : memref<!tpu.dma_semaphore, #tpu.memory_space<semaphore_mem>>) src(%dma_wait3A_51 : memref<624x128xf32, #tpu.memory_space<hbm>>) dst(%dma_wait3A_49 : memref<624x128xf32, #tpu.memory_space<vmem_shared>>)
      tpu.yield
    }) : () -> ()
    %eq3A = arith.constant 15 : i32
    %eq3A_3 = arith.cmpi eq, %arg1, %eq3A : i32
    %convert_element_type3A = arith.extui %eq3A_3 : i1 to i32
    %cond3A = arith.constant 0 : i32
    %cond3A_4 = arith.cmpi ne, %convert_element_type3A, %cond3A : i32
    scf.if %cond3A_4 {
      "tpu.region"() ({
        %run_scoped3A_44 = tpu.sem_alloc : memref<!tpu.dma_semaphore, #tpu.memory_space<semaphore_mem>>
        %dma_start3A_45 = arith.constant 9984 : i32
        %dma_start3A_46 = arith.constant 0 : i32
        %dma_start3A_47 = tpu.memref_slice %arg7[%dma_start3A_45, %dma_start3A_46] : memref<10000x128xf32, #tpu.memory_space<vmem_shared>> -> memref<16x128xf32, #tpu.memory_space<vmem_shared>>
        %dma_start3A_48 = arith.constant 9984 : i32
        %dma_start3A_49 = arith.constant 0 : i32
        %dma_start3A_50 = tpu.memref_slice %arg5[%dma_start3A_48, %dma_start3A_49] : memref<10000x128xf32, #tpu.memory_space<hbm>> -> memref<16x128xf32, #tpu.memory_space<hbm>>
        tpu.enqueue_dma source(%dma_start3A_50 : memref<16x128xf32, #tpu.memory_space<hbm>>) target(%dma_start3A_47 : memref<16x128xf32, #tpu.memory_space<vmem_shared>>) target_semaphore(%run_scoped3A_44 : memref<!tpu.dma_semaphore, #tpu.memory_space<semaphore_mem>>)
        %dma_wait3A = arith.constant 9984 : i32
        %dma_wait3A_51 = arith.constant 0 : i32
        %dma_wait3A_52 = tpu.memref_slice %arg7[%dma_wait3A, %dma_wait3A_51] : memref<10000x128xf32, #tpu.memory_space<vmem_shared>> -> memref<16x128xf32, #tpu.memory_space<vmem_shared>>
        %dma_wait3A_53 = arith.constant 9984 : i32
        %dma_wait3A_54 = arith.constant 0 : i32
        %dma_wait3A_55 = tpu.memref_slice %arg5[%dma_wait3A_53, %dma_wait3A_54] : memref<10000x128xf32, #tpu.memory_space<hbm>> -> memref<16x128xf32, #tpu.memory_space<hbm>>
        tpu.wait_dma2 semaphore(%run_scoped3A_44 : memref<!tpu.dma_semaphore, #tpu.memory_space<semaphore_mem>>) src(%dma_wait3A_55 : memref<16x128xf32, #tpu.memory_space<hbm>>) dst(%dma_wait3A_52 : memref<16x128xf32, #tpu.memory_space<vmem_shared>>)
        tpu.yield
      }) : () -> ()
    } else {
    }
    %barrier3A = arith.constant 0 : index
    tpu.barrier barrier_id(%barrier3A)
    %mul3A_5 = arith.constant 16 : i32
    %mul3A_6 = arith.muli %arg0, %mul3A_5 : i32
    %add3A = arith.addi %mul3A_6, %arg1 : i32
    %run_scoped3A = arith.constant 0 : i32
    "tpu.region"() ({
      %run_scoped3A_44 = tpu.sem_alloc : memref<!tpu.dma_semaphore, #tpu.memory_space<semaphore_mem>>
      %dma_start3A_45 = arith.constant 0 : i32
      %dma_start3A_46 = arith.constant 0 : i32
      %dma_start3A_47 = arith.constant 0 : i32
      %dma_start3A_48 = tpu.memref_slice %arg2[%add3A, %dma_start3A_45, %dma_start3A_46, %dma_start3A_47] : memref<32x2x40x125xi32, #tpu.memory_space<hbm>> -> memref<1x2x40x125xi32, #tpu.memory_space<hbm>>
      %dma_start3A_49 = tpu.memref_squeeze %dma_start3A_48 : memref<1x2x40x125xi32, #tpu.memory_space<hbm>> -> memref<2x40x125xi32, #tpu.memory_space<hbm>>
      %dma_start3A_50 = arith.constant 0 : i32
      %dma_start3A_51 = arith.constant 0 : i32
      %dma_start3A_52 = tpu.memref_slice %dma_start3A_49[%run_scoped3A, %dma_start3A_50, %dma_start3A_51] : memref<2x40x125xi32, #tpu.memory_space<hbm>> -> memref<1x40x125xi32, #tpu.memory_space<hbm>>
      %dma_start3A_53 = tpu.memref_squeeze %dma_start3A_52 : memref<1x40x125xi32, #tpu.memory_space<hbm>> -> memref<40x125xi32, #tpu.memory_space<hbm>>
      %dma_start3A_54 = arith.constant 0 : i32
      %dma_start3A_55 = arith.constant 0 : i32
      %dma_start3A_56 = arith.constant 0 : i32
      %dma_start3A_57 = tpu.memref_slice %arg2[%add3A, %dma_start3A_54, %dma_start3A_55, %dma_start3A_56] : memref<32x2x40x125xi32, #tpu.memory_space<hbm>> -> memref<1x2x40x125xi32, #tpu.memory_space<hbm>>
      %dma_start3A_58 = tpu.memref_squeeze %dma_start3A_57 : memref<1x2x40x125xi32, #tpu.memory_space<hbm>> -> memref<2x40x125xi32, #tpu.memory_space<hbm>>
      %dma_start3A_59 = arith.constant 0 : i32
      %dma_start3A_60 = arith.constant 0 : i32
      %dma_start3A_61 = tpu.memref_slice %dma_start3A_58[%run_scoped3A, %dma_start3A_59, %dma_start3A_60] : memref<2x40x125xi32, #tpu.memory_space<hbm>> -> memref<1x40x125xi32, #tpu.memory_space<hbm>>
      %dma_start3A_62 = tpu.memref_squeeze %dma_start3A_61 : memref<1x40x125xi32, #tpu.memory_space<hbm>> -> memref<40x125xi32, #tpu.memory_space<hbm>>
      tpu.enqueue_dma source(%dma_start3A_62 : memref<40x125xi32, #tpu.memory_space<hbm>>) target(%arg8 : memref<40x125xi32, #tpu.memory_space<vmem>>) target_semaphore(%run_scoped3A_44 : memref<!tpu.dma_semaphore, #tpu.memory_space<semaphore_mem>>)
      %dma_wait3A = arith.constant 0 : i32
      %dma_wait3A_63 = arith.constant 0 : i32
      %dma_wait3A_64 = arith.constant 0 : i32
      %dma_wait3A_65 = tpu.memref_slice %arg2[%add3A, %dma_wait3A, %dma_wait3A_63, %dma_wait3A_64] : memref<32x2x40x125xi32, #tpu.memory_space<hbm>> -> memref<1x2x40x125xi32, #tpu.memory_space<hbm>>
      %dma_wait3A_66 = tpu.memref_squeeze %dma_wait3A_65 : memref<1x2x40x125xi32, #tpu.memory_space<hbm>> -> memref<2x40x125xi32, #tpu.memory_space<hbm>>
      %dma_wait3A_67 = arith.constant 0 : i32
      %dma_wait3A_68 = arith.constant 0 : i32
      %dma_wait3A_69 = tpu.memref_slice %dma_wait3A_66[%run_scoped3A, %dma_wait3A_67, %dma_wait3A_68] : memref<2x40x125xi32, #tpu.memory_space<hbm>> -> memref<1x40x125xi32, #tpu.memory_space<hbm>>
      %dma_wait3A_70 = tpu.memref_squeeze %dma_wait3A_69 : memref<1x40x125xi32, #tpu.memory_space<hbm>> -> memref<40x125xi32, #tpu.memory_space<hbm>>
      %dma_wait3A_71 = arith.constant 0 : i32
      %dma_wait3A_72 = arith.constant 0 : i32
      %dma_wait3A_73 = arith.constant 0 : i32
      %dma_wait3A_74 = tpu.memref_slice %arg2[%add3A, %dma_wait3A_71, %dma_wait3A_72, %dma_wait3A_73] : memref<32x2x40x125xi32, #tpu.memory_space<hbm>> -> memref<1x2x40x125xi32, #tpu.memory_space<hbm>>
      %dma_wait3A_75 = tpu.memref_squeeze %dma_wait3A_74 : memref<1x2x40x125xi32, #tpu.memory_space<hbm>> -> memref<2x40x125xi32, #tpu.memory_space<hbm>>
      %dma_wait3A_76 = arith.constant 0 : i32
      %dma_wait3A_77 = arith.constant 0 : i32
      %dma_wait3A_78 = tpu.memref_slice %dma_wait3A_75[%run_scoped3A, %dma_wait3A_76, %dma_wait3A_77] : memref<2x40x125xi32, #tpu.memory_space<hbm>> -> memref<1x40x125xi32, #tpu.memory_space<hbm>>
      %dma_wait3A_79 = tpu.memref_squeeze %dma_wait3A_78 : memref<1x40x125xi32, #tpu.memory_space<hbm>> -> memref<40x125xi32, #tpu.memory_space<hbm>>
      tpu.wait_dma2 semaphore(%run_scoped3A_44 : memref<!tpu.dma_semaphore, #tpu.memory_space<semaphore_mem>>) src(%dma_wait3A_79 : memref<40x125xi32, #tpu.memory_space<hbm>>) dst(%arg8 : memref<40x125xi32, #tpu.memory_space<vmem>>)
      tpu.yield
    }) : () -> ()
    %run_scoped3A_7 = arith.constant 0 : i32
    "tpu.region"() ({
      %run_scoped3A_44 = tpu.sem_alloc : memref<!tpu.dma_semaphore, #tpu.memory_space<semaphore_mem>>
      %dma_start3A_45 = arith.constant 0 : i32
      %dma_start3A_46 = arith.constant 0 : i32
      %dma_start3A_47 = arith.constant 0 : i32
      %dma_start3A_48 = tpu.memref_slice %arg3[%add3A, %dma_start3A_45, %dma_start3A_46, %dma_start3A_47] : memref<32x2x40x125xi32, #tpu.memory_space<hbm>> -> memref<1x2x40x125xi32, #tpu.memory_space<hbm>>
      %dma_start3A_49 = tpu.memref_squeeze %dma_start3A_48 : memref<1x2x40x125xi32, #tpu.memory_space<hbm>> -> memref<2x40x125xi32, #tpu.memory_space<hbm>>
      %dma_start3A_50 = arith.constant 0 : i32
      %dma_start3A_51 = arith.constant 0 : i32
      %dma_start3A_52 = tpu.memref_slice %dma_start3A_49[%run_scoped3A_7, %dma_start3A_50, %dma_start3A_51] : memref<2x40x125xi32, #tpu.memory_space<hbm>> -> memref<1x40x125xi32, #tpu.memory_space<hbm>>
      %dma_start3A_53 = tpu.memref_squeeze %dma_start3A_52 : memref<1x40x125xi32, #tpu.memory_space<hbm>> -> memref<40x125xi32, #tpu.memory_space<hbm>>
      %dma_start3A_54 = arith.constant 0 : i32
      %dma_start3A_55 = arith.constant 0 : i32
      %dma_start3A_56 = arith.constant 0 : i32
      %dma_start3A_57 = tpu.memref_slice %arg3[%add3A, %dma_start3A_54, %dma_start3A_55, %dma_start3A_56] : memref<32x2x40x125xi32, #tpu.memory_space<hbm>> -> memref<1x2x40x125xi32, #tpu.memory_space<hbm>>
      %dma_start3A_58 = tpu.memref_squeeze %dma_start3A_57 : memref<1x2x40x125xi32, #tpu.memory_space<hbm>> -> memref<2x40x125xi32, #tpu.memory_space<hbm>>
      %dma_start3A_59 = arith.constant 0 : i32
      %dma_start3A_60 = arith.constant 0 : i32
      %dma_start3A_61 = tpu.memref_slice %dma_start3A_58[%run_scoped3A_7, %dma_start3A_59, %dma_start3A_60] : memref<2x40x125xi32, #tpu.memory_space<hbm>> -> memref<1x40x125xi32, #tpu.memory_space<hbm>>
      %dma_start3A_62 = tpu.memref_squeeze %dma_start3A_61 : memref<1x40x125xi32, #tpu.memory_space<hbm>> -> memref<40x125xi32, #tpu.memory_space<hbm>>
      tpu.enqueue_dma source(%dma_start3A_62 : memref<40x125xi32, #tpu.memory_space<hbm>>) target(%arg9 : memref<40x125xi32, #tpu.memory_space<vmem>>) target_semaphore(%run_scoped3A_44 : memref<!tpu.dma_semaphore, #tpu.memory_space<semaphore_mem>>)
      %dma_wait3A = arith.constant 0 : i32
      %dma_wait3A_63 = arith.constant 0 : i32
      %dma_wait3A_64 = arith.constant 0 : i32
      %dma_wait3A_65 = tpu.memref_slice %arg3[%add3A, %dma_wait3A, %dma_wait3A_63, %dma_wait3A_64] : memref<32x2x40x125xi32, #tpu.memory_space<hbm>> -> memref<1x2x40x125xi32, #tpu.memory_space<hbm>>
      %dma_wait3A_66 = tpu.memref_squeeze %dma_wait3A_65 : memref<1x2x40x125xi32, #tpu.memory_space<hbm>> -> memref<2x40x125xi32, #tpu.memory_space<hbm>>
      %dma_wait3A_67 = arith.constant 0 : i32
      %dma_wait3A_68 = arith.constant 0 : i32
      %dma_wait3A_69 = tpu.memref_slice %dma_wait3A_66[%run_scoped3A_7, %dma_wait3A_67, %dma_wait3A_68] : memref<2x40x125xi32, #tpu.memory_space<hbm>> -> memref<1x40x125xi32, #tpu.memory_space<hbm>>
      %dma_wait3A_70 = tpu.memref_squeeze %dma_wait3A_69 : memref<1x40x125xi32, #tpu.memory_space<hbm>> -> memref<40x125xi32, #tpu.memory_space<hbm>>
      %dma_wait3A_71 = arith.constant 0 : i32
      %dma_wait3A_72 = arith.constant 0 : i32
      %dma_wait3A_73 = arith.constant 0 : i32
      %dma_wait3A_74 = tpu.memref_slice %arg3[%add3A, %dma_wait3A_71, %dma_wait3A_72, %dma_wait3A_73] : memref<32x2x40x125xi32, #tpu.memory_space<hbm>> -> memref<1x2x40x125xi32, #tpu.memory_space<hbm>>
      %dma_wait3A_75 = tpu.memref_squeeze %dma_wait3A_74 : memref<1x2x40x125xi32, #tpu.memory_space<hbm>> -> memref<2x40x125xi32, #tpu.memory_space<hbm>>
      %dma_wait3A_76 = arith.constant 0 : i32
      %dma_wait3A_77 = arith.constant 0 : i32
      %dma_wait3A_78 = tpu.memref_slice %dma_wait3A_75[%run_scoped3A_7, %dma_wait3A_76, %dma_wait3A_77] : memref<2x40x125xi32, #tpu.memory_space<hbm>> -> memref<1x40x125xi32, #tpu.memory_space<hbm>>
      %dma_wait3A_79 = tpu.memref_squeeze %dma_wait3A_78 : memref<1x40x125xi32, #tpu.memory_space<hbm>> -> memref<40x125xi32, #tpu.memory_space<hbm>>
      tpu.wait_dma2 semaphore(%run_scoped3A_44 : memref<!tpu.dma_semaphore, #tpu.memory_space<semaphore_mem>>) src(%dma_wait3A_79 : memref<40x125xi32, #tpu.memory_space<hbm>>) dst(%arg9 : memref<40x125xi32, #tpu.memory_space<vmem>>)
      tpu.yield
    }) : () -> ()
    %dma_start3A = arith.constant 0 : i32
    %dma_start3A_8 = arith.constant 0 : i32
    %dma_start3A_9 = tpu.memref_slice %arg8[%dma_start3A, %dma_start3A_8] : memref<40x125xi32, #tpu.memory_space<vmem>> -> memref<1x125xi32, #tpu.memory_space<vmem>>
    %dma_start3A_10 = tpu.memref_squeeze %dma_start3A_9 : memref<1x125xi32, #tpu.memory_space<vmem>> -> memref<125xi32, #tpu.memory_space<vmem>>
    %dma_start3A_11 = arith.constant 0 : i32
    %dma_start3A_12 = arith.constant 0 : i32
    %dma_start3A_13 = tpu.memref_slice %arg4[%dma_start3A_11, %dma_start3A_12] : memref<10000x128xf32, #tpu.memory_space<hbm>> -> memref<10000x128xf32, #tpu.memory_space<hbm>>
    tpu.enqueue_indirect_dma source(%dma_start3A_13 : memref<10000x128xf32, #tpu.memory_space<hbm>>) target(%arg10 : memref<125x128xf32, #tpu.memory_space<vmem>>) offsets(%dma_start3A_10 : memref<125xi32, #tpu.memory_space<vmem>>) semaphore(%arg12 : memref<!tpu.dma_semaphore, #tpu.memory_space<semaphore_mem>>)
    %scan3A = arith.constant 0 : i32
    %scan3A_14 = arith.constant 0 : i32
    %scan3A_15 = arith.constant 20 : i32
    %scan3A_16 = arith.addi %scan3A_14, %scan3A_15 : i32
    %scan3A_17 = arith.constant 1 : i32
    scf.for %scan3A_44 = %scan3A_14 to %scan3A_16 step %scan3A_17  : i32 {
      %mul3A_45 = arith.constant 2 : i32
      %mul3A_46 = arith.muli %mul3A_45, %scan3A_44 : i32
      %dma_wait3A = arith.constant 0 : i32
      %dma_wait3A_47 = tpu.memref_slice %arg8[%mul3A_46, %dma_wait3A] : memref<40x125xi32, #tpu.memory_space<vmem>> -> memref<1x125xi32, #tpu.memory_space<vmem>>
      %dma_wait3A_48 = tpu.memref_squeeze %dma_wait3A_47 : memref<1x125xi32, #tpu.memory_space<vmem>> -> memref<125xi32, #tpu.memory_space<vmem>>
      %dma_wait3A_49 = arith.constant 0 : i32
      %dma_wait3A_50 = arith.constant 0 : i32
      %dma_wait3A_51 = tpu.memref_slice %arg4[%dma_wait3A_49, %dma_wait3A_50] : memref<10000x128xf32, #tpu.memory_space<hbm>> -> memref<10000x128xf32, #tpu.memory_space<hbm>>
      tpu.wait_indirect_dma semaphore(%arg12 : memref<!tpu.dma_semaphore, #tpu.memory_space<semaphore_mem>>) src(%dma_wait3A_51 : memref<10000x128xf32, #tpu.memory_space<hbm>>) dst(%arg10 : memref<125x128xf32, #tpu.memory_space<vmem>>)
      %add3A_52 = arith.constant 1 : i32
      %add3A_53 = arith.addi %mul3A_46, %add3A_52 : i32
      %dma_start3A_54 = arith.constant 0 : i32
      %dma_start3A_55 = tpu.memref_slice %arg8[%add3A_53, %dma_start3A_54] : memref<40x125xi32, #tpu.memory_space<vmem>> -> memref<1x125xi32, #tpu.memory_space<vmem>>
      %dma_start3A_56 = tpu.memref_squeeze %dma_start3A_55 : memref<1x125xi32, #tpu.memory_space<vmem>> -> memref<125xi32, #tpu.memory_space<vmem>>
      %dma_start3A_57 = arith.constant 0 : i32
      %dma_start3A_58 = arith.constant 0 : i32
      %dma_start3A_59 = tpu.memref_slice %arg4[%dma_start3A_57, %dma_start3A_58] : memref<10000x128xf32, #tpu.memory_space<hbm>> -> memref<10000x128xf32, #tpu.memory_space<hbm>>
      tpu.enqueue_indirect_dma source(%dma_start3A_59 : memref<10000x128xf32, #tpu.memory_space<hbm>>) target(%arg11 : memref<125x128xf32, #tpu.memory_space<vmem>>) offsets(%dma_start3A_56 : memref<125xi32, #tpu.memory_space<vmem>>) semaphore(%arg13 : memref<!tpu.dma_semaphore, #tpu.memory_space<semaphore_mem>>)
      "tpu.region"() ({
        %run_scoped3A_74 = tpu.sem_alloc : memref<!tpu.dma_semaphore, #tpu.memory_space<semaphore_mem>>
        %dma_start3A_75 = arith.constant 0 : i32
        %dma_start3A_76 = tpu.memref_slice %arg9[%mul3A_46, %dma_start3A_75] : memref<40x125xi32, #tpu.memory_space<vmem>> -> memref<1x125xi32, #tpu.memory_space<vmem>>
        %dma_start3A_77 = tpu.memref_squeeze %dma_start3A_76 : memref<1x125xi32, #tpu.memory_space<vmem>> -> memref<125xi32, #tpu.memory_space<vmem>>
        %dma_start3A_78 = arith.constant 0 : i32
        %dma_start3A_79 = arith.constant 0 : i32
        %dma_start3A_80 = tpu.memref_slice %arg7[%dma_start3A_78, %dma_start3A_79] : memref<10000x128xf32, #tpu.memory_space<vmem_shared>> -> memref<10000x128xf32, #tpu.memory_space<vmem_shared>>
        tpu.enqueue_indirect_dma source(%arg10 : memref<125x128xf32, #tpu.memory_space<vmem>>) target(%dma_start3A_80 : memref<10000x128xf32, #tpu.memory_space<vmem_shared>>) offsets(%dma_start3A_77 : memref<125xi32, #tpu.memory_space<vmem>>) semaphore(%run_scoped3A_74 : memref<!tpu.dma_semaphore, #tpu.memory_space<semaphore_mem>>) {add = true}
        %dma_wait3A_81 = arith.constant 0 : i32
        %dma_wait3A_82 = tpu.memref_slice %arg9[%mul3A_46, %dma_wait3A_81] : memref<40x125xi32, #tpu.memory_space<vmem>> -> memref<1x125xi32, #tpu.memory_space<vmem>>
        %dma_wait3A_83 = tpu.memref_squeeze %dma_wait3A_82 : memref<1x125xi32, #tpu.memory_space<vmem>> -> memref<125xi32, #tpu.memory_space<vmem>>
        %dma_wait3A_84 = arith.constant 0 : i32
        %dma_wait3A_85 = arith.constant 0 : i32
        %dma_wait3A_86 = tpu.memref_slice %arg7[%dma_wait3A_84, %dma_wait3A_85] : memref<10000x128xf32, #tpu.memory_space<vmem_shared>> -> memref<10000x128xf32, #tpu.memory_space<vmem_shared>>
        tpu.wait_indirect_dma semaphore(%run_scoped3A_74 : memref<!tpu.dma_semaphore, #tpu.memory_space<semaphore_mem>>) src(%arg10 : memref<125x128xf32, #tpu.memory_space<vmem>>) dst(%dma_wait3A_86 : memref<10000x128xf32, #tpu.memory_space<vmem_shared>>)
        tpu.yield
      }) : () -> ()
      %add3A_60 = arith.constant 1 : i32
      %add3A_61 = arith.addi %mul3A_46, %add3A_60 : i32
      %dma_wait3A_62 = arith.constant 0 : i32
      %dma_wait3A_63 = tpu.memref_slice %arg8[%add3A_61, %dma_wait3A_62] : memref<40x125xi32, #tpu.memory_space<vmem>> -> memref<1x125xi32, #tpu.memory_space<vmem>>
      %dma_wait3A_64 = tpu.memref_squeeze %dma_wait3A_63 : memref<1x125xi32, #tpu.memory_space<vmem>> -> memref<125xi32, #tpu.memory_space<vmem>>
      %dma_wait3A_65 = arith.constant 0 : i32
      %dma_wait3A_66 = arith.constant 0 : i32
      %dma_wait3A_67 = tpu.memref_slice %arg4[%dma_wait3A_65, %dma_wait3A_66] : memref<10000x128xf32, #tpu.memory_space<hbm>> -> memref<10000x128xf32, #tpu.memory_space<hbm>>
      tpu.wait_indirect_dma semaphore(%arg13 : memref<!tpu.dma_semaphore, #tpu.memory_space<semaphore_mem>>) src(%dma_wait3A_67 : memref<10000x128xf32, #tpu.memory_space<hbm>>) dst(%arg11 : memref<125x128xf32, #tpu.memory_space<vmem>>)
      %lt3A = arith.constant 19 : i32
      %lt3A_68 = arith.cmpi slt, %scan3A_44, %lt3A : i32
      %convert_element_type3A_69 = arith.extui %lt3A_68 : i1 to i32
      %cond3A_70 = arith.constant 0 : i32
      %cond3A_71 = arith.cmpi ne, %convert_element_type3A_69, %cond3A_70 : i32
      scf.if %cond3A_71 {
        %add3A_74 = arith.constant 2 : i32
        %add3A_75 = arith.addi %mul3A_46, %add3A_74 : i32
        %dma_start3A_76 = arith.constant 0 : i32
        %dma_start3A_77 = tpu.memref_slice %arg8[%add3A_75, %dma_start3A_76] : memref<40x125xi32, #tpu.memory_space<vmem>> -> memref<1x125xi32, #tpu.memory_space<vmem>>
        %dma_start3A_78 = tpu.memref_squeeze %dma_start3A_77 : memref<1x125xi32, #tpu.memory_space<vmem>> -> memref<125xi32, #tpu.memory_space<vmem>>
        %dma_start3A_79 = arith.constant 0 : i32
        %dma_start3A_80 = arith.constant 0 : i32
        %dma_start3A_81 = tpu.memref_slice %arg4[%dma_start3A_79, %dma_start3A_80] : memref<10000x128xf32, #tpu.memory_space<hbm>> -> memref<10000x128xf32, #tpu.memory_space<hbm>>
        tpu.enqueue_indirect_dma source(%dma_start3A_81 : memref<10000x128xf32, #tpu.memory_space<hbm>>) target(%arg10 : memref<125x128xf32, #tpu.memory_space<vmem>>) offsets(%dma_start3A_78 : memref<125xi32, #tpu.memory_space<vmem>>) semaphore(%arg12 : memref<!tpu.dma_semaphore, #tpu.memory_space<semaphore_mem>>)
      } else {
      }
      %add3A_72 = arith.constant 1 : i32
      %add3A_73 = arith.addi %mul3A_46, %add3A_72 : i32
      "tpu.region"() ({
        %run_scoped3A_74 = tpu.sem_alloc : memref<!tpu.dma_semaphore, #tpu.memory_space<semaphore_mem>>
        %dma_start3A_75 = arith.constant 0 : i32
        %dma_start3A_76 = tpu.memref_slice %arg9[%add3A_73, %dma_start3A_75] : memref<40x125xi32, #tpu.memory_space<vmem>> -> memref<1x125xi32, #tpu.memory_space<vmem>>
        %dma_start3A_77 = tpu.memref_squeeze %dma_start3A_76 : memref<1x125xi32, #tpu.memory_space<vmem>> -> memref<125xi32, #tpu.memory_space<vmem>>
        %dma_start3A_78 = arith.constant 0 : i32
        %dma_start3A_79 = arith.constant 0 : i32
        %dma_start3A_80 = tpu.memref_slice %arg7[%dma_start3A_78, %dma_start3A_79] : memref<10000x128xf32, #tpu.memory_space<vmem_shared>> -> memref<10000x128xf32, #tpu.memory_space<vmem_shared>>
        tpu.enqueue_indirect_dma source(%arg11 : memref<125x128xf32, #tpu.memory_space<vmem>>) target(%dma_start3A_80 : memref<10000x128xf32, #tpu.memory_space<vmem_shared>>) offsets(%dma_start3A_77 : memref<125xi32, #tpu.memory_space<vmem>>) semaphore(%run_scoped3A_74 : memref<!tpu.dma_semaphore, #tpu.memory_space<semaphore_mem>>) {add = true}
        %dma_wait3A_81 = arith.constant 0 : i32
        %dma_wait3A_82 = tpu.memref_slice %arg9[%add3A_73, %dma_wait3A_81] : memref<40x125xi32, #tpu.memory_space<vmem>> -> memref<1x125xi32, #tpu.memory_space<vmem>>
        %dma_wait3A_83 = tpu.memref_squeeze %dma_wait3A_82 : memref<1x125xi32, #tpu.memory_space<vmem>> -> memref<125xi32, #tpu.memory_space<vmem>>
        %dma_wait3A_84 = arith.constant 0 : i32
        %dma_wait3A_85 = arith.constant 0 : i32
        %dma_wait3A_86 = tpu.memref_slice %arg7[%dma_wait3A_84, %dma_wait3A_85] : memref<10000x128xf32, #tpu.memory_space<vmem_shared>> -> memref<10000x128xf32, #tpu.memory_space<vmem_shared>>
        tpu.wait_indirect_dma semaphore(%run_scoped3A_74 : memref<!tpu.dma_semaphore, #tpu.memory_space<semaphore_mem>>) src(%arg11 : memref<125x128xf32, #tpu.memory_space<vmem>>) dst(%dma_wait3A_86 : memref<10000x128xf32, #tpu.memory_space<vmem_shared>>)
        tpu.yield
      }) : () -> ()
    }
    %scan3A_18 = arith.constant 20 : i32
    %run_scoped3A_19 = arith.constant 1 : i32
    "tpu.region"() ({
      %run_scoped3A_44 = tpu.sem_alloc : memref<!tpu.dma_semaphore, #tpu.memory_space<semaphore_mem>>
      %dma_start3A_45 = arith.constant 0 : i32
      %dma_start3A_46 = arith.constant 0 : i32
      %dma_start3A_47 = arith.constant 0 : i32
      %dma_start3A_48 = tpu.memref_slice %arg2[%add3A, %dma_start3A_45, %dma_start3A_46, %dma_start3A_47] : memref<32x2x40x125xi32, #tpu.memory_space<hbm>> -> memref<1x2x40x125xi32, #tpu.memory_space<hbm>>
      %dma_start3A_49 = tpu.memref_squeeze %dma_start3A_48 : memref<1x2x40x125xi32, #tpu.memory_space<hbm>> -> memref<2x40x125xi32, #tpu.memory_space<hbm>>
      %dma_start3A_50 = arith.constant 0 : i32
      %dma_start3A_51 = arith.constant 0 : i32
      %dma_start3A_52 = tpu.memref_slice %dma_start3A_49[%run_scoped3A_19, %dma_start3A_50, %dma_start3A_51] : memref<2x40x125xi32, #tpu.memory_space<hbm>> -> memref<1x40x125xi32, #tpu.memory_space<hbm>>
      %dma_start3A_53 = tpu.memref_squeeze %dma_start3A_52 : memref<1x40x125xi32, #tpu.memory_space<hbm>> -> memref<40x125xi32, #tpu.memory_space<hbm>>
      %dma_start3A_54 = arith.constant 0 : i32
      %dma_start3A_55 = arith.constant 0 : i32
      %dma_start3A_56 = arith.constant 0 : i32
      %dma_start3A_57 = tpu.memref_slice %arg2[%add3A, %dma_start3A_54, %dma_start3A_55, %dma_start3A_56] : memref<32x2x40x125xi32, #tpu.memory_space<hbm>> -> memref<1x2x40x125xi32, #tpu.memory_space<hbm>>
      %dma_start3A_58 = tpu.memref_squeeze %dma_start3A_57 : memref<1x2x40x125xi32, #tpu.memory_space<hbm>> -> memref<2x40x125xi32, #tpu.memory_space<hbm>>
      %dma_start3A_59 = arith.constant 0 : i32
      %dma_start3A_60 = arith.constant 0 : i32
      %dma_start3A_61 = tpu.memref_slice %dma_start3A_58[%run_scoped3A_19, %dma_start3A_59, %dma_start3A_60] : memref<2x40x125xi32, #tpu.memory_space<hbm>> -> memref<1x40x125xi32, #tpu.memory_space<hbm>>
      %dma_start3A_62 = tpu.memref_squeeze %dma_start3A_61 : memref<1x40x125xi32, #tpu.memory_space<hbm>> -> memref<40x125xi32, #tpu.memory_space<hbm>>
      tpu.enqueue_dma source(%dma_start3A_62 : memref<40x125xi32, #tpu.memory_space<hbm>>) target(%arg8 : memref<40x125xi32, #tpu.memory_space<vmem>>) target_semaphore(%run_scoped3A_44 : memref<!tpu.dma_semaphore, #tpu.memory_space<semaphore_mem>>)
      %dma_wait3A = arith.constant 0 : i32
      %dma_wait3A_63 = arith.constant 0 : i32
      %dma_wait3A_64 = arith.constant 0 : i32
      %dma_wait3A_65 = tpu.memref_slice %arg2[%add3A, %dma_wait3A, %dma_wait3A_63, %dma_wait3A_64] : memref<32x2x40x125xi32, #tpu.memory_space<hbm>> -> memref<1x2x40x125xi32, #tpu.memory_space<hbm>>
      %dma_wait3A_66 = tpu.memref_squeeze %dma_wait3A_65 : memref<1x2x40x125xi32, #tpu.memory_space<hbm>> -> memref<2x40x125xi32, #tpu.memory_space<hbm>>
      %dma_wait3A_67 = arith.constant 0 : i32
      %dma_wait3A_68 = arith.constant 0 : i32
      %dma_wait3A_69 = tpu.memref_slice %dma_wait3A_66[%run_scoped3A_19, %dma_wait3A_67, %dma_wait3A_68] : memref<2x40x125xi32, #tpu.memory_space<hbm>> -> memref<1x40x125xi32, #tpu.memory_space<hbm>>
      %dma_wait3A_70 = tpu.memref_squeeze %dma_wait3A_69 : memref<1x40x125xi32, #tpu.memory_space<hbm>> -> memref<40x125xi32, #tpu.memory_space<hbm>>
      %dma_wait3A_71 = arith.constant 0 : i32
      %dma_wait3A_72 = arith.constant 0 : i32
      %dma_wait3A_73 = arith.constant 0 : i32
      %dma_wait3A_74 = tpu.memref_slice %arg2[%add3A, %dma_wait3A_71, %dma_wait3A_72, %dma_wait3A_73] : memref<32x2x40x125xi32, #tpu.memory_space<hbm>> -> memref<1x2x40x125xi32, #tpu.memory_space<hbm>>
      %dma_wait3A_75 = tpu.memref_squeeze %dma_wait3A_74 : memref<1x2x40x125xi32, #tpu.memory_space<hbm>> -> memref<2x40x125xi32, #tpu.memory_space<hbm>>
      %dma_wait3A_76 = arith.constant 0 : i32
      %dma_wait3A_77 = arith.constant 0 : i32
      %dma_wait3A_78 = tpu.memref_slice %dma_wait3A_75[%run_scoped3A_19, %dma_wait3A_76, %dma_wait3A_77] : memref<2x40x125xi32, #tpu.memory_space<hbm>> -> memref<1x40x125xi32, #tpu.memory_space<hbm>>
      %dma_wait3A_79 = tpu.memref_squeeze %dma_wait3A_78 : memref<1x40x125xi32, #tpu.memory_space<hbm>> -> memref<40x125xi32, #tpu.memory_space<hbm>>
      tpu.wait_dma2 semaphore(%run_scoped3A_44 : memref<!tpu.dma_semaphore, #tpu.memory_space<semaphore_mem>>) src(%dma_wait3A_79 : memref<40x125xi32, #tpu.memory_space<hbm>>) dst(%arg8 : memref<40x125xi32, #tpu.memory_space<vmem>>)
      tpu.yield
    }) : () -> ()
    %run_scoped3A_20 = arith.constant 1 : i32
    "tpu.region"() ({
      %run_scoped3A_44 = tpu.sem_alloc : memref<!tpu.dma_semaphore, #tpu.memory_space<semaphore_mem>>
      %dma_start3A_45 = arith.constant 0 : i32
      %dma_start3A_46 = arith.constant 0 : i32
      %dma_start3A_47 = arith.constant 0 : i32
      %dma_start3A_48 = tpu.memref_slice %arg3[%add3A, %dma_start3A_45, %dma_start3A_46, %dma_start3A_47] : memref<32x2x40x125xi32, #tpu.memory_space<hbm>> -> memref<1x2x40x125xi32, #tpu.memory_space<hbm>>
      %dma_start3A_49 = tpu.memref_squeeze %dma_start3A_48 : memref<1x2x40x125xi32, #tpu.memory_space<hbm>> -> memref<2x40x125xi32, #tpu.memory_space<hbm>>
      %dma_start3A_50 = arith.constant 0 : i32
      %dma_start3A_51 = arith.constant 0 : i32
      %dma_start3A_52 = tpu.memref_slice %dma_start3A_49[%run_scoped3A_20, %dma_start3A_50, %dma_start3A_51] : memref<2x40x125xi32, #tpu.memory_space<hbm>> -> memref<1x40x125xi32, #tpu.memory_space<hbm>>
      %dma_start3A_53 = tpu.memref_squeeze %dma_start3A_52 : memref<1x40x125xi32, #tpu.memory_space<hbm>> -> memref<40x125xi32, #tpu.memory_space<hbm>>
      %dma_start3A_54 = arith.constant 0 : i32
      %dma_start3A_55 = arith.constant 0 : i32
      %dma_start3A_56 = arith.constant 0 : i32
      %dma_start3A_57 = tpu.memref_slice %arg3[%add3A, %dma_start3A_54, %dma_start3A_55, %dma_start3A_56] : memref<32x2x40x125xi32, #tpu.memory_space<hbm>> -> memref<1x2x40x125xi32, #tpu.memory_space<hbm>>
      %dma_start3A_58 = tpu.memref_squeeze %dma_start3A_57 : memref<1x2x40x125xi32, #tpu.memory_space<hbm>> -> memref<2x40x125xi32, #tpu.memory_space<hbm>>
      %dma_start3A_59 = arith.constant 0 : i32
      %dma_start3A_60 = arith.constant 0 : i32
      %dma_start3A_61 = tpu.memref_slice %dma_start3A_58[%run_scoped3A_20, %dma_start3A_59, %dma_start3A_60] : memref<2x40x125xi32, #tpu.memory_space<hbm>> -> memref<1x40x125xi32, #tpu.memory_space<hbm>>
      %dma_start3A_62 = tpu.memref_squeeze %dma_start3A_61 : memref<1x40x125xi32, #tpu.memory_space<hbm>> -> memref<40x125xi32, #tpu.memory_space<hbm>>
      tpu.enqueue_dma source(%dma_start3A_62 : memref<40x125xi32, #tpu.memory_space<hbm>>) target(%arg9 : memref<40x125xi32, #tpu.memory_space<vmem>>) target_semaphore(%run_scoped3A_44 : memref<!tpu.dma_semaphore, #tpu.memory_space<semaphore_mem>>)
      %dma_wait3A = arith.constant 0 : i32
      %dma_wait3A_63 = arith.constant 0 : i32
      %dma_wait3A_64 = arith.constant 0 : i32
      %dma_wait3A_65 = tpu.memref_slice %arg3[%add3A, %dma_wait3A, %dma_wait3A_63, %dma_wait3A_64] : memref<32x2x40x125xi32, #tpu.memory_space<hbm>> -> memref<1x2x40x125xi32, #tpu.memory_space<hbm>>
      %dma_wait3A_66 = tpu.memref_squeeze %dma_wait3A_65 : memref<1x2x40x125xi32, #tpu.memory_space<hbm>> -> memref<2x40x125xi32, #tpu.memory_space<hbm>>
      %dma_wait3A_67 = arith.constant 0 : i32
      %dma_wait3A_68 = arith.constant 0 : i32
      %dma_wait3A_69 = tpu.memref_slice %dma_wait3A_66[%run_scoped3A_20, %dma_wait3A_67, %dma_wait3A_68] : memref<2x40x125xi32, #tpu.memory_space<hbm>> -> memref<1x40x125xi32, #tpu.memory_space<hbm>>
      %dma_wait3A_70 = tpu.memref_squeeze %dma_wait3A_69 : memref<1x40x125xi32, #tpu.memory_space<hbm>> -> memref<40x125xi32, #tpu.memory_space<hbm>>
      %dma_wait3A_71 = arith.constant 0 : i32
      %dma_wait3A_72 = arith.constant 0 : i32
      %dma_wait3A_73 = arith.constant 0 : i32
      %dma_wait3A_74 = tpu.memref_slice %arg3[%add3A, %dma_wait3A_71, %dma_wait3A_72, %dma_wait3A_73] : memref<32x2x40x125xi32, #tpu.memory_space<hbm>> -> memref<1x2x40x125xi32, #tpu.memory_space<hbm>>
      %dma_wait3A_75 = tpu.memref_squeeze %dma_wait3A_74 : memref<1x2x40x125xi32, #tpu.memory_space<hbm>> -> memref<2x40x125xi32, #tpu.memory_space<hbm>>
      %dma_wait3A_76 = arith.constant 0 : i32
      %dma_wait3A_77 = arith.constant 0 : i32
      %dma_wait3A_78 = tpu.memref_slice %dma_wait3A_75[%run_scoped3A_20, %dma_wait3A_76, %dma_wait3A_77] : memref<2x40x125xi32, #tpu.memory_space<hbm>> -> memref<1x40x125xi32, #tpu.memory_space<hbm>>
      %dma_wait3A_79 = tpu.memref_squeeze %dma_wait3A_78 : memref<1x40x125xi32, #tpu.memory_space<hbm>> -> memref<40x125xi32, #tpu.memory_space<hbm>>
      tpu.wait_dma2 semaphore(%run_scoped3A_44 : memref<!tpu.dma_semaphore, #tpu.memory_space<semaphore_mem>>) src(%dma_wait3A_79 : memref<40x125xi32, #tpu.memory_space<hbm>>) dst(%arg9 : memref<40x125xi32, #tpu.memory_space<vmem>>)
      tpu.yield
    }) : () -> ()
    %dma_start3A_21 = arith.constant 0 : i32
    %dma_start3A_22 = arith.constant 0 : i32
    %dma_start3A_23 = tpu.memref_slice %arg8[%dma_start3A_21, %dma_start3A_22] : memref<40x125xi32, #tpu.memory_space<vmem>> -> memref<1x125xi32, #tpu.memory_space<vmem>>
    %dma_start3A_24 = tpu.memref_squeeze %dma_start3A_23 : memref<1x125xi32, #tpu.memory_space<vmem>> -> memref<125xi32, #tpu.memory_space<vmem>>
    %dma_start3A_25 = arith.constant 0 : i32
    %dma_start3A_26 = arith.constant 0 : i32
    %dma_start3A_27 = tpu.memref_slice %arg4[%dma_start3A_25, %dma_start3A_26] : memref<10000x128xf32, #tpu.memory_space<hbm>> -> memref<10000x128xf32, #tpu.memory_space<hbm>>
    tpu.enqueue_indirect_dma source(%dma_start3A_27 : memref<10000x128xf32, #tpu.memory_space<hbm>>) target(%arg10 : memref<125x128xf32, #tpu.memory_space<vmem>>) offsets(%dma_start3A_24 : memref<125xi32, #tpu.memory_space<vmem>>) semaphore(%arg12 : memref<!tpu.dma_semaphore, #tpu.memory_space<semaphore_mem>>)
    %scan3A_28 = arith.constant 0 : i32
    %scan3A_29 = arith.constant 0 : i32
    %scan3A_30 = arith.constant 20 : i32
    %scan3A_31 = arith.addi %scan3A_29, %scan3A_30 : i32
    %scan3A_32 = arith.constant 1 : i32
    scf.for %scan3A_44 = %scan3A_29 to %scan3A_31 step %scan3A_32  : i32 {
      %mul3A_45 = arith.constant 2 : i32
      %mul3A_46 = arith.muli %mul3A_45, %scan3A_44 : i32
      %dma_wait3A = arith.constant 0 : i32
      %dma_wait3A_47 = tpu.memref_slice %arg8[%mul3A_46, %dma_wait3A] : memref<40x125xi32, #tpu.memory_space<vmem>> -> memref<1x125xi32, #tpu.memory_space<vmem>>
      %dma_wait3A_48 = tpu.memref_squeeze %dma_wait3A_47 : memref<1x125xi32, #tpu.memory_space<vmem>> -> memref<125xi32, #tpu.memory_space<vmem>>
      %dma_wait3A_49 = arith.constant 0 : i32
      %dma_wait3A_50 = arith.constant 0 : i32
      %dma_wait3A_51 = tpu.memref_slice %arg4[%dma_wait3A_49, %dma_wait3A_50] : memref<10000x128xf32, #tpu.memory_space<hbm>> -> memref<10000x128xf32, #tpu.memory_space<hbm>>
      tpu.wait_indirect_dma semaphore(%arg12 : memref<!tpu.dma_semaphore, #tpu.memory_space<semaphore_mem>>) src(%dma_wait3A_51 : memref<10000x128xf32, #tpu.memory_space<hbm>>) dst(%arg10 : memref<125x128xf32, #tpu.memory_space<vmem>>)
      %add3A_52 = arith.constant 1 : i32
      %add3A_53 = arith.addi %mul3A_46, %add3A_52 : i32
      %dma_start3A_54 = arith.constant 0 : i32
      %dma_start3A_55 = tpu.memref_slice %arg8[%add3A_53, %dma_start3A_54] : memref<40x125xi32, #tpu.memory_space<vmem>> -> memref<1x125xi32, #tpu.memory_space<vmem>>
      %dma_start3A_56 = tpu.memref_squeeze %dma_start3A_55 : memref<1x125xi32, #tpu.memory_space<vmem>> -> memref<125xi32, #tpu.memory_space<vmem>>
      %dma_start3A_57 = arith.constant 0 : i32
      %dma_start3A_58 = arith.constant 0 : i32
      %dma_start3A_59 = tpu.memref_slice %arg4[%dma_start3A_57, %dma_start3A_58] : memref<10000x128xf32, #tpu.memory_space<hbm>> -> memref<10000x128xf32, #tpu.memory_space<hbm>>
      tpu.enqueue_indirect_dma source(%dma_start3A_59 : memref<10000x128xf32, #tpu.memory_space<hbm>>) target(%arg11 : memref<125x128xf32, #tpu.memory_space<vmem>>) offsets(%dma_start3A_56 : memref<125xi32, #tpu.memory_space<vmem>>) semaphore(%arg13 : memref<!tpu.dma_semaphore, #tpu.memory_space<semaphore_mem>>)
      "tpu.region"() ({
        %run_scoped3A_74 = tpu.sem_alloc : memref<!tpu.dma_semaphore, #tpu.memory_space<semaphore_mem>>
        %dma_start3A_75 = arith.constant 0 : i32
        %dma_start3A_76 = tpu.memref_slice %arg9[%mul3A_46, %dma_start3A_75] : memref<40x125xi32, #tpu.memory_space<vmem>> -> memref<1x125xi32, #tpu.memory_space<vmem>>
        %dma_start3A_77 = tpu.memref_squeeze %dma_start3A_76 : memref<1x125xi32, #tpu.memory_space<vmem>> -> memref<125xi32, #tpu.memory_space<vmem>>
        %dma_start3A_78 = arith.constant 0 : i32
        %dma_start3A_79 = arith.constant 0 : i32
        %dma_start3A_80 = tpu.memref_slice %arg7[%dma_start3A_78, %dma_start3A_79] : memref<10000x128xf32, #tpu.memory_space<vmem_shared>> -> memref<10000x128xf32, #tpu.memory_space<vmem_shared>>
        tpu.enqueue_indirect_dma source(%arg10 : memref<125x128xf32, #tpu.memory_space<vmem>>) target(%dma_start3A_80 : memref<10000x128xf32, #tpu.memory_space<vmem_shared>>) offsets(%dma_start3A_77 : memref<125xi32, #tpu.memory_space<vmem>>) semaphore(%run_scoped3A_74 : memref<!tpu.dma_semaphore, #tpu.memory_space<semaphore_mem>>) {add = true}
        %dma_wait3A_81 = arith.constant 0 : i32
        %dma_wait3A_82 = tpu.memref_slice %arg9[%mul3A_46, %dma_wait3A_81] : memref<40x125xi32, #tpu.memory_space<vmem>> -> memref<1x125xi32, #tpu.memory_space<vmem>>
        %dma_wait3A_83 = tpu.memref_squeeze %dma_wait3A_82 : memref<1x125xi32, #tpu.memory_space<vmem>> -> memref<125xi32, #tpu.memory_space<vmem>>
        %dma_wait3A_84 = arith.constant 0 : i32
        %dma_wait3A_85 = arith.constant 0 : i32
        %dma_wait3A_86 = tpu.memref_slice %arg7[%dma_wait3A_84, %dma_wait3A_85] : memref<10000x128xf32, #tpu.memory_space<vmem_shared>> -> memref<10000x128xf32, #tpu.memory_space<vmem_shared>>
        tpu.wait_indirect_dma semaphore(%run_scoped3A_74 : memref<!tpu.dma_semaphore, #tpu.memory_space<semaphore_mem>>) src(%arg10 : memref<125x128xf32, #tpu.memory_space<vmem>>) dst(%dma_wait3A_86 : memref<10000x128xf32, #tpu.memory_space<vmem_shared>>)
        tpu.yield
      }) : () -> ()
      %add3A_60 = arith.constant 1 : i32
      %add3A_61 = arith.addi %mul3A_46, %add3A_60 : i32
      %dma_wait3A_62 = arith.constant 0 : i32
      %dma_wait3A_63 = tpu.memref_slice %arg8[%add3A_61, %dma_wait3A_62] : memref<40x125xi32, #tpu.memory_space<vmem>> -> memref<1x125xi32, #tpu.memory_space<vmem>>
      %dma_wait3A_64 = tpu.memref_squeeze %dma_wait3A_63 : memref<1x125xi32, #tpu.memory_space<vmem>> -> memref<125xi32, #tpu.memory_space<vmem>>
      %dma_wait3A_65 = arith.constant 0 : i32
      %dma_wait3A_66 = arith.constant 0 : i32
      %dma_wait3A_67 = tpu.memref_slice %arg4[%dma_wait3A_65, %dma_wait3A_66] : memref<10000x128xf32, #tpu.memory_space<hbm>> -> memref<10000x128xf32, #tpu.memory_space<hbm>>
      tpu.wait_indirect_dma semaphore(%arg13 : memref<!tpu.dma_semaphore, #tpu.memory_space<semaphore_mem>>) src(%dma_wait3A_67 : memref<10000x128xf32, #tpu.memory_space<hbm>>) dst(%arg11 : memref<125x128xf32, #tpu.memory_space<vmem>>)
      %lt3A = arith.constant 19 : i32
      %lt3A_68 = arith.cmpi slt, %scan3A_44, %lt3A : i32
      %convert_element_type3A_69 = arith.extui %lt3A_68 : i1 to i32
      %cond3A_70 = arith.constant 0 : i32
      %cond3A_71 = arith.cmpi ne, %convert_element_type3A_69, %cond3A_70 : i32
      scf.if %cond3A_71 {
        %add3A_74 = arith.constant 2 : i32
        %add3A_75 = arith.addi %mul3A_46, %add3A_74 : i32
        %dma_start3A_76 = arith.constant 0 : i32
        %dma_start3A_77 = tpu.memref_slice %arg8[%add3A_75, %dma_start3A_76] : memref<40x125xi32, #tpu.memory_space<vmem>> -> memref<1x125xi32, #tpu.memory_space<vmem>>
        %dma_start3A_78 = tpu.memref_squeeze %dma_start3A_77 : memref<1x125xi32, #tpu.memory_space<vmem>> -> memref<125xi32, #tpu.memory_space<vmem>>
        %dma_start3A_79 = arith.constant 0 : i32
        %dma_start3A_80 = arith.constant 0 : i32
        %dma_start3A_81 = tpu.memref_slice %arg4[%dma_start3A_79, %dma_start3A_80] : memref<10000x128xf32, #tpu.memory_space<hbm>> -> memref<10000x128xf32, #tpu.memory_space<hbm>>
        tpu.enqueue_indirect_dma source(%dma_start3A_81 : memref<10000x128xf32, #tpu.memory_space<hbm>>) target(%arg10 : memref<125x128xf32, #tpu.memory_space<vmem>>) offsets(%dma_start3A_78 : memref<125xi32, #tpu.memory_space<vmem>>) semaphore(%arg12 : memref<!tpu.dma_semaphore, #tpu.memory_space<semaphore_mem>>)
      } else {
      }
      %add3A_72 = arith.constant 1 : i32
      %add3A_73 = arith.addi %mul3A_46, %add3A_72 : i32
      "tpu.region"() ({
        %run_scoped3A_74 = tpu.sem_alloc : memref<!tpu.dma_semaphore, #tpu.memory_space<semaphore_mem>>
        %dma_start3A_75 = arith.constant 0 : i32
        %dma_start3A_76 = tpu.memref_slice %arg9[%add3A_73, %dma_start3A_75] : memref<40x125xi32, #tpu.memory_space<vmem>> -> memref<1x125xi32, #tpu.memory_space<vmem>>
        %dma_start3A_77 = tpu.memref_squeeze %dma_start3A_76 : memref<1x125xi32, #tpu.memory_space<vmem>> -> memref<125xi32, #tpu.memory_space<vmem>>
        %dma_start3A_78 = arith.constant 0 : i32
        %dma_start3A_79 = arith.constant 0 : i32
        %dma_start3A_80 = tpu.memref_slice %arg7[%dma_start3A_78, %dma_start3A_79] : memref<10000x128xf32, #tpu.memory_space<vmem_shared>> -> memref<10000x128xf32, #tpu.memory_space<vmem_shared>>
        tpu.enqueue_indirect_dma source(%arg11 : memref<125x128xf32, #tpu.memory_space<vmem>>) target(%dma_start3A_80 : memref<10000x128xf32, #tpu.memory_space<vmem_shared>>) offsets(%dma_start3A_77 : memref<125xi32, #tpu.memory_space<vmem>>) semaphore(%run_scoped3A_74 : memref<!tpu.dma_semaphore, #tpu.memory_space<semaphore_mem>>) {add = true}
        %dma_wait3A_81 = arith.constant 0 : i32
        %dma_wait3A_82 = tpu.memref_slice %arg9[%add3A_73, %dma_wait3A_81] : memref<40x125xi32, #tpu.memory_space<vmem>> -> memref<1x125xi32, #tpu.memory_space<vmem>>
        %dma_wait3A_83 = tpu.memref_squeeze %dma_wait3A_82 : memref<1x125xi32, #tpu.memory_space<vmem>> -> memref<125xi32, #tpu.memory_space<vmem>>
        %dma_wait3A_84 = arith.constant 0 : i32
        %dma_wait3A_85 = arith.constant 0 : i32
        %dma_wait3A_86 = tpu.memref_slice %arg7[%dma_wait3A_84, %dma_wait3A_85] : memref<10000x128xf32, #tpu.memory_space<vmem_shared>> -> memref<10000x128xf32, #tpu.memory_space<vmem_shared>>
        tpu.wait_indirect_dma semaphore(%run_scoped3A_74 : memref<!tpu.dma_semaphore, #tpu.memory_space<semaphore_mem>>) src(%arg11 : memref<125x128xf32, #tpu.memory_space<vmem>>) dst(%dma_wait3A_86 : memref<10000x128xf32, #tpu.memory_space<vmem_shared>>)
        tpu.yield
      }) : () -> ()
    }
    %scan3A_33 = arith.constant 20 : i32
    %barrier3A_34 = arith.constant 0 : index
    tpu.barrier barrier_id(%barrier3A_34)
    %mul3A_35 = arith.constant 624 : i32
    %mul3A_36 = arith.muli %arg1, %mul3A_35 : i32
    %mul3A_37 = arith.constant 624 : i32
    %mul3A_38 = arith.muli %arg1, %mul3A_37 : i32
    "tpu.region"() ({
      %run_scoped3A_44 = tpu.sem_alloc : memref<!tpu.dma_semaphore, #tpu.memory_space<semaphore_mem>>
      %dma_start3A_45 = arith.constant 0 : i32
      %dma_start3A_46 = arith.constant 0 : i32
      %dma_start3A_47 = tpu.memref_slice %arg6[%arg0, %dma_start3A_45, %dma_start3A_46] : memref<2x10000x128xf32, #tpu.memory_space<hbm>> -> memref<1x10000x128xf32, #tpu.memory_space<hbm>>
      %dma_start3A_48 = tpu.memref_squeeze %dma_start3A_47 : memref<1x10000x128xf32, #tpu.memory_space<hbm>> -> memref<10000x128xf32, #tpu.memory_space<hbm>>
      %dma_start3A_49 = arith.constant 0 : i32
      %dma_start3A_50 = tpu.memref_slice %dma_start3A_48[%mul3A_38, %dma_start3A_49] : memref<10000x128xf32, #tpu.memory_space<hbm>> -> memref<624x128xf32, #tpu.memory_space<hbm>>
      %dma_start3A_51 = arith.constant 0 : i32
      %dma_start3A_52 = tpu.memref_slice %arg7[%mul3A_36, %dma_start3A_51] : memref<10000x128xf32, #tpu.memory_space<vmem_shared>> -> memref<624x128xf32, #tpu.memory_space<vmem_shared>>
      tpu.enqueue_dma source(%dma_start3A_52 : memref<624x128xf32, #tpu.memory_space<vmem_shared>>) target(%dma_start3A_50 : memref<624x128xf32, #tpu.memory_space<hbm>>) target_semaphore(%run_scoped3A_44 : memref<!tpu.dma_semaphore, #tpu.memory_space<semaphore_mem>>)
      %dma_wait3A = arith.constant 0 : i32
      %dma_wait3A_53 = arith.constant 0 : i32
      %dma_wait3A_54 = tpu.memref_slice %arg6[%arg0, %dma_wait3A, %dma_wait3A_53] : memref<2x10000x128xf32, #tpu.memory_space<hbm>> -> memref<1x10000x128xf32, #tpu.memory_space<hbm>>
      %dma_wait3A_55 = tpu.memref_squeeze %dma_wait3A_54 : memref<1x10000x128xf32, #tpu.memory_space<hbm>> -> memref<10000x128xf32, #tpu.memory_space<hbm>>
      %dma_wait3A_56 = arith.constant 0 : i32
      %dma_wait3A_57 = tpu.memref_slice %dma_wait3A_55[%mul3A_38, %dma_wait3A_56] : memref<10000x128xf32, #tpu.memory_space<hbm>> -> memref<624x128xf32, #tpu.memory_space<hbm>>
      %dma_wait3A_58 = arith.constant 0 : i32
      %dma_wait3A_59 = tpu.memref_slice %arg7[%mul3A_36, %dma_wait3A_58] : memref<10000x128xf32, #tpu.memory_space<vmem_shared>> -> memref<624x128xf32, #tpu.memory_space<vmem_shared>>
      tpu.wait_dma2 semaphore(%run_scoped3A_44 : memref<!tpu.dma_semaphore, #tpu.memory_space<semaphore_mem>>) src(%dma_wait3A_59 : memref<624x128xf32, #tpu.memory_space<vmem_shared>>) dst(%dma_wait3A_57 : memref<624x128xf32, #tpu.memory_space<hbm>>)
      tpu.yield
    }) : () -> ()
    %eq3A_39 = arith.constant 15 : i32
    %eq3A_40 = arith.cmpi eq, %arg1, %eq3A_39 : i32
    %convert_element_type3A_41 = arith.extui %eq3A_40 : i1 to i32
    %cond3A_42 = arith.constant 0 : i32
    %cond3A_43 = arith.cmpi ne, %convert_element_type3A_41, %cond3A_42 : i32
    scf.if %cond3A_43 {
      "tpu.region"() ({
        %run_scoped3A_44 = tpu.sem_alloc : memref<!tpu.dma_semaphore, #tpu.memory_space<semaphore_mem>>
        %dma_start3A_45 = arith.constant 0 : i32
        %dma_start3A_46 = arith.constant 0 : i32
        %dma_start3A_47 = tpu.memref_slice %arg6[%arg0, %dma_start3A_45, %dma_start3A_46] : memref<2x10000x128xf32, #tpu.memory_space<hbm>> -> memref<1x10000x128xf32, #tpu.memory_space<hbm>>
        %dma_start3A_48 = tpu.memref_squeeze %dma_start3A_47 : memref<1x10000x128xf32, #tpu.memory_space<hbm>> -> memref<10000x128xf32, #tpu.memory_space<hbm>>
        %dma_start3A_49 = arith.constant 9984 : i32
        %dma_start3A_50 = arith.constant 0 : i32
        %dma_start3A_51 = tpu.memref_slice %dma_start3A_48[%dma_start3A_49, %dma_start3A_50] : memref<10000x128xf32, #tpu.memory_space<hbm>> -> memref<16x128xf32, #tpu.memory_space<hbm>>
        %dma_start3A_52 = arith.constant 9984 : i32
        %dma_start3A_53 = arith.constant 0 : i32
        %dma_start3A_54 = tpu.memref_slice %arg7[%dma_start3A_52, %dma_start3A_53] : memref<10000x128xf32, #tpu.memory_space<vmem_shared>> -> memref<16x128xf32, #tpu.memory_space<vmem_shared>>
        tpu.enqueue_dma source(%dma_start3A_54 : memref<16x128xf32, #tpu.memory_space<vmem_shared>>) target(%dma_start3A_51 : memref<16x128xf32, #tpu.memory_space<hbm>>) target_semaphore(%run_scoped3A_44 : memref<!tpu.dma_semaphore, #tpu.memory_space<semaphore_mem>>)
        %dma_wait3A = arith.constant 0 : i32
        %dma_wait3A_55 = arith.constant 0 : i32
        %dma_wait3A_56 = tpu.memref_slice %arg6[%arg0, %dma_wait3A, %dma_wait3A_55] : memref<2x10000x128xf32, #tpu.memory_space<hbm>> -> memref<1x10000x128xf32, #tpu.memory_space<hbm>>
        %dma_wait3A_57 = tpu.memref_squeeze %dma_wait3A_56 : memref<1x10000x128xf32, #tpu.memory_space<hbm>> -> memref<10000x128xf32, #tpu.memory_space<hbm>>
        %dma_wait3A_58 = arith.constant 9984 : i32
        %dma_wait3A_59 = arith.constant 0 : i32
        %dma_wait3A_60 = tpu.memref_slice %dma_wait3A_57[%dma_wait3A_58, %dma_wait3A_59] : memref<10000x128xf32, #tpu.memory_space<hbm>> -> memref<16x128xf32, #tpu.memory_space<hbm>>
        %dma_wait3A_61 = arith.constant 9984 : i32
        %dma_wait3A_62 = arith.constant 0 : i32
        %dma_wait3A_63 = tpu.memref_slice %arg7[%dma_wait3A_61, %dma_wait3A_62] : memref<10000x128xf32, #tpu.memory_space<vmem_shared>> -> memref<16x128xf32, #tpu.memory_space<vmem_shared>>
        tpu.wait_dma2 semaphore(%run_scoped3A_44 : memref<!tpu.dma_semaphore, #tpu.memory_space<semaphore_mem>>) src(%dma_wait3A_63 : memref<16x128xf32, #tpu.memory_space<vmem_shared>>) dst(%dma_wait3A_60 : memref<16x128xf32, #tpu.memory_space<hbm>>)
        tpu.yield
      }) : () -> ()
    } else {
    }
    return
  }
}

#map = affine_map<(d0, d1) -> (0, 0, 0, 0)>
#map1 = affine_map<(d0, d1) -> (0, 0)>
#map2 = affine_map<(d0, d1) -> (0, 0, 0)>
module attributes {stable_mosaic.version = 14 : i64} {
  func.func @_sc_prop_body(%arg0: i32, %arg1: i32, %arg2: memref<32x2x40x125xi32, #tpu.memory_space<hbm>>, %arg3: memref<32x2x40x125xi32, #tpu.memory_space<hbm>>, %arg4: memref<10000x128xf32, #tpu.memory_space<hbm>>, %arg5: memref<10000x128xf32, #tpu.memory_space<hbm>>, %arg6: memref<2x10000x128xf32, #tpu.memory_space<hbm>>, %arg7: memref<10000x128xf32, #tpu.memory_space<vmem_shared>>, %arg8: memref<40x125xi32, #tpu.memory_space<vmem>>, %arg9: memref<40x125xi32, #tpu.memory_space<vmem>>, %arg10: memref<125x128xf32, #tpu.memory_space<vmem>>, %arg11: memref<125x128xf32, #tpu.memory_space<vmem>>, %arg12: memref<!tpu.dma_semaphore, #tpu.memory_space<semaphore_mem>>, %arg13: memref<!tpu.dma_semaphore, #tpu.memory_space<semaphore_mem>>) attributes {dimension_semantics = [#tpu.dimension_semantics<core_parallel>, #tpu.dimension_semantics<subcore_parallel>], iteration_bounds = array<i64: 2, 16>, scalar_prefetch = 0 : i64, scratch_operands = 7 : i64, tpu.core_type = #tpu.core_type<sc_vector_subcore>, window_params = [{transform_indices = #map}, {transform_indices = #map}, {transform_indices = #map1}, {transform_indices = #map1}, {transform_indices = #map2}]} {
    %mul3A = arith.constant 624 : i32
    %mul3A_0 = arith.muli %arg1, %mul3A : i32
    %mul3A_1 = arith.constant 624 : i32
    %mul3A_2 = arith.muli %arg1, %mul3A_1 : i32
    "tpu.region"() ({
      %run_scoped3A_44 = tpu.sem_alloc : memref<!tpu.dma_semaphore, #tpu.memory_space<semaphore_mem>>
      %dma_start3A_45 = arith.constant 0 : i32
      %dma_start3A_46 = tpu.memref_slice %arg7[%mul3A_2, %dma_start3A_45] : memref<10000x128xf32, #tpu.memory_space<vmem_shared>> -> memref<624x128xf32, #tpu.memory_space<vmem_shared>>
      %dma_start3A_47 = arith.constant 0 : i32
      %dma_start3A_48 = tpu.memref_slice %arg5[%mul3A_0, %dma_start3A_47] : memref<10000x128xf32, #tpu.memory_space<hbm>> -> memref<624x128xf32, #tpu.memory_space<hbm>>
      tpu.enqueue_dma source(%dma_start3A_48 : memref<624x128xf32, #tpu.memory_space<hbm>>) target(%dma_start3A_46 : memref<624x128xf32, #tpu.memory_space<vmem_shared>>) target_semaphore(%run_scoped3A_44 : memref<!tpu.dma_semaphore, #tpu.memory_space<semaphore_mem>>)
      %dma_wait3A = arith.constant 0 : i32
      %dma_wait3A_49 = tpu.memref_slice %arg7[%mul3A_2, %dma_wait3A] : memref<10000x128xf32, #tpu.memory_space<vmem_shared>> -> memref<624x128xf32, #tpu.memory_space<vmem_shared>>
      %dma_wait3A_50 = arith.constant 0 : i32
      %dma_wait3A_51 = tpu.memref_slice %arg5[%mul3A_0, %dma_wait3A_50] : memref<10000x128xf32, #tpu.memory_space<hbm>> -> memref<624x128xf32, #tpu.memory_space<hbm>>
      tpu.wait_dma2 semaphore(%run_scoped3A_44 : memref<!tpu.dma_semaphore, #tpu.memory_space<semaphore_mem>>) src(%dma_wait3A_51 : memref<624x128xf32, #tpu.memory_space<hbm>>) dst(%dma_wait3A_49 : memref<624x128xf32, #tpu.memory_space<vmem_shared>>)
      tpu.yield
    }) : () -> ()
    %eq3A = arith.constant 15 : i32
    %eq3A_3 = arith.cmpi eq, %arg1, %eq3A : i32
    %convert_element_type3A = arith.extui %eq3A_3 : i1 to i32
    %cond3A = arith.constant 0 : i32
    %cond3A_4 = arith.cmpi ne, %convert_element_type3A, %cond3A : i32
    scf.if %cond3A_4 {
      "tpu.region"() ({
        %run_scoped3A_44 = tpu.sem_alloc : memref<!tpu.dma_semaphore, #tpu.memory_space<semaphore_mem>>
        %dma_start3A_45 = arith.constant 9984 : i32
        %dma_start3A_46 = arith.constant 0 : i32
        %dma_start3A_47 = tpu.memref_slice %arg7[%dma_start3A_45, %dma_start3A_46] : memref<10000x128xf32, #tpu.memory_space<vmem_shared>> -> memref<16x128xf32, #tpu.memory_space<vmem_shared>>
        %dma_start3A_48 = arith.constant 9984 : i32
        %dma_start3A_49 = arith.constant 0 : i32
        %dma_start3A_50 = tpu.memref_slice %arg5[%dma_start3A_48, %dma_start3A_49] : memref<10000x128xf32, #tpu.memory_space<hbm>> -> memref<16x128xf32, #tpu.memory_space<hbm>>
        tpu.enqueue_dma source(%dma_start3A_50 : memref<16x128xf32, #tpu.memory_space<hbm>>) target(%dma_start3A_47 : memref<16x128xf32, #tpu.memory_space<vmem_shared>>) target_semaphore(%run_scoped3A_44 : memref<!tpu.dma_semaphore, #tpu.memory_space<semaphore_mem>>)
        %dma_wait3A = arith.constant 9984 : i32
        %dma_wait3A_51 = arith.constant 0 : i32
        %dma_wait3A_52 = tpu.memref_slice %arg7[%dma_wait3A, %dma_wait3A_51] : memref<10000x128xf32, #tpu.memory_space<vmem_shared>> -> memref<16x128xf32, #tpu.memory_space<vmem_shared>>
        %dma_wait3A_53 = arith.constant 9984 : i32
        %dma_wait3A_54 = arith.constant 0 : i32
        %dma_wait3A_55 = tpu.memref_slice %arg5[%dma_wait3A_53, %dma_wait3A_54] : memref<10000x128xf32, #tpu.memory_space<hbm>> -> memref<16x128xf32, #tpu.memory_space<hbm>>
        tpu.wait_dma2 semaphore(%run_scoped3A_44 : memref<!tpu.dma_semaphore, #tpu.memory_space<semaphore_mem>>) src(%dma_wait3A_55 : memref<16x128xf32, #tpu.memory_space<hbm>>) dst(%dma_wait3A_52 : memref<16x128xf32, #tpu.memory_space<vmem_shared>>)
        tpu.yield
      }) : () -> ()
    } else {
    }
    %barrier3A = arith.constant 0 : index
    tpu.barrier barrier_id(%barrier3A)
    %mul3A_5 = arith.constant 16 : i32
    %mul3A_6 = arith.muli %arg0, %mul3A_5 : i32
    %add3A = arith.addi %mul3A_6, %arg1 : i32
    %run_scoped3A = arith.constant 0 : i32
    "tpu.region"() ({
      %run_scoped3A_44 = tpu.sem_alloc : memref<!tpu.dma_semaphore, #tpu.memory_space<semaphore_mem>>
      %dma_start3A_45 = arith.constant 0 : i32
      %dma_start3A_46 = arith.constant 0 : i32
      %dma_start3A_47 = arith.constant 0 : i32
      %dma_start3A_48 = tpu.memref_slice %arg2[%add3A, %dma_start3A_45, %dma_start3A_46, %dma_start3A_47] : memref<32x2x40x125xi32, #tpu.memory_space<hbm>> -> memref<1x2x40x125xi32, #tpu.memory_space<hbm>>
      %dma_start3A_49 = tpu.memref_squeeze %dma_start3A_48 : memref<1x2x40x125xi32, #tpu.memory_space<hbm>> -> memref<2x40x125xi32, #tpu.memory_space<hbm>>
      %dma_start3A_50 = arith.constant 0 : i32
      %dma_start3A_51 = arith.constant 0 : i32
      %dma_start3A_52 = tpu.memref_slice %dma_start3A_49[%run_scoped3A, %dma_start3A_50, %dma_start3A_51] : memref<2x40x125xi32, #tpu.memory_space<hbm>> -> memref<1x40x125xi32, #tpu.memory_space<hbm>>
      %dma_start3A_53 = tpu.memref_squeeze %dma_start3A_52 : memref<1x40x125xi32, #tpu.memory_space<hbm>> -> memref<40x125xi32, #tpu.memory_space<hbm>>
      %dma_start3A_54 = arith.constant 0 : i32
      %dma_start3A_55 = arith.constant 0 : i32
      %dma_start3A_56 = arith.constant 0 : i32
      %dma_start3A_57 = tpu.memref_slice %arg2[%add3A, %dma_start3A_54, %dma_start3A_55, %dma_start3A_56] : memref<32x2x40x125xi32, #tpu.memory_space<hbm>> -> memref<1x2x40x125xi32, #tpu.memory_space<hbm>>
      %dma_start3A_58 = tpu.memref_squeeze %dma_start3A_57 : memref<1x2x40x125xi32, #tpu.memory_space<hbm>> -> memref<2x40x125xi32, #tpu.memory_space<hbm>>
      %dma_start3A_59 = arith.constant 0 : i32
      %dma_start3A_60 = arith.constant 0 : i32
      %dma_start3A_61 = tpu.memref_slice %dma_start3A_58[%run_scoped3A, %dma_start3A_59, %dma_start3A_60] : memref<2x40x125xi32, #tpu.memory_space<hbm>> -> memref<1x40x125xi32, #tpu.memory_space<hbm>>
      %dma_start3A_62 = tpu.memref_squeeze %dma_start3A_61 : memref<1x40x125xi32, #tpu.memory_space<hbm>> -> memref<40x125xi32, #tpu.memory_space<hbm>>
      tpu.enqueue_dma source(%dma_start3A_62 : memref<40x125xi32, #tpu.memory_space<hbm>>) target(%arg8 : memref<40x125xi32, #tpu.memory_space<vmem>>) target_semaphore(%run_scoped3A_44 : memref<!tpu.dma_semaphore, #tpu.memory_space<semaphore_mem>>)
      %dma_wait3A = arith.constant 0 : i32
      %dma_wait3A_63 = arith.constant 0 : i32
      %dma_wait3A_64 = arith.constant 0 : i32
      %dma_wait3A_65 = tpu.memref_slice %arg2[%add3A, %dma_wait3A, %dma_wait3A_63, %dma_wait3A_64] : memref<32x2x40x125xi32, #tpu.memory_space<hbm>> -> memref<1x2x40x125xi32, #tpu.memory_space<hbm>>
      %dma_wait3A_66 = tpu.memref_squeeze %dma_wait3A_65 : memref<1x2x40x125xi32, #tpu.memory_space<hbm>> -> memref<2x40x125xi32, #tpu.memory_space<hbm>>
      %dma_wait3A_67 = arith.constant 0 : i32
      %dma_wait3A_68 = arith.constant 0 : i32
      %dma_wait3A_69 = tpu.memref_slice %dma_wait3A_66[%run_scoped3A, %dma_wait3A_67, %dma_wait3A_68] : memref<2x40x125xi32, #tpu.memory_space<hbm>> -> memref<1x40x125xi32, #tpu.memory_space<hbm>>
      %dma_wait3A_70 = tpu.memref_squeeze %dma_wait3A_69 : memref<1x40x125xi32, #tpu.memory_space<hbm>> -> memref<40x125xi32, #tpu.memory_space<hbm>>
      %dma_wait3A_71 = arith.constant 0 : i32
      %dma_wait3A_72 = arith.constant 0 : i32
      %dma_wait3A_73 = arith.constant 0 : i32
      %dma_wait3A_74 = tpu.memref_slice %arg2[%add3A, %dma_wait3A_71, %dma_wait3A_72, %dma_wait3A_73] : memref<32x2x40x125xi32, #tpu.memory_space<hbm>> -> memref<1x2x40x125xi32, #tpu.memory_space<hbm>>
      %dma_wait3A_75 = tpu.memref_squeeze %dma_wait3A_74 : memref<1x2x40x125xi32, #tpu.memory_space<hbm>> -> memref<2x40x125xi32, #tpu.memory_space<hbm>>
      %dma_wait3A_76 = arith.constant 0 : i32
      %dma_wait3A_77 = arith.constant 0 : i32
      %dma_wait3A_78 = tpu.memref_slice %dma_wait3A_75[%run_scoped3A, %dma_wait3A_76, %dma_wait3A_77] : memref<2x40x125xi32, #tpu.memory_space<hbm>> -> memref<1x40x125xi32, #tpu.memory_space<hbm>>
      %dma_wait3A_79 = tpu.memref_squeeze %dma_wait3A_78 : memref<1x40x125xi32, #tpu.memory_space<hbm>> -> memref<40x125xi32, #tpu.memory_space<hbm>>
      tpu.wait_dma2 semaphore(%run_scoped3A_44 : memref<!tpu.dma_semaphore, #tpu.memory_space<semaphore_mem>>) src(%dma_wait3A_79 : memref<40x125xi32, #tpu.memory_space<hbm>>) dst(%arg8 : memref<40x125xi32, #tpu.memory_space<vmem>>)
      tpu.yield
    }) : () -> ()
    %run_scoped3A_7 = arith.constant 0 : i32
    "tpu.region"() ({
      %run_scoped3A_44 = tpu.sem_alloc : memref<!tpu.dma_semaphore, #tpu.memory_space<semaphore_mem>>
      %dma_start3A_45 = arith.constant 0 : i32
      %dma_start3A_46 = arith.constant 0 : i32
      %dma_start3A_47 = arith.constant 0 : i32
      %dma_start3A_48 = tpu.memref_slice %arg3[%add3A, %dma_start3A_45, %dma_start3A_46, %dma_start3A_47] : memref<32x2x40x125xi32, #tpu.memory_space<hbm>> -> memref<1x2x40x125xi32, #tpu.memory_space<hbm>>
      %dma_start3A_49 = tpu.memref_squeeze %dma_start3A_48 : memref<1x2x40x125xi32, #tpu.memory_space<hbm>> -> memref<2x40x125xi32, #tpu.memory_space<hbm>>
      %dma_start3A_50 = arith.constant 0 : i32
      %dma_start3A_51 = arith.constant 0 : i32
      %dma_start3A_52 = tpu.memref_slice %dma_start3A_49[%run_scoped3A_7, %dma_start3A_50, %dma_start3A_51] : memref<2x40x125xi32, #tpu.memory_space<hbm>> -> memref<1x40x125xi32, #tpu.memory_space<hbm>>
      %dma_start3A_53 = tpu.memref_squeeze %dma_start3A_52 : memref<1x40x125xi32, #tpu.memory_space<hbm>> -> memref<40x125xi32, #tpu.memory_space<hbm>>
      %dma_start3A_54 = arith.constant 0 : i32
      %dma_start3A_55 = arith.constant 0 : i32
      %dma_start3A_56 = arith.constant 0 : i32
      %dma_start3A_57 = tpu.memref_slice %arg3[%add3A, %dma_start3A_54, %dma_start3A_55, %dma_start3A_56] : memref<32x2x40x125xi32, #tpu.memory_space<hbm>> -> memref<1x2x40x125xi32, #tpu.memory_space<hbm>>
      %dma_start3A_58 = tpu.memref_squeeze %dma_start3A_57 : memref<1x2x40x125xi32, #tpu.memory_space<hbm>> -> memref<2x40x125xi32, #tpu.memory_space<hbm>>
      %dma_start3A_59 = arith.constant 0 : i32
      %dma_start3A_60 = arith.constant 0 : i32
      %dma_start3A_61 = tpu.memref_slice %dma_start3A_58[%run_scoped3A_7, %dma_start3A_59, %dma_start3A_60] : memref<2x40x125xi32, #tpu.memory_space<hbm>> -> memref<1x40x125xi32, #tpu.memory_space<hbm>>
      %dma_start3A_62 = tpu.memref_squeeze %dma_start3A_61 : memref<1x40x125xi32, #tpu.memory_space<hbm>> -> memref<40x125xi32, #tpu.memory_space<hbm>>
      tpu.enqueue_dma source(%dma_start3A_62 : memref<40x125xi32, #tpu.memory_space<hbm>>) target(%arg9 : memref<40x125xi32, #tpu.memory_space<vmem>>) target_semaphore(%run_scoped3A_44 : memref<!tpu.dma_semaphore, #tpu.memory_space<semaphore_mem>>)
      %dma_wait3A = arith.constant 0 : i32
      %dma_wait3A_63 = arith.constant 0 : i32
      %dma_wait3A_64 = arith.constant 0 : i32
      %dma_wait3A_65 = tpu.memref_slice %arg3[%add3A, %dma_wait3A, %dma_wait3A_63, %dma_wait3A_64] : memref<32x2x40x125xi32, #tpu.memory_space<hbm>> -> memref<1x2x40x125xi32, #tpu.memory_space<hbm>>
      %dma_wait3A_66 = tpu.memref_squeeze %dma_wait3A_65 : memref<1x2x40x125xi32, #tpu.memory_space<hbm>> -> memref<2x40x125xi32, #tpu.memory_space<hbm>>
      %dma_wait3A_67 = arith.constant 0 : i32
      %dma_wait3A_68 = arith.constant 0 : i32
      %dma_wait3A_69 = tpu.memref_slice %dma_wait3A_66[%run_scoped3A_7, %dma_wait3A_67, %dma_wait3A_68] : memref<2x40x125xi32, #tpu.memory_space<hbm>> -> memref<1x40x125xi32, #tpu.memory_space<hbm>>
      %dma_wait3A_70 = tpu.memref_squeeze %dma_wait3A_69 : memref<1x40x125xi32, #tpu.memory_space<hbm>> -> memref<40x125xi32, #tpu.memory_space<hbm>>
      %dma_wait3A_71 = arith.constant 0 : i32
      %dma_wait3A_72 = arith.constant 0 : i32
      %dma_wait3A_73 = arith.constant 0 : i32
      %dma_wait3A_74 = tpu.memref_slice %arg3[%add3A, %dma_wait3A_71, %dma_wait3A_72, %dma_wait3A_73] : memref<32x2x40x125xi32, #tpu.memory_space<hbm>> -> memref<1x2x40x125xi32, #tpu.memory_space<hbm>>
      %dma_wait3A_75 = tpu.memref_squeeze %dma_wait3A_74 : memref<1x2x40x125xi32, #tpu.memory_space<hbm>> -> memref<2x40x125xi32, #tpu.memory_space<hbm>>
      %dma_wait3A_76 = arith.constant 0 : i32
      %dma_wait3A_77 = arith.constant 0 : i32
      %dma_wait3A_78 = tpu.memref_slice %dma_wait3A_75[%run_scoped3A_7, %dma_wait3A_76, %dma_wait3A_77] : memref<2x40x125xi32, #tpu.memory_space<hbm>> -> memref<1x40x125xi32, #tpu.memory_space<hbm>>
      %dma_wait3A_79 = tpu.memref_squeeze %dma_wait3A_78 : memref<1x40x125xi32, #tpu.memory_space<hbm>> -> memref<40x125xi32, #tpu.memory_space<hbm>>
      tpu.wait_dma2 semaphore(%run_scoped3A_44 : memref<!tpu.dma_semaphore, #tpu.memory_space<semaphore_mem>>) src(%dma_wait3A_79 : memref<40x125xi32, #tpu.memory_space<hbm>>) dst(%arg9 : memref<40x125xi32, #tpu.memory_space<vmem>>)
      tpu.yield
    }) : () -> ()
    %dma_start3A = arith.constant 0 : i32
    %dma_start3A_8 = arith.constant 0 : i32
    %dma_start3A_9 = tpu.memref_slice %arg8[%dma_start3A, %dma_start3A_8] : memref<40x125xi32, #tpu.memory_space<vmem>> -> memref<1x125xi32, #tpu.memory_space<vmem>>
    %dma_start3A_10 = tpu.memref_squeeze %dma_start3A_9 : memref<1x125xi32, #tpu.memory_space<vmem>> -> memref<125xi32, #tpu.memory_space<vmem>>
    %dma_start3A_11 = arith.constant 0 : i32
    %dma_start3A_12 = arith.constant 0 : i32
    %dma_start3A_13 = tpu.memref_slice %arg4[%dma_start3A_11, %dma_start3A_12] : memref<10000x128xf32, #tpu.memory_space<hbm>> -> memref<10000x128xf32, #tpu.memory_space<hbm>>
    tpu.enqueue_indirect_dma source(%dma_start3A_13 : memref<10000x128xf32, #tpu.memory_space<hbm>>) target(%arg10 : memref<125x128xf32, #tpu.memory_space<vmem>>) offsets(%dma_start3A_10 : memref<125xi32, #tpu.memory_space<vmem>>) semaphore(%arg12 : memref<!tpu.dma_semaphore, #tpu.memory_space<semaphore_mem>>)
    %scan3A = arith.constant 0 : i32
    %scan3A_14 = arith.constant 0 : i32
    %scan3A_15 = arith.constant 20 : i32
    %scan3A_16 = arith.addi %scan3A_14, %scan3A_15 : i32
    %scan3A_17 = arith.constant 1 : i32
    scf.for %scan3A_44 = %scan3A_14 to %scan3A_16 step %scan3A_17  : i32 {
      %mul3A_45 = arith.constant 2 : i32
      %mul3A_46 = arith.muli %mul3A_45, %scan3A_44 : i32
      %dma_wait3A = arith.constant 0 : i32
      %dma_wait3A_47 = tpu.memref_slice %arg8[%mul3A_46, %dma_wait3A] : memref<40x125xi32, #tpu.memory_space<vmem>> -> memref<1x125xi32, #tpu.memory_space<vmem>>
      %dma_wait3A_48 = tpu.memref_squeeze %dma_wait3A_47 : memref<1x125xi32, #tpu.memory_space<vmem>> -> memref<125xi32, #tpu.memory_space<vmem>>
      %dma_wait3A_49 = arith.constant 0 : i32
      %dma_wait3A_50 = arith.constant 0 : i32
      %dma_wait3A_51 = tpu.memref_slice %arg4[%dma_wait3A_49, %dma_wait3A_50] : memref<10000x128xf32, #tpu.memory_space<hbm>> -> memref<10000x128xf32, #tpu.memory_space<hbm>>
      tpu.wait_indirect_dma semaphore(%arg12 : memref<!tpu.dma_semaphore, #tpu.memory_space<semaphore_mem>>) src(%dma_wait3A_51 : memref<10000x128xf32, #tpu.memory_space<hbm>>) dst(%arg10 : memref<125x128xf32, #tpu.memory_space<vmem>>)
      %add3A_52 = arith.constant 1 : i32
      %add3A_53 = arith.addi %mul3A_46, %add3A_52 : i32
      %dma_start3A_54 = arith.constant 0 : i32
      %dma_start3A_55 = tpu.memref_slice %arg8[%add3A_53, %dma_start3A_54] : memref<40x125xi32, #tpu.memory_space<vmem>> -> memref<1x125xi32, #tpu.memory_space<vmem>>
      %dma_start3A_56 = tpu.memref_squeeze %dma_start3A_55 : memref<1x125xi32, #tpu.memory_space<vmem>> -> memref<125xi32, #tpu.memory_space<vmem>>
      %dma_start3A_57 = arith.constant 0 : i32
      %dma_start3A_58 = arith.constant 0 : i32
      %dma_start3A_59 = tpu.memref_slice %arg4[%dma_start3A_57, %dma_start3A_58] : memref<10000x128xf32, #tpu.memory_space<hbm>> -> memref<10000x128xf32, #tpu.memory_space<hbm>>
      tpu.enqueue_indirect_dma source(%dma_start3A_59 : memref<10000x128xf32, #tpu.memory_space<hbm>>) target(%arg11 : memref<125x128xf32, #tpu.memory_space<vmem>>) offsets(%dma_start3A_56 : memref<125xi32, #tpu.memory_space<vmem>>) semaphore(%arg13 : memref<!tpu.dma_semaphore, #tpu.memory_space<semaphore_mem>>)
      "tpu.region"() ({
        %run_scoped3A_74 = tpu.sem_alloc : memref<!tpu.dma_semaphore, #tpu.memory_space<semaphore_mem>>
        %dma_start3A_75 = arith.constant 0 : i32
        %dma_start3A_76 = tpu.memref_slice %arg9[%mul3A_46, %dma_start3A_75] : memref<40x125xi32, #tpu.memory_space<vmem>> -> memref<1x125xi32, #tpu.memory_space<vmem>>
        %dma_start3A_77 = tpu.memref_squeeze %dma_start3A_76 : memref<1x125xi32, #tpu.memory_space<vmem>> -> memref<125xi32, #tpu.memory_space<vmem>>
        %dma_start3A_78 = arith.constant 0 : i32
        %dma_start3A_79 = arith.constant 0 : i32
        %dma_start3A_80 = tpu.memref_slice %arg7[%dma_start3A_78, %dma_start3A_79] : memref<10000x128xf32, #tpu.memory_space<vmem_shared>> -> memref<10000x128xf32, #tpu.memory_space<vmem_shared>>
        tpu.enqueue_indirect_dma source(%arg10 : memref<125x128xf32, #tpu.memory_space<vmem>>) target(%dma_start3A_80 : memref<10000x128xf32, #tpu.memory_space<vmem_shared>>) offsets(%dma_start3A_77 : memref<125xi32, #tpu.memory_space<vmem>>) semaphore(%run_scoped3A_74 : memref<!tpu.dma_semaphore, #tpu.memory_space<semaphore_mem>>) {add = true}
        %dma_wait3A_81 = arith.constant 0 : i32
        %dma_wait3A_82 = tpu.memref_slice %arg9[%mul3A_46, %dma_wait3A_81] : memref<40x125xi32, #tpu.memory_space<vmem>> -> memref<1x125xi32, #tpu.memory_space<vmem>>
        %dma_wait3A_83 = tpu.memref_squeeze %dma_wait3A_82 : memref<1x125xi32, #tpu.memory_space<vmem>> -> memref<125xi32, #tpu.memory_space<vmem>>
        %dma_wait3A_84 = arith.constant 0 : i32
        %dma_wait3A_85 = arith.constant 0 : i32
        %dma_wait3A_86 = tpu.memref_slice %arg7[%dma_wait3A_84, %dma_wait3A_85] : memref<10000x128xf32, #tpu.memory_space<vmem_shared>> -> memref<10000x128xf32, #tpu.memory_space<vmem_shared>>
        tpu.wait_indirect_dma semaphore(%run_scoped3A_74 : memref<!tpu.dma_semaphore, #tpu.memory_space<semaphore_mem>>) src(%arg10 : memref<125x128xf32, #tpu.memory_space<vmem>>) dst(%dma_wait3A_86 : memref<10000x128xf32, #tpu.memory_space<vmem_shared>>)
        tpu.yield
      }) : () -> ()
      %add3A_60 = arith.constant 1 : i32
      %add3A_61 = arith.addi %mul3A_46, %add3A_60 : i32
      %dma_wait3A_62 = arith.constant 0 : i32
      %dma_wait3A_63 = tpu.memref_slice %arg8[%add3A_61, %dma_wait3A_62] : memref<40x125xi32, #tpu.memory_space<vmem>> -> memref<1x125xi32, #tpu.memory_space<vmem>>
      %dma_wait3A_64 = tpu.memref_squeeze %dma_wait3A_63 : memref<1x125xi32, #tpu.memory_space<vmem>> -> memref<125xi32, #tpu.memory_space<vmem>>
      %dma_wait3A_65 = arith.constant 0 : i32
      %dma_wait3A_66 = arith.constant 0 : i32
      %dma_wait3A_67 = tpu.memref_slice %arg4[%dma_wait3A_65, %dma_wait3A_66] : memref<10000x128xf32, #tpu.memory_space<hbm>> -> memref<10000x128xf32, #tpu.memory_space<hbm>>
      tpu.wait_indirect_dma semaphore(%arg13 : memref<!tpu.dma_semaphore, #tpu.memory_space<semaphore_mem>>) src(%dma_wait3A_67 : memref<10000x128xf32, #tpu.memory_space<hbm>>) dst(%arg11 : memref<125x128xf32, #tpu.memory_space<vmem>>)
      %lt3A = arith.constant 19 : i32
      %lt3A_68 = arith.cmpi slt, %scan3A_44, %lt3A : i32
      %convert_element_type3A_69 = arith.extui %lt3A_68 : i1 to i32
      %cond3A_70 = arith.constant 0 : i32
      %cond3A_71 = arith.cmpi ne, %convert_element_type3A_69, %cond3A_70 : i32
      scf.if %cond3A_71 {
        %add3A_74 = arith.constant 2 : i32
        %add3A_75 = arith.addi %mul3A_46, %add3A_74 : i32
        %dma_start3A_76 = arith.constant 0 : i32
        %dma_start3A_77 = tpu.memref_slice %arg8[%add3A_75, %dma_start3A_76] : memref<40x125xi32, #tpu.memory_space<vmem>> -> memref<1x125xi32, #tpu.memory_space<vmem>>
        %dma_start3A_78 = tpu.memref_squeeze %dma_start3A_77 : memref<1x125xi32, #tpu.memory_space<vmem>> -> memref<125xi32, #tpu.memory_space<vmem>>
        %dma_start3A_79 = arith.constant 0 : i32
        %dma_start3A_80 = arith.constant 0 : i32
        %dma_start3A_81 = tpu.memref_slice %arg4[%dma_start3A_79, %dma_start3A_80] : memref<10000x128xf32, #tpu.memory_space<hbm>> -> memref<10000x128xf32, #tpu.memory_space<hbm>>
        tpu.enqueue_indirect_dma source(%dma_start3A_81 : memref<10000x128xf32, #tpu.memory_space<hbm>>) target(%arg10 : memref<125x128xf32, #tpu.memory_space<vmem>>) offsets(%dma_start3A_78 : memref<125xi32, #tpu.memory_space<vmem>>) semaphore(%arg12 : memref<!tpu.dma_semaphore, #tpu.memory_space<semaphore_mem>>)
      } else {
      }
      %add3A_72 = arith.constant 1 : i32
      %add3A_73 = arith.addi %mul3A_46, %add3A_72 : i32
      "tpu.region"() ({
        %run_scoped3A_74 = tpu.sem_alloc : memref<!tpu.dma_semaphore, #tpu.memory_space<semaphore_mem>>
        %dma_start3A_75 = arith.constant 0 : i32
        %dma_start3A_76 = tpu.memref_slice %arg9[%add3A_73, %dma_start3A_75] : memref<40x125xi32, #tpu.memory_space<vmem>> -> memref<1x125xi32, #tpu.memory_space<vmem>>
        %dma_start3A_77 = tpu.memref_squeeze %dma_start3A_76 : memref<1x125xi32, #tpu.memory_space<vmem>> -> memref<125xi32, #tpu.memory_space<vmem>>
        %dma_start3A_78 = arith.constant 0 : i32
        %dma_start3A_79 = arith.constant 0 : i32
        %dma_start3A_80 = tpu.memref_slice %arg7[%dma_start3A_78, %dma_start3A_79] : memref<10000x128xf32, #tpu.memory_space<vmem_shared>> -> memref<10000x128xf32, #tpu.memory_space<vmem_shared>>
        tpu.enqueue_indirect_dma source(%arg11 : memref<125x128xf32, #tpu.memory_space<vmem>>) target(%dma_start3A_80 : memref<10000x128xf32, #tpu.memory_space<vmem_shared>>) offsets(%dma_start3A_77 : memref<125xi32, #tpu.memory_space<vmem>>) semaphore(%run_scoped3A_74 : memref<!tpu.dma_semaphore, #tpu.memory_space<semaphore_mem>>) {add = true}
        %dma_wait3A_81 = arith.constant 0 : i32
        %dma_wait3A_82 = tpu.memref_slice %arg9[%add3A_73, %dma_wait3A_81] : memref<40x125xi32, #tpu.memory_space<vmem>> -> memref<1x125xi32, #tpu.memory_space<vmem>>
        %dma_wait3A_83 = tpu.memref_squeeze %dma_wait3A_82 : memref<1x125xi32, #tpu.memory_space<vmem>> -> memref<125xi32, #tpu.memory_space<vmem>>
        %dma_wait3A_84 = arith.constant 0 : i32
        %dma_wait3A_85 = arith.constant 0 : i32
        %dma_wait3A_86 = tpu.memref_slice %arg7[%dma_wait3A_84, %dma_wait3A_85] : memref<10000x128xf32, #tpu.memory_space<vmem_shared>> -> memref<10000x128xf32, #tpu.memory_space<vmem_shared>>
        tpu.wait_indirect_dma semaphore(%run_scoped3A_74 : memref<!tpu.dma_semaphore, #tpu.memory_space<semaphore_mem>>) src(%arg11 : memref<125x128xf32, #tpu.memory_space<vmem>>) dst(%dma_wait3A_86 : memref<10000x128xf32, #tpu.memory_space<vmem_shared>>)
        tpu.yield
      }) : () -> ()
    }
    %scan3A_18 = arith.constant 20 : i32
    %run_scoped3A_19 = arith.constant 1 : i32
    "tpu.region"() ({
      %run_scoped3A_44 = tpu.sem_alloc : memref<!tpu.dma_semaphore, #tpu.memory_space<semaphore_mem>>
      %dma_start3A_45 = arith.constant 0 : i32
      %dma_start3A_46 = arith.constant 0 : i32
      %dma_start3A_47 = arith.constant 0 : i32
      %dma_start3A_48 = tpu.memref_slice %arg2[%add3A, %dma_start3A_45, %dma_start3A_46, %dma_start3A_47] : memref<32x2x40x125xi32, #tpu.memory_space<hbm>> -> memref<1x2x40x125xi32, #tpu.memory_space<hbm>>
      %dma_start3A_49 = tpu.memref_squeeze %dma_start3A_48 : memref<1x2x40x125xi32, #tpu.memory_space<hbm>> -> memref<2x40x125xi32, #tpu.memory_space<hbm>>
      %dma_start3A_50 = arith.constant 0 : i32
      %dma_start3A_51 = arith.constant 0 : i32
      %dma_start3A_52 = tpu.memref_slice %dma_start3A_49[%run_scoped3A_19, %dma_start3A_50, %dma_start3A_51] : memref<2x40x125xi32, #tpu.memory_space<hbm>> -> memref<1x40x125xi32, #tpu.memory_space<hbm>>
      %dma_start3A_53 = tpu.memref_squeeze %dma_start3A_52 : memref<1x40x125xi32, #tpu.memory_space<hbm>> -> memref<40x125xi32, #tpu.memory_space<hbm>>
      %dma_start3A_54 = arith.constant 0 : i32
      %dma_start3A_55 = arith.constant 0 : i32
      %dma_start3A_56 = arith.constant 0 : i32
      %dma_start3A_57 = tpu.memref_slice %arg2[%add3A, %dma_start3A_54, %dma_start3A_55, %dma_start3A_56] : memref<32x2x40x125xi32, #tpu.memory_space<hbm>> -> memref<1x2x40x125xi32, #tpu.memory_space<hbm>>
      %dma_start3A_58 = tpu.memref_squeeze %dma_start3A_57 : memref<1x2x40x125xi32, #tpu.memory_space<hbm>> -> memref<2x40x125xi32, #tpu.memory_space<hbm>>
      %dma_start3A_59 = arith.constant 0 : i32
      %dma_start3A_60 = arith.constant 0 : i32
      %dma_start3A_61 = tpu.memref_slice %dma_start3A_58[%run_scoped3A_19, %dma_start3A_59, %dma_start3A_60] : memref<2x40x125xi32, #tpu.memory_space<hbm>> -> memref<1x40x125xi32, #tpu.memory_space<hbm>>
      %dma_start3A_62 = tpu.memref_squeeze %dma_start3A_61 : memref<1x40x125xi32, #tpu.memory_space<hbm>> -> memref<40x125xi32, #tpu.memory_space<hbm>>
      tpu.enqueue_dma source(%dma_start3A_62 : memref<40x125xi32, #tpu.memory_space<hbm>>) target(%arg8 : memref<40x125xi32, #tpu.memory_space<vmem>>) target_semaphore(%run_scoped3A_44 : memref<!tpu.dma_semaphore, #tpu.memory_space<semaphore_mem>>)
      %dma_wait3A = arith.constant 0 : i32
      %dma_wait3A_63 = arith.constant 0 : i32
      %dma_wait3A_64 = arith.constant 0 : i32
      %dma_wait3A_65 = tpu.memref_slice %arg2[%add3A, %dma_wait3A, %dma_wait3A_63, %dma_wait3A_64] : memref<32x2x40x125xi32, #tpu.memory_space<hbm>> -> memref<1x2x40x125xi32, #tpu.memory_space<hbm>>
      %dma_wait3A_66 = tpu.memref_squeeze %dma_wait3A_65 : memref<1x2x40x125xi32, #tpu.memory_space<hbm>> -> memref<2x40x125xi32, #tpu.memory_space<hbm>>
      %dma_wait3A_67 = arith.constant 0 : i32
      %dma_wait3A_68 = arith.constant 0 : i32
      %dma_wait3A_69 = tpu.memref_slice %dma_wait3A_66[%run_scoped3A_19, %dma_wait3A_67, %dma_wait3A_68] : memref<2x40x125xi32, #tpu.memory_space<hbm>> -> memref<1x40x125xi32, #tpu.memory_space<hbm>>
      %dma_wait3A_70 = tpu.memref_squeeze %dma_wait3A_69 : memref<1x40x125xi32, #tpu.memory_space<hbm>> -> memref<40x125xi32, #tpu.memory_space<hbm>>
      %dma_wait3A_71 = arith.constant 0 : i32
      %dma_wait3A_72 = arith.constant 0 : i32
      %dma_wait3A_73 = arith.constant 0 : i32
      %dma_wait3A_74 = tpu.memref_slice %arg2[%add3A, %dma_wait3A_71, %dma_wait3A_72, %dma_wait3A_73] : memref<32x2x40x125xi32, #tpu.memory_space<hbm>> -> memref<1x2x40x125xi32, #tpu.memory_space<hbm>>
      %dma_wait3A_75 = tpu.memref_squeeze %dma_wait3A_74 : memref<1x2x40x125xi32, #tpu.memory_space<hbm>> -> memref<2x40x125xi32, #tpu.memory_space<hbm>>
      %dma_wait3A_76 = arith.constant 0 : i32
      %dma_wait3A_77 = arith.constant 0 : i32
      %dma_wait3A_78 = tpu.memref_slice %dma_wait3A_75[%run_scoped3A_19, %dma_wait3A_76, %dma_wait3A_77] : memref<2x40x125xi32, #tpu.memory_space<hbm>> -> memref<1x40x125xi32, #tpu.memory_space<hbm>>
      %dma_wait3A_79 = tpu.memref_squeeze %dma_wait3A_78 : memref<1x40x125xi32, #tpu.memory_space<hbm>> -> memref<40x125xi32, #tpu.memory_space<hbm>>
      tpu.wait_dma2 semaphore(%run_scoped3A_44 : memref<!tpu.dma_semaphore, #tpu.memory_space<semaphore_mem>>) src(%dma_wait3A_79 : memref<40x125xi32, #tpu.memory_space<hbm>>) dst(%arg8 : memref<40x125xi32, #tpu.memory_space<vmem>>)
      tpu.yield
    }) : () -> ()
    %run_scoped3A_20 = arith.constant 1 : i32
    "tpu.region"() ({
      %run_scoped3A_44 = tpu.sem_alloc : memref<!tpu.dma_semaphore, #tpu.memory_space<semaphore_mem>>
      %dma_start3A_45 = arith.constant 0 : i32
      %dma_start3A_46 = arith.constant 0 : i32
      %dma_start3A_47 = arith.constant 0 : i32
      %dma_start3A_48 = tpu.memref_slice %arg3[%add3A, %dma_start3A_45, %dma_start3A_46, %dma_start3A_47] : memref<32x2x40x125xi32, #tpu.memory_space<hbm>> -> memref<1x2x40x125xi32, #tpu.memory_space<hbm>>
      %dma_start3A_49 = tpu.memref_squeeze %dma_start3A_48 : memref<1x2x40x125xi32, #tpu.memory_space<hbm>> -> memref<2x40x125xi32, #tpu.memory_space<hbm>>
      %dma_start3A_50 = arith.constant 0 : i32
      %dma_start3A_51 = arith.constant 0 : i32
      %dma_start3A_52 = tpu.memref_slice %dma_start3A_49[%run_scoped3A_20, %dma_start3A_50, %dma_start3A_51] : memref<2x40x125xi32, #tpu.memory_space<hbm>> -> memref<1x40x125xi32, #tpu.memory_space<hbm>>
      %dma_start3A_53 = tpu.memref_squeeze %dma_start3A_52 : memref<1x40x125xi32, #tpu.memory_space<hbm>> -> memref<40x125xi32, #tpu.memory_space<hbm>>
      %dma_start3A_54 = arith.constant 0 : i32
      %dma_start3A_55 = arith.constant 0 : i32
      %dma_start3A_56 = arith.constant 0 : i32
      %dma_start3A_57 = tpu.memref_slice %arg3[%add3A, %dma_start3A_54, %dma_start3A_55, %dma_start3A_56] : memref<32x2x40x125xi32, #tpu.memory_space<hbm>> -> memref<1x2x40x125xi32, #tpu.memory_space<hbm>>
      %dma_start3A_58 = tpu.memref_squeeze %dma_start3A_57 : memref<1x2x40x125xi32, #tpu.memory_space<hbm>> -> memref<2x40x125xi32, #tpu.memory_space<hbm>>
      %dma_start3A_59 = arith.constant 0 : i32
      %dma_start3A_60 = arith.constant 0 : i32
      %dma_start3A_61 = tpu.memref_slice %dma_start3A_58[%run_scoped3A_20, %dma_start3A_59, %dma_start3A_60] : memref<2x40x125xi32, #tpu.memory_space<hbm>> -> memref<1x40x125xi32, #tpu.memory_space<hbm>>
      %dma_start3A_62 = tpu.memref_squeeze %dma_start3A_61 : memref<1x40x125xi32, #tpu.memory_space<hbm>> -> memref<40x125xi32, #tpu.memory_space<hbm>>
      tpu.enqueue_dma source(%dma_start3A_62 : memref<40x125xi32, #tpu.memory_space<hbm>>) target(%arg9 : memref<40x125xi32, #tpu.memory_space<vmem>>) target_semaphore(%run_scoped3A_44 : memref<!tpu.dma_semaphore, #tpu.memory_space<semaphore_mem>>)
      %dma_wait3A = arith.constant 0 : i32
      %dma_wait3A_63 = arith.constant 0 : i32
      %dma_wait3A_64 = arith.constant 0 : i32
      %dma_wait3A_65 = tpu.memref_slice %arg3[%add3A, %dma_wait3A, %dma_wait3A_63, %dma_wait3A_64] : memref<32x2x40x125xi32, #tpu.memory_space<hbm>> -> memref<1x2x40x125xi32, #tpu.memory_space<hbm>>
      %dma_wait3A_66 = tpu.memref_squeeze %dma_wait3A_65 : memref<1x2x40x125xi32, #tpu.memory_space<hbm>> -> memref<2x40x125xi32, #tpu.memory_space<hbm>>
      %dma_wait3A_67 = arith.constant 0 : i32
      %dma_wait3A_68 = arith.constant 0 : i32
      %dma_wait3A_69 = tpu.memref_slice %dma_wait3A_66[%run_scoped3A_20, %dma_wait3A_67, %dma_wait3A_68] : memref<2x40x125xi32, #tpu.memory_space<hbm>> -> memref<1x40x125xi32, #tpu.memory_space<hbm>>
      %dma_wait3A_70 = tpu.memref_squeeze %dma_wait3A_69 : memref<1x40x125xi32, #tpu.memory_space<hbm>> -> memref<40x125xi32, #tpu.memory_space<hbm>>
      %dma_wait3A_71 = arith.constant 0 : i32
      %dma_wait3A_72 = arith.constant 0 : i32
      %dma_wait3A_73 = arith.constant 0 : i32
      %dma_wait3A_74 = tpu.memref_slice %arg3[%add3A, %dma_wait3A_71, %dma_wait3A_72, %dma_wait3A_73] : memref<32x2x40x125xi32, #tpu.memory_space<hbm>> -> memref<1x2x40x125xi32, #tpu.memory_space<hbm>>
      %dma_wait3A_75 = tpu.memref_squeeze %dma_wait3A_74 : memref<1x2x40x125xi32, #tpu.memory_space<hbm>> -> memref<2x40x125xi32, #tpu.memory_space<hbm>>
      %dma_wait3A_76 = arith.constant 0 : i32
      %dma_wait3A_77 = arith.constant 0 : i32
      %dma_wait3A_78 = tpu.memref_slice %dma_wait3A_75[%run_scoped3A_20, %dma_wait3A_76, %dma_wait3A_77] : memref<2x40x125xi32, #tpu.memory_space<hbm>> -> memref<1x40x125xi32, #tpu.memory_space<hbm>>
      %dma_wait3A_79 = tpu.memref_squeeze %dma_wait3A_78 : memref<1x40x125xi32, #tpu.memory_space<hbm>> -> memref<40x125xi32, #tpu.memory_space<hbm>>
      tpu.wait_dma2 semaphore(%run_scoped3A_44 : memref<!tpu.dma_semaphore, #tpu.memory_space<semaphore_mem>>) src(%dma_wait3A_79 : memref<40x125xi32, #tpu.memory_space<hbm>>) dst(%arg9 : memref<40x125xi32, #tpu.memory_space<vmem>>)
      tpu.yield
    }) : () -> ()
    %dma_start3A_21 = arith.constant 0 : i32
    %dma_start3A_22 = arith.constant 0 : i32
    %dma_start3A_23 = tpu.memref_slice %arg8[%dma_start3A_21, %dma_start3A_22] : memref<40x125xi32, #tpu.memory_space<vmem>> -> memref<1x125xi32, #tpu.memory_space<vmem>>
    %dma_start3A_24 = tpu.memref_squeeze %dma_start3A_23 : memref<1x125xi32, #tpu.memory_space<vmem>> -> memref<125xi32, #tpu.memory_space<vmem>>
    %dma_start3A_25 = arith.constant 0 : i32
    %dma_start3A_26 = arith.constant 0 : i32
    %dma_start3A_27 = tpu.memref_slice %arg4[%dma_start3A_25, %dma_start3A_26] : memref<10000x128xf32, #tpu.memory_space<hbm>> -> memref<10000x128xf32, #tpu.memory_space<hbm>>
    tpu.enqueue_indirect_dma source(%dma_start3A_27 : memref<10000x128xf32, #tpu.memory_space<hbm>>) target(%arg10 : memref<125x128xf32, #tpu.memory_space<vmem>>) offsets(%dma_start3A_24 : memref<125xi32, #tpu.memory_space<vmem>>) semaphore(%arg12 : memref<!tpu.dma_semaphore, #tpu.memory_space<semaphore_mem>>)
    %scan3A_28 = arith.constant 0 : i32
    %scan3A_29 = arith.constant 0 : i32
    %scan3A_30 = arith.constant 20 : i32
    %scan3A_31 = arith.addi %scan3A_29, %scan3A_30 : i32
    %scan3A_32 = arith.constant 1 : i32
    scf.for %scan3A_44 = %scan3A_29 to %scan3A_31 step %scan3A_32  : i32 {
      %mul3A_45 = arith.constant 2 : i32
      %mul3A_46 = arith.muli %mul3A_45, %scan3A_44 : i32
      %dma_wait3A = arith.constant 0 : i32
      %dma_wait3A_47 = tpu.memref_slice %arg8[%mul3A_46, %dma_wait3A] : memref<40x125xi32, #tpu.memory_space<vmem>> -> memref<1x125xi32, #tpu.memory_space<vmem>>
      %dma_wait3A_48 = tpu.memref_squeeze %dma_wait3A_47 : memref<1x125xi32, #tpu.memory_space<vmem>> -> memref<125xi32, #tpu.memory_space<vmem>>
      %dma_wait3A_49 = arith.constant 0 : i32
      %dma_wait3A_50 = arith.constant 0 : i32
      %dma_wait3A_51 = tpu.memref_slice %arg4[%dma_wait3A_49, %dma_wait3A_50] : memref<10000x128xf32, #tpu.memory_space<hbm>> -> memref<10000x128xf32, #tpu.memory_space<hbm>>
      tpu.wait_indirect_dma semaphore(%arg12 : memref<!tpu.dma_semaphore, #tpu.memory_space<semaphore_mem>>) src(%dma_wait3A_51 : memref<10000x128xf32, #tpu.memory_space<hbm>>) dst(%arg10 : memref<125x128xf32, #tpu.memory_space<vmem>>)
      %add3A_52 = arith.constant 1 : i32
      %add3A_53 = arith.addi %mul3A_46, %add3A_52 : i32
      %dma_start3A_54 = arith.constant 0 : i32
      %dma_start3A_55 = tpu.memref_slice %arg8[%add3A_53, %dma_start3A_54] : memref<40x125xi32, #tpu.memory_space<vmem>> -> memref<1x125xi32, #tpu.memory_space<vmem>>
      %dma_start3A_56 = tpu.memref_squeeze %dma_start3A_55 : memref<1x125xi32, #tpu.memory_space<vmem>> -> memref<125xi32, #tpu.memory_space<vmem>>
      %dma_start3A_57 = arith.constant 0 : i32
      %dma_start3A_58 = arith.constant 0 : i32
      %dma_start3A_59 = tpu.memref_slice %arg4[%dma_start3A_57, %dma_start3A_58] : memref<10000x128xf32, #tpu.memory_space<hbm>> -> memref<10000x128xf32, #tpu.memory_space<hbm>>
      tpu.enqueue_indirect_dma source(%dma_start3A_59 : memref<10000x128xf32, #tpu.memory_space<hbm>>) target(%arg11 : memref<125x128xf32, #tpu.memory_space<vmem>>) offsets(%dma_start3A_56 : memref<125xi32, #tpu.memory_space<vmem>>) semaphore(%arg13 : memref<!tpu.dma_semaphore, #tpu.memory_space<semaphore_mem>>)
      "tpu.region"() ({
        %run_scoped3A_74 = tpu.sem_alloc : memref<!tpu.dma_semaphore, #tpu.memory_space<semaphore_mem>>
        %dma_start3A_75 = arith.constant 0 : i32
        %dma_start3A_76 = tpu.memref_slice %arg9[%mul3A_46, %dma_start3A_75] : memref<40x125xi32, #tpu.memory_space<vmem>> -> memref<1x125xi32, #tpu.memory_space<vmem>>
        %dma_start3A_77 = tpu.memref_squeeze %dma_start3A_76 : memref<1x125xi32, #tpu.memory_space<vmem>> -> memref<125xi32, #tpu.memory_space<vmem>>
        %dma_start3A_78 = arith.constant 0 : i32
        %dma_start3A_79 = arith.constant 0 : i32
        %dma_start3A_80 = tpu.memref_slice %arg7[%dma_start3A_78, %dma_start3A_79] : memref<10000x128xf32, #tpu.memory_space<vmem_shared>> -> memref<10000x128xf32, #tpu.memory_space<vmem_shared>>
        tpu.enqueue_indirect_dma source(%arg10 : memref<125x128xf32, #tpu.memory_space<vmem>>) target(%dma_start3A_80 : memref<10000x128xf32, #tpu.memory_space<vmem_shared>>) offsets(%dma_start3A_77 : memref<125xi32, #tpu.memory_space<vmem>>) semaphore(%run_scoped3A_74 : memref<!tpu.dma_semaphore, #tpu.memory_space<semaphore_mem>>) {add = true}
        %dma_wait3A_81 = arith.constant 0 : i32
        %dma_wait3A_82 = tpu.memref_slice %arg9[%mul3A_46, %dma_wait3A_81] : memref<40x125xi32, #tpu.memory_space<vmem>> -> memref<1x125xi32, #tpu.memory_space<vmem>>
        %dma_wait3A_83 = tpu.memref_squeeze %dma_wait3A_82 : memref<1x125xi32, #tpu.memory_space<vmem>> -> memref<125xi32, #tpu.memory_space<vmem>>
        %dma_wait3A_84 = arith.constant 0 : i32
        %dma_wait3A_85 = arith.constant 0 : i32
        %dma_wait3A_86 = tpu.memref_slice %arg7[%dma_wait3A_84, %dma_wait3A_85] : memref<10000x128xf32, #tpu.memory_space<vmem_shared>> -> memref<10000x128xf32, #tpu.memory_space<vmem_shared>>
        tpu.wait_indirect_dma semaphore(%run_scoped3A_74 : memref<!tpu.dma_semaphore, #tpu.memory_space<semaphore_mem>>) src(%arg10 : memref<125x128xf32, #tpu.memory_space<vmem>>) dst(%dma_wait3A_86 : memref<10000x128xf32, #tpu.memory_space<vmem_shared>>)
        tpu.yield
      }) : () -> ()
      %add3A_60 = arith.constant 1 : i32
      %add3A_61 = arith.addi %mul3A_46, %add3A_60 : i32
      %dma_wait3A_62 = arith.constant 0 : i32
      %dma_wait3A_63 = tpu.memref_slice %arg8[%add3A_61, %dma_wait3A_62] : memref<40x125xi32, #tpu.memory_space<vmem>> -> memref<1x125xi32, #tpu.memory_space<vmem>>
      %dma_wait3A_64 = tpu.memref_squeeze %dma_wait3A_63 : memref<1x125xi32, #tpu.memory_space<vmem>> -> memref<125xi32, #tpu.memory_space<vmem>>
      %dma_wait3A_65 = arith.constant 0 : i32
      %dma_wait3A_66 = arith.constant 0 : i32
      %dma_wait3A_67 = tpu.memref_slice %arg4[%dma_wait3A_65, %dma_wait3A_66] : memref<10000x128xf32, #tpu.memory_space<hbm>> -> memref<10000x128xf32, #tpu.memory_space<hbm>>
      tpu.wait_indirect_dma semaphore(%arg13 : memref<!tpu.dma_semaphore, #tpu.memory_space<semaphore_mem>>) src(%dma_wait3A_67 : memref<10000x128xf32, #tpu.memory_space<hbm>>) dst(%arg11 : memref<125x128xf32, #tpu.memory_space<vmem>>)
      %lt3A = arith.constant 19 : i32
      %lt3A_68 = arith.cmpi slt, %scan3A_44, %lt3A : i32
      %convert_element_type3A_69 = arith.extui %lt3A_68 : i1 to i32
      %cond3A_70 = arith.constant 0 : i32
      %cond3A_71 = arith.cmpi ne, %convert_element_type3A_69, %cond3A_70 : i32
      scf.if %cond3A_71 {
        %add3A_74 = arith.constant 2 : i32
        %add3A_75 = arith.addi %mul3A_46, %add3A_74 : i32
        %dma_start3A_76 = arith.constant 0 : i32
        %dma_start3A_77 = tpu.memref_slice %arg8[%add3A_75, %dma_start3A_76] : memref<40x125xi32, #tpu.memory_space<vmem>> -> memref<1x125xi32, #tpu.memory_space<vmem>>
        %dma_start3A_78 = tpu.memref_squeeze %dma_start3A_77 : memref<1x125xi32, #tpu.memory_space<vmem>> -> memref<125xi32, #tpu.memory_space<vmem>>
        %dma_start3A_79 = arith.constant 0 : i32
        %dma_start3A_80 = arith.constant 0 : i32
        %dma_start3A_81 = tpu.memref_slice %arg4[%dma_start3A_79, %dma_start3A_80] : memref<10000x128xf32, #tpu.memory_space<hbm>> -> memref<10000x128xf32, #tpu.memory_space<hbm>>
        tpu.enqueue_indirect_dma source(%dma_start3A_81 : memref<10000x128xf32, #tpu.memory_space<hbm>>) target(%arg10 : memref<125x128xf32, #tpu.memory_space<vmem>>) offsets(%dma_start3A_78 : memref<125xi32, #tpu.memory_space<vmem>>) semaphore(%arg12 : memref<!tpu.dma_semaphore, #tpu.memory_space<semaphore_mem>>)
      } else {
      }
      %add3A_72 = arith.constant 1 : i32
      %add3A_73 = arith.addi %mul3A_46, %add3A_72 : i32
      "tpu.region"() ({
        %run_scoped3A_74 = tpu.sem_alloc : memref<!tpu.dma_semaphore, #tpu.memory_space<semaphore_mem>>
        %dma_start3A_75 = arith.constant 0 : i32
        %dma_start3A_76 = tpu.memref_slice %arg9[%add3A_73, %dma_start3A_75] : memref<40x125xi32, #tpu.memory_space<vmem>> -> memref<1x125xi32, #tpu.memory_space<vmem>>
        %dma_start3A_77 = tpu.memref_squeeze %dma_start3A_76 : memref<1x125xi32, #tpu.memory_space<vmem>> -> memref<125xi32, #tpu.memory_space<vmem>>
        %dma_start3A_78 = arith.constant 0 : i32
        %dma_start3A_79 = arith.constant 0 : i32
        %dma_start3A_80 = tpu.memref_slice %arg7[%dma_start3A_78, %dma_start3A_79] : memref<10000x128xf32, #tpu.memory_space<vmem_shared>> -> memref<10000x128xf32, #tpu.memory_space<vmem_shared>>
        tpu.enqueue_indirect_dma source(%arg11 : memref<125x128xf32, #tpu.memory_space<vmem>>) target(%dma_start3A_80 : memref<10000x128xf32, #tpu.memory_space<vmem_shared>>) offsets(%dma_start3A_77 : memref<125xi32, #tpu.memory_space<vmem>>) semaphore(%run_scoped3A_74 : memref<!tpu.dma_semaphore, #tpu.memory_space<semaphore_mem>>) {add = true}
        %dma_wait3A_81 = arith.constant 0 : i32
        %dma_wait3A_82 = tpu.memref_slice %arg9[%add3A_73, %dma_wait3A_81] : memref<40x125xi32, #tpu.memory_space<vmem>> -> memref<1x125xi32, #tpu.memory_space<vmem>>
        %dma_wait3A_83 = tpu.memref_squeeze %dma_wait3A_82 : memref<1x125xi32, #tpu.memory_space<vmem>> -> memref<125xi32, #tpu.memory_space<vmem>>
        %dma_wait3A_84 = arith.constant 0 : i32
        %dma_wait3A_85 = arith.constant 0 : i32
        %dma_wait3A_86 = tpu.memref_slice %arg7[%dma_wait3A_84, %dma_wait3A_85] : memref<10000x128xf32, #tpu.memory_space<vmem_shared>> -> memref<10000x128xf32, #tpu.memory_space<vmem_shared>>
        tpu.wait_indirect_dma semaphore(%run_scoped3A_74 : memref<!tpu.dma_semaphore, #tpu.memory_space<semaphore_mem>>) src(%arg11 : memref<125x128xf32, #tpu.memory_space<vmem>>) dst(%dma_wait3A_86 : memref<10000x128xf32, #tpu.memory_space<vmem_shared>>)
        tpu.yield
      }) : () -> ()
    }
    %scan3A_33 = arith.constant 20 : i32
    %barrier3A_34 = arith.constant 0 : index
    tpu.barrier barrier_id(%barrier3A_34)
    %mul3A_35 = arith.constant 624 : i32
    %mul3A_36 = arith.muli %arg1, %mul3A_35 : i32
    %mul3A_37 = arith.constant 624 : i32
    %mul3A_38 = arith.muli %arg1, %mul3A_37 : i32
    "tpu.region"() ({
      %run_scoped3A_44 = tpu.sem_alloc : memref<!tpu.dma_semaphore, #tpu.memory_space<semaphore_mem>>
      %dma_start3A_45 = arith.constant 0 : i32
      %dma_start3A_46 = arith.constant 0 : i32
      %dma_start3A_47 = tpu.memref_slice %arg6[%arg0, %dma_start3A_45, %dma_start3A_46] : memref<2x10000x128xf32, #tpu.memory_space<hbm>> -> memref<1x10000x128xf32, #tpu.memory_space<hbm>>
      %dma_start3A_48 = tpu.memref_squeeze %dma_start3A_47 : memref<1x10000x128xf32, #tpu.memory_space<hbm>> -> memref<10000x128xf32, #tpu.memory_space<hbm>>
      %dma_start3A_49 = arith.constant 0 : i32
      %dma_start3A_50 = tpu.memref_slice %dma_start3A_48[%mul3A_38, %dma_start3A_49] : memref<10000x128xf32, #tpu.memory_space<hbm>> -> memref<624x128xf32, #tpu.memory_space<hbm>>
      %dma_start3A_51 = arith.constant 0 : i32
      %dma_start3A_52 = tpu.memref_slice %arg7[%mul3A_36, %dma_start3A_51] : memref<10000x128xf32, #tpu.memory_space<vmem_shared>> -> memref<624x128xf32, #tpu.memory_space<vmem_shared>>
      tpu.enqueue_dma source(%dma_start3A_52 : memref<624x128xf32, #tpu.memory_space<vmem_shared>>) target(%dma_start3A_50 : memref<624x128xf32, #tpu.memory_space<hbm>>) target_semaphore(%run_scoped3A_44 : memref<!tpu.dma_semaphore, #tpu.memory_space<semaphore_mem>>)
      %dma_wait3A = arith.constant 0 : i32
      %dma_wait3A_53 = arith.constant 0 : i32
      %dma_wait3A_54 = tpu.memref_slice %arg6[%arg0, %dma_wait3A, %dma_wait3A_53] : memref<2x10000x128xf32, #tpu.memory_space<hbm>> -> memref<1x10000x128xf32, #tpu.memory_space<hbm>>
      %dma_wait3A_55 = tpu.memref_squeeze %dma_wait3A_54 : memref<1x10000x128xf32, #tpu.memory_space<hbm>> -> memref<10000x128xf32, #tpu.memory_space<hbm>>
      %dma_wait3A_56 = arith.constant 0 : i32
      %dma_wait3A_57 = tpu.memref_slice %dma_wait3A_55[%mul3A_38, %dma_wait3A_56] : memref<10000x128xf32, #tpu.memory_space<hbm>> -> memref<624x128xf32, #tpu.memory_space<hbm>>
      %dma_wait3A_58 = arith.constant 0 : i32
      %dma_wait3A_59 = tpu.memref_slice %arg7[%mul3A_36, %dma_wait3A_58] : memref<10000x128xf32, #tpu.memory_space<vmem_shared>> -> memref<624x128xf32, #tpu.memory_space<vmem_shared>>
      tpu.wait_dma2 semaphore(%run_scoped3A_44 : memref<!tpu.dma_semaphore, #tpu.memory_space<semaphore_mem>>) src(%dma_wait3A_59 : memref<624x128xf32, #tpu.memory_space<vmem_shared>>) dst(%dma_wait3A_57 : memref<624x128xf32, #tpu.memory_space<hbm>>)
      tpu.yield
    }) : () -> ()
    %eq3A_39 = arith.constant 15 : i32
    %eq3A_40 = arith.cmpi eq, %arg1, %eq3A_39 : i32
    %convert_element_type3A_41 = arith.extui %eq3A_40 : i1 to i32
    %cond3A_42 = arith.constant 0 : i32
    %cond3A_43 = arith.cmpi ne, %convert_element_type3A_41, %cond3A_42 : i32
    scf.if %cond3A_43 {
      "tpu.region"() ({
        %run_scoped3A_44 = tpu.sem_alloc : memref<!tpu.dma_semaphore, #tpu.memory_space<semaphore_mem>>
        %dma_start3A_45 = arith.constant 0 : i32
        %dma_start3A_46 = arith.constant 0 : i32
        %dma_start3A_47 = tpu.memref_slice %arg6[%arg0, %dma_start3A_45, %dma_start3A_46] : memref<2x10000x128xf32, #tpu.memory_space<hbm>> -> memref<1x10000x128xf32, #tpu.memory_space<hbm>>
        %dma_start3A_48 = tpu.memref_squeeze %dma_start3A_47 : memref<1x10000x128xf32, #tpu.memory_space<hbm>> -> memref<10000x128xf32, #tpu.memory_space<hbm>>
        %dma_start3A_49 = arith.constant 9984 : i32
        %dma_start3A_50 = arith.constant 0 : i32
        %dma_start3A_51 = tpu.memref_slice %dma_start3A_48[%dma_start3A_49, %dma_start3A_50] : memref<10000x128xf32, #tpu.memory_space<hbm>> -> memref<16x128xf32, #tpu.memory_space<hbm>>
        %dma_start3A_52 = arith.constant 9984 : i32
        %dma_start3A_53 = arith.constant 0 : i32
        %dma_start3A_54 = tpu.memref_slice %arg7[%dma_start3A_52, %dma_start3A_53] : memref<10000x128xf32, #tpu.memory_space<vmem_shared>> -> memref<16x128xf32, #tpu.memory_space<vmem_shared>>
        tpu.enqueue_dma source(%dma_start3A_54 : memref<16x128xf32, #tpu.memory_space<vmem_shared>>) target(%dma_start3A_51 : memref<16x128xf32, #tpu.memory_space<hbm>>) target_semaphore(%run_scoped3A_44 : memref<!tpu.dma_semaphore, #tpu.memory_space<semaphore_mem>>)
        %dma_wait3A = arith.constant 0 : i32
        %dma_wait3A_55 = arith.constant 0 : i32
        %dma_wait3A_56 = tpu.memref_slice %arg6[%arg0, %dma_wait3A, %dma_wait3A_55] : memref<2x10000x128xf32, #tpu.memory_space<hbm>> -> memref<1x10000x128xf32, #tpu.memory_space<hbm>>
        %dma_wait3A_57 = tpu.memref_squeeze %dma_wait3A_56 : memref<1x10000x128xf32, #tpu.memory_space<hbm>> -> memref<10000x128xf32, #tpu.memory_space<hbm>>
        %dma_wait3A_58 = arith.constant 9984 : i32
        %dma_wait3A_59 = arith.constant 0 : i32
        %dma_wait3A_60 = tpu.memref_slice %dma_wait3A_57[%dma_wait3A_58, %dma_wait3A_59] : memref<10000x128xf32, #tpu.memory_space<hbm>> -> memref<16x128xf32, #tpu.memory_space<hbm>>
        %dma_wait3A_61 = arith.constant 9984 : i32
        %dma_wait3A_62 = arith.constant 0 : i32
        %dma_wait3A_63 = tpu.memref_slice %arg7[%dma_wait3A_61, %dma_wait3A_62] : memref<10000x128xf32, #tpu.memory_space<vmem_shared>> -> memref<16x128xf32, #tpu.memory_space<vmem_shared>>
        tpu.wait_dma2 semaphore(%run_scoped3A_44 : memref<!tpu.dma_semaphore, #tpu.memory_space<semaphore_mem>>) src(%dma_wait3A_63 : memref<16x128xf32, #tpu.memory_space<vmem_shared>>) dst(%dma_wait3A_60 : memref<16x128xf32, #tpu.memory_space<hbm>>)
        tpu.yield
      }) : () -> ()
    } else {
    }
    return
  }
}

#map = affine_map<(d0, d1) -> (0, 0, 0, 0)>
#map1 = affine_map<(d0, d1) -> (0, 0)>
#map2 = affine_map<(d0, d1) -> (0, 0, 0)>
module attributes {stable_mosaic.version = 14 : i64} {
  func.func @_sc_prop_body(%arg0: i32, %arg1: i32, %arg2: memref<32x2x40x125xi32, #tpu.memory_space<hbm>>, %arg3: memref<32x2x40x125xi32, #tpu.memory_space<hbm>>, %arg4: memref<10000x128xf32, #tpu.memory_space<hbm>>, %arg5: memref<10000x128xf32, #tpu.memory_space<hbm>>, %arg6: memref<2x10000x128xf32, #tpu.memory_space<hbm>>, %arg7: memref<10000x128xf32, #tpu.memory_space<vmem_shared>>, %arg8: memref<40x125xi32, #tpu.memory_space<vmem>>, %arg9: memref<40x125xi32, #tpu.memory_space<vmem>>, %arg10: memref<125x128xf32, #tpu.memory_space<vmem>>, %arg11: memref<125x128xf32, #tpu.memory_space<vmem>>, %arg12: memref<!tpu.dma_semaphore, #tpu.memory_space<semaphore_mem>>, %arg13: memref<!tpu.dma_semaphore, #tpu.memory_space<semaphore_mem>>) attributes {dimension_semantics = [#tpu.dimension_semantics<core_parallel>, #tpu.dimension_semantics<subcore_parallel>], iteration_bounds = array<i64: 2, 16>, scalar_prefetch = 0 : i64, scratch_operands = 7 : i64, tpu.core_type = #tpu.core_type<sc_vector_subcore>, window_params = [{transform_indices = #map}, {transform_indices = #map}, {transform_indices = #map1}, {transform_indices = #map1}, {transform_indices = #map2}]} {
    %mul3A = arith.constant 624 : i32
    %mul3A_0 = arith.muli %arg1, %mul3A : i32
    %mul3A_1 = arith.constant 624 : i32
    %mul3A_2 = arith.muli %arg1, %mul3A_1 : i32
    "tpu.region"() ({
      %run_scoped3A_44 = tpu.sem_alloc : memref<!tpu.dma_semaphore, #tpu.memory_space<semaphore_mem>>
      %dma_start3A_45 = arith.constant 0 : i32
      %dma_start3A_46 = tpu.memref_slice %arg7[%mul3A_2, %dma_start3A_45] : memref<10000x128xf32, #tpu.memory_space<vmem_shared>> -> memref<624x128xf32, #tpu.memory_space<vmem_shared>>
      %dma_start3A_47 = arith.constant 0 : i32
      %dma_start3A_48 = tpu.memref_slice %arg5[%mul3A_0, %dma_start3A_47] : memref<10000x128xf32, #tpu.memory_space<hbm>> -> memref<624x128xf32, #tpu.memory_space<hbm>>
      tpu.enqueue_dma source(%dma_start3A_48 : memref<624x128xf32, #tpu.memory_space<hbm>>) target(%dma_start3A_46 : memref<624x128xf32, #tpu.memory_space<vmem_shared>>) target_semaphore(%run_scoped3A_44 : memref<!tpu.dma_semaphore, #tpu.memory_space<semaphore_mem>>)
      %dma_wait3A = arith.constant 0 : i32
      %dma_wait3A_49 = tpu.memref_slice %arg7[%mul3A_2, %dma_wait3A] : memref<10000x128xf32, #tpu.memory_space<vmem_shared>> -> memref<624x128xf32, #tpu.memory_space<vmem_shared>>
      %dma_wait3A_50 = arith.constant 0 : i32
      %dma_wait3A_51 = tpu.memref_slice %arg5[%mul3A_0, %dma_wait3A_50] : memref<10000x128xf32, #tpu.memory_space<hbm>> -> memref<624x128xf32, #tpu.memory_space<hbm>>
      tpu.wait_dma2 semaphore(%run_scoped3A_44 : memref<!tpu.dma_semaphore, #tpu.memory_space<semaphore_mem>>) src(%dma_wait3A_51 : memref<624x128xf32, #tpu.memory_space<hbm>>) dst(%dma_wait3A_49 : memref<624x128xf32, #tpu.memory_space<vmem_shared>>)
      tpu.yield
    }) : () -> ()
    %eq3A = arith.constant 15 : i32
    %eq3A_3 = arith.cmpi eq, %arg1, %eq3A : i32
    %convert_element_type3A = arith.extui %eq3A_3 : i1 to i32
    %cond3A = arith.constant 0 : i32
    %cond3A_4 = arith.cmpi ne, %convert_element_type3A, %cond3A : i32
    scf.if %cond3A_4 {
      "tpu.region"() ({
        %run_scoped3A_44 = tpu.sem_alloc : memref<!tpu.dma_semaphore, #tpu.memory_space<semaphore_mem>>
        %dma_start3A_45 = arith.constant 9984 : i32
        %dma_start3A_46 = arith.constant 0 : i32
        %dma_start3A_47 = tpu.memref_slice %arg7[%dma_start3A_45, %dma_start3A_46] : memref<10000x128xf32, #tpu.memory_space<vmem_shared>> -> memref<16x128xf32, #tpu.memory_space<vmem_shared>>
        %dma_start3A_48 = arith.constant 9984 : i32
        %dma_start3A_49 = arith.constant 0 : i32
        %dma_start3A_50 = tpu.memref_slice %arg5[%dma_start3A_48, %dma_start3A_49] : memref<10000x128xf32, #tpu.memory_space<hbm>> -> memref<16x128xf32, #tpu.memory_space<hbm>>
        tpu.enqueue_dma source(%dma_start3A_50 : memref<16x128xf32, #tpu.memory_space<hbm>>) target(%dma_start3A_47 : memref<16x128xf32, #tpu.memory_space<vmem_shared>>) target_semaphore(%run_scoped3A_44 : memref<!tpu.dma_semaphore, #tpu.memory_space<semaphore_mem>>)
        %dma_wait3A = arith.constant 9984 : i32
        %dma_wait3A_51 = arith.constant 0 : i32
        %dma_wait3A_52 = tpu.memref_slice %arg7[%dma_wait3A, %dma_wait3A_51] : memref<10000x128xf32, #tpu.memory_space<vmem_shared>> -> memref<16x128xf32, #tpu.memory_space<vmem_shared>>
        %dma_wait3A_53 = arith.constant 9984 : i32
        %dma_wait3A_54 = arith.constant 0 : i32
        %dma_wait3A_55 = tpu.memref_slice %arg5[%dma_wait3A_53, %dma_wait3A_54] : memref<10000x128xf32, #tpu.memory_space<hbm>> -> memref<16x128xf32, #tpu.memory_space<hbm>>
        tpu.wait_dma2 semaphore(%run_scoped3A_44 : memref<!tpu.dma_semaphore, #tpu.memory_space<semaphore_mem>>) src(%dma_wait3A_55 : memref<16x128xf32, #tpu.memory_space<hbm>>) dst(%dma_wait3A_52 : memref<16x128xf32, #tpu.memory_space<vmem_shared>>)
        tpu.yield
      }) : () -> ()
    } else {
    }
    %barrier3A = arith.constant 0 : index
    tpu.barrier barrier_id(%barrier3A)
    %mul3A_5 = arith.constant 16 : i32
    %mul3A_6 = arith.muli %arg0, %mul3A_5 : i32
    %add3A = arith.addi %mul3A_6, %arg1 : i32
    %run_scoped3A = arith.constant 0 : i32
    "tpu.region"() ({
      %run_scoped3A_44 = tpu.sem_alloc : memref<!tpu.dma_semaphore, #tpu.memory_space<semaphore_mem>>
      %dma_start3A_45 = arith.constant 0 : i32
      %dma_start3A_46 = arith.constant 0 : i32
      %dma_start3A_47 = arith.constant 0 : i32
      %dma_start3A_48 = tpu.memref_slice %arg2[%add3A, %dma_start3A_45, %dma_start3A_46, %dma_start3A_47] : memref<32x2x40x125xi32, #tpu.memory_space<hbm>> -> memref<1x2x40x125xi32, #tpu.memory_space<hbm>>
      %dma_start3A_49 = tpu.memref_squeeze %dma_start3A_48 : memref<1x2x40x125xi32, #tpu.memory_space<hbm>> -> memref<2x40x125xi32, #tpu.memory_space<hbm>>
      %dma_start3A_50 = arith.constant 0 : i32
      %dma_start3A_51 = arith.constant 0 : i32
      %dma_start3A_52 = tpu.memref_slice %dma_start3A_49[%run_scoped3A, %dma_start3A_50, %dma_start3A_51] : memref<2x40x125xi32, #tpu.memory_space<hbm>> -> memref<1x40x125xi32, #tpu.memory_space<hbm>>
      %dma_start3A_53 = tpu.memref_squeeze %dma_start3A_52 : memref<1x40x125xi32, #tpu.memory_space<hbm>> -> memref<40x125xi32, #tpu.memory_space<hbm>>
      %dma_start3A_54 = arith.constant 0 : i32
      %dma_start3A_55 = arith.constant 0 : i32
      %dma_start3A_56 = arith.constant 0 : i32
      %dma_start3A_57 = tpu.memref_slice %arg2[%add3A, %dma_start3A_54, %dma_start3A_55, %dma_start3A_56] : memref<32x2x40x125xi32, #tpu.memory_space<hbm>> -> memref<1x2x40x125xi32, #tpu.memory_space<hbm>>
      %dma_start3A_58 = tpu.memref_squeeze %dma_start3A_57 : memref<1x2x40x125xi32, #tpu.memory_space<hbm>> -> memref<2x40x125xi32, #tpu.memory_space<hbm>>
      %dma_start3A_59 = arith.constant 0 : i32
      %dma_start3A_60 = arith.constant 0 : i32
      %dma_start3A_61 = tpu.memref_slice %dma_start3A_58[%run_scoped3A, %dma_start3A_59, %dma_start3A_60] : memref<2x40x125xi32, #tpu.memory_space<hbm>> -> memref<1x40x125xi32, #tpu.memory_space<hbm>>
      %dma_start3A_62 = tpu.memref_squeeze %dma_start3A_61 : memref<1x40x125xi32, #tpu.memory_space<hbm>> -> memref<40x125xi32, #tpu.memory_space<hbm>>
      tpu.enqueue_dma source(%dma_start3A_62 : memref<40x125xi32, #tpu.memory_space<hbm>>) target(%arg8 : memref<40x125xi32, #tpu.memory_space<vmem>>) target_semaphore(%run_scoped3A_44 : memref<!tpu.dma_semaphore, #tpu.memory_space<semaphore_mem>>)
      %dma_wait3A = arith.constant 0 : i32
      %dma_wait3A_63 = arith.constant 0 : i32
      %dma_wait3A_64 = arith.constant 0 : i32
      %dma_wait3A_65 = tpu.memref_slice %arg2[%add3A, %dma_wait3A, %dma_wait3A_63, %dma_wait3A_64] : memref<32x2x40x125xi32, #tpu.memory_space<hbm>> -> memref<1x2x40x125xi32, #tpu.memory_space<hbm>>
      %dma_wait3A_66 = tpu.memref_squeeze %dma_wait3A_65 : memref<1x2x40x125xi32, #tpu.memory_space<hbm>> -> memref<2x40x125xi32, #tpu.memory_space<hbm>>
      %dma_wait3A_67 = arith.constant 0 : i32
      %dma_wait3A_68 = arith.constant 0 : i32
      %dma_wait3A_69 = tpu.memref_slice %dma_wait3A_66[%run_scoped3A, %dma_wait3A_67, %dma_wait3A_68] : memref<2x40x125xi32, #tpu.memory_space<hbm>> -> memref<1x40x125xi32, #tpu.memory_space<hbm>>
      %dma_wait3A_70 = tpu.memref_squeeze %dma_wait3A_69 : memref<1x40x125xi32, #tpu.memory_space<hbm>> -> memref<40x125xi32, #tpu.memory_space<hbm>>
      %dma_wait3A_71 = arith.constant 0 : i32
      %dma_wait3A_72 = arith.constant 0 : i32
      %dma_wait3A_73 = arith.constant 0 : i32
      %dma_wait3A_74 = tpu.memref_slice %arg2[%add3A, %dma_wait3A_71, %dma_wait3A_72, %dma_wait3A_73] : memref<32x2x40x125xi32, #tpu.memory_space<hbm>> -> memref<1x2x40x125xi32, #tpu.memory_space<hbm>>
      %dma_wait3A_75 = tpu.memref_squeeze %dma_wait3A_74 : memref<1x2x40x125xi32, #tpu.memory_space<hbm>> -> memref<2x40x125xi32, #tpu.memory_space<hbm>>
      %dma_wait3A_76 = arith.constant 0 : i32
      %dma_wait3A_77 = arith.constant 0 : i32
      %dma_wait3A_78 = tpu.memref_slice %dma_wait3A_75[%run_scoped3A, %dma_wait3A_76, %dma_wait3A_77] : memref<2x40x125xi32, #tpu.memory_space<hbm>> -> memref<1x40x125xi32, #tpu.memory_space<hbm>>
      %dma_wait3A_79 = tpu.memref_squeeze %dma_wait3A_78 : memref<1x40x125xi32, #tpu.memory_space<hbm>> -> memref<40x125xi32, #tpu.memory_space<hbm>>
      tpu.wait_dma2 semaphore(%run_scoped3A_44 : memref<!tpu.dma_semaphore, #tpu.memory_space<semaphore_mem>>) src(%dma_wait3A_79 : memref<40x125xi32, #tpu.memory_space<hbm>>) dst(%arg8 : memref<40x125xi32, #tpu.memory_space<vmem>>)
      tpu.yield
    }) : () -> ()
    %run_scoped3A_7 = arith.constant 0 : i32
    "tpu.region"() ({
      %run_scoped3A_44 = tpu.sem_alloc : memref<!tpu.dma_semaphore, #tpu.memory_space<semaphore_mem>>
      %dma_start3A_45 = arith.constant 0 : i32
      %dma_start3A_46 = arith.constant 0 : i32
      %dma_start3A_47 = arith.constant 0 : i32
      %dma_start3A_48 = tpu.memref_slice %arg3[%add3A, %dma_start3A_45, %dma_start3A_46, %dma_start3A_47] : memref<32x2x40x125xi32, #tpu.memory_space<hbm>> -> memref<1x2x40x125xi32, #tpu.memory_space<hbm>>
      %dma_start3A_49 = tpu.memref_squeeze %dma_start3A_48 : memref<1x2x40x125xi32, #tpu.memory_space<hbm>> -> memref<2x40x125xi32, #tpu.memory_space<hbm>>
      %dma_start3A_50 = arith.constant 0 : i32
      %dma_start3A_51 = arith.constant 0 : i32
      %dma_start3A_52 = tpu.memref_slice %dma_start3A_49[%run_scoped3A_7, %dma_start3A_50, %dma_start3A_51] : memref<2x40x125xi32, #tpu.memory_space<hbm>> -> memref<1x40x125xi32, #tpu.memory_space<hbm>>
      %dma_start3A_53 = tpu.memref_squeeze %dma_start3A_52 : memref<1x40x125xi32, #tpu.memory_space<hbm>> -> memref<40x125xi32, #tpu.memory_space<hbm>>
      %dma_start3A_54 = arith.constant 0 : i32
      %dma_start3A_55 = arith.constant 0 : i32
      %dma_start3A_56 = arith.constant 0 : i32
      %dma_start3A_57 = tpu.memref_slice %arg3[%add3A, %dma_start3A_54, %dma_start3A_55, %dma_start3A_56] : memref<32x2x40x125xi32, #tpu.memory_space<hbm>> -> memref<1x2x40x125xi32, #tpu.memory_space<hbm>>
      %dma_start3A_58 = tpu.memref_squeeze %dma_start3A_57 : memref<1x2x40x125xi32, #tpu.memory_space<hbm>> -> memref<2x40x125xi32, #tpu.memory_space<hbm>>
      %dma_start3A_59 = arith.constant 0 : i32
      %dma_start3A_60 = arith.constant 0 : i32
      %dma_start3A_61 = tpu.memref_slice %dma_start3A_58[%run_scoped3A_7, %dma_start3A_59, %dma_start3A_60] : memref<2x40x125xi32, #tpu.memory_space<hbm>> -> memref<1x40x125xi32, #tpu.memory_space<hbm>>
      %dma_start3A_62 = tpu.memref_squeeze %dma_start3A_61 : memref<1x40x125xi32, #tpu.memory_space<hbm>> -> memref<40x125xi32, #tpu.memory_space<hbm>>
      tpu.enqueue_dma source(%dma_start3A_62 : memref<40x125xi32, #tpu.memory_space<hbm>>) target(%arg9 : memref<40x125xi32, #tpu.memory_space<vmem>>) target_semaphore(%run_scoped3A_44 : memref<!tpu.dma_semaphore, #tpu.memory_space<semaphore_mem>>)
      %dma_wait3A = arith.constant 0 : i32
      %dma_wait3A_63 = arith.constant 0 : i32
      %dma_wait3A_64 = arith.constant 0 : i32
      %dma_wait3A_65 = tpu.memref_slice %arg3[%add3A, %dma_wait3A, %dma_wait3A_63, %dma_wait3A_64] : memref<32x2x40x125xi32, #tpu.memory_space<hbm>> -> memref<1x2x40x125xi32, #tpu.memory_space<hbm>>
      %dma_wait3A_66 = tpu.memref_squeeze %dma_wait3A_65 : memref<1x2x40x125xi32, #tpu.memory_space<hbm>> -> memref<2x40x125xi32, #tpu.memory_space<hbm>>
      %dma_wait3A_67 = arith.constant 0 : i32
      %dma_wait3A_68 = arith.constant 0 : i32
      %dma_wait3A_69 = tpu.memref_slice %dma_wait3A_66[%run_scoped3A_7, %dma_wait3A_67, %dma_wait3A_68] : memref<2x40x125xi32, #tpu.memory_space<hbm>> -> memref<1x40x125xi32, #tpu.memory_space<hbm>>
      %dma_wait3A_70 = tpu.memref_squeeze %dma_wait3A_69 : memref<1x40x125xi32, #tpu.memory_space<hbm>> -> memref<40x125xi32, #tpu.memory_space<hbm>>
      %dma_wait3A_71 = arith.constant 0 : i32
      %dma_wait3A_72 = arith.constant 0 : i32
      %dma_wait3A_73 = arith.constant 0 : i32
      %dma_wait3A_74 = tpu.memref_slice %arg3[%add3A, %dma_wait3A_71, %dma_wait3A_72, %dma_wait3A_73] : memref<32x2x40x125xi32, #tpu.memory_space<hbm>> -> memref<1x2x40x125xi32, #tpu.memory_space<hbm>>
      %dma_wait3A_75 = tpu.memref_squeeze %dma_wait3A_74 : memref<1x2x40x125xi32, #tpu.memory_space<hbm>> -> memref<2x40x125xi32, #tpu.memory_space<hbm>>
      %dma_wait3A_76 = arith.constant 0 : i32
      %dma_wait3A_77 = arith.constant 0 : i32
      %dma_wait3A_78 = tpu.memref_slice %dma_wait3A_75[%run_scoped3A_7, %dma_wait3A_76, %dma_wait3A_77] : memref<2x40x125xi32, #tpu.memory_space<hbm>> -> memref<1x40x125xi32, #tpu.memory_space<hbm>>
      %dma_wait3A_79 = tpu.memref_squeeze %dma_wait3A_78 : memref<1x40x125xi32, #tpu.memory_space<hbm>> -> memref<40x125xi32, #tpu.memory_space<hbm>>
      tpu.wait_dma2 semaphore(%run_scoped3A_44 : memref<!tpu.dma_semaphore, #tpu.memory_space<semaphore_mem>>) src(%dma_wait3A_79 : memref<40x125xi32, #tpu.memory_space<hbm>>) dst(%arg9 : memref<40x125xi32, #tpu.memory_space<vmem>>)
      tpu.yield
    }) : () -> ()
    %dma_start3A = arith.constant 0 : i32
    %dma_start3A_8 = arith.constant 0 : i32
    %dma_start3A_9 = tpu.memref_slice %arg8[%dma_start3A, %dma_start3A_8] : memref<40x125xi32, #tpu.memory_space<vmem>> -> memref<1x125xi32, #tpu.memory_space<vmem>>
    %dma_start3A_10 = tpu.memref_squeeze %dma_start3A_9 : memref<1x125xi32, #tpu.memory_space<vmem>> -> memref<125xi32, #tpu.memory_space<vmem>>
    %dma_start3A_11 = arith.constant 0 : i32
    %dma_start3A_12 = arith.constant 0 : i32
    %dma_start3A_13 = tpu.memref_slice %arg4[%dma_start3A_11, %dma_start3A_12] : memref<10000x128xf32, #tpu.memory_space<hbm>> -> memref<10000x128xf32, #tpu.memory_space<hbm>>
    tpu.enqueue_indirect_dma source(%dma_start3A_13 : memref<10000x128xf32, #tpu.memory_space<hbm>>) target(%arg10 : memref<125x128xf32, #tpu.memory_space<vmem>>) offsets(%dma_start3A_10 : memref<125xi32, #tpu.memory_space<vmem>>) semaphore(%arg12 : memref<!tpu.dma_semaphore, #tpu.memory_space<semaphore_mem>>)
    %scan3A = arith.constant 0 : i32
    %scan3A_14 = arith.constant 0 : i32
    %scan3A_15 = arith.constant 20 : i32
    %scan3A_16 = arith.addi %scan3A_14, %scan3A_15 : i32
    %scan3A_17 = arith.constant 1 : i32
    scf.for %scan3A_44 = %scan3A_14 to %scan3A_16 step %scan3A_17  : i32 {
      %mul3A_45 = arith.constant 2 : i32
      %mul3A_46 = arith.muli %mul3A_45, %scan3A_44 : i32
      %dma_wait3A = arith.constant 0 : i32
      %dma_wait3A_47 = tpu.memref_slice %arg8[%mul3A_46, %dma_wait3A] : memref<40x125xi32, #tpu.memory_space<vmem>> -> memref<1x125xi32, #tpu.memory_space<vmem>>
      %dma_wait3A_48 = tpu.memref_squeeze %dma_wait3A_47 : memref<1x125xi32, #tpu.memory_space<vmem>> -> memref<125xi32, #tpu.memory_space<vmem>>
      %dma_wait3A_49 = arith.constant 0 : i32
      %dma_wait3A_50 = arith.constant 0 : i32
      %dma_wait3A_51 = tpu.memref_slice %arg4[%dma_wait3A_49, %dma_wait3A_50] : memref<10000x128xf32, #tpu.memory_space<hbm>> -> memref<10000x128xf32, #tpu.memory_space<hbm>>
      tpu.wait_indirect_dma semaphore(%arg12 : memref<!tpu.dma_semaphore, #tpu.memory_space<semaphore_mem>>) src(%dma_wait3A_51 : memref<10000x128xf32, #tpu.memory_space<hbm>>) dst(%arg10 : memref<125x128xf32, #tpu.memory_space<vmem>>)
      %add3A_52 = arith.constant 1 : i32
      %add3A_53 = arith.addi %mul3A_46, %add3A_52 : i32
      %dma_start3A_54 = arith.constant 0 : i32
      %dma_start3A_55 = tpu.memref_slice %arg8[%add3A_53, %dma_start3A_54] : memref<40x125xi32, #tpu.memory_space<vmem>> -> memref<1x125xi32, #tpu.memory_space<vmem>>
      %dma_start3A_56 = tpu.memref_squeeze %dma_start3A_55 : memref<1x125xi32, #tpu.memory_space<vmem>> -> memref<125xi32, #tpu.memory_space<vmem>>
      %dma_start3A_57 = arith.constant 0 : i32
      %dma_start3A_58 = arith.constant 0 : i32
      %dma_start3A_59 = tpu.memref_slice %arg4[%dma_start3A_57, %dma_start3A_58] : memref<10000x128xf32, #tpu.memory_space<hbm>> -> memref<10000x128xf32, #tpu.memory_space<hbm>>
      tpu.enqueue_indirect_dma source(%dma_start3A_59 : memref<10000x128xf32, #tpu.memory_space<hbm>>) target(%arg11 : memref<125x128xf32, #tpu.memory_space<vmem>>) offsets(%dma_start3A_56 : memref<125xi32, #tpu.memory_space<vmem>>) semaphore(%arg13 : memref<!tpu.dma_semaphore, #tpu.memory_space<semaphore_mem>>)
      "tpu.region"() ({
        %run_scoped3A_74 = tpu.sem_alloc : memref<!tpu.dma_semaphore, #tpu.memory_space<semaphore_mem>>
        %dma_start3A_75 = arith.constant 0 : i32
        %dma_start3A_76 = tpu.memref_slice %arg9[%mul3A_46, %dma_start3A_75] : memref<40x125xi32, #tpu.memory_space<vmem>> -> memref<1x125xi32, #tpu.memory_space<vmem>>
        %dma_start3A_77 = tpu.memref_squeeze %dma_start3A_76 : memref<1x125xi32, #tpu.memory_space<vmem>> -> memref<125xi32, #tpu.memory_space<vmem>>
        %dma_start3A_78 = arith.constant 0 : i32
        %dma_start3A_79 = arith.constant 0 : i32
        %dma_start3A_80 = tpu.memref_slice %arg7[%dma_start3A_78, %dma_start3A_79] : memref<10000x128xf32, #tpu.memory_space<vmem_shared>> -> memref<10000x128xf32, #tpu.memory_space<vmem_shared>>
        tpu.enqueue_indirect_dma source(%arg10 : memref<125x128xf32, #tpu.memory_space<vmem>>) target(%dma_start3A_80 : memref<10000x128xf32, #tpu.memory_space<vmem_shared>>) offsets(%dma_start3A_77 : memref<125xi32, #tpu.memory_space<vmem>>) semaphore(%run_scoped3A_74 : memref<!tpu.dma_semaphore, #tpu.memory_space<semaphore_mem>>) {add = true}
        %dma_wait3A_81 = arith.constant 0 : i32
        %dma_wait3A_82 = tpu.memref_slice %arg9[%mul3A_46, %dma_wait3A_81] : memref<40x125xi32, #tpu.memory_space<vmem>> -> memref<1x125xi32, #tpu.memory_space<vmem>>
        %dma_wait3A_83 = tpu.memref_squeeze %dma_wait3A_82 : memref<1x125xi32, #tpu.memory_space<vmem>> -> memref<125xi32, #tpu.memory_space<vmem>>
        %dma_wait3A_84 = arith.constant 0 : i32
        %dma_wait3A_85 = arith.constant 0 : i32
        %dma_wait3A_86 = tpu.memref_slice %arg7[%dma_wait3A_84, %dma_wait3A_85] : memref<10000x128xf32, #tpu.memory_space<vmem_shared>> -> memref<10000x128xf32, #tpu.memory_space<vmem_shared>>
        tpu.wait_indirect_dma semaphore(%run_scoped3A_74 : memref<!tpu.dma_semaphore, #tpu.memory_space<semaphore_mem>>) src(%arg10 : memref<125x128xf32, #tpu.memory_space<vmem>>) dst(%dma_wait3A_86 : memref<10000x128xf32, #tpu.memory_space<vmem_shared>>)
        tpu.yield
      }) : () -> ()
      %add3A_60 = arith.constant 1 : i32
      %add3A_61 = arith.addi %mul3A_46, %add3A_60 : i32
      %dma_wait3A_62 = arith.constant 0 : i32
      %dma_wait3A_63 = tpu.memref_slice %arg8[%add3A_61, %dma_wait3A_62] : memref<40x125xi32, #tpu.memory_space<vmem>> -> memref<1x125xi32, #tpu.memory_space<vmem>>
      %dma_wait3A_64 = tpu.memref_squeeze %dma_wait3A_63 : memref<1x125xi32, #tpu.memory_space<vmem>> -> memref<125xi32, #tpu.memory_space<vmem>>
      %dma_wait3A_65 = arith.constant 0 : i32
      %dma_wait3A_66 = arith.constant 0 : i32
      %dma_wait3A_67 = tpu.memref_slice %arg4[%dma_wait3A_65, %dma_wait3A_66] : memref<10000x128xf32, #tpu.memory_space<hbm>> -> memref<10000x128xf32, #tpu.memory_space<hbm>>
      tpu.wait_indirect_dma semaphore(%arg13 : memref<!tpu.dma_semaphore, #tpu.memory_space<semaphore_mem>>) src(%dma_wait3A_67 : memref<10000x128xf32, #tpu.memory_space<hbm>>) dst(%arg11 : memref<125x128xf32, #tpu.memory_space<vmem>>)
      %lt3A = arith.constant 19 : i32
      %lt3A_68 = arith.cmpi slt, %scan3A_44, %lt3A : i32
      %convert_element_type3A_69 = arith.extui %lt3A_68 : i1 to i32
      %cond3A_70 = arith.constant 0 : i32
      %cond3A_71 = arith.cmpi ne, %convert_element_type3A_69, %cond3A_70 : i32
      scf.if %cond3A_71 {
        %add3A_74 = arith.constant 2 : i32
        %add3A_75 = arith.addi %mul3A_46, %add3A_74 : i32
        %dma_start3A_76 = arith.constant 0 : i32
        %dma_start3A_77 = tpu.memref_slice %arg8[%add3A_75, %dma_start3A_76] : memref<40x125xi32, #tpu.memory_space<vmem>> -> memref<1x125xi32, #tpu.memory_space<vmem>>
        %dma_start3A_78 = tpu.memref_squeeze %dma_start3A_77 : memref<1x125xi32, #tpu.memory_space<vmem>> -> memref<125xi32, #tpu.memory_space<vmem>>
        %dma_start3A_79 = arith.constant 0 : i32
        %dma_start3A_80 = arith.constant 0 : i32
        %dma_start3A_81 = tpu.memref_slice %arg4[%dma_start3A_79, %dma_start3A_80] : memref<10000x128xf32, #tpu.memory_space<hbm>> -> memref<10000x128xf32, #tpu.memory_space<hbm>>
        tpu.enqueue_indirect_dma source(%dma_start3A_81 : memref<10000x128xf32, #tpu.memory_space<hbm>>) target(%arg10 : memref<125x128xf32, #tpu.memory_space<vmem>>) offsets(%dma_start3A_78 : memref<125xi32, #tpu.memory_space<vmem>>) semaphore(%arg12 : memref<!tpu.dma_semaphore, #tpu.memory_space<semaphore_mem>>)
      } else {
      }
      %add3A_72 = arith.constant 1 : i32
      %add3A_73 = arith.addi %mul3A_46, %add3A_72 : i32
      "tpu.region"() ({
        %run_scoped3A_74 = tpu.sem_alloc : memref<!tpu.dma_semaphore, #tpu.memory_space<semaphore_mem>>
        %dma_start3A_75 = arith.constant 0 : i32
        %dma_start3A_76 = tpu.memref_slice %arg9[%add3A_73, %dma_start3A_75] : memref<40x125xi32, #tpu.memory_space<vmem>> -> memref<1x125xi32, #tpu.memory_space<vmem>>
        %dma_start3A_77 = tpu.memref_squeeze %dma_start3A_76 : memref<1x125xi32, #tpu.memory_space<vmem>> -> memref<125xi32, #tpu.memory_space<vmem>>
        %dma_start3A_78 = arith.constant 0 : i32
        %dma_start3A_79 = arith.constant 0 : i32
        %dma_start3A_80 = tpu.memref_slice %arg7[%dma_start3A_78, %dma_start3A_79] : memref<10000x128xf32, #tpu.memory_space<vmem_shared>> -> memref<10000x128xf32, #tpu.memory_space<vmem_shared>>
        tpu.enqueue_indirect_dma source(%arg11 : memref<125x128xf32, #tpu.memory_space<vmem>>) target(%dma_start3A_80 : memref<10000x128xf32, #tpu.memory_space<vmem_shared>>) offsets(%dma_start3A_77 : memref<125xi32, #tpu.memory_space<vmem>>) semaphore(%run_scoped3A_74 : memref<!tpu.dma_semaphore, #tpu.memory_space<semaphore_mem>>) {add = true}
        %dma_wait3A_81 = arith.constant 0 : i32
        %dma_wait3A_82 = tpu.memref_slice %arg9[%add3A_73, %dma_wait3A_81] : memref<40x125xi32, #tpu.memory_space<vmem>> -> memref<1x125xi32, #tpu.memory_space<vmem>>
        %dma_wait3A_83 = tpu.memref_squeeze %dma_wait3A_82 : memref<1x125xi32, #tpu.memory_space<vmem>> -> memref<125xi32, #tpu.memory_space<vmem>>
        %dma_wait3A_84 = arith.constant 0 : i32
        %dma_wait3A_85 = arith.constant 0 : i32
        %dma_wait3A_86 = tpu.memref_slice %arg7[%dma_wait3A_84, %dma_wait3A_85] : memref<10000x128xf32, #tpu.memory_space<vmem_shared>> -> memref<10000x128xf32, #tpu.memory_space<vmem_shared>>
        tpu.wait_indirect_dma semaphore(%run_scoped3A_74 : memref<!tpu.dma_semaphore, #tpu.memory_space<semaphore_mem>>) src(%arg11 : memref<125x128xf32, #tpu.memory_space<vmem>>) dst(%dma_wait3A_86 : memref<10000x128xf32, #tpu.memory_space<vmem_shared>>)
        tpu.yield
      }) : () -> ()
    }
    %scan3A_18 = arith.constant 20 : i32
    %run_scoped3A_19 = arith.constant 1 : i32
    "tpu.region"() ({
      %run_scoped3A_44 = tpu.sem_alloc : memref<!tpu.dma_semaphore, #tpu.memory_space<semaphore_mem>>
      %dma_start3A_45 = arith.constant 0 : i32
      %dma_start3A_46 = arith.constant 0 : i32
      %dma_start3A_47 = arith.constant 0 : i32
      %dma_start3A_48 = tpu.memref_slice %arg2[%add3A, %dma_start3A_45, %dma_start3A_46, %dma_start3A_47] : memref<32x2x40x125xi32, #tpu.memory_space<hbm>> -> memref<1x2x40x125xi32, #tpu.memory_space<hbm>>
      %dma_start3A_49 = tpu.memref_squeeze %dma_start3A_48 : memref<1x2x40x125xi32, #tpu.memory_space<hbm>> -> memref<2x40x125xi32, #tpu.memory_space<hbm>>
      %dma_start3A_50 = arith.constant 0 : i32
      %dma_start3A_51 = arith.constant 0 : i32
      %dma_start3A_52 = tpu.memref_slice %dma_start3A_49[%run_scoped3A_19, %dma_start3A_50, %dma_start3A_51] : memref<2x40x125xi32, #tpu.memory_space<hbm>> -> memref<1x40x125xi32, #tpu.memory_space<hbm>>
      %dma_start3A_53 = tpu.memref_squeeze %dma_start3A_52 : memref<1x40x125xi32, #tpu.memory_space<hbm>> -> memref<40x125xi32, #tpu.memory_space<hbm>>
      %dma_start3A_54 = arith.constant 0 : i32
      %dma_start3A_55 = arith.constant 0 : i32
      %dma_start3A_56 = arith.constant 0 : i32
      %dma_start3A_57 = tpu.memref_slice %arg2[%add3A, %dma_start3A_54, %dma_start3A_55, %dma_start3A_56] : memref<32x2x40x125xi32, #tpu.memory_space<hbm>> -> memref<1x2x40x125xi32, #tpu.memory_space<hbm>>
      %dma_start3A_58 = tpu.memref_squeeze %dma_start3A_57 : memref<1x2x40x125xi32, #tpu.memory_space<hbm>> -> memref<2x40x125xi32, #tpu.memory_space<hbm>>
      %dma_start3A_59 = arith.constant 0 : i32
      %dma_start3A_60 = arith.constant 0 : i32
      %dma_start3A_61 = tpu.memref_slice %dma_start3A_58[%run_scoped3A_19, %dma_start3A_59, %dma_start3A_60] : memref<2x40x125xi32, #tpu.memory_space<hbm>> -> memref<1x40x125xi32, #tpu.memory_space<hbm>>
      %dma_start3A_62 = tpu.memref_squeeze %dma_start3A_61 : memref<1x40x125xi32, #tpu.memory_space<hbm>> -> memref<40x125xi32, #tpu.memory_space<hbm>>
      tpu.enqueue_dma source(%dma_start3A_62 : memref<40x125xi32, #tpu.memory_space<hbm>>) target(%arg8 : memref<40x125xi32, #tpu.memory_space<vmem>>) target_semaphore(%run_scoped3A_44 : memref<!tpu.dma_semaphore, #tpu.memory_space<semaphore_mem>>)
      %dma_wait3A = arith.constant 0 : i32
      %dma_wait3A_63 = arith.constant 0 : i32
      %dma_wait3A_64 = arith.constant 0 : i32
      %dma_wait3A_65 = tpu.memref_slice %arg2[%add3A, %dma_wait3A, %dma_wait3A_63, %dma_wait3A_64] : memref<32x2x40x125xi32, #tpu.memory_space<hbm>> -> memref<1x2x40x125xi32, #tpu.memory_space<hbm>>
      %dma_wait3A_66 = tpu.memref_squeeze %dma_wait3A_65 : memref<1x2x40x125xi32, #tpu.memory_space<hbm>> -> memref<2x40x125xi32, #tpu.memory_space<hbm>>
      %dma_wait3A_67 = arith.constant 0 : i32
      %dma_wait3A_68 = arith.constant 0 : i32
      %dma_wait3A_69 = tpu.memref_slice %dma_wait3A_66[%run_scoped3A_19, %dma_wait3A_67, %dma_wait3A_68] : memref<2x40x125xi32, #tpu.memory_space<hbm>> -> memref<1x40x125xi32, #tpu.memory_space<hbm>>
      %dma_wait3A_70 = tpu.memref_squeeze %dma_wait3A_69 : memref<1x40x125xi32, #tpu.memory_space<hbm>> -> memref<40x125xi32, #tpu.memory_space<hbm>>
      %dma_wait3A_71 = arith.constant 0 : i32
      %dma_wait3A_72 = arith.constant 0 : i32
      %dma_wait3A_73 = arith.constant 0 : i32
      %dma_wait3A_74 = tpu.memref_slice %arg2[%add3A, %dma_wait3A_71, %dma_wait3A_72, %dma_wait3A_73] : memref<32x2x40x125xi32, #tpu.memory_space<hbm>> -> memref<1x2x40x125xi32, #tpu.memory_space<hbm>>
      %dma_wait3A_75 = tpu.memref_squeeze %dma_wait3A_74 : memref<1x2x40x125xi32, #tpu.memory_space<hbm>> -> memref<2x40x125xi32, #tpu.memory_space<hbm>>
      %dma_wait3A_76 = arith.constant 0 : i32
      %dma_wait3A_77 = arith.constant 0 : i32
      %dma_wait3A_78 = tpu.memref_slice %dma_wait3A_75[%run_scoped3A_19, %dma_wait3A_76, %dma_wait3A_77] : memref<2x40x125xi32, #tpu.memory_space<hbm>> -> memref<1x40x125xi32, #tpu.memory_space<hbm>>
      %dma_wait3A_79 = tpu.memref_squeeze %dma_wait3A_78 : memref<1x40x125xi32, #tpu.memory_space<hbm>> -> memref<40x125xi32, #tpu.memory_space<hbm>>
      tpu.wait_dma2 semaphore(%run_scoped3A_44 : memref<!tpu.dma_semaphore, #tpu.memory_space<semaphore_mem>>) src(%dma_wait3A_79 : memref<40x125xi32, #tpu.memory_space<hbm>>) dst(%arg8 : memref<40x125xi32, #tpu.memory_space<vmem>>)
      tpu.yield
    }) : () -> ()
    %run_scoped3A_20 = arith.constant 1 : i32
    "tpu.region"() ({
      %run_scoped3A_44 = tpu.sem_alloc : memref<!tpu.dma_semaphore, #tpu.memory_space<semaphore_mem>>
      %dma_start3A_45 = arith.constant 0 : i32
      %dma_start3A_46 = arith.constant 0 : i32
      %dma_start3A_47 = arith.constant 0 : i32
      %dma_start3A_48 = tpu.memref_slice %arg3[%add3A, %dma_start3A_45, %dma_start3A_46, %dma_start3A_47] : memref<32x2x40x125xi32, #tpu.memory_space<hbm>> -> memref<1x2x40x125xi32, #tpu.memory_space<hbm>>
      %dma_start3A_49 = tpu.memref_squeeze %dma_start3A_48 : memref<1x2x40x125xi32, #tpu.memory_space<hbm>> -> memref<2x40x125xi32, #tpu.memory_space<hbm>>
      %dma_start3A_50 = arith.constant 0 : i32
      %dma_start3A_51 = arith.constant 0 : i32
      %dma_start3A_52 = tpu.memref_slice %dma_start3A_49[%run_scoped3A_20, %dma_start3A_50, %dma_start3A_51] : memref<2x40x125xi32, #tpu.memory_space<hbm>> -> memref<1x40x125xi32, #tpu.memory_space<hbm>>
      %dma_start3A_53 = tpu.memref_squeeze %dma_start3A_52 : memref<1x40x125xi32, #tpu.memory_space<hbm>> -> memref<40x125xi32, #tpu.memory_space<hbm>>
      %dma_start3A_54 = arith.constant 0 : i32
      %dma_start3A_55 = arith.constant 0 : i32
      %dma_start3A_56 = arith.constant 0 : i32
      %dma_start3A_57 = tpu.memref_slice %arg3[%add3A, %dma_start3A_54, %dma_start3A_55, %dma_start3A_56] : memref<32x2x40x125xi32, #tpu.memory_space<hbm>> -> memref<1x2x40x125xi32, #tpu.memory_space<hbm>>
      %dma_start3A_58 = tpu.memref_squeeze %dma_start3A_57 : memref<1x2x40x125xi32, #tpu.memory_space<hbm>> -> memref<2x40x125xi32, #tpu.memory_space<hbm>>
      %dma_start3A_59 = arith.constant 0 : i32
      %dma_start3A_60 = arith.constant 0 : i32
      %dma_start3A_61 = tpu.memref_slice %dma_start3A_58[%run_scoped3A_20, %dma_start3A_59, %dma_start3A_60] : memref<2x40x125xi32, #tpu.memory_space<hbm>> -> memref<1x40x125xi32, #tpu.memory_space<hbm>>
      %dma_start3A_62 = tpu.memref_squeeze %dma_start3A_61 : memref<1x40x125xi32, #tpu.memory_space<hbm>> -> memref<40x125xi32, #tpu.memory_space<hbm>>
      tpu.enqueue_dma source(%dma_start3A_62 : memref<40x125xi32, #tpu.memory_space<hbm>>) target(%arg9 : memref<40x125xi32, #tpu.memory_space<vmem>>) target_semaphore(%run_scoped3A_44 : memref<!tpu.dma_semaphore, #tpu.memory_space<semaphore_mem>>)
      %dma_wait3A = arith.constant 0 : i32
      %dma_wait3A_63 = arith.constant 0 : i32
      %dma_wait3A_64 = arith.constant 0 : i32
      %dma_wait3A_65 = tpu.memref_slice %arg3[%add3A, %dma_wait3A, %dma_wait3A_63, %dma_wait3A_64] : memref<32x2x40x125xi32, #tpu.memory_space<hbm>> -> memref<1x2x40x125xi32, #tpu.memory_space<hbm>>
      %dma_wait3A_66 = tpu.memref_squeeze %dma_wait3A_65 : memref<1x2x40x125xi32, #tpu.memory_space<hbm>> -> memref<2x40x125xi32, #tpu.memory_space<hbm>>
      %dma_wait3A_67 = arith.constant 0 : i32
      %dma_wait3A_68 = arith.constant 0 : i32
      %dma_wait3A_69 = tpu.memref_slice %dma_wait3A_66[%run_scoped3A_20, %dma_wait3A_67, %dma_wait3A_68] : memref<2x40x125xi32, #tpu.memory_space<hbm>> -> memref<1x40x125xi32, #tpu.memory_space<hbm>>
      %dma_wait3A_70 = tpu.memref_squeeze %dma_wait3A_69 : memref<1x40x125xi32, #tpu.memory_space<hbm>> -> memref<40x125xi32, #tpu.memory_space<hbm>>
      %dma_wait3A_71 = arith.constant 0 : i32
      %dma_wait3A_72 = arith.constant 0 : i32
      %dma_wait3A_73 = arith.constant 0 : i32
      %dma_wait3A_74 = tpu.memref_slice %arg3[%add3A, %dma_wait3A_71, %dma_wait3A_72, %dma_wait3A_73] : memref<32x2x40x125xi32, #tpu.memory_space<hbm>> -> memref<1x2x40x125xi32, #tpu.memory_space<hbm>>
      %dma_wait3A_75 = tpu.memref_squeeze %dma_wait3A_74 : memref<1x2x40x125xi32, #tpu.memory_space<hbm>> -> memref<2x40x125xi32, #tpu.memory_space<hbm>>
      %dma_wait3A_76 = arith.constant 0 : i32
      %dma_wait3A_77 = arith.constant 0 : i32
      %dma_wait3A_78 = tpu.memref_slice %dma_wait3A_75[%run_scoped3A_20, %dma_wait3A_76, %dma_wait3A_77] : memref<2x40x125xi32, #tpu.memory_space<hbm>> -> memref<1x40x125xi32, #tpu.memory_space<hbm>>
      %dma_wait3A_79 = tpu.memref_squeeze %dma_wait3A_78 : memref<1x40x125xi32, #tpu.memory_space<hbm>> -> memref<40x125xi32, #tpu.memory_space<hbm>>
      tpu.wait_dma2 semaphore(%run_scoped3A_44 : memref<!tpu.dma_semaphore, #tpu.memory_space<semaphore_mem>>) src(%dma_wait3A_79 : memref<40x125xi32, #tpu.memory_space<hbm>>) dst(%arg9 : memref<40x125xi32, #tpu.memory_space<vmem>>)
      tpu.yield
    }) : () -> ()
    %dma_start3A_21 = arith.constant 0 : i32
    %dma_start3A_22 = arith.constant 0 : i32
    %dma_start3A_23 = tpu.memref_slice %arg8[%dma_start3A_21, %dma_start3A_22] : memref<40x125xi32, #tpu.memory_space<vmem>> -> memref<1x125xi32, #tpu.memory_space<vmem>>
    %dma_start3A_24 = tpu.memref_squeeze %dma_start3A_23 : memref<1x125xi32, #tpu.memory_space<vmem>> -> memref<125xi32, #tpu.memory_space<vmem>>
    %dma_start3A_25 = arith.constant 0 : i32
    %dma_start3A_26 = arith.constant 0 : i32
    %dma_start3A_27 = tpu.memref_slice %arg4[%dma_start3A_25, %dma_start3A_26] : memref<10000x128xf32, #tpu.memory_space<hbm>> -> memref<10000x128xf32, #tpu.memory_space<hbm>>
    tpu.enqueue_indirect_dma source(%dma_start3A_27 : memref<10000x128xf32, #tpu.memory_space<hbm>>) target(%arg10 : memref<125x128xf32, #tpu.memory_space<vmem>>) offsets(%dma_start3A_24 : memref<125xi32, #tpu.memory_space<vmem>>) semaphore(%arg12 : memref<!tpu.dma_semaphore, #tpu.memory_space<semaphore_mem>>)
    %scan3A_28 = arith.constant 0 : i32
    %scan3A_29 = arith.constant 0 : i32
    %scan3A_30 = arith.constant 20 : i32
    %scan3A_31 = arith.addi %scan3A_29, %scan3A_30 : i32
    %scan3A_32 = arith.constant 1 : i32
    scf.for %scan3A_44 = %scan3A_29 to %scan3A_31 step %scan3A_32  : i32 {
      %mul3A_45 = arith.constant 2 : i32
      %mul3A_46 = arith.muli %mul3A_45, %scan3A_44 : i32
      %dma_wait3A = arith.constant 0 : i32
      %dma_wait3A_47 = tpu.memref_slice %arg8[%mul3A_46, %dma_wait3A] : memref<40x125xi32, #tpu.memory_space<vmem>> -> memref<1x125xi32, #tpu.memory_space<vmem>>
      %dma_wait3A_48 = tpu.memref_squeeze %dma_wait3A_47 : memref<1x125xi32, #tpu.memory_space<vmem>> -> memref<125xi32, #tpu.memory_space<vmem>>
      %dma_wait3A_49 = arith.constant 0 : i32
      %dma_wait3A_50 = arith.constant 0 : i32
      %dma_wait3A_51 = tpu.memref_slice %arg4[%dma_wait3A_49, %dma_wait3A_50] : memref<10000x128xf32, #tpu.memory_space<hbm>> -> memref<10000x128xf32, #tpu.memory_space<hbm>>
      tpu.wait_indirect_dma semaphore(%arg12 : memref<!tpu.dma_semaphore, #tpu.memory_space<semaphore_mem>>) src(%dma_wait3A_51 : memref<10000x128xf32, #tpu.memory_space<hbm>>) dst(%arg10 : memref<125x128xf32, #tpu.memory_space<vmem>>)
      %add3A_52 = arith.constant 1 : i32
      %add3A_53 = arith.addi %mul3A_46, %add3A_52 : i32
      %dma_start3A_54 = arith.constant 0 : i32
      %dma_start3A_55 = tpu.memref_slice %arg8[%add3A_53, %dma_start3A_54] : memref<40x125xi32, #tpu.memory_space<vmem>> -> memref<1x125xi32, #tpu.memory_space<vmem>>
      %dma_start3A_56 = tpu.memref_squeeze %dma_start3A_55 : memref<1x125xi32, #tpu.memory_space<vmem>> -> memref<125xi32, #tpu.memory_space<vmem>>
      %dma_start3A_57 = arith.constant 0 : i32
      %dma_start3A_58 = arith.constant 0 : i32
      %dma_start3A_59 = tpu.memref_slice %arg4[%dma_start3A_57, %dma_start3A_58] : memref<10000x128xf32, #tpu.memory_space<hbm>> -> memref<10000x128xf32, #tpu.memory_space<hbm>>
      tpu.enqueue_indirect_dma source(%dma_start3A_59 : memref<10000x128xf32, #tpu.memory_space<hbm>>) target(%arg11 : memref<125x128xf32, #tpu.memory_space<vmem>>) offsets(%dma_start3A_56 : memref<125xi32, #tpu.memory_space<vmem>>) semaphore(%arg13 : memref<!tpu.dma_semaphore, #tpu.memory_space<semaphore_mem>>)
      "tpu.region"() ({
        %run_scoped3A_74 = tpu.sem_alloc : memref<!tpu.dma_semaphore, #tpu.memory_space<semaphore_mem>>
        %dma_start3A_75 = arith.constant 0 : i32
        %dma_start3A_76 = tpu.memref_slice %arg9[%mul3A_46, %dma_start3A_75] : memref<40x125xi32, #tpu.memory_space<vmem>> -> memref<1x125xi32, #tpu.memory_space<vmem>>
        %dma_start3A_77 = tpu.memref_squeeze %dma_start3A_76 : memref<1x125xi32, #tpu.memory_space<vmem>> -> memref<125xi32, #tpu.memory_space<vmem>>
        %dma_start3A_78 = arith.constant 0 : i32
        %dma_start3A_79 = arith.constant 0 : i32
        %dma_start3A_80 = tpu.memref_slice %arg7[%dma_start3A_78, %dma_start3A_79] : memref<10000x128xf32, #tpu.memory_space<vmem_shared>> -> memref<10000x128xf32, #tpu.memory_space<vmem_shared>>
        tpu.enqueue_indirect_dma source(%arg10 : memref<125x128xf32, #tpu.memory_space<vmem>>) target(%dma_start3A_80 : memref<10000x128xf32, #tpu.memory_space<vmem_shared>>) offsets(%dma_start3A_77 : memref<125xi32, #tpu.memory_space<vmem>>) semaphore(%run_scoped3A_74 : memref<!tpu.dma_semaphore, #tpu.memory_space<semaphore_mem>>) {add = true}
        %dma_wait3A_81 = arith.constant 0 : i32
        %dma_wait3A_82 = tpu.memref_slice %arg9[%mul3A_46, %dma_wait3A_81] : memref<40x125xi32, #tpu.memory_space<vmem>> -> memref<1x125xi32, #tpu.memory_space<vmem>>
        %dma_wait3A_83 = tpu.memref_squeeze %dma_wait3A_82 : memref<1x125xi32, #tpu.memory_space<vmem>> -> memref<125xi32, #tpu.memory_space<vmem>>
        %dma_wait3A_84 = arith.constant 0 : i32
        %dma_wait3A_85 = arith.constant 0 : i32
        %dma_wait3A_86 = tpu.memref_slice %arg7[%dma_wait3A_84, %dma_wait3A_85] : memref<10000x128xf32, #tpu.memory_space<vmem_shared>> -> memref<10000x128xf32, #tpu.memory_space<vmem_shared>>
        tpu.wait_indirect_dma semaphore(%run_scoped3A_74 : memref<!tpu.dma_semaphore, #tpu.memory_space<semaphore_mem>>) src(%arg10 : memref<125x128xf32, #tpu.memory_space<vmem>>) dst(%dma_wait3A_86 : memref<10000x128xf32, #tpu.memory_space<vmem_shared>>)
        tpu.yield
      }) : () -> ()
      %add3A_60 = arith.constant 1 : i32
      %add3A_61 = arith.addi %mul3A_46, %add3A_60 : i32
      %dma_wait3A_62 = arith.constant 0 : i32
      %dma_wait3A_63 = tpu.memref_slice %arg8[%add3A_61, %dma_wait3A_62] : memref<40x125xi32, #tpu.memory_space<vmem>> -> memref<1x125xi32, #tpu.memory_space<vmem>>
      %dma_wait3A_64 = tpu.memref_squeeze %dma_wait3A_63 : memref<1x125xi32, #tpu.memory_space<vmem>> -> memref<125xi32, #tpu.memory_space<vmem>>
      %dma_wait3A_65 = arith.constant 0 : i32
      %dma_wait3A_66 = arith.constant 0 : i32
      %dma_wait3A_67 = tpu.memref_slice %arg4[%dma_wait3A_65, %dma_wait3A_66] : memref<10000x128xf32, #tpu.memory_space<hbm>> -> memref<10000x128xf32, #tpu.memory_space<hbm>>
      tpu.wait_indirect_dma semaphore(%arg13 : memref<!tpu.dma_semaphore, #tpu.memory_space<semaphore_mem>>) src(%dma_wait3A_67 : memref<10000x128xf32, #tpu.memory_space<hbm>>) dst(%arg11 : memref<125x128xf32, #tpu.memory_space<vmem>>)
      %lt3A = arith.constant 19 : i32
      %lt3A_68 = arith.cmpi slt, %scan3A_44, %lt3A : i32
      %convert_element_type3A_69 = arith.extui %lt3A_68 : i1 to i32
      %cond3A_70 = arith.constant 0 : i32
      %cond3A_71 = arith.cmpi ne, %convert_element_type3A_69, %cond3A_70 : i32
      scf.if %cond3A_71 {
        %add3A_74 = arith.constant 2 : i32
        %add3A_75 = arith.addi %mul3A_46, %add3A_74 : i32
        %dma_start3A_76 = arith.constant 0 : i32
        %dma_start3A_77 = tpu.memref_slice %arg8[%add3A_75, %dma_start3A_76] : memref<40x125xi32, #tpu.memory_space<vmem>> -> memref<1x125xi32, #tpu.memory_space<vmem>>
        %dma_start3A_78 = tpu.memref_squeeze %dma_start3A_77 : memref<1x125xi32, #tpu.memory_space<vmem>> -> memref<125xi32, #tpu.memory_space<vmem>>
        %dma_start3A_79 = arith.constant 0 : i32
        %dma_start3A_80 = arith.constant 0 : i32
        %dma_start3A_81 = tpu.memref_slice %arg4[%dma_start3A_79, %dma_start3A_80] : memref<10000x128xf32, #tpu.memory_space<hbm>> -> memref<10000x128xf32, #tpu.memory_space<hbm>>
        tpu.enqueue_indirect_dma source(%dma_start3A_81 : memref<10000x128xf32, #tpu.memory_space<hbm>>) target(%arg10 : memref<125x128xf32, #tpu.memory_space<vmem>>) offsets(%dma_start3A_78 : memref<125xi32, #tpu.memory_space<vmem>>) semaphore(%arg12 : memref<!tpu.dma_semaphore, #tpu.memory_space<semaphore_mem>>)
      } else {
      }
      %add3A_72 = arith.constant 1 : i32
      %add3A_73 = arith.addi %mul3A_46, %add3A_72 : i32
      "tpu.region"() ({
        %run_scoped3A_74 = tpu.sem_alloc : memref<!tpu.dma_semaphore, #tpu.memory_space<semaphore_mem>>
        %dma_start3A_75 = arith.constant 0 : i32
        %dma_start3A_76 = tpu.memref_slice %arg9[%add3A_73, %dma_start3A_75] : memref<40x125xi32, #tpu.memory_space<vmem>> -> memref<1x125xi32, #tpu.memory_space<vmem>>
        %dma_start3A_77 = tpu.memref_squeeze %dma_start3A_76 : memref<1x125xi32, #tpu.memory_space<vmem>> -> memref<125xi32, #tpu.memory_space<vmem>>
        %dma_start3A_78 = arith.constant 0 : i32
        %dma_start3A_79 = arith.constant 0 : i32
        %dma_start3A_80 = tpu.memref_slice %arg7[%dma_start3A_78, %dma_start3A_79] : memref<10000x128xf32, #tpu.memory_space<vmem_shared>> -> memref<10000x128xf32, #tpu.memory_space<vmem_shared>>
        tpu.enqueue_indirect_dma source(%arg11 : memref<125x128xf32, #tpu.memory_space<vmem>>) target(%dma_start3A_80 : memref<10000x128xf32, #tpu.memory_space<vmem_shared>>) offsets(%dma_start3A_77 : memref<125xi32, #tpu.memory_space<vmem>>) semaphore(%run_scoped3A_74 : memref<!tpu.dma_semaphore, #tpu.memory_space<semaphore_mem>>) {add = true}
        %dma_wait3A_81 = arith.constant 0 : i32
        %dma_wait3A_82 = tpu.memref_slice %arg9[%add3A_73, %dma_wait3A_81] : memref<40x125xi32, #tpu.memory_space<vmem>> -> memref<1x125xi32, #tpu.memory_space<vmem>>
        %dma_wait3A_83 = tpu.memref_squeeze %dma_wait3A_82 : memref<1x125xi32, #tpu.memory_space<vmem>> -> memref<125xi32, #tpu.memory_space<vmem>>
        %dma_wait3A_84 = arith.constant 0 : i32
        %dma_wait3A_85 = arith.constant 0 : i32
        %dma_wait3A_86 = tpu.memref_slice %arg7[%dma_wait3A_84, %dma_wait3A_85] : memref<10000x128xf32, #tpu.memory_space<vmem_shared>> -> memref<10000x128xf32, #tpu.memory_space<vmem_shared>>
        tpu.wait_indirect_dma semaphore(%run_scoped3A_74 : memref<!tpu.dma_semaphore, #tpu.memory_space<semaphore_mem>>) src(%arg11 : memref<125x128xf32, #tpu.memory_space<vmem>>) dst(%dma_wait3A_86 : memref<10000x128xf32, #tpu.memory_space<vmem_shared>>)
        tpu.yield
      }) : () -> ()
    }
    %scan3A_33 = arith.constant 20 : i32
    %barrier3A_34 = arith.constant 0 : index
    tpu.barrier barrier_id(%barrier3A_34)
    %mul3A_35 = arith.constant 624 : i32
    %mul3A_36 = arith.muli %arg1, %mul3A_35 : i32
    %mul3A_37 = arith.constant 624 : i32
    %mul3A_38 = arith.muli %arg1, %mul3A_37 : i32
    "tpu.region"() ({
      %run_scoped3A_44 = tpu.sem_alloc : memref<!tpu.dma_semaphore, #tpu.memory_space<semaphore_mem>>
      %dma_start3A_45 = arith.constant 0 : i32
      %dma_start3A_46 = arith.constant 0 : i32
      %dma_start3A_47 = tpu.memref_slice %arg6[%arg0, %dma_start3A_45, %dma_start3A_46] : memref<2x10000x128xf32, #tpu.memory_space<hbm>> -> memref<1x10000x128xf32, #tpu.memory_space<hbm>>
      %dma_start3A_48 = tpu.memref_squeeze %dma_start3A_47 : memref<1x10000x128xf32, #tpu.memory_space<hbm>> -> memref<10000x128xf32, #tpu.memory_space<hbm>>
      %dma_start3A_49 = arith.constant 0 : i32
      %dma_start3A_50 = tpu.memref_slice %dma_start3A_48[%mul3A_38, %dma_start3A_49] : memref<10000x128xf32, #tpu.memory_space<hbm>> -> memref<624x128xf32, #tpu.memory_space<hbm>>
      %dma_start3A_51 = arith.constant 0 : i32
      %dma_start3A_52 = tpu.memref_slice %arg7[%mul3A_36, %dma_start3A_51] : memref<10000x128xf32, #tpu.memory_space<vmem_shared>> -> memref<624x128xf32, #tpu.memory_space<vmem_shared>>
      tpu.enqueue_dma source(%dma_start3A_52 : memref<624x128xf32, #tpu.memory_space<vmem_shared>>) target(%dma_start3A_50 : memref<624x128xf32, #tpu.memory_space<hbm>>) target_semaphore(%run_scoped3A_44 : memref<!tpu.dma_semaphore, #tpu.memory_space<semaphore_mem>>)
      %dma_wait3A = arith.constant 0 : i32
      %dma_wait3A_53 = arith.constant 0 : i32
      %dma_wait3A_54 = tpu.memref_slice %arg6[%arg0, %dma_wait3A, %dma_wait3A_53] : memref<2x10000x128xf32, #tpu.memory_space<hbm>> -> memref<1x10000x128xf32, #tpu.memory_space<hbm>>
      %dma_wait3A_55 = tpu.memref_squeeze %dma_wait3A_54 : memref<1x10000x128xf32, #tpu.memory_space<hbm>> -> memref<10000x128xf32, #tpu.memory_space<hbm>>
      %dma_wait3A_56 = arith.constant 0 : i32
      %dma_wait3A_57 = tpu.memref_slice %dma_wait3A_55[%mul3A_38, %dma_wait3A_56] : memref<10000x128xf32, #tpu.memory_space<hbm>> -> memref<624x128xf32, #tpu.memory_space<hbm>>
      %dma_wait3A_58 = arith.constant 0 : i32
      %dma_wait3A_59 = tpu.memref_slice %arg7[%mul3A_36, %dma_wait3A_58] : memref<10000x128xf32, #tpu.memory_space<vmem_shared>> -> memref<624x128xf32, #tpu.memory_space<vmem_shared>>
      tpu.wait_dma2 semaphore(%run_scoped3A_44 : memref<!tpu.dma_semaphore, #tpu.memory_space<semaphore_mem>>) src(%dma_wait3A_59 : memref<624x128xf32, #tpu.memory_space<vmem_shared>>) dst(%dma_wait3A_57 : memref<624x128xf32, #tpu.memory_space<hbm>>)
      tpu.yield
    }) : () -> ()
    %eq3A_39 = arith.constant 15 : i32
    %eq3A_40 = arith.cmpi eq, %arg1, %eq3A_39 : i32
    %convert_element_type3A_41 = arith.extui %eq3A_40 : i1 to i32
    %cond3A_42 = arith.constant 0 : i32
    %cond3A_43 = arith.cmpi ne, %convert_element_type3A_41, %cond3A_42 : i32
    scf.if %cond3A_43 {
      "tpu.region"() ({
        %run_scoped3A_44 = tpu.sem_alloc : memref<!tpu.dma_semaphore, #tpu.memory_space<semaphore_mem>>
        %dma_start3A_45 = arith.constant 0 : i32
        %dma_start3A_46 = arith.constant 0 : i32
        %dma_start3A_47 = tpu.memref_slice %arg6[%arg0, %dma_start3A_45, %dma_start3A_46] : memref<2x10000x128xf32, #tpu.memory_space<hbm>> -> memref<1x10000x128xf32, #tpu.memory_space<hbm>>
        %dma_start3A_48 = tpu.memref_squeeze %dma_start3A_47 : memref<1x10000x128xf32, #tpu.memory_space<hbm>> -> memref<10000x128xf32, #tpu.memory_space<hbm>>
        %dma_start3A_49 = arith.constant 9984 : i32
        %dma_start3A_50 = arith.constant 0 : i32
        %dma_start3A_51 = tpu.memref_slice %dma_start3A_48[%dma_start3A_49, %dma_start3A_50] : memref<10000x128xf32, #tpu.memory_space<hbm>> -> memref<16x128xf32, #tpu.memory_space<hbm>>
        %dma_start3A_52 = arith.constant 9984 : i32
        %dma_start3A_53 = arith.constant 0 : i32
        %dma_start3A_54 = tpu.memref_slice %arg7[%dma_start3A_52, %dma_start3A_53] : memref<10000x128xf32, #tpu.memory_space<vmem_shared>> -> memref<16x128xf32, #tpu.memory_space<vmem_shared>>
        tpu.enqueue_dma source(%dma_start3A_54 : memref<16x128xf32, #tpu.memory_space<vmem_shared>>) target(%dma_start3A_51 : memref<16x128xf32, #tpu.memory_space<hbm>>) target_semaphore(%run_scoped3A_44 : memref<!tpu.dma_semaphore, #tpu.memory_space<semaphore_mem>>)
        %dma_wait3A = arith.constant 0 : i32
        %dma_wait3A_55 = arith.constant 0 : i32
        %dma_wait3A_56 = tpu.memref_slice %arg6[%arg0, %dma_wait3A, %dma_wait3A_55] : memref<2x10000x128xf32, #tpu.memory_space<hbm>> -> memref<1x10000x128xf32, #tpu.memory_space<hbm>>
        %dma_wait3A_57 = tpu.memref_squeeze %dma_wait3A_56 : memref<1x10000x128xf32, #tpu.memory_space<hbm>> -> memref<10000x128xf32, #tpu.memory_space<hbm>>
        %dma_wait3A_58 = arith.constant 9984 : i32
        %dma_wait3A_59 = arith.constant 0 : i32
        %dma_wait3A_60 = tpu.memref_slice %dma_wait3A_57[%dma_wait3A_58, %dma_wait3A_59] : memref<10000x128xf32, #tpu.memory_space<hbm>> -> memref<16x128xf32, #tpu.memory_space<hbm>>
        %dma_wait3A_61 = arith.constant 9984 : i32
        %dma_wait3A_62 = arith.constant 0 : i32
        %dma_wait3A_63 = tpu.memref_slice %arg7[%dma_wait3A_61, %dma_wait3A_62] : memref<10000x128xf32, #tpu.memory_space<vmem_shared>> -> memref<16x128xf32, #tpu.memory_space<vmem_shared>>
        tpu.wait_dma2 semaphore(%run_scoped3A_44 : memref<!tpu.dma_semaphore, #tpu.memory_space<semaphore_mem>>) src(%dma_wait3A_63 : memref<16x128xf32, #tpu.memory_space<vmem_shared>>) dst(%dma_wait3A_60 : memref<16x128xf32, #tpu.memory_space<hbm>>)
        tpu.yield
      }) : () -> ()
    } else {
    }
    return
  }
}

#map = affine_map<(d0, d1) -> (0, 0, 0, 0)>
#map1 = affine_map<(d0, d1) -> (0, 0)>
#map2 = affine_map<(d0, d1) -> (0, 0, 0)>
module attributes {stable_mosaic.version = 14 : i64} {
  func.func @_sc_prop_body(%arg0: i32, %arg1: i32, %arg2: memref<32x2x40x125xi32, #tpu.memory_space<hbm>>, %arg3: memref<32x2x40x125xi32, #tpu.memory_space<hbm>>, %arg4: memref<10000x128xf32, #tpu.memory_space<hbm>>, %arg5: memref<10000x128xf32, #tpu.memory_space<hbm>>, %arg6: memref<2x10000x128xf32, #tpu.memory_space<hbm>>, %arg7: memref<10000x128xf32, #tpu.memory_space<vmem_shared>>, %arg8: memref<40x125xi32, #tpu.memory_space<vmem>>, %arg9: memref<40x125xi32, #tpu.memory_space<vmem>>, %arg10: memref<125x128xf32, #tpu.memory_space<vmem>>, %arg11: memref<125x128xf32, #tpu.memory_space<vmem>>, %arg12: memref<!tpu.dma_semaphore, #tpu.memory_space<semaphore_mem>>, %arg13: memref<!tpu.dma_semaphore, #tpu.memory_space<semaphore_mem>>) attributes {dimension_semantics = [#tpu.dimension_semantics<core_parallel>, #tpu.dimension_semantics<subcore_parallel>], iteration_bounds = array<i64: 2, 16>, scalar_prefetch = 0 : i64, scratch_operands = 7 : i64, tpu.core_type = #tpu.core_type<sc_vector_subcore>, window_params = [{transform_indices = #map}, {transform_indices = #map}, {transform_indices = #map1}, {transform_indices = #map1}, {transform_indices = #map2}]} {
    %mul3A = arith.constant 624 : i32
    %mul3A_0 = arith.muli %arg1, %mul3A : i32
    %mul3A_1 = arith.constant 624 : i32
    %mul3A_2 = arith.muli %arg1, %mul3A_1 : i32
    "tpu.region"() ({
      %run_scoped3A_44 = tpu.sem_alloc : memref<!tpu.dma_semaphore, #tpu.memory_space<semaphore_mem>>
      %dma_start3A_45 = arith.constant 0 : i32
      %dma_start3A_46 = tpu.memref_slice %arg7[%mul3A_2, %dma_start3A_45] : memref<10000x128xf32, #tpu.memory_space<vmem_shared>> -> memref<624x128xf32, #tpu.memory_space<vmem_shared>>
      %dma_start3A_47 = arith.constant 0 : i32
      %dma_start3A_48 = tpu.memref_slice %arg5[%mul3A_0, %dma_start3A_47] : memref<10000x128xf32, #tpu.memory_space<hbm>> -> memref<624x128xf32, #tpu.memory_space<hbm>>
      tpu.enqueue_dma source(%dma_start3A_48 : memref<624x128xf32, #tpu.memory_space<hbm>>) target(%dma_start3A_46 : memref<624x128xf32, #tpu.memory_space<vmem_shared>>) target_semaphore(%run_scoped3A_44 : memref<!tpu.dma_semaphore, #tpu.memory_space<semaphore_mem>>)
      %dma_wait3A = arith.constant 0 : i32
      %dma_wait3A_49 = tpu.memref_slice %arg7[%mul3A_2, %dma_wait3A] : memref<10000x128xf32, #tpu.memory_space<vmem_shared>> -> memref<624x128xf32, #tpu.memory_space<vmem_shared>>
      %dma_wait3A_50 = arith.constant 0 : i32
      %dma_wait3A_51 = tpu.memref_slice %arg5[%mul3A_0, %dma_wait3A_50] : memref<10000x128xf32, #tpu.memory_space<hbm>> -> memref<624x128xf32, #tpu.memory_space<hbm>>
      tpu.wait_dma2 semaphore(%run_scoped3A_44 : memref<!tpu.dma_semaphore, #tpu.memory_space<semaphore_mem>>) src(%dma_wait3A_51 : memref<624x128xf32, #tpu.memory_space<hbm>>) dst(%dma_wait3A_49 : memref<624x128xf32, #tpu.memory_space<vmem_shared>>)
      tpu.yield
    }) : () -> ()
    %eq3A = arith.constant 15 : i32
    %eq3A_3 = arith.cmpi eq, %arg1, %eq3A : i32
    %convert_element_type3A = arith.extui %eq3A_3 : i1 to i32
    %cond3A = arith.constant 0 : i32
    %cond3A_4 = arith.cmpi ne, %convert_element_type3A, %cond3A : i32
    scf.if %cond3A_4 {
      "tpu.region"() ({
        %run_scoped3A_44 = tpu.sem_alloc : memref<!tpu.dma_semaphore, #tpu.memory_space<semaphore_mem>>
        %dma_start3A_45 = arith.constant 9984 : i32
        %dma_start3A_46 = arith.constant 0 : i32
        %dma_start3A_47 = tpu.memref_slice %arg7[%dma_start3A_45, %dma_start3A_46] : memref<10000x128xf32, #tpu.memory_space<vmem_shared>> -> memref<16x128xf32, #tpu.memory_space<vmem_shared>>
        %dma_start3A_48 = arith.constant 9984 : i32
        %dma_start3A_49 = arith.constant 0 : i32
        %dma_start3A_50 = tpu.memref_slice %arg5[%dma_start3A_48, %dma_start3A_49] : memref<10000x128xf32, #tpu.memory_space<hbm>> -> memref<16x128xf32, #tpu.memory_space<hbm>>
        tpu.enqueue_dma source(%dma_start3A_50 : memref<16x128xf32, #tpu.memory_space<hbm>>) target(%dma_start3A_47 : memref<16x128xf32, #tpu.memory_space<vmem_shared>>) target_semaphore(%run_scoped3A_44 : memref<!tpu.dma_semaphore, #tpu.memory_space<semaphore_mem>>)
        %dma_wait3A = arith.constant 9984 : i32
        %dma_wait3A_51 = arith.constant 0 : i32
        %dma_wait3A_52 = tpu.memref_slice %arg7[%dma_wait3A, %dma_wait3A_51] : memref<10000x128xf32, #tpu.memory_space<vmem_shared>> -> memref<16x128xf32, #tpu.memory_space<vmem_shared>>
        %dma_wait3A_53 = arith.constant 9984 : i32
        %dma_wait3A_54 = arith.constant 0 : i32
        %dma_wait3A_55 = tpu.memref_slice %arg5[%dma_wait3A_53, %dma_wait3A_54] : memref<10000x128xf32, #tpu.memory_space<hbm>> -> memref<16x128xf32, #tpu.memory_space<hbm>>
        tpu.wait_dma2 semaphore(%run_scoped3A_44 : memref<!tpu.dma_semaphore, #tpu.memory_space<semaphore_mem>>) src(%dma_wait3A_55 : memref<16x128xf32, #tpu.memory_space<hbm>>) dst(%dma_wait3A_52 : memref<16x128xf32, #tpu.memory_space<vmem_shared>>)
        tpu.yield
      }) : () -> ()
    } else {
    }
    %barrier3A = arith.constant 0 : index
    tpu.barrier barrier_id(%barrier3A)
    %mul3A_5 = arith.constant 16 : i32
    %mul3A_6 = arith.muli %arg0, %mul3A_5 : i32
    %add3A = arith.addi %mul3A_6, %arg1 : i32
    %run_scoped3A = arith.constant 0 : i32
    "tpu.region"() ({
      %run_scoped3A_44 = tpu.sem_alloc : memref<!tpu.dma_semaphore, #tpu.memory_space<semaphore_mem>>
      %dma_start3A_45 = arith.constant 0 : i32
      %dma_start3A_46 = arith.constant 0 : i32
      %dma_start3A_47 = arith.constant 0 : i32
      %dma_start3A_48 = tpu.memref_slice %arg2[%add3A, %dma_start3A_45, %dma_start3A_46, %dma_start3A_47] : memref<32x2x40x125xi32, #tpu.memory_space<hbm>> -> memref<1x2x40x125xi32, #tpu.memory_space<hbm>>
      %dma_start3A_49 = tpu.memref_squeeze %dma_start3A_48 : memref<1x2x40x125xi32, #tpu.memory_space<hbm>> -> memref<2x40x125xi32, #tpu.memory_space<hbm>>
      %dma_start3A_50 = arith.constant 0 : i32
      %dma_start3A_51 = arith.constant 0 : i32
      %dma_start3A_52 = tpu.memref_slice %dma_start3A_49[%run_scoped3A, %dma_start3A_50, %dma_start3A_51] : memref<2x40x125xi32, #tpu.memory_space<hbm>> -> memref<1x40x125xi32, #tpu.memory_space<hbm>>
      %dma_start3A_53 = tpu.memref_squeeze %dma_start3A_52 : memref<1x40x125xi32, #tpu.memory_space<hbm>> -> memref<40x125xi32, #tpu.memory_space<hbm>>
      %dma_start3A_54 = arith.constant 0 : i32
      %dma_start3A_55 = arith.constant 0 : i32
      %dma_start3A_56 = arith.constant 0 : i32
      %dma_start3A_57 = tpu.memref_slice %arg2[%add3A, %dma_start3A_54, %dma_start3A_55, %dma_start3A_56] : memref<32x2x40x125xi32, #tpu.memory_space<hbm>> -> memref<1x2x40x125xi32, #tpu.memory_space<hbm>>
      %dma_start3A_58 = tpu.memref_squeeze %dma_start3A_57 : memref<1x2x40x125xi32, #tpu.memory_space<hbm>> -> memref<2x40x125xi32, #tpu.memory_space<hbm>>
      %dma_start3A_59 = arith.constant 0 : i32
      %dma_start3A_60 = arith.constant 0 : i32
      %dma_start3A_61 = tpu.memref_slice %dma_start3A_58[%run_scoped3A, %dma_start3A_59, %dma_start3A_60] : memref<2x40x125xi32, #tpu.memory_space<hbm>> -> memref<1x40x125xi32, #tpu.memory_space<hbm>>
      %dma_start3A_62 = tpu.memref_squeeze %dma_start3A_61 : memref<1x40x125xi32, #tpu.memory_space<hbm>> -> memref<40x125xi32, #tpu.memory_space<hbm>>
      tpu.enqueue_dma source(%dma_start3A_62 : memref<40x125xi32, #tpu.memory_space<hbm>>) target(%arg8 : memref<40x125xi32, #tpu.memory_space<vmem>>) target_semaphore(%run_scoped3A_44 : memref<!tpu.dma_semaphore, #tpu.memory_space<semaphore_mem>>)
      %dma_wait3A = arith.constant 0 : i32
      %dma_wait3A_63 = arith.constant 0 : i32
      %dma_wait3A_64 = arith.constant 0 : i32
      %dma_wait3A_65 = tpu.memref_slice %arg2[%add3A, %dma_wait3A, %dma_wait3A_63, %dma_wait3A_64] : memref<32x2x40x125xi32, #tpu.memory_space<hbm>> -> memref<1x2x40x125xi32, #tpu.memory_space<hbm>>
      %dma_wait3A_66 = tpu.memref_squeeze %dma_wait3A_65 : memref<1x2x40x125xi32, #tpu.memory_space<hbm>> -> memref<2x40x125xi32, #tpu.memory_space<hbm>>
      %dma_wait3A_67 = arith.constant 0 : i32
      %dma_wait3A_68 = arith.constant 0 : i32
      %dma_wait3A_69 = tpu.memref_slice %dma_wait3A_66[%run_scoped3A, %dma_wait3A_67, %dma_wait3A_68] : memref<2x40x125xi32, #tpu.memory_space<hbm>> -> memref<1x40x125xi32, #tpu.memory_space<hbm>>
      %dma_wait3A_70 = tpu.memref_squeeze %dma_wait3A_69 : memref<1x40x125xi32, #tpu.memory_space<hbm>> -> memref<40x125xi32, #tpu.memory_space<hbm>>
      %dma_wait3A_71 = arith.constant 0 : i32
      %dma_wait3A_72 = arith.constant 0 : i32
      %dma_wait3A_73 = arith.constant 0 : i32
      %dma_wait3A_74 = tpu.memref_slice %arg2[%add3A, %dma_wait3A_71, %dma_wait3A_72, %dma_wait3A_73] : memref<32x2x40x125xi32, #tpu.memory_space<hbm>> -> memref<1x2x40x125xi32, #tpu.memory_space<hbm>>
      %dma_wait3A_75 = tpu.memref_squeeze %dma_wait3A_74 : memref<1x2x40x125xi32, #tpu.memory_space<hbm>> -> memref<2x40x125xi32, #tpu.memory_space<hbm>>
      %dma_wait3A_76 = arith.constant 0 : i32
      %dma_wait3A_77 = arith.constant 0 : i32
      %dma_wait3A_78 = tpu.memref_slice %dma_wait3A_75[%run_scoped3A, %dma_wait3A_76, %dma_wait3A_77] : memref<2x40x125xi32, #tpu.memory_space<hbm>> -> memref<1x40x125xi32, #tpu.memory_space<hbm>>
      %dma_wait3A_79 = tpu.memref_squeeze %dma_wait3A_78 : memref<1x40x125xi32, #tpu.memory_space<hbm>> -> memref<40x125xi32, #tpu.memory_space<hbm>>
      tpu.wait_dma2 semaphore(%run_scoped3A_44 : memref<!tpu.dma_semaphore, #tpu.memory_space<semaphore_mem>>) src(%dma_wait3A_79 : memref<40x125xi32, #tpu.memory_space<hbm>>) dst(%arg8 : memref<40x125xi32, #tpu.memory_space<vmem>>)
      tpu.yield
    }) : () -> ()
    %run_scoped3A_7 = arith.constant 0 : i32
    "tpu.region"() ({
      %run_scoped3A_44 = tpu.sem_alloc : memref<!tpu.dma_semaphore, #tpu.memory_space<semaphore_mem>>
      %dma_start3A_45 = arith.constant 0 : i32
      %dma_start3A_46 = arith.constant 0 : i32
      %dma_start3A_47 = arith.constant 0 : i32
      %dma_start3A_48 = tpu.memref_slice %arg3[%add3A, %dma_start3A_45, %dma_start3A_46, %dma_start3A_47] : memref<32x2x40x125xi32, #tpu.memory_space<hbm>> -> memref<1x2x40x125xi32, #tpu.memory_space<hbm>>
      %dma_start3A_49 = tpu.memref_squeeze %dma_start3A_48 : memref<1x2x40x125xi32, #tpu.memory_space<hbm>> -> memref<2x40x125xi32, #tpu.memory_space<hbm>>
      %dma_start3A_50 = arith.constant 0 : i32
      %dma_start3A_51 = arith.constant 0 : i32
      %dma_start3A_52 = tpu.memref_slice %dma_start3A_49[%run_scoped3A_7, %dma_start3A_50, %dma_start3A_51] : memref<2x40x125xi32, #tpu.memory_space<hbm>> -> memref<1x40x125xi32, #tpu.memory_space<hbm>>
      %dma_start3A_53 = tpu.memref_squeeze %dma_start3A_52 : memref<1x40x125xi32, #tpu.memory_space<hbm>> -> memref<40x125xi32, #tpu.memory_space<hbm>>
      %dma_start3A_54 = arith.constant 0 : i32
      %dma_start3A_55 = arith.constant 0 : i32
      %dma_start3A_56 = arith.constant 0 : i32
      %dma_start3A_57 = tpu.memref_slice %arg3[%add3A, %dma_start3A_54, %dma_start3A_55, %dma_start3A_56] : memref<32x2x40x125xi32, #tpu.memory_space<hbm>> -> memref<1x2x40x125xi32, #tpu.memory_space<hbm>>
      %dma_start3A_58 = tpu.memref_squeeze %dma_start3A_57 : memref<1x2x40x125xi32, #tpu.memory_space<hbm>> -> memref<2x40x125xi32, #tpu.memory_space<hbm>>
      %dma_start3A_59 = arith.constant 0 : i32
      %dma_start3A_60 = arith.constant 0 : i32
      %dma_start3A_61 = tpu.memref_slice %dma_start3A_58[%run_scoped3A_7, %dma_start3A_59, %dma_start3A_60] : memref<2x40x125xi32, #tpu.memory_space<hbm>> -> memref<1x40x125xi32, #tpu.memory_space<hbm>>
      %dma_start3A_62 = tpu.memref_squeeze %dma_start3A_61 : memref<1x40x125xi32, #tpu.memory_space<hbm>> -> memref<40x125xi32, #tpu.memory_space<hbm>>
      tpu.enqueue_dma source(%dma_start3A_62 : memref<40x125xi32, #tpu.memory_space<hbm>>) target(%arg9 : memref<40x125xi32, #tpu.memory_space<vmem>>) target_semaphore(%run_scoped3A_44 : memref<!tpu.dma_semaphore, #tpu.memory_space<semaphore_mem>>)
      %dma_wait3A = arith.constant 0 : i32
      %dma_wait3A_63 = arith.constant 0 : i32
      %dma_wait3A_64 = arith.constant 0 : i32
      %dma_wait3A_65 = tpu.memref_slice %arg3[%add3A, %dma_wait3A, %dma_wait3A_63, %dma_wait3A_64] : memref<32x2x40x125xi32, #tpu.memory_space<hbm>> -> memref<1x2x40x125xi32, #tpu.memory_space<hbm>>
      %dma_wait3A_66 = tpu.memref_squeeze %dma_wait3A_65 : memref<1x2x40x125xi32, #tpu.memory_space<hbm>> -> memref<2x40x125xi32, #tpu.memory_space<hbm>>
      %dma_wait3A_67 = arith.constant 0 : i32
      %dma_wait3A_68 = arith.constant 0 : i32
      %dma_wait3A_69 = tpu.memref_slice %dma_wait3A_66[%run_scoped3A_7, %dma_wait3A_67, %dma_wait3A_68] : memref<2x40x125xi32, #tpu.memory_space<hbm>> -> memref<1x40x125xi32, #tpu.memory_space<hbm>>
      %dma_wait3A_70 = tpu.memref_squeeze %dma_wait3A_69 : memref<1x40x125xi32, #tpu.memory_space<hbm>> -> memref<40x125xi32, #tpu.memory_space<hbm>>
      %dma_wait3A_71 = arith.constant 0 : i32
      %dma_wait3A_72 = arith.constant 0 : i32
      %dma_wait3A_73 = arith.constant 0 : i32
      %dma_wait3A_74 = tpu.memref_slice %arg3[%add3A, %dma_wait3A_71, %dma_wait3A_72, %dma_wait3A_73] : memref<32x2x40x125xi32, #tpu.memory_space<hbm>> -> memref<1x2x40x125xi32, #tpu.memory_space<hbm>>
      %dma_wait3A_75 = tpu.memref_squeeze %dma_wait3A_74 : memref<1x2x40x125xi32, #tpu.memory_space<hbm>> -> memref<2x40x125xi32, #tpu.memory_space<hbm>>
      %dma_wait3A_76 = arith.constant 0 : i32
      %dma_wait3A_77 = arith.constant 0 : i32
      %dma_wait3A_78 = tpu.memref_slice %dma_wait3A_75[%run_scoped3A_7, %dma_wait3A_76, %dma_wait3A_77] : memref<2x40x125xi32, #tpu.memory_space<hbm>> -> memref<1x40x125xi32, #tpu.memory_space<hbm>>
      %dma_wait3A_79 = tpu.memref_squeeze %dma_wait3A_78 : memref<1x40x125xi32, #tpu.memory_space<hbm>> -> memref<40x125xi32, #tpu.memory_space<hbm>>
      tpu.wait_dma2 semaphore(%run_scoped3A_44 : memref<!tpu.dma_semaphore, #tpu.memory_space<semaphore_mem>>) src(%dma_wait3A_79 : memref<40x125xi32, #tpu.memory_space<hbm>>) dst(%arg9 : memref<40x125xi32, #tpu.memory_space<vmem>>)
      tpu.yield
    }) : () -> ()
    %dma_start3A = arith.constant 0 : i32
    %dma_start3A_8 = arith.constant 0 : i32
    %dma_start3A_9 = tpu.memref_slice %arg8[%dma_start3A, %dma_start3A_8] : memref<40x125xi32, #tpu.memory_space<vmem>> -> memref<1x125xi32, #tpu.memory_space<vmem>>
    %dma_start3A_10 = tpu.memref_squeeze %dma_start3A_9 : memref<1x125xi32, #tpu.memory_space<vmem>> -> memref<125xi32, #tpu.memory_space<vmem>>
    %dma_start3A_11 = arith.constant 0 : i32
    %dma_start3A_12 = arith.constant 0 : i32
    %dma_start3A_13 = tpu.memref_slice %arg4[%dma_start3A_11, %dma_start3A_12] : memref<10000x128xf32, #tpu.memory_space<hbm>> -> memref<10000x128xf32, #tpu.memory_space<hbm>>
    tpu.enqueue_indirect_dma source(%dma_start3A_13 : memref<10000x128xf32, #tpu.memory_space<hbm>>) target(%arg10 : memref<125x128xf32, #tpu.memory_space<vmem>>) offsets(%dma_start3A_10 : memref<125xi32, #tpu.memory_space<vmem>>) semaphore(%arg12 : memref<!tpu.dma_semaphore, #tpu.memory_space<semaphore_mem>>)
    %scan3A = arith.constant 0 : i32
    %scan3A_14 = arith.constant 0 : i32
    %scan3A_15 = arith.constant 20 : i32
    %scan3A_16 = arith.addi %scan3A_14, %scan3A_15 : i32
    %scan3A_17 = arith.constant 1 : i32
    scf.for %scan3A_44 = %scan3A_14 to %scan3A_16 step %scan3A_17  : i32 {
      %mul3A_45 = arith.constant 2 : i32
      %mul3A_46 = arith.muli %mul3A_45, %scan3A_44 : i32
      %dma_wait3A = arith.constant 0 : i32
      %dma_wait3A_47 = tpu.memref_slice %arg8[%mul3A_46, %dma_wait3A] : memref<40x125xi32, #tpu.memory_space<vmem>> -> memref<1x125xi32, #tpu.memory_space<vmem>>
      %dma_wait3A_48 = tpu.memref_squeeze %dma_wait3A_47 : memref<1x125xi32, #tpu.memory_space<vmem>> -> memref<125xi32, #tpu.memory_space<vmem>>
      %dma_wait3A_49 = arith.constant 0 : i32
      %dma_wait3A_50 = arith.constant 0 : i32
      %dma_wait3A_51 = tpu.memref_slice %arg4[%dma_wait3A_49, %dma_wait3A_50] : memref<10000x128xf32, #tpu.memory_space<hbm>> -> memref<10000x128xf32, #tpu.memory_space<hbm>>
      tpu.wait_indirect_dma semaphore(%arg12 : memref<!tpu.dma_semaphore, #tpu.memory_space<semaphore_mem>>) src(%dma_wait3A_51 : memref<10000x128xf32, #tpu.memory_space<hbm>>) dst(%arg10 : memref<125x128xf32, #tpu.memory_space<vmem>>)
      %add3A_52 = arith.constant 1 : i32
      %add3A_53 = arith.addi %mul3A_46, %add3A_52 : i32
      %dma_start3A_54 = arith.constant 0 : i32
      %dma_start3A_55 = tpu.memref_slice %arg8[%add3A_53, %dma_start3A_54] : memref<40x125xi32, #tpu.memory_space<vmem>> -> memref<1x125xi32, #tpu.memory_space<vmem>>
      %dma_start3A_56 = tpu.memref_squeeze %dma_start3A_55 : memref<1x125xi32, #tpu.memory_space<vmem>> -> memref<125xi32, #tpu.memory_space<vmem>>
      %dma_start3A_57 = arith.constant 0 : i32
      %dma_start3A_58 = arith.constant 0 : i32
      %dma_start3A_59 = tpu.memref_slice %arg4[%dma_start3A_57, %dma_start3A_58] : memref<10000x128xf32, #tpu.memory_space<hbm>> -> memref<10000x128xf32, #tpu.memory_space<hbm>>
      tpu.enqueue_indirect_dma source(%dma_start3A_59 : memref<10000x128xf32, #tpu.memory_space<hbm>>) target(%arg11 : memref<125x128xf32, #tpu.memory_space<vmem>>) offsets(%dma_start3A_56 : memref<125xi32, #tpu.memory_space<vmem>>) semaphore(%arg13 : memref<!tpu.dma_semaphore, #tpu.memory_space<semaphore_mem>>)
      "tpu.region"() ({
        %run_scoped3A_74 = tpu.sem_alloc : memref<!tpu.dma_semaphore, #tpu.memory_space<semaphore_mem>>
        %dma_start3A_75 = arith.constant 0 : i32
        %dma_start3A_76 = tpu.memref_slice %arg9[%mul3A_46, %dma_start3A_75] : memref<40x125xi32, #tpu.memory_space<vmem>> -> memref<1x125xi32, #tpu.memory_space<vmem>>
        %dma_start3A_77 = tpu.memref_squeeze %dma_start3A_76 : memref<1x125xi32, #tpu.memory_space<vmem>> -> memref<125xi32, #tpu.memory_space<vmem>>
        %dma_start3A_78 = arith.constant 0 : i32
        %dma_start3A_79 = arith.constant 0 : i32
        %dma_start3A_80 = tpu.memref_slice %arg7[%dma_start3A_78, %dma_start3A_79] : memref<10000x128xf32, #tpu.memory_space<vmem_shared>> -> memref<10000x128xf32, #tpu.memory_space<vmem_shared>>
        tpu.enqueue_indirect_dma source(%arg10 : memref<125x128xf32, #tpu.memory_space<vmem>>) target(%dma_start3A_80 : memref<10000x128xf32, #tpu.memory_space<vmem_shared>>) offsets(%dma_start3A_77 : memref<125xi32, #tpu.memory_space<vmem>>) semaphore(%run_scoped3A_74 : memref<!tpu.dma_semaphore, #tpu.memory_space<semaphore_mem>>) {add = true}
        %dma_wait3A_81 = arith.constant 0 : i32
        %dma_wait3A_82 = tpu.memref_slice %arg9[%mul3A_46, %dma_wait3A_81] : memref<40x125xi32, #tpu.memory_space<vmem>> -> memref<1x125xi32, #tpu.memory_space<vmem>>
        %dma_wait3A_83 = tpu.memref_squeeze %dma_wait3A_82 : memref<1x125xi32, #tpu.memory_space<vmem>> -> memref<125xi32, #tpu.memory_space<vmem>>
        %dma_wait3A_84 = arith.constant 0 : i32
        %dma_wait3A_85 = arith.constant 0 : i32
        %dma_wait3A_86 = tpu.memref_slice %arg7[%dma_wait3A_84, %dma_wait3A_85] : memref<10000x128xf32, #tpu.memory_space<vmem_shared>> -> memref<10000x128xf32, #tpu.memory_space<vmem_shared>>
        tpu.wait_indirect_dma semaphore(%run_scoped3A_74 : memref<!tpu.dma_semaphore, #tpu.memory_space<semaphore_mem>>) src(%arg10 : memref<125x128xf32, #tpu.memory_space<vmem>>) dst(%dma_wait3A_86 : memref<10000x128xf32, #tpu.memory_space<vmem_shared>>)
        tpu.yield
      }) : () -> ()
      %add3A_60 = arith.constant 1 : i32
      %add3A_61 = arith.addi %mul3A_46, %add3A_60 : i32
      %dma_wait3A_62 = arith.constant 0 : i32
      %dma_wait3A_63 = tpu.memref_slice %arg8[%add3A_61, %dma_wait3A_62] : memref<40x125xi32, #tpu.memory_space<vmem>> -> memref<1x125xi32, #tpu.memory_space<vmem>>
      %dma_wait3A_64 = tpu.memref_squeeze %dma_wait3A_63 : memref<1x125xi32, #tpu.memory_space<vmem>> -> memref<125xi32, #tpu.memory_space<vmem>>
      %dma_wait3A_65 = arith.constant 0 : i32
      %dma_wait3A_66 = arith.constant 0 : i32
      %dma_wait3A_67 = tpu.memref_slice %arg4[%dma_wait3A_65, %dma_wait3A_66] : memref<10000x128xf32, #tpu.memory_space<hbm>> -> memref<10000x128xf32, #tpu.memory_space<hbm>>
      tpu.wait_indirect_dma semaphore(%arg13 : memref<!tpu.dma_semaphore, #tpu.memory_space<semaphore_mem>>) src(%dma_wait3A_67 : memref<10000x128xf32, #tpu.memory_space<hbm>>) dst(%arg11 : memref<125x128xf32, #tpu.memory_space<vmem>>)
      %lt3A = arith.constant 19 : i32
      %lt3A_68 = arith.cmpi slt, %scan3A_44, %lt3A : i32
      %convert_element_type3A_69 = arith.extui %lt3A_68 : i1 to i32
      %cond3A_70 = arith.constant 0 : i32
      %cond3A_71 = arith.cmpi ne, %convert_element_type3A_69, %cond3A_70 : i32
      scf.if %cond3A_71 {
        %add3A_74 = arith.constant 2 : i32
        %add3A_75 = arith.addi %mul3A_46, %add3A_74 : i32
        %dma_start3A_76 = arith.constant 0 : i32
        %dma_start3A_77 = tpu.memref_slice %arg8[%add3A_75, %dma_start3A_76] : memref<40x125xi32, #tpu.memory_space<vmem>> -> memref<1x125xi32, #tpu.memory_space<vmem>>
        %dma_start3A_78 = tpu.memref_squeeze %dma_start3A_77 : memref<1x125xi32, #tpu.memory_space<vmem>> -> memref<125xi32, #tpu.memory_space<vmem>>
        %dma_start3A_79 = arith.constant 0 : i32
        %dma_start3A_80 = arith.constant 0 : i32
        %dma_start3A_81 = tpu.memref_slice %arg4[%dma_start3A_79, %dma_start3A_80] : memref<10000x128xf32, #tpu.memory_space<hbm>> -> memref<10000x128xf32, #tpu.memory_space<hbm>>
        tpu.enqueue_indirect_dma source(%dma_start3A_81 : memref<10000x128xf32, #tpu.memory_space<hbm>>) target(%arg10 : memref<125x128xf32, #tpu.memory_space<vmem>>) offsets(%dma_start3A_78 : memref<125xi32, #tpu.memory_space<vmem>>) semaphore(%arg12 : memref<!tpu.dma_semaphore, #tpu.memory_space<semaphore_mem>>)
      } else {
      }
      %add3A_72 = arith.constant 1 : i32
      %add3A_73 = arith.addi %mul3A_46, %add3A_72 : i32
      "tpu.region"() ({
        %run_scoped3A_74 = tpu.sem_alloc : memref<!tpu.dma_semaphore, #tpu.memory_space<semaphore_mem>>
        %dma_start3A_75 = arith.constant 0 : i32
        %dma_start3A_76 = tpu.memref_slice %arg9[%add3A_73, %dma_start3A_75] : memref<40x125xi32, #tpu.memory_space<vmem>> -> memref<1x125xi32, #tpu.memory_space<vmem>>
        %dma_start3A_77 = tpu.memref_squeeze %dma_start3A_76 : memref<1x125xi32, #tpu.memory_space<vmem>> -> memref<125xi32, #tpu.memory_space<vmem>>
        %dma_start3A_78 = arith.constant 0 : i32
        %dma_start3A_79 = arith.constant 0 : i32
        %dma_start3A_80 = tpu.memref_slice %arg7[%dma_start3A_78, %dma_start3A_79] : memref<10000x128xf32, #tpu.memory_space<vmem_shared>> -> memref<10000x128xf32, #tpu.memory_space<vmem_shared>>
        tpu.enqueue_indirect_dma source(%arg11 : memref<125x128xf32, #tpu.memory_space<vmem>>) target(%dma_start3A_80 : memref<10000x128xf32, #tpu.memory_space<vmem_shared>>) offsets(%dma_start3A_77 : memref<125xi32, #tpu.memory_space<vmem>>) semaphore(%run_scoped3A_74 : memref<!tpu.dma_semaphore, #tpu.memory_space<semaphore_mem>>) {add = true}
        %dma_wait3A_81 = arith.constant 0 : i32
        %dma_wait3A_82 = tpu.memref_slice %arg9[%add3A_73, %dma_wait3A_81] : memref<40x125xi32, #tpu.memory_space<vmem>> -> memref<1x125xi32, #tpu.memory_space<vmem>>
        %dma_wait3A_83 = tpu.memref_squeeze %dma_wait3A_82 : memref<1x125xi32, #tpu.memory_space<vmem>> -> memref<125xi32, #tpu.memory_space<vmem>>
        %dma_wait3A_84 = arith.constant 0 : i32
        %dma_wait3A_85 = arith.constant 0 : i32
        %dma_wait3A_86 = tpu.memref_slice %arg7[%dma_wait3A_84, %dma_wait3A_85] : memref<10000x128xf32, #tpu.memory_space<vmem_shared>> -> memref<10000x128xf32, #tpu.memory_space<vmem_shared>>
        tpu.wait_indirect_dma semaphore(%run_scoped3A_74 : memref<!tpu.dma_semaphore, #tpu.memory_space<semaphore_mem>>) src(%arg11 : memref<125x128xf32, #tpu.memory_space<vmem>>) dst(%dma_wait3A_86 : memref<10000x128xf32, #tpu.memory_space<vmem_shared>>)
        tpu.yield
      }) : () -> ()
    }
    %scan3A_18 = arith.constant 20 : i32
    %run_scoped3A_19 = arith.constant 1 : i32
    "tpu.region"() ({
      %run_scoped3A_44 = tpu.sem_alloc : memref<!tpu.dma_semaphore, #tpu.memory_space<semaphore_mem>>
      %dma_start3A_45 = arith.constant 0 : i32
      %dma_start3A_46 = arith.constant 0 : i32
      %dma_start3A_47 = arith.constant 0 : i32
      %dma_start3A_48 = tpu.memref_slice %arg2[%add3A, %dma_start3A_45, %dma_start3A_46, %dma_start3A_47] : memref<32x2x40x125xi32, #tpu.memory_space<hbm>> -> memref<1x2x40x125xi32, #tpu.memory_space<hbm>>
      %dma_start3A_49 = tpu.memref_squeeze %dma_start3A_48 : memref<1x2x40x125xi32, #tpu.memory_space<hbm>> -> memref<2x40x125xi32, #tpu.memory_space<hbm>>
      %dma_start3A_50 = arith.constant 0 : i32
      %dma_start3A_51 = arith.constant 0 : i32
      %dma_start3A_52 = tpu.memref_slice %dma_start3A_49[%run_scoped3A_19, %dma_start3A_50, %dma_start3A_51] : memref<2x40x125xi32, #tpu.memory_space<hbm>> -> memref<1x40x125xi32, #tpu.memory_space<hbm>>
      %dma_start3A_53 = tpu.memref_squeeze %dma_start3A_52 : memref<1x40x125xi32, #tpu.memory_space<hbm>> -> memref<40x125xi32, #tpu.memory_space<hbm>>
      %dma_start3A_54 = arith.constant 0 : i32
      %dma_start3A_55 = arith.constant 0 : i32
      %dma_start3A_56 = arith.constant 0 : i32
      %dma_start3A_57 = tpu.memref_slice %arg2[%add3A, %dma_start3A_54, %dma_start3A_55, %dma_start3A_56] : memref<32x2x40x125xi32, #tpu.memory_space<hbm>> -> memref<1x2x40x125xi32, #tpu.memory_space<hbm>>
      %dma_start3A_58 = tpu.memref_squeeze %dma_start3A_57 : memref<1x2x40x125xi32, #tpu.memory_space<hbm>> -> memref<2x40x125xi32, #tpu.memory_space<hbm>>
      %dma_start3A_59 = arith.constant 0 : i32
      %dma_start3A_60 = arith.constant 0 : i32
      %dma_start3A_61 = tpu.memref_slice %dma_start3A_58[%run_scoped3A_19, %dma_start3A_59, %dma_start3A_60] : memref<2x40x125xi32, #tpu.memory_space<hbm>> -> memref<1x40x125xi32, #tpu.memory_space<hbm>>
      %dma_start3A_62 = tpu.memref_squeeze %dma_start3A_61 : memref<1x40x125xi32, #tpu.memory_space<hbm>> -> memref<40x125xi32, #tpu.memory_space<hbm>>
      tpu.enqueue_dma source(%dma_start3A_62 : memref<40x125xi32, #tpu.memory_space<hbm>>) target(%arg8 : memref<40x125xi32, #tpu.memory_space<vmem>>) target_semaphore(%run_scoped3A_44 : memref<!tpu.dma_semaphore, #tpu.memory_space<semaphore_mem>>)
      %dma_wait3A = arith.constant 0 : i32
      %dma_wait3A_63 = arith.constant 0 : i32
      %dma_wait3A_64 = arith.constant 0 : i32
      %dma_wait3A_65 = tpu.memref_slice %arg2[%add3A, %dma_wait3A, %dma_wait3A_63, %dma_wait3A_64] : memref<32x2x40x125xi32, #tpu.memory_space<hbm>> -> memref<1x2x40x125xi32, #tpu.memory_space<hbm>>
      %dma_wait3A_66 = tpu.memref_squeeze %dma_wait3A_65 : memref<1x2x40x125xi32, #tpu.memory_space<hbm>> -> memref<2x40x125xi32, #tpu.memory_space<hbm>>
      %dma_wait3A_67 = arith.constant 0 : i32
      %dma_wait3A_68 = arith.constant 0 : i32
      %dma_wait3A_69 = tpu.memref_slice %dma_wait3A_66[%run_scoped3A_19, %dma_wait3A_67, %dma_wait3A_68] : memref<2x40x125xi32, #tpu.memory_space<hbm>> -> memref<1x40x125xi32, #tpu.memory_space<hbm>>
      %dma_wait3A_70 = tpu.memref_squeeze %dma_wait3A_69 : memref<1x40x125xi32, #tpu.memory_space<hbm>> -> memref<40x125xi32, #tpu.memory_space<hbm>>
      %dma_wait3A_71 = arith.constant 0 : i32
      %dma_wait3A_72 = arith.constant 0 : i32
      %dma_wait3A_73 = arith.constant 0 : i32
      %dma_wait3A_74 = tpu.memref_slice %arg2[%add3A, %dma_wait3A_71, %dma_wait3A_72, %dma_wait3A_73] : memref<32x2x40x125xi32, #tpu.memory_space<hbm>> -> memref<1x2x40x125xi32, #tpu.memory_space<hbm>>
      %dma_wait3A_75 = tpu.memref_squeeze %dma_wait3A_74 : memref<1x2x40x125xi32, #tpu.memory_space<hbm>> -> memref<2x40x125xi32, #tpu.memory_space<hbm>>
      %dma_wait3A_76 = arith.constant 0 : i32
      %dma_wait3A_77 = arith.constant 0 : i32
      %dma_wait3A_78 = tpu.memref_slice %dma_wait3A_75[%run_scoped3A_19, %dma_wait3A_76, %dma_wait3A_77] : memref<2x40x125xi32, #tpu.memory_space<hbm>> -> memref<1x40x125xi32, #tpu.memory_space<hbm>>
      %dma_wait3A_79 = tpu.memref_squeeze %dma_wait3A_78 : memref<1x40x125xi32, #tpu.memory_space<hbm>> -> memref<40x125xi32, #tpu.memory_space<hbm>>
      tpu.wait_dma2 semaphore(%run_scoped3A_44 : memref<!tpu.dma_semaphore, #tpu.memory_space<semaphore_mem>>) src(%dma_wait3A_79 : memref<40x125xi32, #tpu.memory_space<hbm>>) dst(%arg8 : memref<40x125xi32, #tpu.memory_space<vmem>>)
      tpu.yield
    }) : () -> ()
    %run_scoped3A_20 = arith.constant 1 : i32
    "tpu.region"() ({
      %run_scoped3A_44 = tpu.sem_alloc : memref<!tpu.dma_semaphore, #tpu.memory_space<semaphore_mem>>
      %dma_start3A_45 = arith.constant 0 : i32
      %dma_start3A_46 = arith.constant 0 : i32
      %dma_start3A_47 = arith.constant 0 : i32
      %dma_start3A_48 = tpu.memref_slice %arg3[%add3A, %dma_start3A_45, %dma_start3A_46, %dma_start3A_47] : memref<32x2x40x125xi32, #tpu.memory_space<hbm>> -> memref<1x2x40x125xi32, #tpu.memory_space<hbm>>
      %dma_start3A_49 = tpu.memref_squeeze %dma_start3A_48 : memref<1x2x40x125xi32, #tpu.memory_space<hbm>> -> memref<2x40x125xi32, #tpu.memory_space<hbm>>
      %dma_start3A_50 = arith.constant 0 : i32
      %dma_start3A_51 = arith.constant 0 : i32
      %dma_start3A_52 = tpu.memref_slice %dma_start3A_49[%run_scoped3A_20, %dma_start3A_50, %dma_start3A_51] : memref<2x40x125xi32, #tpu.memory_space<hbm>> -> memref<1x40x125xi32, #tpu.memory_space<hbm>>
      %dma_start3A_53 = tpu.memref_squeeze %dma_start3A_52 : memref<1x40x125xi32, #tpu.memory_space<hbm>> -> memref<40x125xi32, #tpu.memory_space<hbm>>
      %dma_start3A_54 = arith.constant 0 : i32
      %dma_start3A_55 = arith.constant 0 : i32
      %dma_start3A_56 = arith.constant 0 : i32
      %dma_start3A_57 = tpu.memref_slice %arg3[%add3A, %dma_start3A_54, %dma_start3A_55, %dma_start3A_56] : memref<32x2x40x125xi32, #tpu.memory_space<hbm>> -> memref<1x2x40x125xi32, #tpu.memory_space<hbm>>
      %dma_start3A_58 = tpu.memref_squeeze %dma_start3A_57 : memref<1x2x40x125xi32, #tpu.memory_space<hbm>> -> memref<2x40x125xi32, #tpu.memory_space<hbm>>
      %dma_start3A_59 = arith.constant 0 : i32
      %dma_start3A_60 = arith.constant 0 : i32
      %dma_start3A_61 = tpu.memref_slice %dma_start3A_58[%run_scoped3A_20, %dma_start3A_59, %dma_start3A_60] : memref<2x40x125xi32, #tpu.memory_space<hbm>> -> memref<1x40x125xi32, #tpu.memory_space<hbm>>
      %dma_start3A_62 = tpu.memref_squeeze %dma_start3A_61 : memref<1x40x125xi32, #tpu.memory_space<hbm>> -> memref<40x125xi32, #tpu.memory_space<hbm>>
      tpu.enqueue_dma source(%dma_start3A_62 : memref<40x125xi32, #tpu.memory_space<hbm>>) target(%arg9 : memref<40x125xi32, #tpu.memory_space<vmem>>) target_semaphore(%run_scoped3A_44 : memref<!tpu.dma_semaphore, #tpu.memory_space<semaphore_mem>>)
      %dma_wait3A = arith.constant 0 : i32
      %dma_wait3A_63 = arith.constant 0 : i32
      %dma_wait3A_64 = arith.constant 0 : i32
      %dma_wait3A_65 = tpu.memref_slice %arg3[%add3A, %dma_wait3A, %dma_wait3A_63, %dma_wait3A_64] : memref<32x2x40x125xi32, #tpu.memory_space<hbm>> -> memref<1x2x40x125xi32, #tpu.memory_space<hbm>>
      %dma_wait3A_66 = tpu.memref_squeeze %dma_wait3A_65 : memref<1x2x40x125xi32, #tpu.memory_space<hbm>> -> memref<2x40x125xi32, #tpu.memory_space<hbm>>
      %dma_wait3A_67 = arith.constant 0 : i32
      %dma_wait3A_68 = arith.constant 0 : i32
      %dma_wait3A_69 = tpu.memref_slice %dma_wait3A_66[%run_scoped3A_20, %dma_wait3A_67, %dma_wait3A_68] : memref<2x40x125xi32, #tpu.memory_space<hbm>> -> memref<1x40x125xi32, #tpu.memory_space<hbm>>
      %dma_wait3A_70 = tpu.memref_squeeze %dma_wait3A_69 : memref<1x40x125xi32, #tpu.memory_space<hbm>> -> memref<40x125xi32, #tpu.memory_space<hbm>>
      %dma_wait3A_71 = arith.constant 0 : i32
      %dma_wait3A_72 = arith.constant 0 : i32
      %dma_wait3A_73 = arith.constant 0 : i32
      %dma_wait3A_74 = tpu.memref_slice %arg3[%add3A, %dma_wait3A_71, %dma_wait3A_72, %dma_wait3A_73] : memref<32x2x40x125xi32, #tpu.memory_space<hbm>> -> memref<1x2x40x125xi32, #tpu.memory_space<hbm>>
      %dma_wait3A_75 = tpu.memref_squeeze %dma_wait3A_74 : memref<1x2x40x125xi32, #tpu.memory_space<hbm>> -> memref<2x40x125xi32, #tpu.memory_space<hbm>>
      %dma_wait3A_76 = arith.constant 0 : i32
      %dma_wait3A_77 = arith.constant 0 : i32
      %dma_wait3A_78 = tpu.memref_slice %dma_wait3A_75[%run_scoped3A_20, %dma_wait3A_76, %dma_wait3A_77] : memref<2x40x125xi32, #tpu.memory_space<hbm>> -> memref<1x40x125xi32, #tpu.memory_space<hbm>>
      %dma_wait3A_79 = tpu.memref_squeeze %dma_wait3A_78 : memref<1x40x125xi32, #tpu.memory_space<hbm>> -> memref<40x125xi32, #tpu.memory_space<hbm>>
      tpu.wait_dma2 semaphore(%run_scoped3A_44 : memref<!tpu.dma_semaphore, #tpu.memory_space<semaphore_mem>>) src(%dma_wait3A_79 : memref<40x125xi32, #tpu.memory_space<hbm>>) dst(%arg9 : memref<40x125xi32, #tpu.memory_space<vmem>>)
      tpu.yield
    }) : () -> ()
    %dma_start3A_21 = arith.constant 0 : i32
    %dma_start3A_22 = arith.constant 0 : i32
    %dma_start3A_23 = tpu.memref_slice %arg8[%dma_start3A_21, %dma_start3A_22] : memref<40x125xi32, #tpu.memory_space<vmem>> -> memref<1x125xi32, #tpu.memory_space<vmem>>
    %dma_start3A_24 = tpu.memref_squeeze %dma_start3A_23 : memref<1x125xi32, #tpu.memory_space<vmem>> -> memref<125xi32, #tpu.memory_space<vmem>>
    %dma_start3A_25 = arith.constant 0 : i32
    %dma_start3A_26 = arith.constant 0 : i32
    %dma_start3A_27 = tpu.memref_slice %arg4[%dma_start3A_25, %dma_start3A_26] : memref<10000x128xf32, #tpu.memory_space<hbm>> -> memref<10000x128xf32, #tpu.memory_space<hbm>>
    tpu.enqueue_indirect_dma source(%dma_start3A_27 : memref<10000x128xf32, #tpu.memory_space<hbm>>) target(%arg10 : memref<125x128xf32, #tpu.memory_space<vmem>>) offsets(%dma_start3A_24 : memref<125xi32, #tpu.memory_space<vmem>>) semaphore(%arg12 : memref<!tpu.dma_semaphore, #tpu.memory_space<semaphore_mem>>)
    %scan3A_28 = arith.constant 0 : i32
    %scan3A_29 = arith.constant 0 : i32
    %scan3A_30 = arith.constant 20 : i32
    %scan3A_31 = arith.addi %scan3A_29, %scan3A_30 : i32
    %scan3A_32 = arith.constant 1 : i32
    scf.for %scan3A_44 = %scan3A_29 to %scan3A_31 step %scan3A_32  : i32 {
      %mul3A_45 = arith.constant 2 : i32
      %mul3A_46 = arith.muli %mul3A_45, %scan3A_44 : i32
      %dma_wait3A = arith.constant 0 : i32
      %dma_wait3A_47 = tpu.memref_slice %arg8[%mul3A_46, %dma_wait3A] : memref<40x125xi32, #tpu.memory_space<vmem>> -> memref<1x125xi32, #tpu.memory_space<vmem>>
      %dma_wait3A_48 = tpu.memref_squeeze %dma_wait3A_47 : memref<1x125xi32, #tpu.memory_space<vmem>> -> memref<125xi32, #tpu.memory_space<vmem>>
      %dma_wait3A_49 = arith.constant 0 : i32
      %dma_wait3A_50 = arith.constant 0 : i32
      %dma_wait3A_51 = tpu.memref_slice %arg4[%dma_wait3A_49, %dma_wait3A_50] : memref<10000x128xf32, #tpu.memory_space<hbm>> -> memref<10000x128xf32, #tpu.memory_space<hbm>>
      tpu.wait_indirect_dma semaphore(%arg12 : memref<!tpu.dma_semaphore, #tpu.memory_space<semaphore_mem>>) src(%dma_wait3A_51 : memref<10000x128xf32, #tpu.memory_space<hbm>>) dst(%arg10 : memref<125x128xf32, #tpu.memory_space<vmem>>)
      %add3A_52 = arith.constant 1 : i32
      %add3A_53 = arith.addi %mul3A_46, %add3A_52 : i32
      %dma_start3A_54 = arith.constant 0 : i32
      %dma_start3A_55 = tpu.memref_slice %arg8[%add3A_53, %dma_start3A_54] : memref<40x125xi32, #tpu.memory_space<vmem>> -> memref<1x125xi32, #tpu.memory_space<vmem>>
      %dma_start3A_56 = tpu.memref_squeeze %dma_start3A_55 : memref<1x125xi32, #tpu.memory_space<vmem>> -> memref<125xi32, #tpu.memory_space<vmem>>
      %dma_start3A_57 = arith.constant 0 : i32
      %dma_start3A_58 = arith.constant 0 : i32
      %dma_start3A_59 = tpu.memref_slice %arg4[%dma_start3A_57, %dma_start3A_58] : memref<10000x128xf32, #tpu.memory_space<hbm>> -> memref<10000x128xf32, #tpu.memory_space<hbm>>
      tpu.enqueue_indirect_dma source(%dma_start3A_59 : memref<10000x128xf32, #tpu.memory_space<hbm>>) target(%arg11 : memref<125x128xf32, #tpu.memory_space<vmem>>) offsets(%dma_start3A_56 : memref<125xi32, #tpu.memory_space<vmem>>) semaphore(%arg13 : memref<!tpu.dma_semaphore, #tpu.memory_space<semaphore_mem>>)
      "tpu.region"() ({
        %run_scoped3A_74 = tpu.sem_alloc : memref<!tpu.dma_semaphore, #tpu.memory_space<semaphore_mem>>
        %dma_start3A_75 = arith.constant 0 : i32
        %dma_start3A_76 = tpu.memref_slice %arg9[%mul3A_46, %dma_start3A_75] : memref<40x125xi32, #tpu.memory_space<vmem>> -> memref<1x125xi32, #tpu.memory_space<vmem>>
        %dma_start3A_77 = tpu.memref_squeeze %dma_start3A_76 : memref<1x125xi32, #tpu.memory_space<vmem>> -> memref<125xi32, #tpu.memory_space<vmem>>
        %dma_start3A_78 = arith.constant 0 : i32
        %dma_start3A_79 = arith.constant 0 : i32
        %dma_start3A_80 = tpu.memref_slice %arg7[%dma_start3A_78, %dma_start3A_79] : memref<10000x128xf32, #tpu.memory_space<vmem_shared>> -> memref<10000x128xf32, #tpu.memory_space<vmem_shared>>
        tpu.enqueue_indirect_dma source(%arg10 : memref<125x128xf32, #tpu.memory_space<vmem>>) target(%dma_start3A_80 : memref<10000x128xf32, #tpu.memory_space<vmem_shared>>) offsets(%dma_start3A_77 : memref<125xi32, #tpu.memory_space<vmem>>) semaphore(%run_scoped3A_74 : memref<!tpu.dma_semaphore, #tpu.memory_space<semaphore_mem>>) {add = true}
        %dma_wait3A_81 = arith.constant 0 : i32
        %dma_wait3A_82 = tpu.memref_slice %arg9[%mul3A_46, %dma_wait3A_81] : memref<40x125xi32, #tpu.memory_space<vmem>> -> memref<1x125xi32, #tpu.memory_space<vmem>>
        %dma_wait3A_83 = tpu.memref_squeeze %dma_wait3A_82 : memref<1x125xi32, #tpu.memory_space<vmem>> -> memref<125xi32, #tpu.memory_space<vmem>>
        %dma_wait3A_84 = arith.constant 0 : i32
        %dma_wait3A_85 = arith.constant 0 : i32
        %dma_wait3A_86 = tpu.memref_slice %arg7[%dma_wait3A_84, %dma_wait3A_85] : memref<10000x128xf32, #tpu.memory_space<vmem_shared>> -> memref<10000x128xf32, #tpu.memory_space<vmem_shared>>
        tpu.wait_indirect_dma semaphore(%run_scoped3A_74 : memref<!tpu.dma_semaphore, #tpu.memory_space<semaphore_mem>>) src(%arg10 : memref<125x128xf32, #tpu.memory_space<vmem>>) dst(%dma_wait3A_86 : memref<10000x128xf32, #tpu.memory_space<vmem_shared>>)
        tpu.yield
      }) : () -> ()
      %add3A_60 = arith.constant 1 : i32
      %add3A_61 = arith.addi %mul3A_46, %add3A_60 : i32
      %dma_wait3A_62 = arith.constant 0 : i32
      %dma_wait3A_63 = tpu.memref_slice %arg8[%add3A_61, %dma_wait3A_62] : memref<40x125xi32, #tpu.memory_space<vmem>> -> memref<1x125xi32, #tpu.memory_space<vmem>>
      %dma_wait3A_64 = tpu.memref_squeeze %dma_wait3A_63 : memref<1x125xi32, #tpu.memory_space<vmem>> -> memref<125xi32, #tpu.memory_space<vmem>>
      %dma_wait3A_65 = arith.constant 0 : i32
      %dma_wait3A_66 = arith.constant 0 : i32
      %dma_wait3A_67 = tpu.memref_slice %arg4[%dma_wait3A_65, %dma_wait3A_66] : memref<10000x128xf32, #tpu.memory_space<hbm>> -> memref<10000x128xf32, #tpu.memory_space<hbm>>
      tpu.wait_indirect_dma semaphore(%arg13 : memref<!tpu.dma_semaphore, #tpu.memory_space<semaphore_mem>>) src(%dma_wait3A_67 : memref<10000x128xf32, #tpu.memory_space<hbm>>) dst(%arg11 : memref<125x128xf32, #tpu.memory_space<vmem>>)
      %lt3A = arith.constant 19 : i32
      %lt3A_68 = arith.cmpi slt, %scan3A_44, %lt3A : i32
      %convert_element_type3A_69 = arith.extui %lt3A_68 : i1 to i32
      %cond3A_70 = arith.constant 0 : i32
      %cond3A_71 = arith.cmpi ne, %convert_element_type3A_69, %cond3A_70 : i32
      scf.if %cond3A_71 {
        %add3A_74 = arith.constant 2 : i32
        %add3A_75 = arith.addi %mul3A_46, %add3A_74 : i32
        %dma_start3A_76 = arith.constant 0 : i32
        %dma_start3A_77 = tpu.memref_slice %arg8[%add3A_75, %dma_start3A_76] : memref<40x125xi32, #tpu.memory_space<vmem>> -> memref<1x125xi32, #tpu.memory_space<vmem>>
        %dma_start3A_78 = tpu.memref_squeeze %dma_start3A_77 : memref<1x125xi32, #tpu.memory_space<vmem>> -> memref<125xi32, #tpu.memory_space<vmem>>
        %dma_start3A_79 = arith.constant 0 : i32
        %dma_start3A_80 = arith.constant 0 : i32
        %dma_start3A_81 = tpu.memref_slice %arg4[%dma_start3A_79, %dma_start3A_80] : memref<10000x128xf32, #tpu.memory_space<hbm>> -> memref<10000x128xf32, #tpu.memory_space<hbm>>
        tpu.enqueue_indirect_dma source(%dma_start3A_81 : memref<10000x128xf32, #tpu.memory_space<hbm>>) target(%arg10 : memref<125x128xf32, #tpu.memory_space<vmem>>) offsets(%dma_start3A_78 : memref<125xi32, #tpu.memory_space<vmem>>) semaphore(%arg12 : memref<!tpu.dma_semaphore, #tpu.memory_space<semaphore_mem>>)
      } else {
      }
      %add3A_72 = arith.constant 1 : i32
      %add3A_73 = arith.addi %mul3A_46, %add3A_72 : i32
      "tpu.region"() ({
        %run_scoped3A_74 = tpu.sem_alloc : memref<!tpu.dma_semaphore, #tpu.memory_space<semaphore_mem>>
        %dma_start3A_75 = arith.constant 0 : i32
        %dma_start3A_76 = tpu.memref_slice %arg9[%add3A_73, %dma_start3A_75] : memref<40x125xi32, #tpu.memory_space<vmem>> -> memref<1x125xi32, #tpu.memory_space<vmem>>
        %dma_start3A_77 = tpu.memref_squeeze %dma_start3A_76 : memref<1x125xi32, #tpu.memory_space<vmem>> -> memref<125xi32, #tpu.memory_space<vmem>>
        %dma_start3A_78 = arith.constant 0 : i32
        %dma_start3A_79 = arith.constant 0 : i32
        %dma_start3A_80 = tpu.memref_slice %arg7[%dma_start3A_78, %dma_start3A_79] : memref<10000x128xf32, #tpu.memory_space<vmem_shared>> -> memref<10000x128xf32, #tpu.memory_space<vmem_shared>>
        tpu.enqueue_indirect_dma source(%arg11 : memref<125x128xf32, #tpu.memory_space<vmem>>) target(%dma_start3A_80 : memref<10000x128xf32, #tpu.memory_space<vmem_shared>>) offsets(%dma_start3A_77 : memref<125xi32, #tpu.memory_space<vmem>>) semaphore(%run_scoped3A_74 : memref<!tpu.dma_semaphore, #tpu.memory_space<semaphore_mem>>) {add = true}
        %dma_wait3A_81 = arith.constant 0 : i32
        %dma_wait3A_82 = tpu.memref_slice %arg9[%add3A_73, %dma_wait3A_81] : memref<40x125xi32, #tpu.memory_space<vmem>> -> memref<1x125xi32, #tpu.memory_space<vmem>>
        %dma_wait3A_83 = tpu.memref_squeeze %dma_wait3A_82 : memref<1x125xi32, #tpu.memory_space<vmem>> -> memref<125xi32, #tpu.memory_space<vmem>>
        %dma_wait3A_84 = arith.constant 0 : i32
        %dma_wait3A_85 = arith.constant 0 : i32
        %dma_wait3A_86 = tpu.memref_slice %arg7[%dma_wait3A_84, %dma_wait3A_85] : memref<10000x128xf32, #tpu.memory_space<vmem_shared>> -> memref<10000x128xf32, #tpu.memory_space<vmem_shared>>
        tpu.wait_indirect_dma semaphore(%run_scoped3A_74 : memref<!tpu.dma_semaphore, #tpu.memory_space<semaphore_mem>>) src(%arg11 : memref<125x128xf32, #tpu.memory_space<vmem>>) dst(%dma_wait3A_86 : memref<10000x128xf32, #tpu.memory_space<vmem_shared>>)
        tpu.yield
      }) : () -> ()
    }
    %scan3A_33 = arith.constant 20 : i32
    %barrier3A_34 = arith.constant 0 : index
    tpu.barrier barrier_id(%barrier3A_34)
    %mul3A_35 = arith.constant 624 : i32
    %mul3A_36 = arith.muli %arg1, %mul3A_35 : i32
    %mul3A_37 = arith.constant 624 : i32
    %mul3A_38 = arith.muli %arg1, %mul3A_37 : i32
    "tpu.region"() ({
      %run_scoped3A_44 = tpu.sem_alloc : memref<!tpu.dma_semaphore, #tpu.memory_space<semaphore_mem>>
      %dma_start3A_45 = arith.constant 0 : i32
      %dma_start3A_46 = arith.constant 0 : i32
      %dma_start3A_47 = tpu.memref_slice %arg6[%arg0, %dma_start3A_45, %dma_start3A_46] : memref<2x10000x128xf32, #tpu.memory_space<hbm>> -> memref<1x10000x128xf32, #tpu.memory_space<hbm>>
      %dma_start3A_48 = tpu.memref_squeeze %dma_start3A_47 : memref<1x10000x128xf32, #tpu.memory_space<hbm>> -> memref<10000x128xf32, #tpu.memory_space<hbm>>
      %dma_start3A_49 = arith.constant 0 : i32
      %dma_start3A_50 = tpu.memref_slice %dma_start3A_48[%mul3A_38, %dma_start3A_49] : memref<10000x128xf32, #tpu.memory_space<hbm>> -> memref<624x128xf32, #tpu.memory_space<hbm>>
      %dma_start3A_51 = arith.constant 0 : i32
      %dma_start3A_52 = tpu.memref_slice %arg7[%mul3A_36, %dma_start3A_51] : memref<10000x128xf32, #tpu.memory_space<vmem_shared>> -> memref<624x128xf32, #tpu.memory_space<vmem_shared>>
      tpu.enqueue_dma source(%dma_start3A_52 : memref<624x128xf32, #tpu.memory_space<vmem_shared>>) target(%dma_start3A_50 : memref<624x128xf32, #tpu.memory_space<hbm>>) target_semaphore(%run_scoped3A_44 : memref<!tpu.dma_semaphore, #tpu.memory_space<semaphore_mem>>)
      %dma_wait3A = arith.constant 0 : i32
      %dma_wait3A_53 = arith.constant 0 : i32
      %dma_wait3A_54 = tpu.memref_slice %arg6[%arg0, %dma_wait3A, %dma_wait3A_53] : memref<2x10000x128xf32, #tpu.memory_space<hbm>> -> memref<1x10000x128xf32, #tpu.memory_space<hbm>>
      %dma_wait3A_55 = tpu.memref_squeeze %dma_wait3A_54 : memref<1x10000x128xf32, #tpu.memory_space<hbm>> -> memref<10000x128xf32, #tpu.memory_space<hbm>>
      %dma_wait3A_56 = arith.constant 0 : i32
      %dma_wait3A_57 = tpu.memref_slice %dma_wait3A_55[%mul3A_38, %dma_wait3A_56] : memref<10000x128xf32, #tpu.memory_space<hbm>> -> memref<624x128xf32, #tpu.memory_space<hbm>>
      %dma_wait3A_58 = arith.constant 0 : i32
      %dma_wait3A_59 = tpu.memref_slice %arg7[%mul3A_36, %dma_wait3A_58] : memref<10000x128xf32, #tpu.memory_space<vmem_shared>> -> memref<624x128xf32, #tpu.memory_space<vmem_shared>>
      tpu.wait_dma2 semaphore(%run_scoped3A_44 : memref<!tpu.dma_semaphore, #tpu.memory_space<semaphore_mem>>) src(%dma_wait3A_59 : memref<624x128xf32, #tpu.memory_space<vmem_shared>>) dst(%dma_wait3A_57 : memref<624x128xf32, #tpu.memory_space<hbm>>)
      tpu.yield
    }) : () -> ()
    %eq3A_39 = arith.constant 15 : i32
    %eq3A_40 = arith.cmpi eq, %arg1, %eq3A_39 : i32
    %convert_element_type3A_41 = arith.extui %eq3A_40 : i1 to i32
    %cond3A_42 = arith.constant 0 : i32
    %cond3A_43 = arith.cmpi ne, %convert_element_type3A_41, %cond3A_42 : i32
    scf.if %cond3A_43 {
      "tpu.region"() ({
        %run_scoped3A_44 = tpu.sem_alloc : memref<!tpu.dma_semaphore, #tpu.memory_space<semaphore_mem>>
        %dma_start3A_45 = arith.constant 0 : i32
        %dma_start3A_46 = arith.constant 0 : i32
        %dma_start3A_47 = tpu.memref_slice %arg6[%arg0, %dma_start3A_45, %dma_start3A_46] : memref<2x10000x128xf32, #tpu.memory_space<hbm>> -> memref<1x10000x128xf32, #tpu.memory_space<hbm>>
        %dma_start3A_48 = tpu.memref_squeeze %dma_start3A_47 : memref<1x10000x128xf32, #tpu.memory_space<hbm>> -> memref<10000x128xf32, #tpu.memory_space<hbm>>
        %dma_start3A_49 = arith.constant 9984 : i32
        %dma_start3A_50 = arith.constant 0 : i32
        %dma_start3A_51 = tpu.memref_slice %dma_start3A_48[%dma_start3A_49, %dma_start3A_50] : memref<10000x128xf32, #tpu.memory_space<hbm>> -> memref<16x128xf32, #tpu.memory_space<hbm>>
        %dma_start3A_52 = arith.constant 9984 : i32
        %dma_start3A_53 = arith.constant 0 : i32
        %dma_start3A_54 = tpu.memref_slice %arg7[%dma_start3A_52, %dma_start3A_53] : memref<10000x128xf32, #tpu.memory_space<vmem_shared>> -> memref<16x128xf32, #tpu.memory_space<vmem_shared>>
        tpu.enqueue_dma source(%dma_start3A_54 : memref<16x128xf32, #tpu.memory_space<vmem_shared>>) target(%dma_start3A_51 : memref<16x128xf32, #tpu.memory_space<hbm>>) target_semaphore(%run_scoped3A_44 : memref<!tpu.dma_semaphore, #tpu.memory_space<semaphore_mem>>)
        %dma_wait3A = arith.constant 0 : i32
        %dma_wait3A_55 = arith.constant 0 : i32
        %dma_wait3A_56 = tpu.memref_slice %arg6[%arg0, %dma_wait3A, %dma_wait3A_55] : memref<2x10000x128xf32, #tpu.memory_space<hbm>> -> memref<1x10000x128xf32, #tpu.memory_space<hbm>>
        %dma_wait3A_57 = tpu.memref_squeeze %dma_wait3A_56 : memref<1x10000x128xf32, #tpu.memory_space<hbm>> -> memref<10000x128xf32, #tpu.memory_space<hbm>>
        %dma_wait3A_58 = arith.constant 9984 : i32
        %dma_wait3A_59 = arith.constant 0 : i32
        %dma_wait3A_60 = tpu.memref_slice %dma_wait3A_57[%dma_wait3A_58, %dma_wait3A_59] : memref<10000x128xf32, #tpu.memory_space<hbm>> -> memref<16x128xf32, #tpu.memory_space<hbm>>
        %dma_wait3A_61 = arith.constant 9984 : i32
        %dma_wait3A_62 = arith.constant 0 : i32
        %dma_wait3A_63 = tpu.memref_slice %arg7[%dma_wait3A_61, %dma_wait3A_62] : memref<10000x128xf32, #tpu.memory_space<vmem_shared>> -> memref<16x128xf32, #tpu.memory_space<vmem_shared>>
        tpu.wait_dma2 semaphore(%run_scoped3A_44 : memref<!tpu.dma_semaphore, #tpu.memory_space<semaphore_mem>>) src(%dma_wait3A_63 : memref<16x128xf32, #tpu.memory_space<vmem_shared>>) dst(%dma_wait3A_60 : memref<16x128xf32, #tpu.memory_space<hbm>>)
        tpu.yield
      }) : () -> ()
    } else {
    }
    return
  }
}

#map = affine_map<(d0, d1) -> (0, 0, 0, 0)>
#map1 = affine_map<(d0, d1) -> (0, 0)>
#map2 = affine_map<(d0, d1) -> (0, 0, 0)>
module attributes {stable_mosaic.version = 14 : i64} {
  func.func @_sc_prop_body(%arg0: i32, %arg1: i32, %arg2: memref<32x2x40x125xi32, #tpu.memory_space<hbm>>, %arg3: memref<32x2x40x125xi32, #tpu.memory_space<hbm>>, %arg4: memref<10000x128xf32, #tpu.memory_space<hbm>>, %arg5: memref<10000x128xf32, #tpu.memory_space<hbm>>, %arg6: memref<2x10000x128xf32, #tpu.memory_space<hbm>>, %arg7: memref<10000x128xf32, #tpu.memory_space<vmem_shared>>, %arg8: memref<40x125xi32, #tpu.memory_space<vmem>>, %arg9: memref<40x125xi32, #tpu.memory_space<vmem>>, %arg10: memref<125x128xf32, #tpu.memory_space<vmem>>, %arg11: memref<125x128xf32, #tpu.memory_space<vmem>>, %arg12: memref<!tpu.dma_semaphore, #tpu.memory_space<semaphore_mem>>, %arg13: memref<!tpu.dma_semaphore, #tpu.memory_space<semaphore_mem>>) attributes {dimension_semantics = [#tpu.dimension_semantics<core_parallel>, #tpu.dimension_semantics<subcore_parallel>], iteration_bounds = array<i64: 2, 16>, scalar_prefetch = 0 : i64, scratch_operands = 7 : i64, tpu.core_type = #tpu.core_type<sc_vector_subcore>, window_params = [{transform_indices = #map}, {transform_indices = #map}, {transform_indices = #map1}, {transform_indices = #map1}, {transform_indices = #map2}]} {
    %mul3A = arith.constant 624 : i32
    %mul3A_0 = arith.muli %arg1, %mul3A : i32
    %mul3A_1 = arith.constant 624 : i32
    %mul3A_2 = arith.muli %arg1, %mul3A_1 : i32
    "tpu.region"() ({
      %run_scoped3A_44 = tpu.sem_alloc : memref<!tpu.dma_semaphore, #tpu.memory_space<semaphore_mem>>
      %dma_start3A_45 = arith.constant 0 : i32
      %dma_start3A_46 = tpu.memref_slice %arg7[%mul3A_2, %dma_start3A_45] : memref<10000x128xf32, #tpu.memory_space<vmem_shared>> -> memref<624x128xf32, #tpu.memory_space<vmem_shared>>
      %dma_start3A_47 = arith.constant 0 : i32
      %dma_start3A_48 = tpu.memref_slice %arg5[%mul3A_0, %dma_start3A_47] : memref<10000x128xf32, #tpu.memory_space<hbm>> -> memref<624x128xf32, #tpu.memory_space<hbm>>
      tpu.enqueue_dma source(%dma_start3A_48 : memref<624x128xf32, #tpu.memory_space<hbm>>) target(%dma_start3A_46 : memref<624x128xf32, #tpu.memory_space<vmem_shared>>) target_semaphore(%run_scoped3A_44 : memref<!tpu.dma_semaphore, #tpu.memory_space<semaphore_mem>>)
      %dma_wait3A = arith.constant 0 : i32
      %dma_wait3A_49 = tpu.memref_slice %arg7[%mul3A_2, %dma_wait3A] : memref<10000x128xf32, #tpu.memory_space<vmem_shared>> -> memref<624x128xf32, #tpu.memory_space<vmem_shared>>
      %dma_wait3A_50 = arith.constant 0 : i32
      %dma_wait3A_51 = tpu.memref_slice %arg5[%mul3A_0, %dma_wait3A_50] : memref<10000x128xf32, #tpu.memory_space<hbm>> -> memref<624x128xf32, #tpu.memory_space<hbm>>
      tpu.wait_dma2 semaphore(%run_scoped3A_44 : memref<!tpu.dma_semaphore, #tpu.memory_space<semaphore_mem>>) src(%dma_wait3A_51 : memref<624x128xf32, #tpu.memory_space<hbm>>) dst(%dma_wait3A_49 : memref<624x128xf32, #tpu.memory_space<vmem_shared>>)
      tpu.yield
    }) : () -> ()
    %eq3A = arith.constant 15 : i32
    %eq3A_3 = arith.cmpi eq, %arg1, %eq3A : i32
    %convert_element_type3A = arith.extui %eq3A_3 : i1 to i32
    %cond3A = arith.constant 0 : i32
    %cond3A_4 = arith.cmpi ne, %convert_element_type3A, %cond3A : i32
    scf.if %cond3A_4 {
      "tpu.region"() ({
        %run_scoped3A_44 = tpu.sem_alloc : memref<!tpu.dma_semaphore, #tpu.memory_space<semaphore_mem>>
        %dma_start3A_45 = arith.constant 9984 : i32
        %dma_start3A_46 = arith.constant 0 : i32
        %dma_start3A_47 = tpu.memref_slice %arg7[%dma_start3A_45, %dma_start3A_46] : memref<10000x128xf32, #tpu.memory_space<vmem_shared>> -> memref<16x128xf32, #tpu.memory_space<vmem_shared>>
        %dma_start3A_48 = arith.constant 9984 : i32
        %dma_start3A_49 = arith.constant 0 : i32
        %dma_start3A_50 = tpu.memref_slice %arg5[%dma_start3A_48, %dma_start3A_49] : memref<10000x128xf32, #tpu.memory_space<hbm>> -> memref<16x128xf32, #tpu.memory_space<hbm>>
        tpu.enqueue_dma source(%dma_start3A_50 : memref<16x128xf32, #tpu.memory_space<hbm>>) target(%dma_start3A_47 : memref<16x128xf32, #tpu.memory_space<vmem_shared>>) target_semaphore(%run_scoped3A_44 : memref<!tpu.dma_semaphore, #tpu.memory_space<semaphore_mem>>)
        %dma_wait3A = arith.constant 9984 : i32
        %dma_wait3A_51 = arith.constant 0 : i32
        %dma_wait3A_52 = tpu.memref_slice %arg7[%dma_wait3A, %dma_wait3A_51] : memref<10000x128xf32, #tpu.memory_space<vmem_shared>> -> memref<16x128xf32, #tpu.memory_space<vmem_shared>>
        %dma_wait3A_53 = arith.constant 9984 : i32
        %dma_wait3A_54 = arith.constant 0 : i32
        %dma_wait3A_55 = tpu.memref_slice %arg5[%dma_wait3A_53, %dma_wait3A_54] : memref<10000x128xf32, #tpu.memory_space<hbm>> -> memref<16x128xf32, #tpu.memory_space<hbm>>
        tpu.wait_dma2 semaphore(%run_scoped3A_44 : memref<!tpu.dma_semaphore, #tpu.memory_space<semaphore_mem>>) src(%dma_wait3A_55 : memref<16x128xf32, #tpu.memory_space<hbm>>) dst(%dma_wait3A_52 : memref<16x128xf32, #tpu.memory_space<vmem_shared>>)
        tpu.yield
      }) : () -> ()
    } else {
    }
    %barrier3A = arith.constant 0 : index
    tpu.barrier barrier_id(%barrier3A)
    %mul3A_5 = arith.constant 16 : i32
    %mul3A_6 = arith.muli %arg0, %mul3A_5 : i32
    %add3A = arith.addi %mul3A_6, %arg1 : i32
    %run_scoped3A = arith.constant 0 : i32
    "tpu.region"() ({
      %run_scoped3A_44 = tpu.sem_alloc : memref<!tpu.dma_semaphore, #tpu.memory_space<semaphore_mem>>
      %dma_start3A_45 = arith.constant 0 : i32
      %dma_start3A_46 = arith.constant 0 : i32
      %dma_start3A_47 = arith.constant 0 : i32
      %dma_start3A_48 = tpu.memref_slice %arg2[%add3A, %dma_start3A_45, %dma_start3A_46, %dma_start3A_47] : memref<32x2x40x125xi32, #tpu.memory_space<hbm>> -> memref<1x2x40x125xi32, #tpu.memory_space<hbm>>
      %dma_start3A_49 = tpu.memref_squeeze %dma_start3A_48 : memref<1x2x40x125xi32, #tpu.memory_space<hbm>> -> memref<2x40x125xi32, #tpu.memory_space<hbm>>
      %dma_start3A_50 = arith.constant 0 : i32
      %dma_start3A_51 = arith.constant 0 : i32
      %dma_start3A_52 = tpu.memref_slice %dma_start3A_49[%run_scoped3A, %dma_start3A_50, %dma_start3A_51] : memref<2x40x125xi32, #tpu.memory_space<hbm>> -> memref<1x40x125xi32, #tpu.memory_space<hbm>>
      %dma_start3A_53 = tpu.memref_squeeze %dma_start3A_52 : memref<1x40x125xi32, #tpu.memory_space<hbm>> -> memref<40x125xi32, #tpu.memory_space<hbm>>
      %dma_start3A_54 = arith.constant 0 : i32
      %dma_start3A_55 = arith.constant 0 : i32
      %dma_start3A_56 = arith.constant 0 : i32
      %dma_start3A_57 = tpu.memref_slice %arg2[%add3A, %dma_start3A_54, %dma_start3A_55, %dma_start3A_56] : memref<32x2x40x125xi32, #tpu.memory_space<hbm>> -> memref<1x2x40x125xi32, #tpu.memory_space<hbm>>
      %dma_start3A_58 = tpu.memref_squeeze %dma_start3A_57 : memref<1x2x40x125xi32, #tpu.memory_space<hbm>> -> memref<2x40x125xi32, #tpu.memory_space<hbm>>
      %dma_start3A_59 = arith.constant 0 : i32
      %dma_start3A_60 = arith.constant 0 : i32
      %dma_start3A_61 = tpu.memref_slice %dma_start3A_58[%run_scoped3A, %dma_start3A_59, %dma_start3A_60] : memref<2x40x125xi32, #tpu.memory_space<hbm>> -> memref<1x40x125xi32, #tpu.memory_space<hbm>>
      %dma_start3A_62 = tpu.memref_squeeze %dma_start3A_61 : memref<1x40x125xi32, #tpu.memory_space<hbm>> -> memref<40x125xi32, #tpu.memory_space<hbm>>
      tpu.enqueue_dma source(%dma_start3A_62 : memref<40x125xi32, #tpu.memory_space<hbm>>) target(%arg8 : memref<40x125xi32, #tpu.memory_space<vmem>>) target_semaphore(%run_scoped3A_44 : memref<!tpu.dma_semaphore, #tpu.memory_space<semaphore_mem>>)
      %dma_wait3A = arith.constant 0 : i32
      %dma_wait3A_63 = arith.constant 0 : i32
      %dma_wait3A_64 = arith.constant 0 : i32
      %dma_wait3A_65 = tpu.memref_slice %arg2[%add3A, %dma_wait3A, %dma_wait3A_63, %dma_wait3A_64] : memref<32x2x40x125xi32, #tpu.memory_space<hbm>> -> memref<1x2x40x125xi32, #tpu.memory_space<hbm>>
      %dma_wait3A_66 = tpu.memref_squeeze %dma_wait3A_65 : memref<1x2x40x125xi32, #tpu.memory_space<hbm>> -> memref<2x40x125xi32, #tpu.memory_space<hbm>>
      %dma_wait3A_67 = arith.constant 0 : i32
      %dma_wait3A_68 = arith.constant 0 : i32
      %dma_wait3A_69 = tpu.memref_slice %dma_wait3A_66[%run_scoped3A, %dma_wait3A_67, %dma_wait3A_68] : memref<2x40x125xi32, #tpu.memory_space<hbm>> -> memref<1x40x125xi32, #tpu.memory_space<hbm>>
      %dma_wait3A_70 = tpu.memref_squeeze %dma_wait3A_69 : memref<1x40x125xi32, #tpu.memory_space<hbm>> -> memref<40x125xi32, #tpu.memory_space<hbm>>
      %dma_wait3A_71 = arith.constant 0 : i32
      %dma_wait3A_72 = arith.constant 0 : i32
      %dma_wait3A_73 = arith.constant 0 : i32
      %dma_wait3A_74 = tpu.memref_slice %arg2[%add3A, %dma_wait3A_71, %dma_wait3A_72, %dma_wait3A_73] : memref<32x2x40x125xi32, #tpu.memory_space<hbm>> -> memref<1x2x40x125xi32, #tpu.memory_space<hbm>>
      %dma_wait3A_75 = tpu.memref_squeeze %dma_wait3A_74 : memref<1x2x40x125xi32, #tpu.memory_space<hbm>> -> memref<2x40x125xi32, #tpu.memory_space<hbm>>
      %dma_wait3A_76 = arith.constant 0 : i32
      %dma_wait3A_77 = arith.constant 0 : i32
      %dma_wait3A_78 = tpu.memref_slice %dma_wait3A_75[%run_scoped3A, %dma_wait3A_76, %dma_wait3A_77] : memref<2x40x125xi32, #tpu.memory_space<hbm>> -> memref<1x40x125xi32, #tpu.memory_space<hbm>>
      %dma_wait3A_79 = tpu.memref_squeeze %dma_wait3A_78 : memref<1x40x125xi32, #tpu.memory_space<hbm>> -> memref<40x125xi32, #tpu.memory_space<hbm>>
      tpu.wait_dma2 semaphore(%run_scoped3A_44 : memref<!tpu.dma_semaphore, #tpu.memory_space<semaphore_mem>>) src(%dma_wait3A_79 : memref<40x125xi32, #tpu.memory_space<hbm>>) dst(%arg8 : memref<40x125xi32, #tpu.memory_space<vmem>>)
      tpu.yield
    }) : () -> ()
    %run_scoped3A_7 = arith.constant 0 : i32
    "tpu.region"() ({
      %run_scoped3A_44 = tpu.sem_alloc : memref<!tpu.dma_semaphore, #tpu.memory_space<semaphore_mem>>
      %dma_start3A_45 = arith.constant 0 : i32
      %dma_start3A_46 = arith.constant 0 : i32
      %dma_start3A_47 = arith.constant 0 : i32
      %dma_start3A_48 = tpu.memref_slice %arg3[%add3A, %dma_start3A_45, %dma_start3A_46, %dma_start3A_47] : memref<32x2x40x125xi32, #tpu.memory_space<hbm>> -> memref<1x2x40x125xi32, #tpu.memory_space<hbm>>
      %dma_start3A_49 = tpu.memref_squeeze %dma_start3A_48 : memref<1x2x40x125xi32, #tpu.memory_space<hbm>> -> memref<2x40x125xi32, #tpu.memory_space<hbm>>
      %dma_start3A_50 = arith.constant 0 : i32
      %dma_start3A_51 = arith.constant 0 : i32
      %dma_start3A_52 = tpu.memref_slice %dma_start3A_49[%run_scoped3A_7, %dma_start3A_50, %dma_start3A_51] : memref<2x40x125xi32, #tpu.memory_space<hbm>> -> memref<1x40x125xi32, #tpu.memory_space<hbm>>
      %dma_start3A_53 = tpu.memref_squeeze %dma_start3A_52 : memref<1x40x125xi32, #tpu.memory_space<hbm>> -> memref<40x125xi32, #tpu.memory_space<hbm>>
      %dma_start3A_54 = arith.constant 0 : i32
      %dma_start3A_55 = arith.constant 0 : i32
      %dma_start3A_56 = arith.constant 0 : i32
      %dma_start3A_57 = tpu.memref_slice %arg3[%add3A, %dma_start3A_54, %dma_start3A_55, %dma_start3A_56] : memref<32x2x40x125xi32, #tpu.memory_space<hbm>> -> memref<1x2x40x125xi32, #tpu.memory_space<hbm>>
      %dma_start3A_58 = tpu.memref_squeeze %dma_start3A_57 : memref<1x2x40x125xi32, #tpu.memory_space<hbm>> -> memref<2x40x125xi32, #tpu.memory_space<hbm>>
      %dma_start3A_59 = arith.constant 0 : i32
      %dma_start3A_60 = arith.constant 0 : i32
      %dma_start3A_61 = tpu.memref_slice %dma_start3A_58[%run_scoped3A_7, %dma_start3A_59, %dma_start3A_60] : memref<2x40x125xi32, #tpu.memory_space<hbm>> -> memref<1x40x125xi32, #tpu.memory_space<hbm>>
      %dma_start3A_62 = tpu.memref_squeeze %dma_start3A_61 : memref<1x40x125xi32, #tpu.memory_space<hbm>> -> memref<40x125xi32, #tpu.memory_space<hbm>>
      tpu.enqueue_dma source(%dma_start3A_62 : memref<40x125xi32, #tpu.memory_space<hbm>>) target(%arg9 : memref<40x125xi32, #tpu.memory_space<vmem>>) target_semaphore(%run_scoped3A_44 : memref<!tpu.dma_semaphore, #tpu.memory_space<semaphore_mem>>)
      %dma_wait3A = arith.constant 0 : i32
      %dma_wait3A_63 = arith.constant 0 : i32
      %dma_wait3A_64 = arith.constant 0 : i32
      %dma_wait3A_65 = tpu.memref_slice %arg3[%add3A, %dma_wait3A, %dma_wait3A_63, %dma_wait3A_64] : memref<32x2x40x125xi32, #tpu.memory_space<hbm>> -> memref<1x2x40x125xi32, #tpu.memory_space<hbm>>
      %dma_wait3A_66 = tpu.memref_squeeze %dma_wait3A_65 : memref<1x2x40x125xi32, #tpu.memory_space<hbm>> -> memref<2x40x125xi32, #tpu.memory_space<hbm>>
      %dma_wait3A_67 = arith.constant 0 : i32
      %dma_wait3A_68 = arith.constant 0 : i32
      %dma_wait3A_69 = tpu.memref_slice %dma_wait3A_66[%run_scoped3A_7, %dma_wait3A_67, %dma_wait3A_68] : memref<2x40x125xi32, #tpu.memory_space<hbm>> -> memref<1x40x125xi32, #tpu.memory_space<hbm>>
      %dma_wait3A_70 = tpu.memref_squeeze %dma_wait3A_69 : memref<1x40x125xi32, #tpu.memory_space<hbm>> -> memref<40x125xi32, #tpu.memory_space<hbm>>
      %dma_wait3A_71 = arith.constant 0 : i32
      %dma_wait3A_72 = arith.constant 0 : i32
      %dma_wait3A_73 = arith.constant 0 : i32
      %dma_wait3A_74 = tpu.memref_slice %arg3[%add3A, %dma_wait3A_71, %dma_wait3A_72, %dma_wait3A_73] : memref<32x2x40x125xi32, #tpu.memory_space<hbm>> -> memref<1x2x40x125xi32, #tpu.memory_space<hbm>>
      %dma_wait3A_75 = tpu.memref_squeeze %dma_wait3A_74 : memref<1x2x40x125xi32, #tpu.memory_space<hbm>> -> memref<2x40x125xi32, #tpu.memory_space<hbm>>
      %dma_wait3A_76 = arith.constant 0 : i32
      %dma_wait3A_77 = arith.constant 0 : i32
      %dma_wait3A_78 = tpu.memref_slice %dma_wait3A_75[%run_scoped3A_7, %dma_wait3A_76, %dma_wait3A_77] : memref<2x40x125xi32, #tpu.memory_space<hbm>> -> memref<1x40x125xi32, #tpu.memory_space<hbm>>
      %dma_wait3A_79 = tpu.memref_squeeze %dma_wait3A_78 : memref<1x40x125xi32, #tpu.memory_space<hbm>> -> memref<40x125xi32, #tpu.memory_space<hbm>>
      tpu.wait_dma2 semaphore(%run_scoped3A_44 : memref<!tpu.dma_semaphore, #tpu.memory_space<semaphore_mem>>) src(%dma_wait3A_79 : memref<40x125xi32, #tpu.memory_space<hbm>>) dst(%arg9 : memref<40x125xi32, #tpu.memory_space<vmem>>)
      tpu.yield
    }) : () -> ()
    %dma_start3A = arith.constant 0 : i32
    %dma_start3A_8 = arith.constant 0 : i32
    %dma_start3A_9 = tpu.memref_slice %arg8[%dma_start3A, %dma_start3A_8] : memref<40x125xi32, #tpu.memory_space<vmem>> -> memref<1x125xi32, #tpu.memory_space<vmem>>
    %dma_start3A_10 = tpu.memref_squeeze %dma_start3A_9 : memref<1x125xi32, #tpu.memory_space<vmem>> -> memref<125xi32, #tpu.memory_space<vmem>>
    %dma_start3A_11 = arith.constant 0 : i32
    %dma_start3A_12 = arith.constant 0 : i32
    %dma_start3A_13 = tpu.memref_slice %arg4[%dma_start3A_11, %dma_start3A_12] : memref<10000x128xf32, #tpu.memory_space<hbm>> -> memref<10000x128xf32, #tpu.memory_space<hbm>>
    tpu.enqueue_indirect_dma source(%dma_start3A_13 : memref<10000x128xf32, #tpu.memory_space<hbm>>) target(%arg10 : memref<125x128xf32, #tpu.memory_space<vmem>>) offsets(%dma_start3A_10 : memref<125xi32, #tpu.memory_space<vmem>>) semaphore(%arg12 : memref<!tpu.dma_semaphore, #tpu.memory_space<semaphore_mem>>)
    %scan3A = arith.constant 0 : i32
    %scan3A_14 = arith.constant 0 : i32
    %scan3A_15 = arith.constant 20 : i32
    %scan3A_16 = arith.addi %scan3A_14, %scan3A_15 : i32
    %scan3A_17 = arith.constant 1 : i32
    scf.for %scan3A_44 = %scan3A_14 to %scan3A_16 step %scan3A_17  : i32 {
      %mul3A_45 = arith.constant 2 : i32
      %mul3A_46 = arith.muli %mul3A_45, %scan3A_44 : i32
      %dma_wait3A = arith.constant 0 : i32
      %dma_wait3A_47 = tpu.memref_slice %arg8[%mul3A_46, %dma_wait3A] : memref<40x125xi32, #tpu.memory_space<vmem>> -> memref<1x125xi32, #tpu.memory_space<vmem>>
      %dma_wait3A_48 = tpu.memref_squeeze %dma_wait3A_47 : memref<1x125xi32, #tpu.memory_space<vmem>> -> memref<125xi32, #tpu.memory_space<vmem>>
      %dma_wait3A_49 = arith.constant 0 : i32
      %dma_wait3A_50 = arith.constant 0 : i32
      %dma_wait3A_51 = tpu.memref_slice %arg4[%dma_wait3A_49, %dma_wait3A_50] : memref<10000x128xf32, #tpu.memory_space<hbm>> -> memref<10000x128xf32, #tpu.memory_space<hbm>>
      tpu.wait_indirect_dma semaphore(%arg12 : memref<!tpu.dma_semaphore, #tpu.memory_space<semaphore_mem>>) src(%dma_wait3A_51 : memref<10000x128xf32, #tpu.memory_space<hbm>>) dst(%arg10 : memref<125x128xf32, #tpu.memory_space<vmem>>)
      %add3A_52 = arith.constant 1 : i32
      %add3A_53 = arith.addi %mul3A_46, %add3A_52 : i32
      %dma_start3A_54 = arith.constant 0 : i32
      %dma_start3A_55 = tpu.memref_slice %arg8[%add3A_53, %dma_start3A_54] : memref<40x125xi32, #tpu.memory_space<vmem>> -> memref<1x125xi32, #tpu.memory_space<vmem>>
      %dma_start3A_56 = tpu.memref_squeeze %dma_start3A_55 : memref<1x125xi32, #tpu.memory_space<vmem>> -> memref<125xi32, #tpu.memory_space<vmem>>
      %dma_start3A_57 = arith.constant 0 : i32
      %dma_start3A_58 = arith.constant 0 : i32
      %dma_start3A_59 = tpu.memref_slice %arg4[%dma_start3A_57, %dma_start3A_58] : memref<10000x128xf32, #tpu.memory_space<hbm>> -> memref<10000x128xf32, #tpu.memory_space<hbm>>
      tpu.enqueue_indirect_dma source(%dma_start3A_59 : memref<10000x128xf32, #tpu.memory_space<hbm>>) target(%arg11 : memref<125x128xf32, #tpu.memory_space<vmem>>) offsets(%dma_start3A_56 : memref<125xi32, #tpu.memory_space<vmem>>) semaphore(%arg13 : memref<!tpu.dma_semaphore, #tpu.memory_space<semaphore_mem>>)
      "tpu.region"() ({
        %run_scoped3A_74 = tpu.sem_alloc : memref<!tpu.dma_semaphore, #tpu.memory_space<semaphore_mem>>
        %dma_start3A_75 = arith.constant 0 : i32
        %dma_start3A_76 = tpu.memref_slice %arg9[%mul3A_46, %dma_start3A_75] : memref<40x125xi32, #tpu.memory_space<vmem>> -> memref<1x125xi32, #tpu.memory_space<vmem>>
        %dma_start3A_77 = tpu.memref_squeeze %dma_start3A_76 : memref<1x125xi32, #tpu.memory_space<vmem>> -> memref<125xi32, #tpu.memory_space<vmem>>
        %dma_start3A_78 = arith.constant 0 : i32
        %dma_start3A_79 = arith.constant 0 : i32
        %dma_start3A_80 = tpu.memref_slice %arg7[%dma_start3A_78, %dma_start3A_79] : memref<10000x128xf32, #tpu.memory_space<vmem_shared>> -> memref<10000x128xf32, #tpu.memory_space<vmem_shared>>
        tpu.enqueue_indirect_dma source(%arg10 : memref<125x128xf32, #tpu.memory_space<vmem>>) target(%dma_start3A_80 : memref<10000x128xf32, #tpu.memory_space<vmem_shared>>) offsets(%dma_start3A_77 : memref<125xi32, #tpu.memory_space<vmem>>) semaphore(%run_scoped3A_74 : memref<!tpu.dma_semaphore, #tpu.memory_space<semaphore_mem>>) {add = true}
        %dma_wait3A_81 = arith.constant 0 : i32
        %dma_wait3A_82 = tpu.memref_slice %arg9[%mul3A_46, %dma_wait3A_81] : memref<40x125xi32, #tpu.memory_space<vmem>> -> memref<1x125xi32, #tpu.memory_space<vmem>>
        %dma_wait3A_83 = tpu.memref_squeeze %dma_wait3A_82 : memref<1x125xi32, #tpu.memory_space<vmem>> -> memref<125xi32, #tpu.memory_space<vmem>>
        %dma_wait3A_84 = arith.constant 0 : i32
        %dma_wait3A_85 = arith.constant 0 : i32
        %dma_wait3A_86 = tpu.memref_slice %arg7[%dma_wait3A_84, %dma_wait3A_85] : memref<10000x128xf32, #tpu.memory_space<vmem_shared>> -> memref<10000x128xf32, #tpu.memory_space<vmem_shared>>
        tpu.wait_indirect_dma semaphore(%run_scoped3A_74 : memref<!tpu.dma_semaphore, #tpu.memory_space<semaphore_mem>>) src(%arg10 : memref<125x128xf32, #tpu.memory_space<vmem>>) dst(%dma_wait3A_86 : memref<10000x128xf32, #tpu.memory_space<vmem_shared>>)
        tpu.yield
      }) : () -> ()
      %add3A_60 = arith.constant 1 : i32
      %add3A_61 = arith.addi %mul3A_46, %add3A_60 : i32
      %dma_wait3A_62 = arith.constant 0 : i32
      %dma_wait3A_63 = tpu.memref_slice %arg8[%add3A_61, %dma_wait3A_62] : memref<40x125xi32, #tpu.memory_space<vmem>> -> memref<1x125xi32, #tpu.memory_space<vmem>>
      %dma_wait3A_64 = tpu.memref_squeeze %dma_wait3A_63 : memref<1x125xi32, #tpu.memory_space<vmem>> -> memref<125xi32, #tpu.memory_space<vmem>>
      %dma_wait3A_65 = arith.constant 0 : i32
      %dma_wait3A_66 = arith.constant 0 : i32
      %dma_wait3A_67 = tpu.memref_slice %arg4[%dma_wait3A_65, %dma_wait3A_66] : memref<10000x128xf32, #tpu.memory_space<hbm>> -> memref<10000x128xf32, #tpu.memory_space<hbm>>
      tpu.wait_indirect_dma semaphore(%arg13 : memref<!tpu.dma_semaphore, #tpu.memory_space<semaphore_mem>>) src(%dma_wait3A_67 : memref<10000x128xf32, #tpu.memory_space<hbm>>) dst(%arg11 : memref<125x128xf32, #tpu.memory_space<vmem>>)
      %lt3A = arith.constant 19 : i32
      %lt3A_68 = arith.cmpi slt, %scan3A_44, %lt3A : i32
      %convert_element_type3A_69 = arith.extui %lt3A_68 : i1 to i32
      %cond3A_70 = arith.constant 0 : i32
      %cond3A_71 = arith.cmpi ne, %convert_element_type3A_69, %cond3A_70 : i32
      scf.if %cond3A_71 {
        %add3A_74 = arith.constant 2 : i32
        %add3A_75 = arith.addi %mul3A_46, %add3A_74 : i32
        %dma_start3A_76 = arith.constant 0 : i32
        %dma_start3A_77 = tpu.memref_slice %arg8[%add3A_75, %dma_start3A_76] : memref<40x125xi32, #tpu.memory_space<vmem>> -> memref<1x125xi32, #tpu.memory_space<vmem>>
        %dma_start3A_78 = tpu.memref_squeeze %dma_start3A_77 : memref<1x125xi32, #tpu.memory_space<vmem>> -> memref<125xi32, #tpu.memory_space<vmem>>
        %dma_start3A_79 = arith.constant 0 : i32
        %dma_start3A_80 = arith.constant 0 : i32
        %dma_start3A_81 = tpu.memref_slice %arg4[%dma_start3A_79, %dma_start3A_80] : memref<10000x128xf32, #tpu.memory_space<hbm>> -> memref<10000x128xf32, #tpu.memory_space<hbm>>
        tpu.enqueue_indirect_dma source(%dma_start3A_81 : memref<10000x128xf32, #tpu.memory_space<hbm>>) target(%arg10 : memref<125x128xf32, #tpu.memory_space<vmem>>) offsets(%dma_start3A_78 : memref<125xi32, #tpu.memory_space<vmem>>) semaphore(%arg12 : memref<!tpu.dma_semaphore, #tpu.memory_space<semaphore_mem>>)
      } else {
      }
      %add3A_72 = arith.constant 1 : i32
      %add3A_73 = arith.addi %mul3A_46, %add3A_72 : i32
      "tpu.region"() ({
        %run_scoped3A_74 = tpu.sem_alloc : memref<!tpu.dma_semaphore, #tpu.memory_space<semaphore_mem>>
        %dma_start3A_75 = arith.constant 0 : i32
        %dma_start3A_76 = tpu.memref_slice %arg9[%add3A_73, %dma_start3A_75] : memref<40x125xi32, #tpu.memory_space<vmem>> -> memref<1x125xi32, #tpu.memory_space<vmem>>
        %dma_start3A_77 = tpu.memref_squeeze %dma_start3A_76 : memref<1x125xi32, #tpu.memory_space<vmem>> -> memref<125xi32, #tpu.memory_space<vmem>>
        %dma_start3A_78 = arith.constant 0 : i32
        %dma_start3A_79 = arith.constant 0 : i32
        %dma_start3A_80 = tpu.memref_slice %arg7[%dma_start3A_78, %dma_start3A_79] : memref<10000x128xf32, #tpu.memory_space<vmem_shared>> -> memref<10000x128xf32, #tpu.memory_space<vmem_shared>>
        tpu.enqueue_indirect_dma source(%arg11 : memref<125x128xf32, #tpu.memory_space<vmem>>) target(%dma_start3A_80 : memref<10000x128xf32, #tpu.memory_space<vmem_shared>>) offsets(%dma_start3A_77 : memref<125xi32, #tpu.memory_space<vmem>>) semaphore(%run_scoped3A_74 : memref<!tpu.dma_semaphore, #tpu.memory_space<semaphore_mem>>) {add = true}
        %dma_wait3A_81 = arith.constant 0 : i32
        %dma_wait3A_82 = tpu.memref_slice %arg9[%add3A_73, %dma_wait3A_81] : memref<40x125xi32, #tpu.memory_space<vmem>> -> memref<1x125xi32, #tpu.memory_space<vmem>>
        %dma_wait3A_83 = tpu.memref_squeeze %dma_wait3A_82 : memref<1x125xi32, #tpu.memory_space<vmem>> -> memref<125xi32, #tpu.memory_space<vmem>>
        %dma_wait3A_84 = arith.constant 0 : i32
        %dma_wait3A_85 = arith.constant 0 : i32
        %dma_wait3A_86 = tpu.memref_slice %arg7[%dma_wait3A_84, %dma_wait3A_85] : memref<10000x128xf32, #tpu.memory_space<vmem_shared>> -> memref<10000x128xf32, #tpu.memory_space<vmem_shared>>
        tpu.wait_indirect_dma semaphore(%run_scoped3A_74 : memref<!tpu.dma_semaphore, #tpu.memory_space<semaphore_mem>>) src(%arg11 : memref<125x128xf32, #tpu.memory_space<vmem>>) dst(%dma_wait3A_86 : memref<10000x128xf32, #tpu.memory_space<vmem_shared>>)
        tpu.yield
      }) : () -> ()
    }
    %scan3A_18 = arith.constant 20 : i32
    %run_scoped3A_19 = arith.constant 1 : i32
    "tpu.region"() ({
      %run_scoped3A_44 = tpu.sem_alloc : memref<!tpu.dma_semaphore, #tpu.memory_space<semaphore_mem>>
      %dma_start3A_45 = arith.constant 0 : i32
      %dma_start3A_46 = arith.constant 0 : i32
      %dma_start3A_47 = arith.constant 0 : i32
      %dma_start3A_48 = tpu.memref_slice %arg2[%add3A, %dma_start3A_45, %dma_start3A_46, %dma_start3A_47] : memref<32x2x40x125xi32, #tpu.memory_space<hbm>> -> memref<1x2x40x125xi32, #tpu.memory_space<hbm>>
      %dma_start3A_49 = tpu.memref_squeeze %dma_start3A_48 : memref<1x2x40x125xi32, #tpu.memory_space<hbm>> -> memref<2x40x125xi32, #tpu.memory_space<hbm>>
      %dma_start3A_50 = arith.constant 0 : i32
      %dma_start3A_51 = arith.constant 0 : i32
      %dma_start3A_52 = tpu.memref_slice %dma_start3A_49[%run_scoped3A_19, %dma_start3A_50, %dma_start3A_51] : memref<2x40x125xi32, #tpu.memory_space<hbm>> -> memref<1x40x125xi32, #tpu.memory_space<hbm>>
      %dma_start3A_53 = tpu.memref_squeeze %dma_start3A_52 : memref<1x40x125xi32, #tpu.memory_space<hbm>> -> memref<40x125xi32, #tpu.memory_space<hbm>>
      %dma_start3A_54 = arith.constant 0 : i32
      %dma_start3A_55 = arith.constant 0 : i32
      %dma_start3A_56 = arith.constant 0 : i32
      %dma_start3A_57 = tpu.memref_slice %arg2[%add3A, %dma_start3A_54, %dma_start3A_55, %dma_start3A_56] : memref<32x2x40x125xi32, #tpu.memory_space<hbm>> -> memref<1x2x40x125xi32, #tpu.memory_space<hbm>>
      %dma_start3A_58 = tpu.memref_squeeze %dma_start3A_57 : memref<1x2x40x125xi32, #tpu.memory_space<hbm>> -> memref<2x40x125xi32, #tpu.memory_space<hbm>>
      %dma_start3A_59 = arith.constant 0 : i32
      %dma_start3A_60 = arith.constant 0 : i32
      %dma_start3A_61 = tpu.memref_slice %dma_start3A_58[%run_scoped3A_19, %dma_start3A_59, %dma_start3A_60] : memref<2x40x125xi32, #tpu.memory_space<hbm>> -> memref<1x40x125xi32, #tpu.memory_space<hbm>>
      %dma_start3A_62 = tpu.memref_squeeze %dma_start3A_61 : memref<1x40x125xi32, #tpu.memory_space<hbm>> -> memref<40x125xi32, #tpu.memory_space<hbm>>
      tpu.enqueue_dma source(%dma_start3A_62 : memref<40x125xi32, #tpu.memory_space<hbm>>) target(%arg8 : memref<40x125xi32, #tpu.memory_space<vmem>>) target_semaphore(%run_scoped3A_44 : memref<!tpu.dma_semaphore, #tpu.memory_space<semaphore_mem>>)
      %dma_wait3A = arith.constant 0 : i32
      %dma_wait3A_63 = arith.constant 0 : i32
      %dma_wait3A_64 = arith.constant 0 : i32
      %dma_wait3A_65 = tpu.memref_slice %arg2[%add3A, %dma_wait3A, %dma_wait3A_63, %dma_wait3A_64] : memref<32x2x40x125xi32, #tpu.memory_space<hbm>> -> memref<1x2x40x125xi32, #tpu.memory_space<hbm>>
      %dma_wait3A_66 = tpu.memref_squeeze %dma_wait3A_65 : memref<1x2x40x125xi32, #tpu.memory_space<hbm>> -> memref<2x40x125xi32, #tpu.memory_space<hbm>>
      %dma_wait3A_67 = arith.constant 0 : i32
      %dma_wait3A_68 = arith.constant 0 : i32
      %dma_wait3A_69 = tpu.memref_slice %dma_wait3A_66[%run_scoped3A_19, %dma_wait3A_67, %dma_wait3A_68] : memref<2x40x125xi32, #tpu.memory_space<hbm>> -> memref<1x40x125xi32, #tpu.memory_space<hbm>>
      %dma_wait3A_70 = tpu.memref_squeeze %dma_wait3A_69 : memref<1x40x125xi32, #tpu.memory_space<hbm>> -> memref<40x125xi32, #tpu.memory_space<hbm>>
      %dma_wait3A_71 = arith.constant 0 : i32
      %dma_wait3A_72 = arith.constant 0 : i32
      %dma_wait3A_73 = arith.constant 0 : i32
      %dma_wait3A_74 = tpu.memref_slice %arg2[%add3A, %dma_wait3A_71, %dma_wait3A_72, %dma_wait3A_73] : memref<32x2x40x125xi32, #tpu.memory_space<hbm>> -> memref<1x2x40x125xi32, #tpu.memory_space<hbm>>
      %dma_wait3A_75 = tpu.memref_squeeze %dma_wait3A_74 : memref<1x2x40x125xi32, #tpu.memory_space<hbm>> -> memref<2x40x125xi32, #tpu.memory_space<hbm>>
      %dma_wait3A_76 = arith.constant 0 : i32
      %dma_wait3A_77 = arith.constant 0 : i32
      %dma_wait3A_78 = tpu.memref_slice %dma_wait3A_75[%run_scoped3A_19, %dma_wait3A_76, %dma_wait3A_77] : memref<2x40x125xi32, #tpu.memory_space<hbm>> -> memref<1x40x125xi32, #tpu.memory_space<hbm>>
      %dma_wait3A_79 = tpu.memref_squeeze %dma_wait3A_78 : memref<1x40x125xi32, #tpu.memory_space<hbm>> -> memref<40x125xi32, #tpu.memory_space<hbm>>
      tpu.wait_dma2 semaphore(%run_scoped3A_44 : memref<!tpu.dma_semaphore, #tpu.memory_space<semaphore_mem>>) src(%dma_wait3A_79 : memref<40x125xi32, #tpu.memory_space<hbm>>) dst(%arg8 : memref<40x125xi32, #tpu.memory_space<vmem>>)
      tpu.yield
    }) : () -> ()
    %run_scoped3A_20 = arith.constant 1 : i32
    "tpu.region"() ({
      %run_scoped3A_44 = tpu.sem_alloc : memref<!tpu.dma_semaphore, #tpu.memory_space<semaphore_mem>>
      %dma_start3A_45 = arith.constant 0 : i32
      %dma_start3A_46 = arith.constant 0 : i32
      %dma_start3A_47 = arith.constant 0 : i32
      %dma_start3A_48 = tpu.memref_slice %arg3[%add3A, %dma_start3A_45, %dma_start3A_46, %dma_start3A_47] : memref<32x2x40x125xi32, #tpu.memory_space<hbm>> -> memref<1x2x40x125xi32, #tpu.memory_space<hbm>>
      %dma_start3A_49 = tpu.memref_squeeze %dma_start3A_48 : memref<1x2x40x125xi32, #tpu.memory_space<hbm>> -> memref<2x40x125xi32, #tpu.memory_space<hbm>>
      %dma_start3A_50 = arith.constant 0 : i32
      %dma_start3A_51 = arith.constant 0 : i32
      %dma_start3A_52 = tpu.memref_slice %dma_start3A_49[%run_scoped3A_20, %dma_start3A_50, %dma_start3A_51] : memref<2x40x125xi32, #tpu.memory_space<hbm>> -> memref<1x40x125xi32, #tpu.memory_space<hbm>>
      %dma_start3A_53 = tpu.memref_squeeze %dma_start3A_52 : memref<1x40x125xi32, #tpu.memory_space<hbm>> -> memref<40x125xi32, #tpu.memory_space<hbm>>
      %dma_start3A_54 = arith.constant 0 : i32
      %dma_start3A_55 = arith.constant 0 : i32
      %dma_start3A_56 = arith.constant 0 : i32
      %dma_start3A_57 = tpu.memref_slice %arg3[%add3A, %dma_start3A_54, %dma_start3A_55, %dma_start3A_56] : memref<32x2x40x125xi32, #tpu.memory_space<hbm>> -> memref<1x2x40x125xi32, #tpu.memory_space<hbm>>
      %dma_start3A_58 = tpu.memref_squeeze %dma_start3A_57 : memref<1x2x40x125xi32, #tpu.memory_space<hbm>> -> memref<2x40x125xi32, #tpu.memory_space<hbm>>
      %dma_start3A_59 = arith.constant 0 : i32
      %dma_start3A_60 = arith.constant 0 : i32
      %dma_start3A_61 = tpu.memref_slice %dma_start3A_58[%run_scoped3A_20, %dma_start3A_59, %dma_start3A_60] : memref<2x40x125xi32, #tpu.memory_space<hbm>> -> memref<1x40x125xi32, #tpu.memory_space<hbm>>
      %dma_start3A_62 = tpu.memref_squeeze %dma_start3A_61 : memref<1x40x125xi32, #tpu.memory_space<hbm>> -> memref<40x125xi32, #tpu.memory_space<hbm>>
      tpu.enqueue_dma source(%dma_start3A_62 : memref<40x125xi32, #tpu.memory_space<hbm>>) target(%arg9 : memref<40x125xi32, #tpu.memory_space<vmem>>) target_semaphore(%run_scoped3A_44 : memref<!tpu.dma_semaphore, #tpu.memory_space<semaphore_mem>>)
      %dma_wait3A = arith.constant 0 : i32
      %dma_wait3A_63 = arith.constant 0 : i32
      %dma_wait3A_64 = arith.constant 0 : i32
      %dma_wait3A_65 = tpu.memref_slice %arg3[%add3A, %dma_wait3A, %dma_wait3A_63, %dma_wait3A_64] : memref<32x2x40x125xi32, #tpu.memory_space<hbm>> -> memref<1x2x40x125xi32, #tpu.memory_space<hbm>>
      %dma_wait3A_66 = tpu.memref_squeeze %dma_wait3A_65 : memref<1x2x40x125xi32, #tpu.memory_space<hbm>> -> memref<2x40x125xi32, #tpu.memory_space<hbm>>
      %dma_wait3A_67 = arith.constant 0 : i32
      %dma_wait3A_68 = arith.constant 0 : i32
      %dma_wait3A_69 = tpu.memref_slice %dma_wait3A_66[%run_scoped3A_20, %dma_wait3A_67, %dma_wait3A_68] : memref<2x40x125xi32, #tpu.memory_space<hbm>> -> memref<1x40x125xi32, #tpu.memory_space<hbm>>
      %dma_wait3A_70 = tpu.memref_squeeze %dma_wait3A_69 : memref<1x40x125xi32, #tpu.memory_space<hbm>> -> memref<40x125xi32, #tpu.memory_space<hbm>>
      %dma_wait3A_71 = arith.constant 0 : i32
      %dma_wait3A_72 = arith.constant 0 : i32
      %dma_wait3A_73 = arith.constant 0 : i32
      %dma_wait3A_74 = tpu.memref_slice %arg3[%add3A, %dma_wait3A_71, %dma_wait3A_72, %dma_wait3A_73] : memref<32x2x40x125xi32, #tpu.memory_space<hbm>> -> memref<1x2x40x125xi32, #tpu.memory_space<hbm>>
      %dma_wait3A_75 = tpu.memref_squeeze %dma_wait3A_74 : memref<1x2x40x125xi32, #tpu.memory_space<hbm>> -> memref<2x40x125xi32, #tpu.memory_space<hbm>>
      %dma_wait3A_76 = arith.constant 0 : i32
      %dma_wait3A_77 = arith.constant 0 : i32
      %dma_wait3A_78 = tpu.memref_slice %dma_wait3A_75[%run_scoped3A_20, %dma_wait3A_76, %dma_wait3A_77] : memref<2x40x125xi32, #tpu.memory_space<hbm>> -> memref<1x40x125xi32, #tpu.memory_space<hbm>>
      %dma_wait3A_79 = tpu.memref_squeeze %dma_wait3A_78 : memref<1x40x125xi32, #tpu.memory_space<hbm>> -> memref<40x125xi32, #tpu.memory_space<hbm>>
      tpu.wait_dma2 semaphore(%run_scoped3A_44 : memref<!tpu.dma_semaphore, #tpu.memory_space<semaphore_mem>>) src(%dma_wait3A_79 : memref<40x125xi32, #tpu.memory_space<hbm>>) dst(%arg9 : memref<40x125xi32, #tpu.memory_space<vmem>>)
      tpu.yield
    }) : () -> ()
    %dma_start3A_21 = arith.constant 0 : i32
    %dma_start3A_22 = arith.constant 0 : i32
    %dma_start3A_23 = tpu.memref_slice %arg8[%dma_start3A_21, %dma_start3A_22] : memref<40x125xi32, #tpu.memory_space<vmem>> -> memref<1x125xi32, #tpu.memory_space<vmem>>
    %dma_start3A_24 = tpu.memref_squeeze %dma_start3A_23 : memref<1x125xi32, #tpu.memory_space<vmem>> -> memref<125xi32, #tpu.memory_space<vmem>>
    %dma_start3A_25 = arith.constant 0 : i32
    %dma_start3A_26 = arith.constant 0 : i32
    %dma_start3A_27 = tpu.memref_slice %arg4[%dma_start3A_25, %dma_start3A_26] : memref<10000x128xf32, #tpu.memory_space<hbm>> -> memref<10000x128xf32, #tpu.memory_space<hbm>>
    tpu.enqueue_indirect_dma source(%dma_start3A_27 : memref<10000x128xf32, #tpu.memory_space<hbm>>) target(%arg10 : memref<125x128xf32, #tpu.memory_space<vmem>>) offsets(%dma_start3A_24 : memref<125xi32, #tpu.memory_space<vmem>>) semaphore(%arg12 : memref<!tpu.dma_semaphore, #tpu.memory_space<semaphore_mem>>)
    %scan3A_28 = arith.constant 0 : i32
    %scan3A_29 = arith.constant 0 : i32
    %scan3A_30 = arith.constant 20 : i32
    %scan3A_31 = arith.addi %scan3A_29, %scan3A_30 : i32
    %scan3A_32 = arith.constant 1 : i32
    scf.for %scan3A_44 = %scan3A_29 to %scan3A_31 step %scan3A_32  : i32 {
      %mul3A_45 = arith.constant 2 : i32
      %mul3A_46 = arith.muli %mul3A_45, %scan3A_44 : i32
      %dma_wait3A = arith.constant 0 : i32
      %dma_wait3A_47 = tpu.memref_slice %arg8[%mul3A_46, %dma_wait3A] : memref<40x125xi32, #tpu.memory_space<vmem>> -> memref<1x125xi32, #tpu.memory_space<vmem>>
      %dma_wait3A_48 = tpu.memref_squeeze %dma_wait3A_47 : memref<1x125xi32, #tpu.memory_space<vmem>> -> memref<125xi32, #tpu.memory_space<vmem>>
      %dma_wait3A_49 = arith.constant 0 : i32
      %dma_wait3A_50 = arith.constant 0 : i32
      %dma_wait3A_51 = tpu.memref_slice %arg4[%dma_wait3A_49, %dma_wait3A_50] : memref<10000x128xf32, #tpu.memory_space<hbm>> -> memref<10000x128xf32, #tpu.memory_space<hbm>>
      tpu.wait_indirect_dma semaphore(%arg12 : memref<!tpu.dma_semaphore, #tpu.memory_space<semaphore_mem>>) src(%dma_wait3A_51 : memref<10000x128xf32, #tpu.memory_space<hbm>>) dst(%arg10 : memref<125x128xf32, #tpu.memory_space<vmem>>)
      %add3A_52 = arith.constant 1 : i32
      %add3A_53 = arith.addi %mul3A_46, %add3A_52 : i32
      %dma_start3A_54 = arith.constant 0 : i32
      %dma_start3A_55 = tpu.memref_slice %arg8[%add3A_53, %dma_start3A_54] : memref<40x125xi32, #tpu.memory_space<vmem>> -> memref<1x125xi32, #tpu.memory_space<vmem>>
      %dma_start3A_56 = tpu.memref_squeeze %dma_start3A_55 : memref<1x125xi32, #tpu.memory_space<vmem>> -> memref<125xi32, #tpu.memory_space<vmem>>
      %dma_start3A_57 = arith.constant 0 : i32
      %dma_start3A_58 = arith.constant 0 : i32
      %dma_start3A_59 = tpu.memref_slice %arg4[%dma_start3A_57, %dma_start3A_58] : memref<10000x128xf32, #tpu.memory_space<hbm>> -> memref<10000x128xf32, #tpu.memory_space<hbm>>
      tpu.enqueue_indirect_dma source(%dma_start3A_59 : memref<10000x128xf32, #tpu.memory_space<hbm>>) target(%arg11 : memref<125x128xf32, #tpu.memory_space<vmem>>) offsets(%dma_start3A_56 : memref<125xi32, #tpu.memory_space<vmem>>) semaphore(%arg13 : memref<!tpu.dma_semaphore, #tpu.memory_space<semaphore_mem>>)
      "tpu.region"() ({
        %run_scoped3A_74 = tpu.sem_alloc : memref<!tpu.dma_semaphore, #tpu.memory_space<semaphore_mem>>
        %dma_start3A_75 = arith.constant 0 : i32
        %dma_start3A_76 = tpu.memref_slice %arg9[%mul3A_46, %dma_start3A_75] : memref<40x125xi32, #tpu.memory_space<vmem>> -> memref<1x125xi32, #tpu.memory_space<vmem>>
        %dma_start3A_77 = tpu.memref_squeeze %dma_start3A_76 : memref<1x125xi32, #tpu.memory_space<vmem>> -> memref<125xi32, #tpu.memory_space<vmem>>
        %dma_start3A_78 = arith.constant 0 : i32
        %dma_start3A_79 = arith.constant 0 : i32
        %dma_start3A_80 = tpu.memref_slice %arg7[%dma_start3A_78, %dma_start3A_79] : memref<10000x128xf32, #tpu.memory_space<vmem_shared>> -> memref<10000x128xf32, #tpu.memory_space<vmem_shared>>
        tpu.enqueue_indirect_dma source(%arg10 : memref<125x128xf32, #tpu.memory_space<vmem>>) target(%dma_start3A_80 : memref<10000x128xf32, #tpu.memory_space<vmem_shared>>) offsets(%dma_start3A_77 : memref<125xi32, #tpu.memory_space<vmem>>) semaphore(%run_scoped3A_74 : memref<!tpu.dma_semaphore, #tpu.memory_space<semaphore_mem>>) {add = true}
        %dma_wait3A_81 = arith.constant 0 : i32
        %dma_wait3A_82 = tpu.memref_slice %arg9[%mul3A_46, %dma_wait3A_81] : memref<40x125xi32, #tpu.memory_space<vmem>> -> memref<1x125xi32, #tpu.memory_space<vmem>>
        %dma_wait3A_83 = tpu.memref_squeeze %dma_wait3A_82 : memref<1x125xi32, #tpu.memory_space<vmem>> -> memref<125xi32, #tpu.memory_space<vmem>>
        %dma_wait3A_84 = arith.constant 0 : i32
        %dma_wait3A_85 = arith.constant 0 : i32
        %dma_wait3A_86 = tpu.memref_slice %arg7[%dma_wait3A_84, %dma_wait3A_85] : memref<10000x128xf32, #tpu.memory_space<vmem_shared>> -> memref<10000x128xf32, #tpu.memory_space<vmem_shared>>
        tpu.wait_indirect_dma semaphore(%run_scoped3A_74 : memref<!tpu.dma_semaphore, #tpu.memory_space<semaphore_mem>>) src(%arg10 : memref<125x128xf32, #tpu.memory_space<vmem>>) dst(%dma_wait3A_86 : memref<10000x128xf32, #tpu.memory_space<vmem_shared>>)
        tpu.yield
      }) : () -> ()
      %add3A_60 = arith.constant 1 : i32
      %add3A_61 = arith.addi %mul3A_46, %add3A_60 : i32
      %dma_wait3A_62 = arith.constant 0 : i32
      %dma_wait3A_63 = tpu.memref_slice %arg8[%add3A_61, %dma_wait3A_62] : memref<40x125xi32, #tpu.memory_space<vmem>> -> memref<1x125xi32, #tpu.memory_space<vmem>>
      %dma_wait3A_64 = tpu.memref_squeeze %dma_wait3A_63 : memref<1x125xi32, #tpu.memory_space<vmem>> -> memref<125xi32, #tpu.memory_space<vmem>>
      %dma_wait3A_65 = arith.constant 0 : i32
      %dma_wait3A_66 = arith.constant 0 : i32
      %dma_wait3A_67 = tpu.memref_slice %arg4[%dma_wait3A_65, %dma_wait3A_66] : memref<10000x128xf32, #tpu.memory_space<hbm>> -> memref<10000x128xf32, #tpu.memory_space<hbm>>
      tpu.wait_indirect_dma semaphore(%arg13 : memref<!tpu.dma_semaphore, #tpu.memory_space<semaphore_mem>>) src(%dma_wait3A_67 : memref<10000x128xf32, #tpu.memory_space<hbm>>) dst(%arg11 : memref<125x128xf32, #tpu.memory_space<vmem>>)
      %lt3A = arith.constant 19 : i32
      %lt3A_68 = arith.cmpi slt, %scan3A_44, %lt3A : i32
      %convert_element_type3A_69 = arith.extui %lt3A_68 : i1 to i32
      %cond3A_70 = arith.constant 0 : i32
      %cond3A_71 = arith.cmpi ne, %convert_element_type3A_69, %cond3A_70 : i32
      scf.if %cond3A_71 {
        %add3A_74 = arith.constant 2 : i32
        %add3A_75 = arith.addi %mul3A_46, %add3A_74 : i32
        %dma_start3A_76 = arith.constant 0 : i32
        %dma_start3A_77 = tpu.memref_slice %arg8[%add3A_75, %dma_start3A_76] : memref<40x125xi32, #tpu.memory_space<vmem>> -> memref<1x125xi32, #tpu.memory_space<vmem>>
        %dma_start3A_78 = tpu.memref_squeeze %dma_start3A_77 : memref<1x125xi32, #tpu.memory_space<vmem>> -> memref<125xi32, #tpu.memory_space<vmem>>
        %dma_start3A_79 = arith.constant 0 : i32
        %dma_start3A_80 = arith.constant 0 : i32
        %dma_start3A_81 = tpu.memref_slice %arg4[%dma_start3A_79, %dma_start3A_80] : memref<10000x128xf32, #tpu.memory_space<hbm>> -> memref<10000x128xf32, #tpu.memory_space<hbm>>
        tpu.enqueue_indirect_dma source(%dma_start3A_81 : memref<10000x128xf32, #tpu.memory_space<hbm>>) target(%arg10 : memref<125x128xf32, #tpu.memory_space<vmem>>) offsets(%dma_start3A_78 : memref<125xi32, #tpu.memory_space<vmem>>) semaphore(%arg12 : memref<!tpu.dma_semaphore, #tpu.memory_space<semaphore_mem>>)
      } else {
      }
      %add3A_72 = arith.constant 1 : i32
      %add3A_73 = arith.addi %mul3A_46, %add3A_72 : i32
      "tpu.region"() ({
        %run_scoped3A_74 = tpu.sem_alloc : memref<!tpu.dma_semaphore, #tpu.memory_space<semaphore_mem>>
        %dma_start3A_75 = arith.constant 0 : i32
        %dma_start3A_76 = tpu.memref_slice %arg9[%add3A_73, %dma_start3A_75] : memref<40x125xi32, #tpu.memory_space<vmem>> -> memref<1x125xi32, #tpu.memory_space<vmem>>
        %dma_start3A_77 = tpu.memref_squeeze %dma_start3A_76 : memref<1x125xi32, #tpu.memory_space<vmem>> -> memref<125xi32, #tpu.memory_space<vmem>>
        %dma_start3A_78 = arith.constant 0 : i32
        %dma_start3A_79 = arith.constant 0 : i32
        %dma_start3A_80 = tpu.memref_slice %arg7[%dma_start3A_78, %dma_start3A_79] : memref<10000x128xf32, #tpu.memory_space<vmem_shared>> -> memref<10000x128xf32, #tpu.memory_space<vmem_shared>>
        tpu.enqueue_indirect_dma source(%arg11 : memref<125x128xf32, #tpu.memory_space<vmem>>) target(%dma_start3A_80 : memref<10000x128xf32, #tpu.memory_space<vmem_shared>>) offsets(%dma_start3A_77 : memref<125xi32, #tpu.memory_space<vmem>>) semaphore(%run_scoped3A_74 : memref<!tpu.dma_semaphore, #tpu.memory_space<semaphore_mem>>) {add = true}
        %dma_wait3A_81 = arith.constant 0 : i32
        %dma_wait3A_82 = tpu.memref_slice %arg9[%add3A_73, %dma_wait3A_81] : memref<40x125xi32, #tpu.memory_space<vmem>> -> memref<1x125xi32, #tpu.memory_space<vmem>>
        %dma_wait3A_83 = tpu.memref_squeeze %dma_wait3A_82 : memref<1x125xi32, #tpu.memory_space<vmem>> -> memref<125xi32, #tpu.memory_space<vmem>>
        %dma_wait3A_84 = arith.constant 0 : i32
        %dma_wait3A_85 = arith.constant 0 : i32
        %dma_wait3A_86 = tpu.memref_slice %arg7[%dma_wait3A_84, %dma_wait3A_85] : memref<10000x128xf32, #tpu.memory_space<vmem_shared>> -> memref<10000x128xf32, #tpu.memory_space<vmem_shared>>
        tpu.wait_indirect_dma semaphore(%run_scoped3A_74 : memref<!tpu.dma_semaphore, #tpu.memory_space<semaphore_mem>>) src(%arg11 : memref<125x128xf32, #tpu.memory_space<vmem>>) dst(%dma_wait3A_86 : memref<10000x128xf32, #tpu.memory_space<vmem_shared>>)
        tpu.yield
      }) : () -> ()
    }
    %scan3A_33 = arith.constant 20 : i32
    %barrier3A_34 = arith.constant 0 : index
    tpu.barrier barrier_id(%barrier3A_34)
    %mul3A_35 = arith.constant 624 : i32
    %mul3A_36 = arith.muli %arg1, %mul3A_35 : i32
    %mul3A_37 = arith.constant 624 : i32
    %mul3A_38 = arith.muli %arg1, %mul3A_37 : i32
    "tpu.region"() ({
      %run_scoped3A_44 = tpu.sem_alloc : memref<!tpu.dma_semaphore, #tpu.memory_space<semaphore_mem>>
      %dma_start3A_45 = arith.constant 0 : i32
      %dma_start3A_46 = arith.constant 0 : i32
      %dma_start3A_47 = tpu.memref_slice %arg6[%arg0, %dma_start3A_45, %dma_start3A_46] : memref<2x10000x128xf32, #tpu.memory_space<hbm>> -> memref<1x10000x128xf32, #tpu.memory_space<hbm>>
      %dma_start3A_48 = tpu.memref_squeeze %dma_start3A_47 : memref<1x10000x128xf32, #tpu.memory_space<hbm>> -> memref<10000x128xf32, #tpu.memory_space<hbm>>
      %dma_start3A_49 = arith.constant 0 : i32
      %dma_start3A_50 = tpu.memref_slice %dma_start3A_48[%mul3A_38, %dma_start3A_49] : memref<10000x128xf32, #tpu.memory_space<hbm>> -> memref<624x128xf32, #tpu.memory_space<hbm>>
      %dma_start3A_51 = arith.constant 0 : i32
      %dma_start3A_52 = tpu.memref_slice %arg7[%mul3A_36, %dma_start3A_51] : memref<10000x128xf32, #tpu.memory_space<vmem_shared>> -> memref<624x128xf32, #tpu.memory_space<vmem_shared>>
      tpu.enqueue_dma source(%dma_start3A_52 : memref<624x128xf32, #tpu.memory_space<vmem_shared>>) target(%dma_start3A_50 : memref<624x128xf32, #tpu.memory_space<hbm>>) target_semaphore(%run_scoped3A_44 : memref<!tpu.dma_semaphore, #tpu.memory_space<semaphore_mem>>)
      %dma_wait3A = arith.constant 0 : i32
      %dma_wait3A_53 = arith.constant 0 : i32
      %dma_wait3A_54 = tpu.memref_slice %arg6[%arg0, %dma_wait3A, %dma_wait3A_53] : memref<2x10000x128xf32, #tpu.memory_space<hbm>> -> memref<1x10000x128xf32, #tpu.memory_space<hbm>>
      %dma_wait3A_55 = tpu.memref_squeeze %dma_wait3A_54 : memref<1x10000x128xf32, #tpu.memory_space<hbm>> -> memref<10000x128xf32, #tpu.memory_space<hbm>>
      %dma_wait3A_56 = arith.constant 0 : i32
      %dma_wait3A_57 = tpu.memref_slice %dma_wait3A_55[%mul3A_38, %dma_wait3A_56] : memref<10000x128xf32, #tpu.memory_space<hbm>> -> memref<624x128xf32, #tpu.memory_space<hbm>>
      %dma_wait3A_58 = arith.constant 0 : i32
      %dma_wait3A_59 = tpu.memref_slice %arg7[%mul3A_36, %dma_wait3A_58] : memref<10000x128xf32, #tpu.memory_space<vmem_shared>> -> memref<624x128xf32, #tpu.memory_space<vmem_shared>>
      tpu.wait_dma2 semaphore(%run_scoped3A_44 : memref<!tpu.dma_semaphore, #tpu.memory_space<semaphore_mem>>) src(%dma_wait3A_59 : memref<624x128xf32, #tpu.memory_space<vmem_shared>>) dst(%dma_wait3A_57 : memref<624x128xf32, #tpu.memory_space<hbm>>)
      tpu.yield
    }) : () -> ()
    %eq3A_39 = arith.constant 15 : i32
    %eq3A_40 = arith.cmpi eq, %arg1, %eq3A_39 : i32
    %convert_element_type3A_41 = arith.extui %eq3A_40 : i1 to i32
    %cond3A_42 = arith.constant 0 : i32
    %cond3A_43 = arith.cmpi ne, %convert_element_type3A_41, %cond3A_42 : i32
    scf.if %cond3A_43 {
      "tpu.region"() ({
        %run_scoped3A_44 = tpu.sem_alloc : memref<!tpu.dma_semaphore, #tpu.memory_space<semaphore_mem>>
        %dma_start3A_45 = arith.constant 0 : i32
        %dma_start3A_46 = arith.constant 0 : i32
        %dma_start3A_47 = tpu.memref_slice %arg6[%arg0, %dma_start3A_45, %dma_start3A_46] : memref<2x10000x128xf32, #tpu.memory_space<hbm>> -> memref<1x10000x128xf32, #tpu.memory_space<hbm>>
        %dma_start3A_48 = tpu.memref_squeeze %dma_start3A_47 : memref<1x10000x128xf32, #tpu.memory_space<hbm>> -> memref<10000x128xf32, #tpu.memory_space<hbm>>
        %dma_start3A_49 = arith.constant 9984 : i32
        %dma_start3A_50 = arith.constant 0 : i32
        %dma_start3A_51 = tpu.memref_slice %dma_start3A_48[%dma_start3A_49, %dma_start3A_50] : memref<10000x128xf32, #tpu.memory_space<hbm>> -> memref<16x128xf32, #tpu.memory_space<hbm>>
        %dma_start3A_52 = arith.constant 9984 : i32
        %dma_start3A_53 = arith.constant 0 : i32
        %dma_start3A_54 = tpu.memref_slice %arg7[%dma_start3A_52, %dma_start3A_53] : memref<10000x128xf32, #tpu.memory_space<vmem_shared>> -> memref<16x128xf32, #tpu.memory_space<vmem_shared>>
        tpu.enqueue_dma source(%dma_start3A_54 : memref<16x128xf32, #tpu.memory_space<vmem_shared>>) target(%dma_start3A_51 : memref<16x128xf32, #tpu.memory_space<hbm>>) target_semaphore(%run_scoped3A_44 : memref<!tpu.dma_semaphore, #tpu.memory_space<semaphore_mem>>)
        %dma_wait3A = arith.constant 0 : i32
        %dma_wait3A_55 = arith.constant 0 : i32
        %dma_wait3A_56 = tpu.memref_slice %arg6[%arg0, %dma_wait3A, %dma_wait3A_55] : memref<2x10000x128xf32, #tpu.memory_space<hbm>> -> memref<1x10000x128xf32, #tpu.memory_space<hbm>>
        %dma_wait3A_57 = tpu.memref_squeeze %dma_wait3A_56 : memref<1x10000x128xf32, #tpu.memory_space<hbm>> -> memref<10000x128xf32, #tpu.memory_space<hbm>>
        %dma_wait3A_58 = arith.constant 9984 : i32
        %dma_wait3A_59 = arith.constant 0 : i32
        %dma_wait3A_60 = tpu.memref_slice %dma_wait3A_57[%dma_wait3A_58, %dma_wait3A_59] : memref<10000x128xf32, #tpu.memory_space<hbm>> -> memref<16x128xf32, #tpu.memory_space<hbm>>
        %dma_wait3A_61 = arith.constant 9984 : i32
        %dma_wait3A_62 = arith.constant 0 : i32
        %dma_wait3A_63 = tpu.memref_slice %arg7[%dma_wait3A_61, %dma_wait3A_62] : memref<10000x128xf32, #tpu.memory_space<vmem_shared>> -> memref<16x128xf32, #tpu.memory_space<vmem_shared>>
        tpu.wait_dma2 semaphore(%run_scoped3A_44 : memref<!tpu.dma_semaphore, #tpu.memory_space<semaphore_mem>>) src(%dma_wait3A_63 : memref<16x128xf32, #tpu.memory_space<vmem_shared>>) dst(%dma_wait3A_60 : memref<16x128xf32, #tpu.memory_space<hbm>>)
        tpu.yield
      }) : () -> ()
    } else {
    }
    return
  }
}

module attributes {stable_mosaic.version = 14 : i64} {
  func.func @_prep_body(%arg0: i32, %arg1: memref<1000x128xf32, #tpu.memory_space<vmem>>, %arg2: memref<2x1000x128xf32, #tpu.memory_space<vmem>>, %arg3: memref<1000x128xf32, #tpu.memory_space<vmem>>, %arg4: memref<1000x128xf32, #tpu.memory_space<vmem>>) attributes {dimension_semantics = [#tpu.dimension_semantics<arbitrary>], iteration_bounds = array<i64: 10>, scalar_prefetch = 0 : i64, scratch_operands = 0 : i64, tpu.core_type = #tpu.core_type<tc>, window_params = [{transform_indices = @transform_0, window_bounds = array<i64: 1000, 128>}, {transform_indices = @transform_1, window_bounds = array<i64: 2, 1000, 128>}, {transform_indices = @transform_2, window_bounds = array<i64: 1000, 128>}, {transform_indices = @transform_3, window_bounds = array<i64: 1000, 128>}]} {
    %get3A = arith.constant 0 : index
    %get3A_0 = arith.constant 0 : index
    %get3A_1 = arith.constant 0 : index
    %get3A_2 = vector.load %arg2[%get3A, %get3A_0, %get3A_1] : memref<2x1000x128xf32, #tpu.memory_space<vmem>>, vector<1x1000x1xf32>
    %get3A_3 = vector.shape_cast %get3A_2 : vector<1x1000x1xf32> to vector<1000x1xf32>
    %get3A_4 = arith.constant 1 : index
    %get3A_5 = arith.constant 0 : index
    %get3A_6 = arith.constant 0 : index
    %get3A_7 = vector.load %arg2[%get3A_4, %get3A_5, %get3A_6] : memref<2x1000x128xf32, #tpu.memory_space<vmem>>, vector<1x1000x1xf32>
    %get3A_8 = vector.shape_cast %get3A_7 : vector<1x1000x1xf32> to vector<1000x1xf32>
    %add3A = arith.addf %get3A_3, %get3A_8 : vector<1000x1xf32>
    %max3A = arith.constant 1.000000e+00 : f32
    %max3A_9 = vector.broadcast %max3A : f32 to vector<1000x1xf32>
    %max3A_10 = arith.maximumf %add3A, %max3A_9 : vector<1000x1xf32>
    %rsqrt3A = math.rsqrt %max3A_10 : vector<1000x1xf32>
    %broadcast_in_dim3A = vector.shape_cast %rsqrt3A : vector<1000x1xf32> to vector<1000x1xf32>
    %broadcast_in_dim3A_11 = vector.broadcast %broadcast_in_dim3A : vector<1000x1xf32> to vector<1000x128xf32>
    %swap3A = arith.constant 0 : index
    %swap3A_12 = arith.constant 0 : index
    %swap3A_13 = vector.load %arg4[%swap3A, %swap3A_12] : memref<1000x128xf32, #tpu.memory_space<vmem>>, vector<1000x128xf32>
    tpu.vector_store %arg4[%swap3A, %swap3A_12], %broadcast_in_dim3A_11 {strides = array<i32>} : memref<1000x128xf32, #tpu.memory_space<vmem>>, vector<1000x128xf32>,
    %get3A_14 = arith.constant 0 : index
    %get3A_15 = arith.constant 0 : index
    %get3A_16 = vector.load %arg1[%get3A_14, %get3A_15] : memref<1000x128xf32, #tpu.memory_space<vmem>>, vector<1000x128xf32>
    %ne3A = arith.cmpf one, %get3A_16, %get3A_16 : vector<1000x128xf32>
    %jit3A = arith.constant 0.000000e+00 : f32
    %broadcast_in_dim3A_17 = vector.broadcast %jit3A : f32 to vector<1000x128xf32>
    %select_n3A = arith.select %ne3A, %broadcast_in_dim3A_17, %get3A_16 : vector<1000x128xi1>, vector<1000x128xf32>
    %eq3A = arith.constant 0x7F800000 : f32
    %eq3A_18 = vector.broadcast %eq3A : f32 to vector<1000x128xf32>
    %eq3A_19 = arith.cmpf oeq, %select_n3A, %eq3A_18 : vector<1000x128xf32>
    %jit3A_20 = arith.constant 3.40282347E+38 : f32
    %broadcast_in_dim3A_21 = vector.broadcast %jit3A_20 : f32 to vector<1000x128xf32>
    %select_n3A_22 = arith.select %eq3A_19, %broadcast_in_dim3A_21, %select_n3A : vector<1000x128xi1>, vector<1000x128xf32>
    %eq3A_23 = arith.constant 0xFF800000 : f32
    %eq3A_24 = vector.broadcast %eq3A_23 : f32 to vector<1000x128xf32>
    %eq3A_25 = arith.cmpf oeq, %select_n3A_22, %eq3A_24 : vector<1000x128xf32>
    %jit3A_26 = arith.constant -3.40282347E+38 : f32
    %broadcast_in_dim3A_27 = vector.broadcast %jit3A_26 : f32 to vector<1000x128xf32>
    %select_n3A_28 = arith.select %eq3A_25, %broadcast_in_dim3A_27, %select_n3A_22 : vector<1000x128xi1>, vector<1000x128xf32>
    %mul3A = arith.mulf %broadcast_in_dim3A_11, %select_n3A_28 : vector<1000x128xf32>
    %swap3A_29 = arith.constant 0 : index
    %swap3A_30 = arith.constant 0 : index
    %swap3A_31 = vector.load %arg3[%swap3A_29, %swap3A_30] : memref<1000x128xf32, #tpu.memory_space<vmem>>, vector<1000x128xf32>
    tpu.vector_store %arg3[%swap3A_29, %swap3A_30], %mul3A {strides = array<i32>} : memref<1000x128xf32, #tpu.memory_space<vmem>>, vector<1000x128xf32>,
    return
  }
  func.func @transform_0(%arg0: i32) -> (i32, i32) {
    %c0_i32 = arith.constant 0 : i32
    %c0_i32_0 = arith.constant 0 : i32
    return %arg0, %c0_i32 : i32, i32
  }
  func.func @transform_1(%arg0: i32) -> (i32, i32, i32) {
    %c0_i32 = arith.constant 0 : i32
    %c0_i32_0 = arith.constant 0 : i32
    %c0_i32_1 = arith.constant 0 : i32
    return %c0_i32, %arg0, %c0_i32_0 : i32, i32, i32
  }
  func.func @transform_2(%arg0: i32) -> (i32, i32) {
    %c0_i32 = arith.constant 0 : i32
    %c0_i32_0 = arith.constant 0 : i32
    return %arg0, %c0_i32 : i32, i32
  }
  func.func @transform_3(%arg0: i32) -> (i32, i32) {
    %c0_i32 = arith.constant 0 : i32
    %c0_i32_0 = arith.constant 0 : i32
    return %arg0, %c0_i32 : i32, i32
  }
}

module attributes {stable_mosaic.version = 14 : i64} {
  func.func @_mid_body(%arg0: i32, %arg1: memref<2x1000x128xf32, #tpu.memory_space<vmem>>, %arg2: memref<1000x128xf32, #tpu.memory_space<vmem>>, %arg3: memref<1000x128xf32, #tpu.memory_space<vmem>>) attributes {dimension_semantics = [#tpu.dimension_semantics<arbitrary>], iteration_bounds = array<i64: 10>, scalar_prefetch = 0 : i64, scratch_operands = 0 : i64, tpu.core_type = #tpu.core_type<tc>, window_params = [{transform_indices = @transform_0, window_bounds = array<i64: 2, 1000, 128>}, {transform_indices = @transform_1, window_bounds = array<i64: 1000, 128>}, {transform_indices = @transform_2, window_bounds = array<i64: 1000, 128>}]} {
    %get3A = arith.constant 0 : index
    %get3A_0 = arith.constant 0 : index
    %get3A_1 = vector.load %arg2[%get3A, %get3A_0] : memref<1000x128xf32, #tpu.memory_space<vmem>>, vector<1000x128xf32>
    %mul3A = arith.mulf %get3A_1, %get3A_1 : vector<1000x128xf32>
    %get3A_2 = arith.constant 0 : index
    %get3A_3 = arith.constant 0 : index
    %get3A_4 = arith.constant 0 : index
    %get3A_5 = vector.load %arg1[%get3A_2, %get3A_3, %get3A_4] : memref<2x1000x128xf32, #tpu.memory_space<vmem>>, vector<1x1000x128xf32>
    %get3A_6 = vector.shape_cast %get3A_5 : vector<1x1000x128xf32> to vector<1000x128xf32>
    %get3A_7 = arith.constant 1 : index
    %get3A_8 = arith.constant 0 : index
    %get3A_9 = arith.constant 0 : index
    %get3A_10 = vector.load %arg1[%get3A_7, %get3A_8, %get3A_9] : memref<2x1000x128xf32, #tpu.memory_space<vmem>>, vector<1x1000x128xf32>
    %get3A_11 = vector.shape_cast %get3A_10 : vector<1x1000x128xf32> to vector<1000x128xf32>
    %add3A = arith.addf %get3A_6, %get3A_11 : vector<1000x128xf32>
    %mul3A_12 = arith.mulf %mul3A, %add3A : vector<1000x128xf32>
    %swap3A = arith.constant 0 : index
    %swap3A_13 = arith.constant 0 : index
    %swap3A_14 = vector.load %arg3[%swap3A, %swap3A_13] : memref<1000x128xf32, #tpu.memory_space<vmem>>, vector<1000x128xf32>
    tpu.vector_store %arg3[%swap3A, %swap3A_13], %mul3A_12 {strides = array<i32>} : memref<1000x128xf32, #tpu.memory_space<vmem>>, vector<1000x128xf32>,
    return
  }
  func.func @transform_0(%arg0: i32) -> (i32, i32, i32) {
    %c0_i32 = arith.constant 0 : i32
    %c0_i32_0 = arith.constant 0 : i32
    %c0_i32_1 = arith.constant 0 : i32
    return %c0_i32, %arg0, %c0_i32_0 : i32, i32, i32
  }
  func.func @transform_1(%arg0: i32) -> (i32, i32) {
    %c0_i32 = arith.constant 0 : i32
    %c0_i32_0 = arith.constant 0 : i32
    return %arg0, %c0_i32 : i32, i32
  }
  func.func @transform_2(%arg0: i32) -> (i32, i32) {
    %c0_i32 = arith.constant 0 : i32
    %c0_i32_0 = arith.constant 0 : i32
    return %arg0, %c0_i32 : i32, i32
  }
}

module attributes {stable_mosaic.version = 14 : i64} {
  func.func @_layer_body(%arg0: i32, %arg1: memref<1000x128xf32, #tpu.memory_space<vmem>>, %arg2: memref<2x1000x128xf32, #tpu.memory_space<vmem>>, %arg3: memref<2x1000x128xf32, #tpu.memory_space<vmem>>, %arg4: memref<1000x128xf32, #tpu.memory_space<vmem>>, %arg5: memref<384x128xf32, #tpu.memory_space<vmem>>, %arg6: memref<1x128xf32, #tpu.memory_space<vmem>>, %arg7: memref<1000x128xf32, #tpu.memory_space<vmem>>, %arg8: memref<1000x128xf32, #tpu.memory_space<vmem>>) attributes {dimension_semantics = [#tpu.dimension_semantics<arbitrary>], iteration_bounds = array<i64: 10>, scalar_prefetch = 0 : i64, scratch_operands = 0 : i64, tpu.core_type = #tpu.core_type<tc>, window_params = [{transform_indices = @transform_0, window_bounds = array<i64: 1000, 128>}, {transform_indices = @transform_1, window_bounds = array<i64: 2, 1000, 128>}, {transform_indices = @transform_2, window_bounds = array<i64: 2, 1000, 128>}, {transform_indices = @transform_3, window_bounds = array<i64: 1000, 128>}, {pipeline_mode = #tpu.pipeline_mode<synchronous>, transform_indices = @transform_4, window_bounds = array<i64: 384, 128>}, {pipeline_mode = #tpu.pipeline_mode<synchronous>, transform_indices = @transform_5, window_bounds = array<i64: 1, 128>}, {transform_indices = @transform_6, window_bounds = array<i64: 1000, 128>}, {transform_indices = @transform_7, window_bounds = array<i64: 1000, 128>}]} {
    %get3A = arith.constant 0 : index
    %get3A_0 = arith.constant 0 : index
    %get3A_1 = vector.load %arg4[%get3A, %get3A_0] : memref<1000x128xf32, #tpu.memory_space<vmem>>, vector<1000x128xf32>
    %get3A_2 = arith.constant 0 : index
    %get3A_3 = arith.constant 0 : index
    %get3A_4 = vector.load %arg1[%get3A_2, %get3A_3] : memref<1000x128xf32, #tpu.memory_space<vmem>>, vector<1000x128xf32>
    %ne3A = arith.cmpf one, %get3A_4, %get3A_4 : vector<1000x128xf32>
    %jit3A = arith.constant 0.000000e+00 : f32
    %broadcast_in_dim3A = vector.broadcast %jit3A : f32 to vector<1000x128xf32>
    %select_n3A = arith.select %ne3A, %broadcast_in_dim3A, %get3A_4 : vector<1000x128xi1>, vector<1000x128xf32>
    %eq3A = arith.constant 0x7F800000 : f32
    %eq3A_5 = vector.broadcast %eq3A : f32 to vector<1000x128xf32>
    %eq3A_6 = arith.cmpf oeq, %select_n3A, %eq3A_5 : vector<1000x128xf32>
    %jit3A_7 = arith.constant 3.40282347E+38 : f32
    %broadcast_in_dim3A_8 = vector.broadcast %jit3A_7 : f32 to vector<1000x128xf32>
    %select_n3A_9 = arith.select %eq3A_6, %broadcast_in_dim3A_8, %select_n3A : vector<1000x128xi1>, vector<1000x128xf32>
    %eq3A_10 = arith.constant 0xFF800000 : f32
    %eq3A_11 = vector.broadcast %eq3A_10 : f32 to vector<1000x128xf32>
    %eq3A_12 = arith.cmpf oeq, %select_n3A_9, %eq3A_11 : vector<1000x128xf32>
    %jit3A_13 = arith.constant -3.40282347E+38 : f32
    %broadcast_in_dim3A_14 = vector.broadcast %jit3A_13 : f32 to vector<1000x128xf32>
    %select_n3A_15 = arith.select %eq3A_12, %broadcast_in_dim3A_14, %select_n3A_9 : vector<1000x128xi1>, vector<1000x128xf32>
    %get3A_16 = arith.constant 0 : index
    %get3A_17 = arith.constant 0 : index
    %get3A_18 = arith.constant 0 : index
    %get3A_19 = vector.load %arg2[%get3A_16, %get3A_17, %get3A_18] : memref<2x1000x128xf32, #tpu.memory_space<vmem>>, vector<1x1000x128xf32>
    %get3A_20 = vector.shape_cast %get3A_19 : vector<1x1000x128xf32> to vector<1000x128xf32>
    %get3A_21 = arith.constant 1 : index
    %get3A_22 = arith.constant 0 : index
    %get3A_23 = arith.constant 0 : index
    %get3A_24 = vector.load %arg2[%get3A_21, %get3A_22, %get3A_23] : memref<2x1000x128xf32, #tpu.memory_space<vmem>>, vector<1x1000x128xf32>
    %get3A_25 = vector.shape_cast %get3A_24 : vector<1x1000x128xf32> to vector<1000x128xf32>
    %add3A = arith.addf %get3A_20, %get3A_25 : vector<1000x128xf32>
    %mul3A = arith.mulf %get3A_1, %add3A : vector<1000x128xf32>
    %get3A_26 = arith.constant 0 : index
    %get3A_27 = arith.constant 0 : index
    %get3A_28 = arith.constant 0 : index
    %get3A_29 = vector.load %arg3[%get3A_26, %get3A_27, %get3A_28] : memref<2x1000x128xf32, #tpu.memory_space<vmem>>, vector<1x1000x128xf32>
    %get3A_30 = vector.shape_cast %get3A_29 : vector<1x1000x128xf32> to vector<1000x128xf32>
    %get3A_31 = arith.constant 1 : index
    %get3A_32 = arith.constant 0 : index
    %get3A_33 = arith.constant 0 : index
    %get3A_34 = vector.load %arg3[%get3A_31, %get3A_32, %get3A_33] : memref<2x1000x128xf32, #tpu.memory_space<vmem>>, vector<1x1000x128xf32>
    %get3A_35 = vector.shape_cast %get3A_34 : vector<1x1000x128xf32> to vector<1000x128xf32>
    %add3A_36 = arith.addf %get3A_30, %get3A_35 : vector<1000x128xf32>
    %mul3A_37 = arith.mulf %get3A_1, %add3A_36 : vector<1000x128xf32>
    %concatenate3A = tpu.concatenate %select_n3A_15, %mul3A, %mul3A_37 in 1 : vector<1000x128xf32>, vector<1000x128xf32>, vector<1000x128xf32> -> vector<1000x384xf32>
    %get3A_38 = arith.constant 0 : index
    %get3A_39 = arith.constant 0 : index
    %get3A_40 = vector.load %arg5[%get3A_38, %get3A_39] : memref<384x128xf32, #tpu.memory_space<vmem>>, vector<384x128xf32>
    %dot_general3A = arith.constant dense<0.000000e+00> : vector<1000x128xf32>
    %dot_general3A_41 = tpu.matmul %concatenate3A, %get3A_40, %dot_general3A {dimension_numbers = #tpu.dot_dimension_numbers<[1], [0], [0], [1], [0, 0, 1, 1], [], []>, transpose_lhs_hint = false} : vector<1000x384xf32>, vector<384x128xf32>, vector<1000x128xf32> -> vector<1000x128xf32>
    %get3A_42 = arith.constant 0 : index
    %get3A_43 = arith.constant 0 : index
    %get3A_44 = vector.load %arg6[%get3A_42, %get3A_43] : memref<1x128xf32, #tpu.memory_space<vmem>>, vector<1x128xf32>
    %add3A_45 = vector.broadcast %get3A_44 : vector<1x128xf32> to vector<1000x128xf32>
    %add3A_46 = arith.addf %dot_general3A_41, %add3A_45 : vector<1000x128xf32>
    %max3A = arith.constant 0.000000e+00 : f32
    %max3A_47 = vector.broadcast %max3A : f32 to vector<1000x128xf32>
    %max3A_48 = arith.maximumf %add3A_46, %max3A_47 : vector<1000x128xf32>
    %swap3A = arith.constant 0 : index
    %swap3A_49 = arith.constant 0 : index
    %swap3A_50 = vector.load %arg7[%swap3A, %swap3A_49] : memref<1000x128xf32, #tpu.memory_space<vmem>>, vector<1000x128xf32>
    tpu.vector_store %arg7[%swap3A, %swap3A_49], %max3A_48 {strides = array<i32>} : memref<1000x128xf32, #tpu.memory_space<vmem>>, vector<1000x128xf32>,
    %mul3A_51 = arith.mulf %get3A_1, %max3A_48 : vector<1000x128xf32>
    %swap3A_52 = arith.constant 0 : index
    %swap3A_53 = arith.constant 0 : index
    %swap3A_54 = vector.load %arg8[%swap3A_52, %swap3A_53] : memref<1000x128xf32, #tpu.memory_space<vmem>>, vector<1000x128xf32>
    tpu.vector_store %arg8[%swap3A_52, %swap3A_53], %mul3A_51 {strides = array<i32>} : memref<1000x128xf32, #tpu.memory_space<vmem>>, vector<1000x128xf32>,
    return
  }
  func.func @transform_0(%arg0: i32) -> (i32, i32) {
    %c0_i32 = arith.constant 0 : i32
    %c0_i32_0 = arith.constant 0 : i32
    return %arg0, %c0_i32 : i32, i32
  }
  func.func @transform_1(%arg0: i32) -> (i32, i32, i32) {
    %c0_i32 = arith.constant 0 : i32
    %c0_i32_0 = arith.constant 0 : i32
    %c0_i32_1 = arith.constant 0 : i32
    return %c0_i32, %arg0, %c0_i32_0 : i32, i32, i32
  }
  func.func @transform_2(%arg0: i32) -> (i32, i32, i32) {
    %c0_i32 = arith.constant 0 : i32
    %c0_i32_0 = arith.constant 0 : i32
    %c0_i32_1 = arith.constant 0 : i32
    return %c0_i32, %arg0, %c0_i32_0 : i32, i32, i32
  }
  func.func @transform_3(%arg0: i32) -> (i32, i32) {
    %c0_i32 = arith.constant 0 : i32
    %c0_i32_0 = arith.constant 0 : i32
    return %arg0, %c0_i32 : i32, i32
  }
  func.func @transform_4(%arg0: i32) -> (i32, i32) {
    %c0_i32 = arith.constant 0 : i32
    %c0_i32_0 = arith.constant 0 : i32
    %c0_i32_1 = arith.constant 0 : i32
    return %c0_i32, %c0_i32_0 : i32, i32
  }
  func.func @transform_5(%arg0: i32) -> (i32, i32) {
    %c0_i32 = arith.constant 0 : i32
    %c0_i32_0 = arith.constant 0 : i32
    %c0_i32_1 = arith.constant 0 : i32
    return %c0_i32, %c0_i32_0 : i32, i32
  }
  func.func @transform_6(%arg0: i32) -> (i32, i32) {
    %c0_i32 = arith.constant 0 : i32
    %c0_i32_0 = arith.constant 0 : i32
    return %arg0, %c0_i32 : i32, i32
  }
  func.func @transform_7(%arg0: i32) -> (i32, i32) {
    %c0_i32 = arith.constant 0 : i32
    %c0_i32_0 = arith.constant 0 : i32
    return %arg0, %c0_i32 : i32, i32
  }
}

module attributes {stable_mosaic.version = 14 : i64} {
  func.func @_layer3_body(%arg0: i32, %arg1: memref<1000x128xf32, #tpu.memory_space<vmem>>, %arg2: memref<2x1000x128xf32, #tpu.memory_space<vmem>>, %arg3: memref<2x1000x128xf32, #tpu.memory_space<vmem>>, %arg4: memref<1000x128xf32, #tpu.memory_space<vmem>>, %arg5: memref<384x128xf32, #tpu.memory_space<vmem>>, %arg6: memref<1x128xf32, #tpu.memory_space<vmem>>, %arg7: memref<128x1xf32, #tpu.memory_space<vmem>>, %arg8: memref<1x1xf32, #tpu.memory_space<vmem>>, %arg9: memref<1x1xf32, #tpu.memory_space<vmem>>, %arg10: memref<1x128xf32, #tpu.memory_space<vmem>>) attributes {dimension_semantics = [#tpu.dimension_semantics<arbitrary>], iteration_bounds = array<i64: 10>, scalar_prefetch = 0 : i64, scratch_operands = 1 : i64, tpu.core_type = #tpu.core_type<tc>, window_params = [{transform_indices = @transform_0, window_bounds = array<i64: 1000, 128>}, {transform_indices = @transform_1, window_bounds = array<i64: 2, 1000, 128>}, {transform_indices = @transform_2, window_bounds = array<i64: 2, 1000, 128>}, {transform_indices = @transform_3, window_bounds = array<i64: 1000, 128>}, {pipeline_mode = #tpu.pipeline_mode<synchronous>, transform_indices = @transform_4, window_bounds = array<i64: 384, 128>}, {pipeline_mode = #tpu.pipeline_mode<synchronous>, transform_indices = @transform_5, window_bounds = array<i64: 1, 128>}, {pipeline_mode = #tpu.pipeline_mode<synchronous>, transform_indices = @transform_6, window_bounds = array<i64: 128, 1>}, {pipeline_mode = #tpu.pipeline_mode<synchronous>, transform_indices = @transform_7, window_bounds = array<i64: 1, 1>}, {pipeline_mode = #tpu.pipeline_mode<synchronous>, transform_indices = @transform_8, window_bounds = array<i64: 1, 1>}]} {
    %get3A = arith.constant 0 : index
    %get3A_0 = arith.constant 0 : index
    %get3A_1 = vector.load %arg4[%get3A, %get3A_0] : memref<1000x128xf32, #tpu.memory_space<vmem>>, vector<1000x128xf32>
    %get3A_2 = arith.constant 0 : index
    %get3A_3 = arith.constant 0 : index
    %get3A_4 = vector.load %arg1[%get3A_2, %get3A_3] : memref<1000x128xf32, #tpu.memory_space<vmem>>, vector<1000x128xf32>
    %ne3A = arith.cmpf one, %get3A_4, %get3A_4 : vector<1000x128xf32>
    %jit3A = arith.constant 0.000000e+00 : f32
    %broadcast_in_dim3A = vector.broadcast %jit3A : f32 to vector<1000x128xf32>
    %select_n3A = arith.select %ne3A, %broadcast_in_dim3A, %get3A_4 : vector<1000x128xi1>, vector<1000x128xf32>
    %eq3A = arith.constant 0x7F800000 : f32
    %eq3A_5 = vector.broadcast %eq3A : f32 to vector<1000x128xf32>
    %eq3A_6 = arith.cmpf oeq, %select_n3A, %eq3A_5 : vector<1000x128xf32>
    %jit3A_7 = arith.constant 3.40282347E+38 : f32
    %broadcast_in_dim3A_8 = vector.broadcast %jit3A_7 : f32 to vector<1000x128xf32>
    %select_n3A_9 = arith.select %eq3A_6, %broadcast_in_dim3A_8, %select_n3A : vector<1000x128xi1>, vector<1000x128xf32>
    %eq3A_10 = arith.constant 0xFF800000 : f32
    %eq3A_11 = vector.broadcast %eq3A_10 : f32 to vector<1000x128xf32>
    %eq3A_12 = arith.cmpf oeq, %select_n3A_9, %eq3A_11 : vector<1000x128xf32>
    %jit3A_13 = arith.constant -3.40282347E+38 : f32
    %broadcast_in_dim3A_14 = vector.broadcast %jit3A_13 : f32 to vector<1000x128xf32>
    %select_n3A_15 = arith.select %eq3A_12, %broadcast_in_dim3A_14, %select_n3A_9 : vector<1000x128xi1>, vector<1000x128xf32>
    %get3A_16 = arith.constant 0 : index
    %get3A_17 = arith.constant 0 : index
    %get3A_18 = arith.constant 0 : index
    %get3A_19 = vector.load %arg2[%get3A_16, %get3A_17, %get3A_18] : memref<2x1000x128xf32, #tpu.memory_space<vmem>>, vector<1x1000x128xf32>
    %get3A_20 = vector.shape_cast %get3A_19 : vector<1x1000x128xf32> to vector<1000x128xf32>
    %get3A_21 = arith.constant 1 : index
    %get3A_22 = arith.constant 0 : index
    %get3A_23 = arith.constant 0 : index
    %get3A_24 = vector.load %arg2[%get3A_21, %get3A_22, %get3A_23] : memref<2x1000x128xf32, #tpu.memory_space<vmem>>, vector<1x1000x128xf32>
    %get3A_25 = vector.shape_cast %get3A_24 : vector<1x1000x128xf32> to vector<1000x128xf32>
    %add3A = arith.addf %get3A_20, %get3A_25 : vector<1000x128xf32>
    %mul3A = arith.mulf %get3A_1, %add3A : vector<1000x128xf32>
    %get3A_26 = arith.constant 0 : index
    %get3A_27 = arith.constant 0 : index
    %get3A_28 = arith.constant 0 : index
    %get3A_29 = vector.load %arg3[%get3A_26, %get3A_27, %get3A_28] : memref<2x1000x128xf32, #tpu.memory_space<vmem>>, vector<1x1000x128xf32>
    %get3A_30 = vector.shape_cast %get3A_29 : vector<1x1000x128xf32> to vector<1000x128xf32>
    %get3A_31 = arith.constant 1 : index
    %get3A_32 = arith.constant 0 : index
    %get3A_33 = arith.constant 0 : index
    %get3A_34 = vector.load %arg3[%get3A_31, %get3A_32, %get3A_33] : memref<2x1000x128xf32, #tpu.memory_space<vmem>>, vector<1x1000x128xf32>
    %get3A_35 = vector.shape_cast %get3A_34 : vector<1x1000x128xf32> to vector<1000x128xf32>
    %add3A_36 = arith.addf %get3A_30, %get3A_35 : vector<1000x128xf32>
    %mul3A_37 = arith.mulf %get3A_1, %add3A_36 : vector<1000x128xf32>
    %concatenate3A = tpu.concatenate %select_n3A_15, %mul3A, %mul3A_37 in 1 : vector<1000x128xf32>, vector<1000x128xf32>, vector<1000x128xf32> -> vector<1000x384xf32>
    %get3A_38 = arith.constant 0 : index
    %get3A_39 = arith.constant 0 : index
    %get3A_40 = vector.load %arg5[%get3A_38, %get3A_39] : memref<384x128xf32, #tpu.memory_space<vmem>>, vector<384x128xf32>
    %dot_general3A = arith.constant dense<0.000000e+00> : vector<1000x128xf32>
    %dot_general3A_41 = tpu.matmul %concatenate3A, %get3A_40, %dot_general3A {dimension_numbers = #tpu.dot_dimension_numbers<[1], [0], [0], [1], [0, 0, 1, 1], [], []>, transpose_lhs_hint = false} : vector<1000x384xf32>, vector<384x128xf32>, vector<1000x128xf32> -> vector<1000x128xf32>
    %get3A_42 = arith.constant 0 : index
    %get3A_43 = arith.constant 0 : index
    %get3A_44 = vector.load %arg6[%get3A_42, %get3A_43] : memref<1x128xf32, #tpu.memory_space<vmem>>, vector<1x128xf32>
    %add3A_45 = vector.broadcast %get3A_44 : vector<1x128xf32> to vector<1000x128xf32>
    %add3A_46 = arith.addf %dot_general3A_41, %add3A_45 : vector<1000x128xf32>
    %max3A = arith.constant 0.000000e+00 : f32
    %max3A_47 = vector.broadcast %max3A : f32 to vector<1000x128xf32>
    %max3A_48 = arith.maximumf %add3A_46, %max3A_47 : vector<1000x128xf32>
    %eq3A_49 = arith.constant 0 : i32
    %eq3A_50 = arith.cmpi eq, %arg0, %eq3A_49 : i32
    %convert_element_type3A = arith.extui %eq3A_50 : i1 to i32
    %cond3A = arith.constant 0 : i32
    %cond3A_51 = arith.cmpi ne, %convert_element_type3A, %cond3A : i32
    scf.if %cond3A_51 {
      %broadcast_in_dim3A_65 = arith.constant 0.000000e+00 : f32
      %broadcast_in_dim3A_66 = vector.broadcast %broadcast_in_dim3A_65 : f32 to vector<1x128xf32>
      %swap3A_67 = arith.constant 0 : index
      %swap3A_68 = arith.constant 0 : index
      %swap3A_69 = vector.load %arg10[%swap3A_67, %swap3A_68] : memref<1x128xf32, #tpu.memory_space<vmem>>, vector<1x128xf32>
      tpu.vector_store %arg10[%swap3A_67, %swap3A_68], %broadcast_in_dim3A_66 {strides = array<i32>} : memref<1x128xf32, #tpu.memory_space<vmem>>, vector<1x128xf32>,
    } else {
    }
    %get3A_52 = arith.constant 0 : index
    %get3A_53 = arith.constant 0 : index
    %get3A_54 = vector.load %arg10[%get3A_52, %get3A_53] : memref<1x128xf32, #tpu.memory_space<vmem>>, vector<1x128xf32>
    %reduce_sum3A = arith.constant dense<0.000000e+00> : vector<128xf32>
    %reduce_sum3A_55 = vector.multi_reduction <add>, %max3A_48, %reduce_sum3A [0] : vector<1000x128xf32> to vector<128xf32>
    %broadcast_in_dim3A_56 = vector.shape_cast %reduce_sum3A_55 : vector<128xf32> to vector<1x128xf32>
    %add3A_57 = arith.addf %get3A_54, %broadcast_in_dim3A_56 : vector<1x128xf32>
    %swap3A = arith.constant 0 : index
    %swap3A_58 = arith.constant 0 : index
    %swap3A_59 = vector.load %arg10[%swap3A, %swap3A_58] : memref<1x128xf32, #tpu.memory_space<vmem>>, vector<1x128xf32>
    tpu.vector_store %arg10[%swap3A, %swap3A_58], %add3A_57 {strides = array<i32>} : memref<1x128xf32, #tpu.memory_space<vmem>>, vector<1x128xf32>,
    %eq3A_60 = arith.constant 9 : i32
    %eq3A_61 = arith.cmpi eq, %arg0, %eq3A_60 : i32
    %convert_element_type3A_62 = arith.extui %eq3A_61 : i1 to i32
    %cond3A_63 = arith.constant 0 : i32
    %cond3A_64 = arith.cmpi ne, %convert_element_type3A_62, %cond3A_63 : i32
    scf.if %cond3A_64 {
      %get3A_65 = arith.constant 0 : index
      %get3A_66 = arith.constant 0 : index
      %get3A_67 = vector.load %arg10[%get3A_65, %get3A_66] : memref<1x128xf32, #tpu.memory_space<vmem>>, vector<1x128xf32>
      %mul3A_68 = arith.constant 9.99999974E-5 : f32
      %mul3A_69 = vector.broadcast %mul3A_68 : f32 to vector<1x128xf32>
      %mul3A_70 = arith.mulf %get3A_67, %mul3A_69 : vector<1x128xf32>
      %get3A_71 = arith.constant 0 : index
      %get3A_72 = arith.constant 0 : index
      %get3A_73 = vector.load %arg7[%get3A_71, %get3A_72] : memref<128x1xf32, #tpu.memory_space<vmem>>, vector<128x1xf32>
      %dot_general3A_74 = arith.constant dense<0.000000e+00> : vector<1x1xf32>
      %dot_general3A_75 = tpu.matmul %mul3A_70, %get3A_73, %dot_general3A_74 {dimension_numbers = #tpu.dot_dimension_numbers<[1], [0], [0], [1], [0, 0, 1, 1], [], []>, transpose_lhs_hint = false} : vector<1x128xf32>, vector<128x1xf32>, vector<1x1xf32> -> vector<1x1xf32>
      %get3A_76 = arith.constant 0 : index
      %get3A_77 = arith.constant 0 : index
      %get3A_78 = vector.load %arg8[%get3A_76, %get3A_77] : memref<1x1xf32, #tpu.memory_space<vmem>>, vector<1x1xf32>
      %add3A_79 = arith.addf %dot_general3A_75, %get3A_78 : vector<1x1xf32>
      %swap3A_80 = arith.constant 0 : index
      %swap3A_81 = arith.constant 0 : index
      %swap3A_82 = vector.load %arg9[%swap3A_80, %swap3A_81] : memref<1x1xf32, #tpu.memory_space<vmem>>, vector<1x1xf32>
      tpu.vector_store %arg9[%swap3A_80, %swap3A_81], %add3A_79 {strides = array<i32>} : memref<1x1xf32, #tpu.memory_space<vmem>>, vector<1x1xf32>,
    } else {
    }
    return
  }
  func.func @transform_0(%arg0: i32) -> (i32, i32) {
    %c0_i32 = arith.constant 0 : i32
    %c0_i32_0 = arith.constant 0 : i32
    return %arg0, %c0_i32 : i32, i32
  }
  func.func @transform_1(%arg0: i32) -> (i32, i32, i32) {
    %c0_i32 = arith.constant 0 : i32
    %c0_i32_0 = arith.constant 0 : i32
    %c0_i32_1 = arith.constant 0 : i32
    return %c0_i32, %arg0, %c0_i32_0 : i32, i32, i32
  }
  func.func @transform_2(%arg0: i32) -> (i32, i32, i32) {
    %c0_i32 = arith.constant 0 : i32
    %c0_i32_0 = arith.constant 0 : i32
    %c0_i32_1 = arith.constant 0 : i32
    return %c0_i32, %arg0, %c0_i32_0 : i32, i32, i32
  }
  func.func @transform_3(%arg0: i32) -> (i32, i32) {
    %c0_i32 = arith.constant 0 : i32
    %c0_i32_0 = arith.constant 0 : i32
    return %arg0, %c0_i32 : i32, i32
  }
  func.func @transform_4(%arg0: i32) -> (i32, i32) {
    %c0_i32 = arith.constant 0 : i32
    %c0_i32_0 = arith.constant 0 : i32
    %c0_i32_1 = arith.constant 0 : i32
    return %c0_i32, %c0_i32_0 : i32, i32
  }
  func.func @transform_5(%arg0: i32) -> (i32, i32) {
    %c0_i32 = arith.constant 0 : i32
    %c0_i32_0 = arith.constant 0 : i32
    %c0_i32_1 = arith.constant 0 : i32
    return %c0_i32, %c0_i32_0 : i32, i32
  }
  func.func @transform_6(%arg0: i32) -> (i32, i32) {
    %c0_i32 = arith.constant 0 : i32
    %c0_i32_0 = arith.constant 0 : i32
    %c0_i32_1 = arith.constant 0 : i32
    return %c0_i32, %c0_i32_0 : i32, i32
  }
  func.func @transform_7(%arg0: i32) -> (i32, i32) {
    %c0_i32 = arith.constant 0 : i32
    %c0_i32_0 = arith.constant 0 : i32
    %c0_i32_1 = arith.constant 0 : i32
    return %c0_i32, %c0_i32_0 : i32, i32
  }
  func.func @transform_8(%arg0: i32) -> (i32, i32) {
    %c0_i32 = arith.constant 0 : i32
    %c0_i32_0 = arith.constant 0 : i32
    %c0_i32_1 = arith.constant 0 : i32
    return %c0_i32, %c0_i32_0 : i32, i32
  }
}

</mosaic_0001>

<sc_bundles>
// kernel: kernel.16.cloned.1.call-start
scs
__scs_entry_jumppad:
0x0: {  	(pc) =	sbr.rel $0x88, $3  }
0x1: {  	(tag) =	ssettag $0x0;
	lr =	simm.s32 $0x1  }
0x2: {  	[smem:$0x3F97] =	sst lr;
	_ =	strace $0xD0000000  }
0x3: {  	_ = 	snop  }
0x4: {  	_ = 	snop  }
0x5: {  	_ = 	snop  }
0x6: {  	_ = 	snop  }
0x7: {  	_ = 	snop  }
__scs_overlays_trampoline_lowered:
0x8: {  	[smem:$0x3FA6] =	sst s0  }
0x9: {  	[smem:$0x3FA7] =	sst s1  }
0xa: {  	[smem:$0x3FA8] =	sst s2  }
0xb: {  	[smem:$0x3FA9] =	sst s3  }
0xc: {  	[smem:$0x3FAA] =	sst s4  }
0xd: {  	[smem:$0x3FAB] =	sst s5  }
0xe: {  	[smem:$0x3FAC] =	sst s6  }
0xf: {  	[smem:$0x3FAD] =	sst s7  }
0x10: {  	[smem:$0x3FAE] =	sst s8  }
0x11: {  	[smem:$0x3FAF] =	sst s9;
	s0 =	simm.s32 @!p0 $0x0  }
0x12: {  	s1 =	sld [smem:$0x3F95];
	s0 =	simm.s32 @p0 $0x1  }
0x13: {  	[smem:$0x3FB0] =	sst s0;
	s0 =	simm.s32 @!p1 $0x0  }
0x14: {  	s2 =	sld [smem:$0x3F94];
	s0 =	simm.s32 @p1 $0x1  }
0x15: {  	[smem:$0x3FB1] =	sst s0;
	s0 =	simm.s32 @!p2 $0x0  }
0x16: {  	s3 =	sld [smem:$0x3FDB];
	s0 =	simm.s32 @p2 $0x1  }
0x17: {  	s4 =	simm.s32 $0x1BF5;
	[smem:$0x3FB3] =	sst s0  }
0x18: {  	s0 =	sld [smem:$0x3F96];
	_ =	swait.ge [sflag:s4], $0x0  }
0x19: {  	s7 =	sld [smem:$0x3F97]  }
0x1a: {  	s8 =	sadd.s32 $0xFFFFE003, lr  }
0x1b: {  	s9 =	sadd.s32 $0xFFFFFEF7, lr;
	s5 =	simm.s32 $0xFFFFFFFF;
	p2 =	slt.u32 s8, $0xFFFFF086  }
0x1c: {  	p1 =	slt.u32 s9, $0xF7A;
	s5 =	simm.s32 @!p2 $0x0  }
0x1d: {  	s5 =	simm.s32 @p1 $0x1;
	p0 =	seq.s32 s7, s2  }
0x1e: {  	s7 =	smul.u32 @!p0 $0xF7A, s2;
	p2 =	seq.s32 @!p0 s5, $0x0  }
0x1f: {  	s9 =	smul.u32 $0xF7A, s1;
	s8 =	simm.s32 @!p0 $0x1BF5;
	p2 =	por !p2, p0  }
0x20: {  	[sflag:s8] =	ssyncset.s32 @!p0 $0xFFFFF086;
	s6 =	sadd.s32 @!p0 s3, s7;
	s7 =	simm.s32 @!p0 $0x108  }
0x21: {  	s3 =	sadd.s32 s3, s9;
	s6 =	sadd.s32 @!p0 $0x88, s6;
	s7 =	simm.s32 @p2 $0x1082  }
0x22: {  	[simem:s7], [sflag:s8] =	dma.local @!p0 [hbm:s6], $0xF7A  }
0x23: {  	s9 =	sor.u32 $0xD0000000, s2;
	s6 =	simm.s32 $0x108;
	_ =	swait.ge @!p0 [sflag:s8], $0x0  }
0x24: {  	s3 =	sadd.s32 $0x88, s3;
	s6 =	simm.s32 @!p1 $0x1082;
	[sflag:s4] =	ssyncset.s32 $0xFFFFF086  }
0x25: {  	[simem:s6], [sflag:s4] =	dma.local [hbm:s3], $0xF7A  }
0x26: {  	[smem:$0x3F97] =	sst s1;
	(tag) =	ssettag s2;
	_ =	strace s9  }
0x27: {  	s1 =	sld [smem:$0x3FA7]  }
0x28: {  	s2 =	sld [smem:$0x3FA8]  }
0x29: {  	s4 =	sld [smem:$0x3FAA]  }
0x2a: {  	p0 =	seq.s32 s5, $0x0;
	s5 =	sld [smem:$0x3FAB]  }
0x2b: {  	s6 =	sld [smem:$0x3FAC]  }
0x2c: {  	s7 =	sld [smem:$0x3FAD]  }
0x2d: {  	s3 =	simm.s32 $0x108;
	s8 =	sld [smem:$0x3FAE]  }
0x2e: {  	s3 =	simm.s32 @!p0 $0x1082;
	s9 =	sld [smem:$0x3FAF]  }
0x2f: {  	lr =	sadd.s32 s0, s3;
	s0 =	sld [smem:$0x3FA6]  }
0x30: {  	s3 =	sld [smem:$0x3FA9]  }
0x31: {  	[smem:$0x3FB2] =	sst s10  }
0x32: {  	s10 =	sld [smem:$0x3FB0];
	_ =	sdelay $0x3  }
0x33: {  	p0 =	seq.s32 s10, $0x1;
	s10 =	sld [smem:$0x3FB2];
	_ =	sdelay $0x3  }
0x34: {  	[smem:$0x3FB2] =	sst s10  }
0x35: {  	s10 =	sld [smem:$0x3FB1];
	_ =	sdelay $0x3  }
0x36: {  	p1 =	seq.s32 s10, $0x1;
	s10 =	sld [smem:$0x3FB2];
	_ =	sdelay $0x3  }
0x37: {  	[smem:$0x3FB2] =	sst s10  }
0x38: {  	s10 =	sld [smem:$0x3FB3]  }
0x39: {  	_ = 	snop;
	(pc) =	sbr.ind lr, $3  }
0x3a: {  	_ = 	snop  }
0x3b: {  	_ = 	snop  }
0x3c: {  	p2 =	seq.s32 s10, $0x1;
	s10 =	sld [smem:$0x3FB2]  }
0x3d: {  	_ =	shalt  }
0x3e: {  	_ =	shalt  }
0x3f: {  	_ =	shalt  }
0x40: {  	_ =	shalt  }
0x41: {  	_ =	shalt  }
0x42: {  	_ =	shalt  }
0x43: {  	_ =	shalt  }
0x44: {  	_ =	shalt  }
0x45: {  	_ =	shalt  }
0x46: {  	_ =	shalt  }
0x47: {  	_ =	shalt  }
0x48: {  	_ =	shalt  }
0x49: {  	_ =	shalt  }
0x4a: {  	_ =	shalt  }
0x4b: {  	_ =	shalt  }
0x4c: {  	_ =	shalt  }
0x4d: {  	_ =	shalt  }
0x4e: {  	_ =	shalt  }
0x4f: {  	_ =	shalt  }
0x50: {  	_ =	shalt  }
0x51: {  	_ =	shalt  }
0x52: {  	_ =	shalt  }
0x53: {  	_ =	shalt  }
0x54: {  	_ =	shalt  }
0x55: {  	_ =	shalt  }
0x56: {  	_ =	shalt  }
0x57: {  	_ =	shalt  }
0x58: {  	_ =	shalt  }
0x59: {  	_ =	shalt  }
0x5a: {  	_ =	shalt  }
0x5b: {  	_ =	shalt  }
0x5c: {  	_ =	shalt  }
0x5d: {  	_ =	shalt  }
0x5e: {  	_ =	shalt  }
0x5f: {  	_ =	shalt  }
0x60: {  	_ =	shalt  }
0x61: {  	_ =	shalt  }
0x62: {  	_ =	shalt  }
0x63: {  	_ =	shalt  }
0x64: {  	_ =	shalt  }
0x65: {  	_ =	shalt  }
0x66: {  	_ =	shalt  }
0x67: {  	_ =	shalt  }
0x68: {  	_ =	shalt  }
0x69: {  	_ =	shalt  }
0x6a: {  	_ =	shalt  }
0x6b: {  	_ =	shalt  }
0x6c: {  	_ =	shalt  }
0x6d: {  	_ =	shalt  }
0x6e: {  	_ =	shalt  }
0x6f: {  	_ =	shalt  }
0x70: {  	_ =	shalt  }
0x71: {  	_ =	shalt  }
0x72: {  	_ =	shalt  }
0x73: {  	_ =	shalt  }
0x74: {  	_ =	shalt  }
0x75: {  	_ =	shalt  }
0x76: {  	_ =	shalt  }
0x77: {  	_ =	shalt  }
0x78: {  	_ =	shalt  }
0x79: {  	_ =	shalt  }
0x7a: {  	_ =	shalt  }
0x7b: {  	_ =	shalt  }
0x7c: {  	_ =	shalt  }
0x7d: {  	_ =	shalt  }
0x7e: {  	_ =	shalt  }
0x7f: {  	_ =	shalt  }
0x80: {  	_ =	shalt  }
0x81: {  	_ =	shalt  }
0x82: {  	_ =	shalt  }
0x83: {  	_ =	shalt  }
0x84: {  	_ =	shalt  }
0x85: {  	_ =	shalt  }
0x86: {  	_ =	shalt  }
0x87: {  	_ =	shalt  }
.Lfunc_end0:
.L_simem_size_0:
called_computation_lowered:
.L_overlay_start_0:
0x88: {  	s2 =	sld [smem:$0x3FD9]  }
0x89: {  	s3 =	sld [smem:$0x3FFE];
	_ =	sdelay $0x1  }
0x8a: {  	s1 =	srdreg.scid  }
0x8b: {  	s0 =	sand.u32 $0x1, s1  }
0x8c: {  	s16 =	sshll.u32 s0, $0xA;
	s2 =	sadd.s32 s3, s2  }
0x8d: {  	s2 =	sadd.s32 s2, s16  }
0x8e: {  	[smem:$0x3FBE] =	sst s2  }
0x8f: {  	_ = 	snop  }
0x90: {  	(tm) =	ssettm $0x1  }
0x91: {  	s17 =	sld [smem:$0x3FFB];
	_ =	sdelay $0x3  }
0x92: {  	_ =	strace s17  }
0x93: {  	s2 =	sld [smem:$0x3FFC];
	_ =	sdelay $0x3  }
0x94: {  	_ =	strace s2  }
0x95: {  	s2 =	sld [smem:$0x3FFD];
	_ =	sdelay $0x3  }
0x96: {  	_ =	strace s2  }
0x97: {  	_ =	strace $0x8FFFFFFF  }
0x98: {  	s18 =	sld [smem:$0x3FDB];
	_ =	sdelay $0x1  }
0x99: {  	s19 =	simm.s32 $_scs_section_size  }
0x9a: {  	s4 =	simm.s32 $_size__tile_overlayer_lowered;
	s5 =	simm.s32 $_tile_overlayer_lowered  }
0x9b: {  	s22 =	simm.s32 $0x1BFF;
	s21 =	sshll.u32 s5, $0x1;
	s2 =	sadd.s32 s19, s18  }
0x9c: {  	s6 =	simm.s32 $0x0;
	s20 =	sshll.u32 s4, $0x1;
	s4 =	sadd.s32 s21, s2  }
0x9d: {  	[timem:s6], [sflag:s22] =	dma.local [hbm:s4], s20  }
0x9e: {  	_ =	swait.ge [sflag:s22], s20  }
0x9f: {  	s3 =	ssub.s32 $0x0, s20;
	[sflag:s22] =	ssyncset.done $0x0  }
0xa0: {  	[sflag:s22] =	ssyncadd.s32 s3;
	_ =	sdelay $0x1  }
0xa1: {  	s23 =	simm.s32 $0x1B8B  }
0xa2: {  	_ =	swait.ge [sflag:s23], $0x1  }
0xa3: {  	[sflag:s23] =	ssyncset.done $0x0  }
0xa4: {  	s25 =	simm.s32 $0x1B8E;
	s24 =	sld [smem:$0x3FFE];
	[sflag:s23] =	ssyncadd.s32 $0xFFFFFFFF  }
0xa5: {  	s26 =	simm.s32 $execute0_lowered;
	[smem:$0x3FD2] =	sst s25  }
0xa6: {  	s4 =	sshll.u32 s26, $0x1;
	_ =	strace $0x80000046;
	[dreg:$0x1] =	wrdreg $0xFFFFFFFF  }
0xa7: {  	s28 =	simm.s32 $_size_execute0_lowered;
	s2 =	sadd.s32 s2, s4;
	[dreg:$0x0] =	wrdreg $0x0  }
0xa8: {  	s4 =	sshll.u32 s28, $0x1;
	[dreg:$0x2] =	wrdreg s2  }
0xa9: {  	[dreg:$0x3] =	wrdreg s4  }
0xaa: {  	[dreg:$0x4] =	wrdreg $0xC0  }
0xab: {  	_ =	task [dreg:s6], $0x5FFFF  }
0xac: {  	[dreg:$0x1] =	wrdreg $0xFFFFFFFF  }
0xad: {  	[dreg:$0x0] =	wrdreg $0x60  }
0xae: {  	[dreg:$0x2] =	wrdreg s24  }
0xaf: {  	[dreg:$0x3] =	wrdreg $0x0  }
0xb0: {  	[dreg:$0x4] =	wrdreg $0x9  }
0xb1: {  	_ =	task.clear_ibuf [dreg:s6], $0x5FFFF;
	_ =	strace $0x90000046  }
0xb2: {  	s29 =	simm.s32 $0x9;
	_ =	strace $0x80000048  }
0xb3: {  	_ =	swait.ge [sflag:s29], $0x1  }
0xb4: {  	[sflag:s29] =	ssyncadd.s32 $0xFFFFFFFF  }
0xb5: {  	_ =	strace $0x90000048  }
0xb6: {  	_ =	sfence  }
0xb7: {  	s30 =	sld [smem:$0x0];
	_ =	sdelay $0x2  }
0xb8: {  	s31 =	sshll.u32 s1, $0xD;
	s1 =	sshrl.u32 s1, $0x2  }
0xb9: {  	s3 =	sand.u32 $0x4000, s31;
	s1 =	sadd.s32 s1, s30  }
0xba: {  	s0 =	sor.u32 s3, s0;
	s1 =	sshll.u32 s1, $0x11  }
0xbb: {  	s0 =	sor.u32 s1, s0  }
0xbc: {  	s0 =	sadd.s32 $0x8F2B, s0  }
0xbd: {  	[sflag:s0] =	ssyncadd.remote.s32 $0x1  }
0xbe: {  	_ =	sfence.sel $0xFFFF  }
0xbf: {  	[dreg:$0x0] =	wrdreg $0xFFFFFFFF;
	(pc) =	sbr.abs _section_cstart, $3  }
0xc0: {  	[dreg:$0x1] =	wrdreg $0xFFFFFFFF  }
0xc1: {  	_ =	task.clear_ibuf [dreg:s6], $0x2FFFF;
	_ =	strace $0x9FFFFFFF  }
0xc2: {  	(tm) =	ssettm $0x7FFFFFFF  }
0xc3: {  	_ =	shalt  }
tec
execute0_lowered:
.L_overlay_start_1:
0x0: {  	(tag) =	ssettag $0x1  }
0x1: {  	s7 =	rddreg [dreg:$0x0]  }
0x2: {  	s0 =	srdreg.scid;
	s2 =	rddreg [dreg:$0x1];
	s3 =	simm.s32 $0x0  }
0x3: {  	s15 =	simm.s32 $0x7D;
	s5 =	sand.u32 $0x1, s0;
	s0 =	stileid.u32  }
0x4: {  	s19 =	simm.s32 $0x0;
	[smem:$0x7FF] =	sst s3;
	s17 =	smul.u32 $0x2700, s0  }
0x5: {  	s14 =	sadd.s32 $0x138000, s2;
	s1 =	sshll.u32 s5, $0x4;
	s6 =	smul.u32 $0x27100, s5  }
0x6: {  	s9 =	smul.u32 $0x4E000, s0;
	s5 =	ssub.s32 $0x2, s5;
	s31 =	sshll.u32 s0, $0x6  }
0x7: {  	p0 =	sne.s32 s0, $0xF;
	s1 =	sor.u32 s0, s1;
	s30 =	sshrl.u32 s5, $0x1  }
0x8: {  	s4 =	smul.u32 $0x500, s1;
	s1 =	rddreg [dreg:$0x2];
	_ =	strace $0x80000047  }
0x9: {  	s10 =	sadd.s32 s17, s7;
	s11 =	sadd.s32 s6, s7;
	s9 =	sshrl.u32 s9, $0x2  }
0xa: {  	s12 =	ssub.s32 s5, s30;
	s6 =	sor.u32 $0x1C01, s31;
	s13 =	sadd.s32 s9, s2  }
0xb: {  	s5 =	sadd.s32 $0xF600, s10;
	s18 =	sadd.s32 $0x37000, s11;
	s9 =	smax.u32 s12, $0x1  }
0xc: {  	s11 =	simm.s32 $0x1;
	s12 =	sshrl.u32 @!p0 s14, $0x3;
	s14 =	simm.s32 $0x13880  }
0xd: {  	s8 =	sadd.s32 s4, s7;
	s4 =	sadd.s32 $0x36800, s7;
	s7 =	sadd.s32 $0x36600, s7  }
0xe: {  	s10 =	sshrl.u32 s13, $0x3;
	s13 =	simm.s32 $0x14C80;
	s8 =	sadd.s32 $0x5600, s8  }
0xf: {  	s17 =	sadd.s32 s17, s18;
	s18 =	sadd.s32 @!p0 $0x27000, s18;
	s16 =	sadd.s32 $0x280, s8  }
.LBB2_1:
0x10: {  	[spmem:s10], [sflag:s6] =	dma.local [hbm:s5], $0x2700  }
0x11: {  	_ =	swait.ge [sflag:s11], $0x2700  }
0x12: {  	[sflag:s11] =	ssyncset.done $0x0  }
0x13: {  	s20 =	simm.s32 @!p0 $0x1;
	[sflag:s11] =	ssyncadd.s32 $0xFFFFD900  }
0x14: {  	[spmem:s12], [sflag:s6] =	dma.local @!p0 [hbm:s7], $0x100  }
0x15: {  	_ =	swait.ge @!p0 [sflag:s20], $0x100  }
0x16: {  	[sflag:s20] =	ssyncset.done @!p0 $0x0  }
0x17: {  	[sflag:s20] =	ssyncadd.s32 @!p0 $0xFFFFFF00  }
0x18: {  	[bflag:$0x0] =	sbarrier.arrive $0xFFFF  }
0x19: {  	[tilespmem:s13], [sflag:$0x1] =	stream.linear.gather [hbm4b:s4+s3], $0x3E80, $0x38;
	[tilespmem:$0x18C80] =	vst v63  }
0x1a: {  	_ =	swait.ge [sflag:s11], $0x3E80  }
0x1b: {  	[sflag:s11] =	ssyncset.done $0x0  }
0x1c: {  	[sflag:s11] =	ssyncadd.s32 $0xFFFFC180  }
0x1d: {  	[tilespmem:s14], [sflag:$0x1] =	stream.linear.gather [hbm4b:s8+s3], $0x1400, $0x38;
	[tilespmem:$0x18C80] =	vst v63  }
0x1e: {  	_ =	swait.ge [sflag:s11], $0x1400  }
0x1f: {  	[sflag:s11] =	ssyncset.done $0x0  }
0x20: {  	s31 =	simm.s32 $0x13880;
	[sflag:s11] =	ssyncadd.s32 $0xFFFFEC00  }
0x21: {  	[spmem:s2] =	stream.indirect.scatter.add.f32 [tilespmem:s13], [sflag:$0x1], $0x80, s31, s15, $0xb8;
	[tilespmem:$0x18C80] =	vst v63  }
0x22: {  	s20 =	simm.s32 $0x200;
	_ =	swait.ge [sflag:s11], $0x3E80  }
.LBB2_2:
0x23: {  	s21 =	sshra.s32 s20, $0x2;
	[sflag:s11] =	ssyncset.done $0x0;
	p1 =	sne.s32 s20, $0x4E00  }
.Ltmp0:
0x24: {  	s21 =	sadd.s32 $0x13880, s21;
	[sflag:s11] =	ssyncadd.s32 $0xFFFFC180;
	(pc) =	sbr.rel @p1 .LBB2_2-.Ltmp0, $3  }
0x25: {  	[spmem:s2] =	stream.indirect.scatter.add.f32 [tilespmem:s13], [sflag:$0x1], $0x80, s21, s15, $0xb8;
	[tilespmem:$0x18C80] =	vst v63  }
0x26: {  	s20 =	sadd.s32 $0x200, s20;
	_ =	sdelay $0x1  }
0x27: {  	_ =	swait.ge [sflag:s11], $0x3E80  }
0x28: {  	[sflag:s11] =	ssyncset.done $0x0  }
0x29: {  	s20 =	simm.s32 $0x0;
	[sflag:s11] =	ssyncadd.s32 $0xFFFFC180  }
0x2a: {  	[tilespmem:s14], [sflag:$0x1] =	stream.linear.gather [hbm4b:s16+s20], $0x1400, $0x38;
	[tilespmem:$0x18C80] =	vst v63  }
0x2b: {  	_ =	swait.ge [sflag:s11], $0x1400  }
0x2c: {  	[sflag:s11] =	ssyncset.done $0x0  }
0x2d: {  	s31 =	simm.s32 $0x13880;
	[sflag:s11] =	ssyncadd.s32 $0xFFFFEC00  }
0x2e: {  	[spmem:s2] =	stream.indirect.scatter.add.f32 [tilespmem:s13], [sflag:$0x1], $0x80, s31, s15, $0xb8;
	[tilespmem:$0x18C80] =	vst v63  }
0x2f: {  	s20 =	simm.s32 $0x200;
	_ =	swait.ge [sflag:s11], $0x3E80  }
.LBB2_4:
0x30: {  	s21 =	sshra.s32 s20, $0x2;
	[sflag:s11] =	ssyncset.done $0x0;
	p1 =	sne.s32 s20, $0x4E00  }
.Ltmp1:
0x31: {  	s21 =	sadd.s32 $0x13880, s21;
	[sflag:s11] =	ssyncadd.s32 $0xFFFFC180;
	(pc) =	sbr.rel @p1 .LBB2_4-.Ltmp1, $3  }
0x32: {  	[spmem:s2] =	stream.indirect.scatter.add.f32 [tilespmem:s13], [sflag:$0x1], $0x80, s21, s15, $0xb8;
	[tilespmem:$0x18C80] =	vst v63  }
0x33: {  	s20 =	sadd.s32 $0x200, s20;
	_ =	sdelay $0x1  }
0x34: {  	_ =	swait.ge [sflag:s11], $0x3E80  }
0x35: {  	[sflag:s11] =	ssyncset.done $0x0  }
0x36: {  	[sflag:s11] =	ssyncadd.s32 $0xFFFFC180  }
0x37: {  	[bflag:$0x0] =	sbarrier.arrive $0xFFFF  }
0x38: {  	[hbm:s17], [sflag:s6] =	dma.local [spmem:s10], $0x2700  }
0x39: {  	s19 =	sadd.s32 $0x1, s19;
	_ =	swait.ge [sflag:s11], $0x2700  }
0x3a: {  	p1 =	sne.s32 s19, s9;
	[sflag:s11] =	ssyncset.done $0x0  }
.Ltmp2:
0x3b: {  	s20 =	simm.s32 @!p0 $0x1;
	[sflag:s11] =	ssyncadd.s32 $0xFFFFD900;
	(pc) =	sbr.rel @p1 .LBB2_1-.Ltmp2, $4  }
0x3c: {  	[hbm:s18], [sflag:s6] =	dma.local @!p0 [spmem:s12], $0x100  }
0x3d: {  	_ =	swait.ge @!p0 [sflag:s20], $0x100  }
0x3e: {  	[sflag:s20] =	ssyncset.done @!p0 $0x0  }
0x3f: {  	[sflag:s20] =	ssyncadd.s32 @!p0 $0xFFFFFF00  }
0x40: {  	_ =	sfence.sel $0x180000  }
0x41: {  	[bflag:$0x0] =	sbarrier.arrive $0xFFFF  }
0x42: {  	p0 =	sne.s32 s0, $0x0;
	_ =	strace $0x90000047  }
0x43: {  	s0 =	sadd.s32 @!p0 $0x100000, s1;
	[bflag:$0x2] =	sbarrier.arrive $0xFFFF  }
0x44: {  	[sflag:s0] =	ssyncadd.tile.s32 @!p0 $0x1;
	_ =	shalt  }
.Lfunc_end2:
_tile_overlayer_lowered:
.L_overlay_start_2:
0x45: {  	(tag) =	ssettag $0x2  }
0x46: {  	s0 =	rddreg [dreg:$0x0];
	s2 =	stileid.u32  }
0x47: {  	s1 =	rddreg [dreg:$0x1];
	p0 =	sne.s32 s2, $0x0  }
0x48: {  	s3 =	rddreg [dreg:$0x2];
	[bflag:$0x3] =	sbarrier.arrive $0xFFFF;
	s2 =	simm.s32 @!p0 $0x1C01  }
0x49: {  	[timem:s3], [sflag:s2] =	dma.local @!p0 [hbm:s0], s1  }
0x4a: {  	s0 =	simm.s32 @!p0 $0x1  }
0x4b: {  	_ =	swait.ge @!p0 [sflag:s0], s1  }
0x4c: {  	s1 =	ssub.s32 @!p0 $0x0, s1;
	[sflag:s0] =	ssyncset.done @!p0 $0x0  }
0x4d: {  	[sflag:s0] =	ssyncadd.s32 @!p0 s1  }
0x4e: {  	[bflag:$0x3] =	sbarrier.arrive $0xFFFF  }
0x4f: {  	_ =	shalt  }

// kernel: kernel.19.cloned.1.call-start
scs
__scs_entry_jumppad:
0x0: {  	(pc) =	sbr.rel $0x88, $3  }
0x1: {  	(tag) =	ssettag $0x0;
	lr =	simm.s32 $0x1  }
0x2: {  	[smem:$0x3F97] =	sst lr;
	_ =	strace $0xD0000000  }
0x3: {  	_ = 	snop  }
0x4: {  	_ = 	snop  }
0x5: {  	_ = 	snop  }
0x6: {  	_ = 	snop  }
0x7: {  	_ = 	snop  }
__scs_overlays_trampoline_lowered:
0x8: {  	[smem:$0x3FA6] =	sst s0  }
0x9: {  	[smem:$0x3FA7] =	sst s1  }
0xa: {  	[smem:$0x3FA8] =	sst s2  }
0xb: {  	[smem:$0x3FA9] =	sst s3  }
0xc: {  	[smem:$0x3FAA] =	sst s4  }
0xd: {  	[smem:$0x3FAB] =	sst s5  }
0xe: {  	[smem:$0x3FAC] =	sst s6  }
0xf: {  	[smem:$0x3FAD] =	sst s7  }
0x10: {  	[smem:$0x3FAE] =	sst s8  }
0x11: {  	[smem:$0x3FAF] =	sst s9;
	s0 =	simm.s32 @!p0 $0x0  }
0x12: {  	s1 =	sld [smem:$0x3F95];
	s0 =	simm.s32 @p0 $0x1  }
0x13: {  	[smem:$0x3FB0] =	sst s0;
	s0 =	simm.s32 @!p1 $0x0  }
0x14: {  	s2 =	sld [smem:$0x3F94];
	s0 =	simm.s32 @p1 $0x1  }
0x15: {  	[smem:$0x3FB1] =	sst s0;
	s0 =	simm.s32 @!p2 $0x0  }
0x16: {  	s3 =	sld [smem:$0x3FDB];
	s0 =	simm.s32 @p2 $0x1  }
0x17: {  	s4 =	simm.s32 $0x1BF5;
	[smem:$0x3FB3] =	sst s0  }
0x18: {  	s0 =	sld [smem:$0x3F96];
	_ =	swait.ge [sflag:s4], $0x0  }
0x19: {  	s7 =	sld [smem:$0x3F97]  }
0x1a: {  	s8 =	sadd.s32 $0xFFFFE003, lr  }
0x1b: {  	s9 =	sadd.s32 $0xFFFFFEF7, lr;
	s5 =	simm.s32 $0xFFFFFFFF;
	p2 =	slt.u32 s8, $0xFFFFF086  }
0x1c: {  	p1 =	slt.u32 s9, $0xF7A;
	s5 =	simm.s32 @!p2 $0x0  }
0x1d: {  	s5 =	simm.s32 @p1 $0x1;
	p0 =	seq.s32 s7, s2  }
0x1e: {  	s7 =	smul.u32 @!p0 $0xF7A, s2;
	p2 =	seq.s32 @!p0 s5, $0x0  }
0x1f: {  	s9 =	smul.u32 $0xF7A, s1;
	s8 =	simm.s32 @!p0 $0x1BF5;
	p2 =	por !p2, p0  }
0x20: {  	[sflag:s8] =	ssyncset.s32 @!p0 $0xFFFFF086;
	s6 =	sadd.s32 @!p0 s3, s7;
	s7 =	simm.s32 @!p0 $0x108  }
0x21: {  	s3 =	sadd.s32 s3, s9;
	s6 =	sadd.s32 @!p0 $0x88, s6;
	s7 =	simm.s32 @p2 $0x1082  }
0x22: {  	[simem:s7], [sflag:s8] =	dma.local @!p0 [hbm:s6], $0xF7A  }
0x23: {  	s9 =	sor.u32 $0xD0000000, s2;
	s6 =	simm.s32 $0x108;
	_ =	swait.ge @!p0 [sflag:s8], $0x0  }
0x24: {  	s3 =	sadd.s32 $0x88, s3;
	s6 =	simm.s32 @!p1 $0x1082;
	[sflag:s4] =	ssyncset.s32 $0xFFFFF086  }
0x25: {  	[simem:s6], [sflag:s4] =	dma.local [hbm:s3], $0xF7A  }
0x26: {  	[smem:$0x3F97] =	sst s1;
	(tag) =	ssettag s2;
	_ =	strace s9  }
0x27: {  	s1 =	sld [smem:$0x3FA7]  }
0x28: {  	s2 =	sld [smem:$0x3FA8]  }
0x29: {  	s4 =	sld [smem:$0x3FAA]  }
0x2a: {  	p0 =	seq.s32 s5, $0x0;
	s5 =	sld [smem:$0x3FAB]  }
0x2b: {  	s6 =	sld [smem:$0x3FAC]  }
0x2c: {  	s7 =	sld [smem:$0x3FAD]  }
0x2d: {  	s3 =	simm.s32 $0x108;
	s8 =	sld [smem:$0x3FAE]  }
0x2e: {  	s3 =	simm.s32 @!p0 $0x1082;
	s9 =	sld [smem:$0x3FAF]  }
0x2f: {  	lr =	sadd.s32 s0, s3;
	s0 =	sld [smem:$0x3FA6]  }
0x30: {  	s3 =	sld [smem:$0x3FA9]  }
0x31: {  	[smem:$0x3FB2] =	sst s10  }
0x32: {  	s10 =	sld [smem:$0x3FB0];
	_ =	sdelay $0x3  }
0x33: {  	p0 =	seq.s32 s10, $0x1;
	s10 =	sld [smem:$0x3FB2];
	_ =	sdelay $0x3  }
0x34: {  	[smem:$0x3FB2] =	sst s10  }
0x35: {  	s10 =	sld [smem:$0x3FB1];
	_ =	sdelay $0x3  }
0x36: {  	p1 =	seq.s32 s10, $0x1;
	s10 =	sld [smem:$0x3FB2];
	_ =	sdelay $0x3  }
0x37: {  	[smem:$0x3FB2] =	sst s10  }
0x38: {  	s10 =	sld [smem:$0x3FB3]  }
0x39: {  	_ = 	snop;
	(pc) =	sbr.ind lr, $3  }
0x3a: {  	_ = 	snop  }
0x3b: {  	_ = 	snop  }
0x3c: {  	p2 =	seq.s32 s10, $0x1;
	s10 =	sld [smem:$0x3FB2]  }
0x3d: {  	_ =	shalt  }
0x3e: {  	_ =	shalt  }
0x3f: {  	_ =	shalt  }
0x40: {  	_ =	shalt  }
0x41: {  	_ =	shalt  }
0x42: {  	_ =	shalt  }
0x43: {  	_ =	shalt  }
0x44: {  	_ =	shalt  }
0x45: {  	_ =	shalt  }
0x46: {  	_ =	shalt  }
0x47: {  	_ =	shalt  }
0x48: {  	_ =	shalt  }
0x49: {  	_ =	shalt  }
0x4a: {  	_ =	shalt  }
0x4b: {  	_ =	shalt  }
0x4c: {  	_ =	shalt  }
0x4d: {  	_ =	shalt  }
0x4e: {  	_ =	shalt  }
0x4f: {  	_ =	shalt  }
0x50: {  	_ =	shalt  }
0x51: {  	_ =	shalt  }
0x52: {  	_ =	shalt  }
0x53: {  	_ =	shalt  }
0x54: {  	_ =	shalt  }
0x55: {  	_ =	shalt  }
0x56: {  	_ =	shalt  }
0x57: {  	_ =	shalt  }
0x58: {  	_ =	shalt  }
0x59: {  	_ =	shalt  }
0x5a: {  	_ =	shalt  }
0x5b: {  	_ =	shalt  }
0x5c: {  	_ =	shalt  }
0x5d: {  	_ =	shalt  }
0x5e: {  	_ =	shalt  }
0x5f: {  	_ =	shalt  }
0x60: {  	_ =	shalt  }
0x61: {  	_ =	shalt  }
0x62: {  	_ =	shalt  }
0x63: {  	_ =	shalt  }
0x64: {  	_ =	shalt  }
0x65: {  	_ =	shalt  }
0x66: {  	_ =	shalt  }
0x67: {  	_ =	shalt  }
0x68: {  	_ =	shalt  }
0x69: {  	_ =	shalt  }
0x6a: {  	_ =	shalt  }
0x6b: {  	_ =	shalt  }
0x6c: {  	_ =	shalt  }
0x6d: {  	_ =	shalt  }
0x6e: {  	_ =	shalt  }
0x6f: {  	_ =	shalt  }
0x70: {  	_ =	shalt  }
0x71: {  	_ =	shalt  }
0x72: {  	_ =	shalt  }
0x73: {  	_ =	shalt  }
0x74: {  	_ =	shalt  }
0x75: {  	_ =	shalt  }
0x76: {  	_ =	shalt  }
0x77: {  	_ =	shalt  }
0x78: {  	_ =	shalt  }
0x79: {  	_ =	shalt  }
0x7a: {  	_ =	shalt  }
0x7b: {  	_ =	shalt  }
0x7c: {  	_ =	shalt  }
0x7d: {  	_ =	shalt  }
0x7e: {  	_ =	shalt  }
0x7f: {  	_ =	shalt  }
0x80: {  	_ =	shalt  }
0x81: {  	_ =	shalt  }
0x82: {  	_ =	shalt  }
0x83: {  	_ =	shalt  }
0x84: {  	_ =	shalt  }
0x85: {  	_ =	shalt  }
0x86: {  	_ =	shalt  }
0x87: {  	_ =	shalt  }
.Lfunc_end0:
.L_simem_size_0:
called_computation.1_lowered:
.L_overlay_start_0:
0x88: {  	s2 =	sld [smem:$0x3FD9]  }
0x89: {  	s3 =	sld [smem:$0x3FFE];
	_ =	sdelay $0x1  }
0x8a: {  	s1 =	srdreg.scid  }
0x8b: {  	s0 =	sand.u32 $0x1, s1  }
0x8c: {  	s16 =	sshll.u32 s0, $0xA;
	s2 =	sadd.s32 s3, s2  }
0x8d: {  	s2 =	sadd.s32 s2, s16  }
0x8e: {  	[smem:$0x3FBE] =	sst s2  }
0x8f: {  	_ = 	snop  }
0x90: {  	(tm) =	ssettm $0x1  }
0x91: {  	s17 =	sld [smem:$0x3FFB];
	_ =	sdelay $0x3  }
0x92: {  	_ =	strace s17  }
0x93: {  	s2 =	sld [smem:$0x3FFC];
	_ =	sdelay $0x3  }
0x94: {  	_ =	strace s2  }
0x95: {  	s2 =	sld [smem:$0x3FFD];
	_ =	sdelay $0x3  }
0x96: {  	_ =	strace s2  }
0x97: {  	_ =	strace $0x8FFFFFFF  }
0x98: {  	s18 =	sld [smem:$0x3FDB];
	_ =	sdelay $0x1  }
0x99: {  	s19 =	simm.s32 $_scs_section_size  }
0x9a: {  	s4 =	simm.s32 $_size__tile_overlayer_lowered;
	s5 =	simm.s32 $_tile_overlayer_lowered  }
0x9b: {  	s22 =	simm.s32 $0x1BFF;
	s21 =	sshll.u32 s5, $0x1;
	s2 =	sadd.s32 s19, s18  }
0x9c: {  	s6 =	simm.s32 $0x0;
	s20 =	sshll.u32 s4, $0x1;
	s4 =	sadd.s32 s21, s2  }
0x9d: {  	[timem:s6], [sflag:s22] =	dma.local [hbm:s4], s20  }
0x9e: {  	_ =	swait.ge [sflag:s22], s20  }
0x9f: {  	s3 =	ssub.s32 $0x0, s20;
	[sflag:s22] =	ssyncset.done $0x0  }
0xa0: {  	[sflag:s22] =	ssyncadd.s32 s3;
	_ =	sdelay $0x1  }
0xa1: {  	s23 =	simm.s32 $0x1B8B  }
0xa2: {  	_ =	swait.ge [sflag:s23], $0x1  }
0xa3: {  	[sflag:s23] =	ssyncset.done $0x0  }
0xa4: {  	s25 =	simm.s32 $0x1B8E;
	s24 =	sld [smem:$0x3FFE];
	[sflag:s23] =	ssyncadd.s32 $0xFFFFFFFF  }
0xa5: {  	s26 =	simm.s32 $execute0_lowered;
	[smem:$0x3FD2] =	sst s25  }
0xa6: {  	s4 =	sshll.u32 s26, $0x1;
	_ =	strace $0x80000049;
	[dreg:$0x1] =	wrdreg $0xFFFFFFFF  }
0xa7: {  	s28 =	simm.s32 $_size_execute0_lowered;
	s2 =	sadd.s32 s2, s4;
	[dreg:$0x0] =	wrdreg $0x0  }
0xa8: {  	s4 =	sshll.u32 s28, $0x1;
	[dreg:$0x2] =	wrdreg s2  }
0xa9: {  	[dreg:$0x3] =	wrdreg s4  }
0xaa: {  	[dreg:$0x4] =	wrdreg $0xC0  }
0xab: {  	_ =	task [dreg:s6], $0x5FFFF  }
0xac: {  	[dreg:$0x1] =	wrdreg $0xFFFFFFFF  }
0xad: {  	[dreg:$0x0] =	wrdreg $0x60  }
0xae: {  	[dreg:$0x2] =	wrdreg s24  }
0xaf: {  	[dreg:$0x3] =	wrdreg $0x0  }
0xb0: {  	[dreg:$0x4] =	wrdreg $0x9  }
0xb1: {  	_ =	task.clear_ibuf [dreg:s6], $0x5FFFF;
	_ =	strace $0x90000049  }
0xb2: {  	s29 =	simm.s32 $0x9;
	_ =	strace $0x8000004B  }
0xb3: {  	_ =	swait.ge [sflag:s29], $0x1  }
0xb4: {  	[sflag:s29] =	ssyncadd.s32 $0xFFFFFFFF  }
0xb5: {  	_ =	strace $0x9000004B  }
0xb6: {  	_ =	sfence  }
0xb7: {  	s30 =	sld [smem:$0x0];
	_ =	sdelay $0x2  }
0xb8: {  	s31 =	sshll.u32 s1, $0xD;
	s1 =	sshrl.u32 s1, $0x2  }
0xb9: {  	s3 =	sand.u32 $0x4000, s31;
	s1 =	sadd.s32 s1, s30  }
0xba: {  	s0 =	sor.u32 s3, s0;
	s1 =	sshll.u32 s1, $0x11  }
0xbb: {  	s0 =	sor.u32 s1, s0  }
0xbc: {  	s0 =	sadd.s32 $0x8F2B, s0  }
0xbd: {  	[sflag:s0] =	ssyncadd.remote.s32 $0x1  }
0xbe: {  	_ =	sfence.sel $0xFFFF  }
0xbf: {  	[dreg:$0x0] =	wrdreg $0xFFFFFFFF;
	(pc) =	sbr.abs _section_cstart, $3  }
0xc0: {  	[dreg:$0x1] =	wrdreg $0xFFFFFFFF  }
0xc1: {  	_ =	task.clear_ibuf [dreg:s6], $0x2FFFF;
	_ =	strace $0x9FFFFFFF  }
0xc2: {  	(tm) =	ssettm $0x7FFFFFFF  }
0xc3: {  	_ =	shalt  }
tec
execute0_lowered:
.L_overlay_start_1:
0x0: {  	(tag) =	ssettag $0x1  }
0x1: {  	s8 =	rddreg [dreg:$0x0]  }
0x2: {  	s0 =	srdreg.scid;
	s2 =	rddreg [dreg:$0x1]  }
0x3: {  	s3 =	simm.s32 $0x0;
	s16 =	simm.s32 $0x13880;
	s17 =	simm.s32 $0x14C80  }
0x4: {  	s18 =	simm.s32 $0x7D;
	s19 =	simm.s32 $0x16080;
	s20 =	simm.s32 $0x1  }
0x5: {  	s21 =	simm.s32 $0x1A080;
	s22 =	simm.s32 $0x2;
	s23 =	simm.s32 $0x14C00  }
0x6: {  	s24 =	simm.s32 $0x15F80;
	s25 =	simm.s32 $0x16000;
	s26 =	simm.s32 $0x0  }
0x7: {  	s6 =	sand.u32 $0x1, s0;
	s0 =	stileid.u32;
	[smem:$0x7FF] =	sst s3  }
0x8: {  	s15 =	sadd.s32 $0x138000, s2;
	s1 =	sshll.u32 s6, $0x4;
	s7 =	smul.u32 $0x27100, s6  }
0x9: {  	s6 =	ssub.s32 $0x2, s6;
	s9 =	smul.u32 $0x4E000, s0;
	s31 =	sshll.u32 s0, $0x6  }
0xa: {  	p0 =	sne.s32 s0, $0xF;
	s4 =	sor.u32 s0, s1;
	s1 =	rddreg [dreg:$0x2]  }
0xb: {  	_ =	strace $0x8000004A;
	s29 =	sshrl.u32 s6, $0x1;
	s5 =	smul.u32 $0x500, s4  }
0xc: {  	s15 =	sshrl.u32 @!p0 s15, $0x3;
	s4 =	smul.u32 $0x2700, s0;
	s12 =	sadd.s32 s7, s8  }
0xd: {  	s13 =	ssub.s32 s6, s29;
	s30 =	sshrl.u32 s9, $0x2;
	s7 =	sor.u32 $0x1C03, s31  }
0xe: {  	s14 =	sadd.s32 s30, s2;
	s10 =	sadd.s32 s5, s8;
	s11 =	sadd.s32 s4, s8  }
0xf: {  	s5 =	sadd.s32 $0x36800, s8;
	s8 =	sadd.s32 $0x36600, s8;
	s6 =	sadd.s32 $0xF600, s11  }
0x10: {  	s9 =	sadd.s32 $0x85200, s10;
	s10 =	sadd.s32 $0x5600, s10;
	s11 =	sadd.s32 $0x8F200, s12  }
0x11: {  	s12 =	smax.u32 s13, $0x1;
	s13 =	sshrl.u32 s14, $0x3;
	s14 =	simm.s32 $0x3  }
.LBB2_1:
0x12: {  	[spmem:s13], [sflag:s7] =	dma.local [hbm:s6], $0x2700  }
0x13: {  	_ =	swait.ge [sflag:s14], $0x2700  }
0x14: {  	[sflag:s14] =	ssyncset.done $0x0  }
0x15: {  	s28 =	simm.s32 @!p0 $0x3;
	[sflag:s14] =	ssyncadd.s32 $0xFFFFD900  }
0x16: {  	[spmem:s15], [sflag:s7] =	dma.local @!p0 [hbm:s8], $0x100  }
0x17: {  	_ =	swait.ge @!p0 [sflag:s28], $0x100  }
0x18: {  	[sflag:s28] =	ssyncset.done @!p0 $0x0  }
0x19: {  	[sflag:s28] =	ssyncadd.s32 @!p0 $0xFFFFFF00  }
0x1a: {  	[bflag:$0x0] =	sbarrier.arrive $0xFFFF  }
0x1b: {  	[tilespmem:s16], [sflag:$0x3] =	stream.linear.gather [hbm4b:s9+s3], $0x1400, $0x38;
	[tilespmem:$0x1E080] =	vst v63  }
0x1c: {  	_ =	swait.ge [sflag:s14], $0x1400  }
0x1d: {  	[sflag:s14] =	ssyncset.done $0x0  }
0x1e: {  	[sflag:s14] =	ssyncadd.s32 $0xFFFFEC00  }
0x1f: {  	[tilespmem:s17], [sflag:$0x3] =	stream.linear.gather [hbm4b:s10+s3], $0x1400, $0x38;
	[tilespmem:$0x1E080] =	vst v63  }
0x20: {  	_ =	swait.ge [sflag:s14], $0x1400  }
0x21: {  	[sflag:s14] =	ssyncset.done $0x0  }
0x22: {  	[sflag:s14] =	ssyncadd.s32 $0xFFFFEC00  }
0x23: {  	[tilespmem:s19], [sflag:$0x1] =	stream.indirect.gather [hbm4b:s5+s18], $0x80, s16, s18, $0xb8;
	[tilespmem:$0x1E080] =	vst v63  }
0x24: {  	_ =	swait.ge [sflag:s20], $0x3E80  }
0x25: {  	[sflag:s20] =	ssyncset.done $0x0  }
0x26: {  	s28 =	simm.s32 $0x13900;
	[sflag:s20] =	ssyncadd.s32 $0xFFFFC180  }
0x27: {  	[tilespmem:s21], [sflag:$0x2] =	stream.indirect.gather [hbm4b:s5+s18], $0x80, s28, s18, $0xb8;
	[tilespmem:$0x1E080] =	vst v63  }
0x28: {  	s28 =	simm.s32 $0x14C80  }
0x29: {  	[spmem:s2] =	stream.indirect.scatter.add.f32 [tilespmem:s19], [sflag:$0x3], $0x80, s28, s18, $0xb8;
	[tilespmem:$0x1E080] =	vst v63  }
0x2a: {  	_ =	swait.ge [sflag:s14], $0x3E80  }
0x2b: {  	[sflag:s14] =	ssyncset.done $0x0  }
0x2c: {  	[sflag:s14] =	ssyncadd.s32 $0xFFFFC180  }
0x2d: {  	_ =	swait.ge [sflag:s22], $0x3E80  }
0x2e: {  	[sflag:s22] =	ssyncset.done $0x0  }
0x2f: {  	s28 =	simm.s32 $0x13980;
	[sflag:s22] =	ssyncadd.s32 $0xFFFFC180  }
0x30: {  	[tilespmem:s19], [sflag:$0x1] =	stream.indirect.gather [hbm4b:s5+s18], $0x80, s28, s18, $0xb8;
	[tilespmem:$0x1E080] =	vst v63  }
0x31: {  	s28 =	simm.s32 $0x14D00  }
0x32: {  	[spmem:s2] =	stream.indirect.scatter.add.f32 [tilespmem:s21], [sflag:$0x3], $0x80, s28, s18, $0xb8;
	[tilespmem:$0x1E080] =	vst v63  }
0x33: {  	_ =	swait.ge [sflag:s14], $0x3E80  }
0x34: {  	s28 =	simm.s32 $0x400;
	[sflag:s14] =	ssyncset.done $0x0  }
.LBB2_2:
0x35: {  	p1 =	sne.s32 s28, $0x4800  }
0x36: {  	[sflag:s14] =	ssyncadd.s32 $0xFFFFC180;
	s29 =	smov.u32 s28;
	s28 =	sadd.s32 $0x400, s28  }
0x37: {  	_ = 	snop  }
0x38: {  	_ =	swait.ge [sflag:s20], $0x3E80  }
0x39: {  	s29 =	sshra.s32 s29, $0x2;
	[sflag:s20] =	ssyncset.done $0x0  }
0x3a: {  	s30 =	sadd.s32 $0x13900, s29;
	[sflag:s20] =	ssyncadd.s32 $0xFFFFC180  }
0x3b: {  	[tilespmem:s21], [sflag:$0x2] =	stream.indirect.gather [hbm4b:s5+s18], $0x80, s30, s18, $0xb8;
	[tilespmem:$0x1E080] =	vst v63  }
0x3c: {  	s30 =	sadd.s32 $0x14C80, s29  }
0x3d: {  	[spmem:s2] =	stream.indirect.scatter.add.f32 [tilespmem:s19], [sflag:$0x3], $0x80, s30, s18, $0xb8;
	[tilespmem:$0x1E080] =	vst v63  }
0x3e: {  	_ =	swait.ge [sflag:s14], $0x3E80  }
0x3f: {  	[sflag:s14] =	ssyncset.done $0x0  }
0x40: {  	[sflag:s14] =	ssyncadd.s32 $0xFFFFC180  }
0x41: {  	_ =	swait.ge [sflag:s22], $0x3E80  }
0x42: {  	[sflag:s22] =	ssyncset.done $0x0  }
0x43: {  	s30 =	sadd.s32 $0x13980, s29;
	[sflag:s22] =	ssyncadd.s32 $0xFFFFC180  }
0x44: {  	[tilespmem:s19], [sflag:$0x1] =	stream.indirect.gather [hbm4b:s5+s18], $0x80, s30, s18, $0xb8;
	[tilespmem:$0x1E080] =	vst v63  }
.Ltmp0:
0x45: {  	_ = 	snop;
	(pc) =	sbr.rel @p1 .LBB2_2-.Ltmp0, $4  }
0x46: {  	s29 =	sadd.s32 $0x14D00, s29  }
0x47: {  	[spmem:s2] =	stream.indirect.scatter.add.f32 [tilespmem:s21], [sflag:$0x3], $0x80, s29, s18, $0xb8;
	[tilespmem:$0x1E080] =	vst v63  }
0x48: {  	_ =	swait.ge [sflag:s14], $0x3E80  }
0x49: {  	[sflag:s14] =	ssyncset.done $0x0  }
0x4a: {  	[sflag:s14] =	ssyncadd.s32 $0xFFFFC180  }
0x4b: {  	_ =	swait.ge [sflag:s20], $0x3E80  }
0x4c: {  	[sflag:s20] =	ssyncset.done $0x0  }
0x4d: {  	[sflag:s20] =	ssyncadd.s32 $0xFFFFC180  }
0x4e: {  	[tilespmem:s21], [sflag:$0x2] =	stream.indirect.gather [hbm4b:s5+s18], $0x80, s23, s18, $0xb8;
	[tilespmem:$0x1E080] =	vst v63  }
0x4f: {  	_ = 	snop  }
0x50: {  	[spmem:s2] =	stream.indirect.scatter.add.f32 [tilespmem:s19], [sflag:$0x3], $0x80, s24, s18, $0xb8;
	[tilespmem:$0x1E080] =	vst v63  }
0x51: {  	_ =	swait.ge [sflag:s14], $0x3E80  }
0x52: {  	[sflag:s14] =	ssyncset.done $0x0  }
0x53: {  	[sflag:s14] =	ssyncadd.s32 $0xFFFFC180  }
0x54: {  	_ =	swait.ge [sflag:s22], $0x3E80  }
0x55: {  	[sflag:s22] =	ssyncset.done $0x0  }
0x56: {  	[sflag:s22] =	ssyncadd.s32 $0xFFFFC180  }
0x57: {  	[spmem:s2] =	stream.indirect.scatter.add.f32 [tilespmem:s21], [sflag:$0x3], $0x80, s25, s18, $0xb8;
	[tilespmem:$0x1E080] =	vst v63  }
0x58: {  	_ =	swait.ge [sflag:s14], $0x3E80  }
0x59: {  	[sflag:s14] =	ssyncset.done $0x0  }
0x5a: {  	s28 =	sadd.s32 $0x280, s9;
	s29 =	simm.s32 $0x0;
	[sflag:s14] =	ssyncadd.s32 $0xFFFFC180  }
0x5b: {  	[tilespmem:s16], [sflag:$0x3] =	stream.linear.gather [hbm4b:s28+s29], $0x1400, $0x38;
	[tilespmem:$0x1E080] =	vst v63  }
0x5c: {  	_ =	swait.ge [sflag:s14], $0x1400  }
0x5d: {  	[sflag:s14] =	ssyncset.done $0x0  }
0x5e: {  	s28 =	sadd.s32 $0x280, s10;
	[sflag:s14] =	ssyncadd.s32 $0xFFFFEC00  }
0x5f: {  	[tilespmem:s17], [sflag:$0x3] =	stream.linear.gather [hbm4b:s28+s29], $0x1400, $0x38;
	[tilespmem:$0x1E080] =	vst v63  }
0x60: {  	_ =	swait.ge [sflag:s14], $0x1400  }
0x61: {  	[sflag:s14] =	ssyncset.done $0x0  }
0x62: {  	[sflag:s14] =	ssyncadd.s32 $0xFFFFEC00  }
0x63: {  	[tilespmem:s19], [sflag:$0x1] =	stream.indirect.gather [hbm4b:s5+s18], $0x80, s16, s18, $0xb8;
	[tilespmem:$0x1E080] =	vst v63  }
0x64: {  	_ =	swait.ge [sflag:s20], $0x3E80  }
0x65: {  	[sflag:s20] =	ssyncset.done $0x0  }
0x66: {  	s28 =	simm.s32 $0x13900;
	[sflag:s20] =	ssyncadd.s32 $0xFFFFC180  }
0x67: {  	[tilespmem:s21], [sflag:$0x2] =	stream.indirect.gather [hbm4b:s5+s18], $0x80, s28, s18, $0xb8;
	[tilespmem:$0x1E080] =	vst v63  }
0x68: {  	s28 =	simm.s32 $0x14C80  }
0x69: {  	[spmem:s2] =	stream.indirect.scatter.add.f32 [tilespmem:s19], [sflag:$0x3], $0x80, s28, s18, $0xb8;
	[tilespmem:$0x1E080] =	vst v63  }
0x6a: {  	_ =	swait.ge [sflag:s14], $0x3E80  }
0x6b: {  	[sflag:s14] =	ssyncset.done $0x0  }
0x6c: {  	[sflag:s14] =	ssyncadd.s32 $0xFFFFC180  }
0x6d: {  	_ =	swait.ge [sflag:s22], $0x3E80  }
0x6e: {  	[sflag:s22] =	ssyncset.done $0x0  }
0x6f: {  	s28 =	simm.s32 $0x13980;
	[sflag:s22] =	ssyncadd.s32 $0xFFFFC180  }
0x70: {  	[tilespmem:s19], [sflag:$0x1] =	stream.indirect.gather [hbm4b:s5+s18], $0x80, s28, s18, $0xb8;
	[tilespmem:$0x1E080] =	vst v63  }
0x71: {  	s28 =	simm.s32 $0x14D00  }
0x72: {  	[spmem:s2] =	stream.indirect.scatter.add.f32 [tilespmem:s21], [sflag:$0x3], $0x80, s28, s18, $0xb8;
	[tilespmem:$0x1E080] =	vst v63  }
0x73: {  	_ =	swait.ge [sflag:s14], $0x3E80  }
0x74: {  	s28 =	simm.s32 $0x400;
	[sflag:s14] =	ssyncset.done $0x0  }
.LBB2_4:
0x75: {  	p1 =	sne.s32 s28, $0x4800  }
0x76: {  	[sflag:s14] =	ssyncadd.s32 $0xFFFFC180;
	s29 =	smov.u32 s28;
	s28 =	sadd.s32 $0x400, s28  }
0x77: {  	_ = 	snop  }
0x78: {  	_ =	swait.ge [sflag:s20], $0x3E80  }
0x79: {  	s29 =	sshra.s32 s29, $0x2;
	[sflag:s20] =	ssyncset.done $0x0  }
0x7a: {  	s30 =	sadd.s32 $0x13900, s29;
	[sflag:s20] =	ssyncadd.s32 $0xFFFFC180  }
0x7b: {  	[tilespmem:s21], [sflag:$0x2] =	stream.indirect.gather [hbm4b:s5+s18], $0x80, s30, s18, $0xb8;
	[tilespmem:$0x1E080] =	vst v63  }
0x7c: {  	s30 =	sadd.s32 $0x14C80, s29  }
0x7d: {  	[spmem:s2] =	stream.indirect.scatter.add.f32 [tilespmem:s19], [sflag:$0x3], $0x80, s30, s18, $0xb8;
	[tilespmem:$0x1E080] =	vst v63  }
0x7e: {  	_ =	swait.ge [sflag:s14], $0x3E80  }
0x7f: {  	[sflag:s14] =	ssyncset.done $0x0  }
0x80: {  	[sflag:s14] =	ssyncadd.s32 $0xFFFFC180  }
0x81: {  	_ =	swait.ge [sflag:s22], $0x3E80  }
0x82: {  	[sflag:s22] =	ssyncset.done $0x0  }
0x83: {  	s30 =	sadd.s32 $0x13980, s29;
	[sflag:s22] =	ssyncadd.s32 $0xFFFFC180  }
0x84: {  	[tilespmem:s19], [sflag:$0x1] =	stream.indirect.gather [hbm4b:s5+s18], $0x80, s30, s18, $0xb8;
	[tilespmem:$0x1E080] =	vst v63  }
.Ltmp1:
0x85: {  	_ = 	snop;
	(pc) =	sbr.rel @p1 .LBB2_4-.Ltmp1, $4  }
0x86: {  	s29 =	sadd.s32 $0x14D00, s29  }
0x87: {  	[spmem:s2] =	stream.indirect.scatter.add.f32 [tilespmem:s21], [sflag:$0x3], $0x80, s29, s18, $0xb8;
	[tilespmem:$0x1E080] =	vst v63  }
0x88: {  	_ =	swait.ge [sflag:s14], $0x3E80  }
0x89: {  	[sflag:s14] =	ssyncset.done $0x0  }
0x8a: {  	[sflag:s14] =	ssyncadd.s32 $0xFFFFC180  }
0x8b: {  	_ =	swait.ge [sflag:s20], $0x3E80  }
0x8c: {  	[sflag:s20] =	ssyncset.done $0x0  }
0x8d: {  	[sflag:s20] =	ssyncadd.s32 $0xFFFFC180  }
0x8e: {  	[tilespmem:s21], [sflag:$0x2] =	stream.indirect.gather [hbm4b:s5+s18], $0x80, s23, s18, $0xb8;
	[tilespmem:$0x1E080] =	vst v63  }
0x8f: {  	_ = 	snop  }
0x90: {  	[spmem:s2] =	stream.indirect.scatter.add.f32 [tilespmem:s19], [sflag:$0x3], $0x80, s24, s18, $0xb8;
	[tilespmem:$0x1E080] =	vst v63  }
0x91: {  	_ =	swait.ge [sflag:s14], $0x3E80  }
0x92: {  	[sflag:s14] =	ssyncset.done $0x0  }
0x93: {  	[sflag:s14] =	ssyncadd.s32 $0xFFFFC180  }
0x94: {  	_ =	swait.ge [sflag:s22], $0x3E80  }
0x95: {  	[sflag:s22] =	ssyncset.done $0x0  }
0x96: {  	[sflag:s22] =	ssyncadd.s32 $0xFFFFC180  }
0x97: {  	[spmem:s2] =	stream.indirect.scatter.add.f32 [tilespmem:s21], [sflag:$0x3], $0x80, s25, s18, $0xb8;
	[tilespmem:$0x1E080] =	vst v63  }
0x98: {  	_ =	swait.ge [sflag:s14], $0x3E80  }
0x99: {  	[sflag:s14] =	ssyncset.done $0x0  }
0x9a: {  	[sflag:s14] =	ssyncadd.s32 $0xFFFFC180  }
0x9b: {  	s28 =	sadd.s32 s4, s11;
	[bflag:$0x0] =	sbarrier.arrive $0xFFFF  }
0x9c: {  	[hbm:s28], [sflag:s7] =	dma.local [spmem:s13], $0x2700  }
0x9d: {  	_ =	swait.ge [sflag:s14], $0x2700  }
0x9e: {  	s26 =	sadd.s32 $0x1, s26;
	[sflag:s14] =	ssyncset.done $0x0  }
0x9f: {  	p1 =	sne.s32 s26, s12;
	s28 =	sadd.s32 @!p0 $0x27000, s11;
	[sflag:s14] =	ssyncadd.s32 $0xFFFFD900  }
0xa0: {  	[hbm:s28], [sflag:s7] =	dma.local @!p0 [spmem:s15], $0x100  }
.Ltmp2:
0xa1: {  	_ = 	snop;
	(pc) =	sbr.rel @p1 .LBB2_1-.Ltmp2, $4  }
0xa2: {  	s28 =	simm.s32 @!p0 $0x3  }
0xa3: {  	_ =	swait.ge @!p0 [sflag:s28], $0x100  }
0xa4: {  	[sflag:s28] =	ssyncset.done @!p0 $0x0  }
0xa5: {  	[sflag:s28] =	ssyncadd.s32 @!p0 $0xFFFFFF00  }
0xa6: {  	_ =	sfence.sel $0x180000  }
0xa7: {  	[bflag:$0x0] =	sbarrier.arrive $0xFFFF  }
0xa8: {  	p0 =	sne.s32 s0, $0x0;
	_ =	strace $0x9000004A  }
0xa9: {  	s0 =	sadd.s32 @!p0 $0x100000, s1;
	[bflag:$0x2] =	sbarrier.arrive $0xFFFF  }
0xaa: {  	[sflag:s0] =	ssyncadd.tile.s32 @!p0 $0x1;
	_ =	shalt  }
.Lfunc_end2:
_tile_overlayer_lowered:
.L_overlay_start_2:
0xab: {  	(tag) =	ssettag $0x2  }
0xac: {  	s0 =	rddreg [dreg:$0x0];
	s2 =	stileid.u32  }
0xad: {  	s1 =	rddreg [dreg:$0x1];
	p0 =	sne.s32 s2, $0x0  }
0xae: {  	s3 =	rddreg [dreg:$0x2];
	[bflag:$0x3] =	sbarrier.arrive $0xFFFF;
	s2 =	simm.s32 @!p0 $0x1C03  }
0xaf: {  	[timem:s3], [sflag:s2] =	dma.local @!p0 [hbm:s0], s1  }
0xb0: {  	s0 =	simm.s32 @!p0 $0x3  }
0xb1: {  	_ =	swait.ge @!p0 [sflag:s0], s1  }
0xb2: {  	s1 =	ssub.s32 @!p0 $0x0, s1;
	[sflag:s0] =	ssyncset.done @!p0 $0x0  }
0xb3: {  	[sflag:s0] =	ssyncadd.s32 @!p0 s1  }
0xb4: {  	[bflag:$0x3] =	sbarrier.arrive $0xFFFF  }
0xb5: {  	_ =	shalt  }

// kernel: kernel.22.cloned.1.call-start
scs
__scs_entry_jumppad:
0x0: {  	(pc) =	sbr.rel $0x88, $3  }
0x1: {  	(tag) =	ssettag $0x0;
	lr =	simm.s32 $0x1  }
0x2: {  	[smem:$0x3F97] =	sst lr;
	_ =	strace $0xD0000000  }
0x3: {  	_ = 	snop  }
0x4: {  	_ = 	snop  }
0x5: {  	_ = 	snop  }
0x6: {  	_ = 	snop  }
0x7: {  	_ = 	snop  }
__scs_overlays_trampoline_lowered:
0x8: {  	[smem:$0x3FA6] =	sst s0  }
0x9: {  	[smem:$0x3FA7] =	sst s1  }
0xa: {  	[smem:$0x3FA8] =	sst s2  }
0xb: {  	[smem:$0x3FA9] =	sst s3  }
0xc: {  	[smem:$0x3FAA] =	sst s4  }
0xd: {  	[smem:$0x3FAB] =	sst s5  }
0xe: {  	[smem:$0x3FAC] =	sst s6  }
0xf: {  	[smem:$0x3FAD] =	sst s7  }
0x10: {  	[smem:$0x3FAE] =	sst s8  }
0x11: {  	[smem:$0x3FAF] =	sst s9;
	s0 =	simm.s32 @!p0 $0x0  }
0x12: {  	s1 =	sld [smem:$0x3F95];
	s0 =	simm.s32 @p0 $0x1  }
0x13: {  	[smem:$0x3FB0] =	sst s0;
	s0 =	simm.s32 @!p1 $0x0  }
0x14: {  	s2 =	sld [smem:$0x3F94];
	s0 =	simm.s32 @p1 $0x1  }
0x15: {  	[smem:$0x3FB1] =	sst s0;
	s0 =	simm.s32 @!p2 $0x0  }
0x16: {  	s3 =	sld [smem:$0x3FDB];
	s0 =	simm.s32 @p2 $0x1  }
0x17: {  	s4 =	simm.s32 $0x1BF5;
	[smem:$0x3FB3] =	sst s0  }
0x18: {  	s0 =	sld [smem:$0x3F96];
	_ =	swait.ge [sflag:s4], $0x0  }
0x19: {  	s7 =	sld [smem:$0x3F97]  }
0x1a: {  	s8 =	sadd.s32 $0xFFFFE003, lr  }
0x1b: {  	s9 =	sadd.s32 $0xFFFFFEF7, lr;
	s5 =	simm.s32 $0xFFFFFFFF;
	p2 =	slt.u32 s8, $0xFFFFF086  }
0x1c: {  	p1 =	slt.u32 s9, $0xF7A;
	s5 =	simm.s32 @!p2 $0x0  }
0x1d: {  	s5 =	simm.s32 @p1 $0x1;
	p0 =	seq.s32 s7, s2  }
0x1e: {  	s7 =	smul.u32 @!p0 $0xF7A, s2;
	p2 =	seq.s32 @!p0 s5, $0x0  }
0x1f: {  	s9 =	smul.u32 $0xF7A, s1;
	s8 =	simm.s32 @!p0 $0x1BF5;
	p2 =	por !p2, p0  }
0x20: {  	[sflag:s8] =	ssyncset.s32 @!p0 $0xFFFFF086;
	s6 =	sadd.s32 @!p0 s3, s7;
	s7 =	simm.s32 @!p0 $0x108  }
0x21: {  	s3 =	sadd.s32 s3, s9;
	s6 =	sadd.s32 @!p0 $0x88, s6;
	s7 =	simm.s32 @p2 $0x1082  }
0x22: {  	[simem:s7], [sflag:s8] =	dma.local @!p0 [hbm:s6], $0xF7A  }
0x23: {  	s9 =	sor.u32 $0xD0000000, s2;
	s6 =	simm.s32 $0x108;
	_ =	swait.ge @!p0 [sflag:s8], $0x0  }
0x24: {  	s3 =	sadd.s32 $0x88, s3;
	s6 =	simm.s32 @!p1 $0x1082;
	[sflag:s4] =	ssyncset.s32 $0xFFFFF086  }
0x25: {  	[simem:s6], [sflag:s4] =	dma.local [hbm:s3], $0xF7A  }
0x26: {  	[smem:$0x3F97] =	sst s1;
	(tag) =	ssettag s2;
	_ =	strace s9  }
0x27: {  	s1 =	sld [smem:$0x3FA7]  }
0x28: {  	s2 =	sld [smem:$0x3FA8]  }
0x29: {  	s4 =	sld [smem:$0x3FAA]  }
0x2a: {  	p0 =	seq.s32 s5, $0x0;
	s5 =	sld [smem:$0x3FAB]  }
0x2b: {  	s6 =	sld [smem:$0x3FAC]  }
0x2c: {  	s7 =	sld [smem:$0x3FAD]  }
0x2d: {  	s3 =	simm.s32 $0x108;
	s8 =	sld [smem:$0x3FAE]  }
0x2e: {  	s3 =	simm.s32 @!p0 $0x1082;
	s9 =	sld [smem:$0x3FAF]  }
0x2f: {  	lr =	sadd.s32 s0, s3;
	s0 =	sld [smem:$0x3FA6]  }
0x30: {  	s3 =	sld [smem:$0x3FA9]  }
0x31: {  	[smem:$0x3FB2] =	sst s10  }
0x32: {  	s10 =	sld [smem:$0x3FB0];
	_ =	sdelay $0x3  }
0x33: {  	p0 =	seq.s32 s10, $0x1;
	s10 =	sld [smem:$0x3FB2];
	_ =	sdelay $0x3  }
0x34: {  	[smem:$0x3FB2] =	sst s10  }
0x35: {  	s10 =	sld [smem:$0x3FB1];
	_ =	sdelay $0x3  }
0x36: {  	p1 =	seq.s32 s10, $0x1;
	s10 =	sld [smem:$0x3FB2];
	_ =	sdelay $0x3  }
0x37: {  	[smem:$0x3FB2] =	sst s10  }
0x38: {  	s10 =	sld [smem:$0x3FB3]  }
0x39: {  	_ = 	snop;
	(pc) =	sbr.ind lr, $3  }
0x3a: {  	_ = 	snop  }
0x3b: {  	_ = 	snop  }
0x3c: {  	p2 =	seq.s32 s10, $0x1;
	s10 =	sld [smem:$0x3FB2]  }
0x3d: {  	_ =	shalt  }
0x3e: {  	_ =	shalt  }
0x3f: {  	_ =	shalt  }
0x40: {  	_ =	shalt  }
0x41: {  	_ =	shalt  }
0x42: {  	_ =	shalt  }
0x43: {  	_ =	shalt  }
0x44: {  	_ =	shalt  }
0x45: {  	_ =	shalt  }
0x46: {  	_ =	shalt  }
0x47: {  	_ =	shalt  }
0x48: {  	_ =	shalt  }
0x49: {  	_ =	shalt  }
0x4a: {  	_ =	shalt  }
0x4b: {  	_ =	shalt  }
0x4c: {  	_ =	shalt  }
0x4d: {  	_ =	shalt  }
0x4e: {  	_ =	shalt  }
0x4f: {  	_ =	shalt  }
0x50: {  	_ =	shalt  }
0x51: {  	_ =	shalt  }
0x52: {  	_ =	shalt  }
0x53: {  	_ =	shalt  }
0x54: {  	_ =	shalt  }
0x55: {  	_ =	shalt  }
0x56: {  	_ =	shalt  }
0x57: {  	_ =	shalt  }
0x58: {  	_ =	shalt  }
0x59: {  	_ =	shalt  }
0x5a: {  	_ =	shalt  }
0x5b: {  	_ =	shalt  }
0x5c: {  	_ =	shalt  }
0x5d: {  	_ =	shalt  }
0x5e: {  	_ =	shalt  }
0x5f: {  	_ =	shalt  }
0x60: {  	_ =	shalt  }
0x61: {  	_ =	shalt  }
0x62: {  	_ =	shalt  }
0x63: {  	_ =	shalt  }
0x64: {  	_ =	shalt  }
0x65: {  	_ =	shalt  }
0x66: {  	_ =	shalt  }
0x67: {  	_ =	shalt  }
0x68: {  	_ =	shalt  }
0x69: {  	_ =	shalt  }
0x6a: {  	_ =	shalt  }
0x6b: {  	_ =	shalt  }
0x6c: {  	_ =	shalt  }
0x6d: {  	_ =	shalt  }
0x6e: {  	_ =	shalt  }
0x6f: {  	_ =	shalt  }
0x70: {  	_ =	shalt  }
0x71: {  	_ =	shalt  }
0x72: {  	_ =	shalt  }
0x73: {  	_ =	shalt  }
0x74: {  	_ =	shalt  }
0x75: {  	_ =	shalt  }
0x76: {  	_ =	shalt  }
0x77: {  	_ =	shalt  }
0x78: {  	_ =	shalt  }
0x79: {  	_ =	shalt  }
0x7a: {  	_ =	shalt  }
0x7b: {  	_ =	shalt  }
0x7c: {  	_ =	shalt  }
0x7d: {  	_ =	shalt  }
0x7e: {  	_ =	shalt  }
0x7f: {  	_ =	shalt  }
0x80: {  	_ =	shalt  }
0x81: {  	_ =	shalt  }
0x82: {  	_ =	shalt  }
0x83: {  	_ =	shalt  }
0x84: {  	_ =	shalt  }
0x85: {  	_ =	shalt  }
0x86: {  	_ =	shalt  }
0x87: {  	_ =	shalt  }
.Lfunc_end0:
.L_simem_size_0:
called_computation.2_lowered:
.L_overlay_start_0:
0x88: {  	s2 =	sld [smem:$0x3FD9]  }
0x89: {  	s3 =	sld [smem:$0x3FFE];
	_ =	sdelay $0x1  }
0x8a: {  	s1 =	srdreg.scid  }
0x8b: {  	s0 =	sand.u32 $0x1, s1  }
0x8c: {  	s16 =	sshll.u32 s0, $0xA;
	s2 =	sadd.s32 s3, s2  }
0x8d: {  	s2 =	sadd.s32 s2, s16  }
0x8e: {  	[smem:$0x3FBE] =	sst s2  }
0x8f: {  	_ = 	snop  }
0x90: {  	(tm) =	ssettm $0x1  }
0x91: {  	s17 =	sld [smem:$0x3FFB];
	_ =	sdelay $0x3  }
0x92: {  	_ =	strace s17  }
0x93: {  	s2 =	sld [smem:$0x3FFC];
	_ =	sdelay $0x3  }
0x94: {  	_ =	strace s2  }
0x95: {  	s2 =	sld [smem:$0x3FFD];
	_ =	sdelay $0x3  }
0x96: {  	_ =	strace s2  }
0x97: {  	_ =	strace $0x8FFFFFFF  }
0x98: {  	s18 =	sld [smem:$0x3FDB];
	_ =	sdelay $0x1  }
0x99: {  	s19 =	simm.s32 $_scs_section_size  }
0x9a: {  	s4 =	simm.s32 $_size__tile_overlayer_lowered;
	s5 =	simm.s32 $_tile_overlayer_lowered  }
0x9b: {  	s22 =	simm.s32 $0x1BFF;
	s21 =	sshll.u32 s5, $0x1;
	s2 =	sadd.s32 s19, s18  }
0x9c: {  	s6 =	simm.s32 $0x0;
	s20 =	sshll.u32 s4, $0x1;
	s4 =	sadd.s32 s21, s2  }
0x9d: {  	[timem:s6], [sflag:s22] =	dma.local [hbm:s4], s20  }
0x9e: {  	_ =	swait.ge [sflag:s22], s20  }
0x9f: {  	s3 =	ssub.s32 $0x0, s20;
	[sflag:s22] =	ssyncset.done $0x0  }
0xa0: {  	[sflag:s22] =	ssyncadd.s32 s3;
	_ =	sdelay $0x1  }
0xa1: {  	s23 =	simm.s32 $0x1B8B  }
0xa2: {  	_ =	swait.ge [sflag:s23], $0x1  }
0xa3: {  	[sflag:s23] =	ssyncset.done $0x0  }
0xa4: {  	s25 =	simm.s32 $0x1B8E;
	s24 =	sld [smem:$0x3FFE];
	[sflag:s23] =	ssyncadd.s32 $0xFFFFFFFF  }
0xa5: {  	s26 =	simm.s32 $execute0_lowered;
	[smem:$0x3FD2] =	sst s25  }
0xa6: {  	s4 =	sshll.u32 s26, $0x1;
	_ =	strace $0x8000004C;
	[dreg:$0x1] =	wrdreg $0xFFFFFFFF  }
0xa7: {  	s28 =	simm.s32 $_size_execute0_lowered;
	s2 =	sadd.s32 s2, s4;
	[dreg:$0x0] =	wrdreg $0x0  }
0xa8: {  	s4 =	sshll.u32 s28, $0x1;
	[dreg:$0x2] =	wrdreg s2  }
0xa9: {  	[dreg:$0x3] =	wrdreg s4  }
0xaa: {  	[dreg:$0x4] =	wrdreg $0xC0  }
0xab: {  	_ =	task [dreg:s6], $0x5FFFF  }
0xac: {  	[dreg:$0x1] =	wrdreg $0xFFFFFFFF  }
0xad: {  	[dreg:$0x0] =	wrdreg $0x60  }
0xae: {  	[dreg:$0x2] =	wrdreg s24  }
0xaf: {  	[dreg:$0x3] =	wrdreg $0x0  }
0xb0: {  	[dreg:$0x4] =	wrdreg $0x9  }
0xb1: {  	_ =	task.clear_ibuf [dreg:s6], $0x5FFFF;
	_ =	strace $0x9000004C  }
0xb2: {  	s29 =	simm.s32 $0x9;
	_ =	strace $0x8000004E  }
0xb3: {  	_ =	swait.ge [sflag:s29], $0x1  }
0xb4: {  	[sflag:s29] =	ssyncadd.s32 $0xFFFFFFFF  }
0xb5: {  	_ =	strace $0x9000004E  }
0xb6: {  	_ =	sfence  }
0xb7: {  	s30 =	sld [smem:$0x0];
	_ =	sdelay $0x2  }
0xb8: {  	s31 =	sshll.u32 s1, $0xD;
	s1 =	sshrl.u32 s1, $0x2  }
0xb9: {  	s3 =	sand.u32 $0x4000, s31;
	s1 =	sadd.s32 s1, s30  }
0xba: {  	s0 =	sor.u32 s3, s0;
	s1 =	sshll.u32 s1, $0x11  }
0xbb: {  	s0 =	sor.u32 s1, s0  }
0xbc: {  	s0 =	sadd.s32 $0x8F2B, s0  }
0xbd: {  	[sflag:s0] =	ssyncadd.remote.s32 $0x1  }
0xbe: {  	_ =	sfence.sel $0xFFFF  }
0xbf: {  	[dreg:$0x0] =	wrdreg $0xFFFFFFFF;
	(pc) =	sbr.abs _section_cstart, $3  }
0xc0: {  	[dreg:$0x1] =	wrdreg $0xFFFFFFFF  }
0xc1: {  	_ =	task.clear_ibuf [dreg:s6], $0x2FFFF;
	_ =	strace $0x9FFFFFFF  }
0xc2: {  	(tm) =	ssettm $0x7FFFFFFF  }
0xc3: {  	_ =	shalt  }
tec
execute0_lowered:
.L_overlay_start_1:
0x0: {  	(tag) =	ssettag $0x1  }
0x1: {  	s8 =	rddreg [dreg:$0x0]  }
0x2: {  	s0 =	srdreg.scid;
	s2 =	rddreg [dreg:$0x1]  }
0x3: {  	s3 =	simm.s32 $0x0;
	s16 =	simm.s32 $0x13880;
	s17 =	simm.s32 $0x14C80  }
0x4: {  	s18 =	simm.s32 $0x7D;
	s19 =	simm.s32 $0x16080;
	s20 =	simm.s32 $0x1  }
0x5: {  	s21 =	simm.s32 $0x1A080;
	s22 =	simm.s32 $0x2;
	s23 =	simm.s32 $0x14C00  }
0x6: {  	s24 =	simm.s32 $0x15F80;
	s25 =	simm.s32 $0x16000;
	s26 =	simm.s32 $0x0  }
0x7: {  	s6 =	sand.u32 $0x1, s0;
	s0 =	stileid.u32;
	[smem:$0x7FF] =	sst s3  }
0x8: {  	s15 =	sadd.s32 $0x138000, s2;
	s1 =	sshll.u32 s6, $0x4;
	s7 =	smul.u32 $0x27100, s6  }
0x9: {  	s6 =	ssub.s32 $0x2, s6;
	s9 =	smul.u32 $0x4E000, s0;
	s31 =	sshll.u32 s0, $0x6  }
0xa: {  	p0 =	sne.s32 s0, $0xF;
	s4 =	sor.u32 s0, s1;
	s1 =	rddreg [dreg:$0x2]  }
0xb: {  	_ =	strace $0x8000004D;
	s29 =	sshrl.u32 s6, $0x1;
	s5 =	smul.u32 $0x500, s4  }
0xc: {  	s15 =	sshrl.u32 @!p0 s15, $0x3;
	s4 =	smul.u32 $0x2700, s0;
	s12 =	sadd.s32 s7, s8  }
0xd: {  	s13 =	ssub.s32 s6, s29;
	s30 =	sshrl.u32 s9, $0x2;
	s7 =	sor.u32 $0x1C03, s31  }
0xe: {  	s14 =	sadd.s32 s30, s2;
	s10 =	sadd.s32 s5, s8;
	s11 =	sadd.s32 s4, s8  }
0xf: {  	s5 =	sadd.s32 $0x36800, s8;
	s8 =	sadd.s32 $0x36600, s8;
	s6 =	sadd.s32 $0xF600, s11  }
0x10: {  	s9 =	sadd.s32 $0x85200, s10;
	s10 =	sadd.s32 $0x5600, s10;
	s11 =	sadd.s32 $0xDD400, s12  }
0x11: {  	s12 =	smax.u32 s13, $0x1;
	s13 =	sshrl.u32 s14, $0x3;
	s14 =	simm.s32 $0x3  }
.LBB2_1:
0x12: {  	[spmem:s13], [sflag:s7] =	dma.local [hbm:s6], $0x2700  }
0x13: {  	_ =	swait.ge [sflag:s14], $0x2700  }
0x14: {  	[sflag:s14] =	ssyncset.done $0x0  }
0x15: {  	s28 =	simm.s32 @!p0 $0x3;
	[sflag:s14] =	ssyncadd.s32 $0xFFFFD900  }
0x16: {  	[spmem:s15], [sflag:s7] =	dma.local @!p0 [hbm:s8], $0x100  }
0x17: {  	_ =	swait.ge @!p0 [sflag:s28], $0x100  }
0x18: {  	[sflag:s28] =	ssyncset.done @!p0 $0x0  }
0x19: {  	[sflag:s28] =	ssyncadd.s32 @!p0 $0xFFFFFF00  }
0x1a: {  	[bflag:$0x0] =	sbarrier.arrive $0xFFFF  }
0x1b: {  	[tilespmem:s16], [sflag:$0x3] =	stream.linear.gather [hbm4b:s9+s3], $0x1400, $0x38;
	[tilespmem:$0x1E080] =	vst v63  }
0x1c: {  	_ =	swait.ge [sflag:s14], $0x1400  }
0x1d: {  	[sflag:s14] =	ssyncset.done $0x0  }
0x1e: {  	[sflag:s14] =	ssyncadd.s32 $0xFFFFEC00  }
0x1f: {  	[tilespmem:s17], [sflag:$0x3] =	stream.linear.gather [hbm4b:s10+s3], $0x1400, $0x38;
	[tilespmem:$0x1E080] =	vst v63  }
0x20: {  	_ =	swait.ge [sflag:s14], $0x1400  }
0x21: {  	[sflag:s14] =	ssyncset.done $0x0  }
0x22: {  	[sflag:s14] =	ssyncadd.s32 $0xFFFFEC00  }
0x23: {  	[tilespmem:s19], [sflag:$0x1] =	stream.indirect.gather [hbm4b:s5+s18], $0x80, s16, s18, $0xb8;
	[tilespmem:$0x1E080] =	vst v63  }
0x24: {  	_ =	swait.ge [sflag:s20], $0x3E80  }
0x25: {  	[sflag:s20] =	ssyncset.done $0x0  }
0x26: {  	s28 =	simm.s32 $0x13900;
	[sflag:s20] =	ssyncadd.s32 $0xFFFFC180  }
0x27: {  	[tilespmem:s21], [sflag:$0x2] =	stream.indirect.gather [hbm4b:s5+s18], $0x80, s28, s18, $0xb8;
	[tilespmem:$0x1E080] =	vst v63  }
0x28: {  	s28 =	simm.s32 $0x14C80  }
0x29: {  	[spmem:s2] =	stream.indirect.scatter.add.f32 [tilespmem:s19], [sflag:$0x3], $0x80, s28, s18, $0xb8;
	[tilespmem:$0x1E080] =	vst v63  }
0x2a: {  	_ =	swait.ge [sflag:s14], $0x3E80  }
0x2b: {  	[sflag:s14] =	ssyncset.done $0x0  }
0x2c: {  	[sflag:s14] =	ssyncadd.s32 $0xFFFFC180  }
0x2d: {  	_ =	swait.ge [sflag:s22], $0x3E80  }
0x2e: {  	[sflag:s22] =	ssyncset.done $0x0  }
0x2f: {  	s28 =	simm.s32 $0x13980;
	[sflag:s22] =	ssyncadd.s32 $0xFFFFC180  }
0x30: {  	[tilespmem:s19], [sflag:$0x1] =	stream.indirect.gather [hbm4b:s5+s18], $0x80, s28, s18, $0xb8;
	[tilespmem:$0x1E080] =	vst v63  }
0x31: {  	s28 =	simm.s32 $0x14D00  }
0x32: {  	[spmem:s2] =	stream.indirect.scatter.add.f32 [tilespmem:s21], [sflag:$0x3], $0x80, s28, s18, $0xb8;
	[tilespmem:$0x1E080] =	vst v63  }
0x33: {  	_ =	swait.ge [sflag:s14], $0x3E80  }
0x34: {  	s28 =	simm.s32 $0x400;
	[sflag:s14] =	ssyncset.done $0x0  }
.LBB2_2:
0x35: {  	p1 =	sne.s32 s28, $0x4800  }
0x36: {  	[sflag:s14] =	ssyncadd.s32 $0xFFFFC180;
	s29 =	smov.u32 s28;
	s28 =	sadd.s32 $0x400, s28  }
0x37: {  	_ = 	snop  }
0x38: {  	_ =	swait.ge [sflag:s20], $0x3E80  }
0x39: {  	s29 =	sshra.s32 s29, $0x2;
	[sflag:s20] =	ssyncset.done $0x0  }
0x3a: {  	s30 =	sadd.s32 $0x13900, s29;
	[sflag:s20] =	ssyncadd.s32 $0xFFFFC180  }
0x3b: {  	[tilespmem:s21], [sflag:$0x2] =	stream.indirect.gather [hbm4b:s5+s18], $0x80, s30, s18, $0xb8;
	[tilespmem:$0x1E080] =	vst v63  }
0x3c: {  	s30 =	sadd.s32 $0x14C80, s29  }
0x3d: {  	[spmem:s2] =	stream.indirect.scatter.add.f32 [tilespmem:s19], [sflag:$0x3], $0x80, s30, s18, $0xb8;
	[tilespmem:$0x1E080] =	vst v63  }
0x3e: {  	_ =	swait.ge [sflag:s14], $0x3E80  }
0x3f: {  	[sflag:s14] =	ssyncset.done $0x0  }
0x40: {  	[sflag:s14] =	ssyncadd.s32 $0xFFFFC180  }
0x41: {  	_ =	swait.ge [sflag:s22], $0x3E80  }
0x42: {  	[sflag:s22] =	ssyncset.done $0x0  }
0x43: {  	s30 =	sadd.s32 $0x13980, s29;
	[sflag:s22] =	ssyncadd.s32 $0xFFFFC180  }
0x44: {  	[tilespmem:s19], [sflag:$0x1] =	stream.indirect.gather [hbm4b:s5+s18], $0x80, s30, s18, $0xb8;
	[tilespmem:$0x1E080] =	vst v63  }
.Ltmp0:
0x45: {  	_ = 	snop;
	(pc) =	sbr.rel @p1 .LBB2_2-.Ltmp0, $4  }
0x46: {  	s29 =	sadd.s32 $0x14D00, s29  }
0x47: {  	[spmem:s2] =	stream.indirect.scatter.add.f32 [tilespmem:s21], [sflag:$0x3], $0x80, s29, s18, $0xb8;
	[tilespmem:$0x1E080] =	vst v63  }
0x48: {  	_ =	swait.ge [sflag:s14], $0x3E80  }
0x49: {  	[sflag:s14] =	ssyncset.done $0x0  }
0x4a: {  	[sflag:s14] =	ssyncadd.s32 $0xFFFFC180  }
0x4b: {  	_ =	swait.ge [sflag:s20], $0x3E80  }
0x4c: {  	[sflag:s20] =	ssyncset.done $0x0  }
0x4d: {  	[sflag:s20] =	ssyncadd.s32 $0xFFFFC180  }
0x4e: {  	[tilespmem:s21], [sflag:$0x2] =	stream.indirect.gather [hbm4b:s5+s18], $0x80, s23, s18, $0xb8;
	[tilespmem:$0x1E080] =	vst v63  }
0x4f: {  	_ = 	snop  }
0x50: {  	[spmem:s2] =	stream.indirect.scatter.add.f32 [tilespmem:s19], [sflag:$0x3], $0x80, s24, s18, $0xb8;
	[tilespmem:$0x1E080] =	vst v63  }
0x51: {  	_ =	swait.ge [sflag:s14], $0x3E80  }
0x52: {  	[sflag:s14] =	ssyncset.done $0x0  }
0x53: {  	[sflag:s14] =	ssyncadd.s32 $0xFFFFC180  }
0x54: {  	_ =	swait.ge [sflag:s22], $0x3E80  }
0x55: {  	[sflag:s22] =	ssyncset.done $0x0  }
0x56: {  	[sflag:s22] =	ssyncadd.s32 $0xFFFFC180  }
0x57: {  	[spmem:s2] =	stream.indirect.scatter.add.f32 [tilespmem:s21], [sflag:$0x3], $0x80, s25, s18, $0xb8;
	[tilespmem:$0x1E080] =	vst v63  }
0x58: {  	_ =	swait.ge [sflag:s14], $0x3E80  }
0x59: {  	[sflag:s14] =	ssyncset.done $0x0  }
0x5a: {  	s28 =	sadd.s32 $0x280, s9;
	s29 =	simm.s32 $0x0;
	[sflag:s14] =	ssyncadd.s32 $0xFFFFC180  }
0x5b: {  	[tilespmem:s16], [sflag:$0x3] =	stream.linear.gather [hbm4b:s28+s29], $0x1400, $0x38;
	[tilespmem:$0x1E080] =	vst v63  }
0x5c: {  	_ =	swait.ge [sflag:s14], $0x1400  }
0x5d: {  	[sflag:s14] =	ssyncset.done $0x0  }
0x5e: {  	s28 =	sadd.s32 $0x280, s10;
	[sflag:s14] =	ssyncadd.s32 $0xFFFFEC00  }
0x5f: {  	[tilespmem:s17], [sflag:$0x3] =	stream.linear.gather [hbm4b:s28+s29], $0x1400, $0x38;
	[tilespmem:$0x1E080] =	vst v63  }
0x60: {  	_ =	swait.ge [sflag:s14], $0x1400  }
0x61: {  	[sflag:s14] =	ssyncset.done $0x0  }
0x62: {  	[sflag:s14] =	ssyncadd.s32 $0xFFFFEC00  }
0x63: {  	[tilespmem:s19], [sflag:$0x1] =	stream.indirect.gather [hbm4b:s5+s18], $0x80, s16, s18, $0xb8;
	[tilespmem:$0x1E080] =	vst v63  }
0x64: {  	_ =	swait.ge [sflag:s20], $0x3E80  }
0x65: {  	[sflag:s20] =	ssyncset.done $0x0  }
0x66: {  	s28 =	simm.s32 $0x13900;
	[sflag:s20] =	ssyncadd.s32 $0xFFFFC180  }
0x67: {  	[tilespmem:s21], [sflag:$0x2] =	stream.indirect.gather [hbm4b:s5+s18], $0x80, s28, s18, $0xb8;
	[tilespmem:$0x1E080] =	vst v63  }
0x68: {  	s28 =	simm.s32 $0x14C80  }
0x69: {  	[spmem:s2] =	stream.indirect.scatter.add.f32 [tilespmem:s19], [sflag:$0x3], $0x80, s28, s18, $0xb8;
	[tilespmem:$0x1E080] =	vst v63  }
0x6a: {  	_ =	swait.ge [sflag:s14], $0x3E80  }
0x6b: {  	[sflag:s14] =	ssyncset.done $0x0  }
0x6c: {  	[sflag:s14] =	ssyncadd.s32 $0xFFFFC180  }
0x6d: {  	_ =	swait.ge [sflag:s22], $0x3E80  }
0x6e: {  	[sflag:s22] =	ssyncset.done $0x0  }
0x6f: {  	s28 =	simm.s32 $0x13980;
	[sflag:s22] =	ssyncadd.s32 $0xFFFFC180  }
0x70: {  	[tilespmem:s19], [sflag:$0x1] =	stream.indirect.gather [hbm4b:s5+s18], $0x80, s28, s18, $0xb8;
	[tilespmem:$0x1E080] =	vst v63  }
0x71: {  	s28 =	simm.s32 $0x14D00  }
0x72: {  	[spmem:s2] =	stream.indirect.scatter.add.f32 [tilespmem:s21], [sflag:$0x3], $0x80, s28, s18, $0xb8;
	[tilespmem:$0x1E080] =	vst v63  }
0x73: {  	_ =	swait.ge [sflag:s14], $0x3E80  }
0x74: {  	s28 =	simm.s32 $0x400;
	[sflag:s14] =	ssyncset.done $0x0  }
.LBB2_4:
0x75: {  	p1 =	sne.s32 s28, $0x4800  }
0x76: {  	[sflag:s14] =	ssyncadd.s32 $0xFFFFC180;
	s29 =	smov.u32 s28;
	s28 =	sadd.s32 $0x400, s28  }
0x77: {  	_ = 	snop  }
0x78: {  	_ =	swait.ge [sflag:s20], $0x3E80  }
0x79: {  	s29 =	sshra.s32 s29, $0x2;
	[sflag:s20] =	ssyncset.done $0x0  }
0x7a: {  	s30 =	sadd.s32 $0x13900, s29;
	[sflag:s20] =	ssyncadd.s32 $0xFFFFC180  }
0x7b: {  	[tilespmem:s21], [sflag:$0x2] =	stream.indirect.gather [hbm4b:s5+s18], $0x80, s30, s18, $0xb8;
	[tilespmem:$0x1E080] =	vst v63  }
0x7c: {  	s30 =	sadd.s32 $0x14C80, s29  }
0x7d: {  	[spmem:s2] =	stream.indirect.scatter.add.f32 [tilespmem:s19], [sflag:$0x3], $0x80, s30, s18, $0xb8;
	[tilespmem:$0x1E080] =	vst v63  }
0x7e: {  	_ =	swait.ge [sflag:s14], $0x3E80  }
0x7f: {  	[sflag:s14] =	ssyncset.done $0x0  }
0x80: {  	[sflag:s14] =	ssyncadd.s32 $0xFFFFC180  }
0x81: {  	_ =	swait.ge [sflag:s22], $0x3E80  }
0x82: {  	[sflag:s22] =	ssyncset.done $0x0  }
0x83: {  	s30 =	sadd.s32 $0x13980, s29;
	[sflag:s22] =	ssyncadd.s32 $0xFFFFC180  }
0x84: {  	[tilespmem:s19], [sflag:$0x1] =	stream.indirect.gather [hbm4b:s5+s18], $0x80, s30, s18, $0xb8;
	[tilespmem:$0x1E080] =	vst v63  }
.Ltmp1:
0x85: {  	_ = 	snop;
	(pc) =	sbr.rel @p1 .LBB2_4-.Ltmp1, $4  }
0x86: {  	s29 =	sadd.s32 $0x14D00, s29  }
0x87: {  	[spmem:s2] =	stream.indirect.scatter.add.f32 [tilespmem:s21], [sflag:$0x3], $0x80, s29, s18, $0xb8;
	[tilespmem:$0x1E080] =	vst v63  }
0x88: {  	_ =	swait.ge [sflag:s14], $0x3E80  }
0x89: {  	[sflag:s14] =	ssyncset.done $0x0  }
0x8a: {  	[sflag:s14] =	ssyncadd.s32 $0xFFFFC180  }
0x8b: {  	_ =	swait.ge [sflag:s20], $0x3E80  }
0x8c: {  	[sflag:s20] =	ssyncset.done $0x0  }
0x8d: {  	[sflag:s20] =	ssyncadd.s32 $0xFFFFC180  }
0x8e: {  	[tilespmem:s21], [sflag:$0x2] =	stream.indirect.gather [hbm4b:s5+s18], $0x80, s23, s18, $0xb8;
	[tilespmem:$0x1E080] =	vst v63  }
0x8f: {  	_ = 	snop  }
0x90: {  	[spmem:s2] =	stream.indirect.scatter.add.f32 [tilespmem:s19], [sflag:$0x3], $0x80, s24, s18, $0xb8;
	[tilespmem:$0x1E080] =	vst v63  }
0x91: {  	_ =	swait.ge [sflag:s14], $0x3E80  }
0x92: {  	[sflag:s14] =	ssyncset.done $0x0  }
0x93: {  	[sflag:s14] =	ssyncadd.s32 $0xFFFFC180  }
0x94: {  	_ =	swait.ge [sflag:s22], $0x3E80  }
0x95: {  	[sflag:s22] =	ssyncset.done $0x0  }
0x96: {  	[sflag:s22] =	ssyncadd.s32 $0xFFFFC180  }
0x97: {  	[spmem:s2] =	stream.indirect.scatter.add.f32 [tilespmem:s21], [sflag:$0x3], $0x80, s25, s18, $0xb8;
	[tilespmem:$0x1E080] =	vst v63  }
0x98: {  	_ =	swait.ge [sflag:s14], $0x3E80  }
0x99: {  	[sflag:s14] =	ssyncset.done $0x0  }
0x9a: {  	[sflag:s14] =	ssyncadd.s32 $0xFFFFC180  }
0x9b: {  	s28 =	sadd.s32 s4, s11;
	[bflag:$0x0] =	sbarrier.arrive $0xFFFF  }
0x9c: {  	[hbm:s28], [sflag:s7] =	dma.local [spmem:s13], $0x2700  }
0x9d: {  	_ =	swait.ge [sflag:s14], $0x2700  }
0x9e: {  	s26 =	sadd.s32 $0x1, s26;
	[sflag:s14] =	ssyncset.done $0x0  }
0x9f: {  	p1 =	sne.s32 s26, s12;
	s28 =	sadd.s32 @!p0 $0x27000, s11;
	[sflag:s14] =	ssyncadd.s32 $0xFFFFD900  }
0xa0: {  	[hbm:s28], [sflag:s7] =	dma.local @!p0 [spmem:s15], $0x100  }
.Ltmp2:
0xa1: {  	_ = 	snop;
	(pc) =	sbr.rel @p1 .LBB2_1-.Ltmp2, $4  }
0xa2: {  	s28 =	simm.s32 @!p0 $0x3  }
0xa3: {  	_ =	swait.ge @!p0 [sflag:s28], $0x100  }
0xa4: {  	[sflag:s28] =	ssyncset.done @!p0 $0x0  }
0xa5: {  	[sflag:s28] =	ssyncadd.s32 @!p0 $0xFFFFFF00  }
0xa6: {  	_ =	sfence.sel $0x180000  }
0xa7: {  	[bflag:$0x0] =	sbarrier.arrive $0xFFFF  }
0xa8: {  	p0 =	sne.s32 s0, $0x0;
	_ =	strace $0x9000004D  }
0xa9: {  	s0 =	sadd.s32 @!p0 $0x100000, s1;
	[bflag:$0x2] =	sbarrier.arrive $0xFFFF  }
0xaa: {  	[sflag:s0] =	ssyncadd.tile.s32 @!p0 $0x1;
	_ =	shalt  }
.Lfunc_end2:
_tile_overlayer_lowered:
.L_overlay_start_2:
0xab: {  	(tag) =	ssettag $0x2  }
0xac: {  	s0 =	rddreg [dreg:$0x0];
	s2 =	stileid.u32  }
0xad: {  	s1 =	rddreg [dreg:$0x1];
	p0 =	sne.s32 s2, $0x0  }
0xae: {  	s3 =	rddreg [dreg:$0x2];
	[bflag:$0x3] =	sbarrier.arrive $0xFFFF;
	s2 =	simm.s32 @!p0 $0x1C03  }
0xaf: {  	[timem:s3], [sflag:s2] =	dma.local @!p0 [hbm:s0], s1  }
0xb0: {  	s0 =	simm.s32 @!p0 $0x3  }
0xb1: {  	_ =	swait.ge @!p0 [sflag:s0], s1  }
0xb2: {  	s1 =	ssub.s32 @!p0 $0x0, s1;
	[sflag:s0] =	ssyncset.done @!p0 $0x0  }
0xb3: {  	[sflag:s0] =	ssyncadd.s32 @!p0 s1  }
0xb4: {  	[bflag:$0x3] =	sbarrier.arrive $0xFFFF  }
0xb5: {  	_ =	shalt  }

// kernel: kernel.25.cloned.1.call-start
scs
__scs_entry_jumppad:
0x0: {  	(pc) =	sbr.rel $0x88, $3  }
0x1: {  	(tag) =	ssettag $0x0;
	lr =	simm.s32 $0x1  }
0x2: {  	[smem:$0x3F97] =	sst lr;
	_ =	strace $0xD0000000  }
0x3: {  	_ = 	snop  }
0x4: {  	_ = 	snop  }
0x5: {  	_ = 	snop  }
0x6: {  	_ = 	snop  }
0x7: {  	_ = 	snop  }
__scs_overlays_trampoline_lowered:
0x8: {  	[smem:$0x3FA6] =	sst s0  }
0x9: {  	[smem:$0x3FA7] =	sst s1  }
0xa: {  	[smem:$0x3FA8] =	sst s2  }
0xb: {  	[smem:$0x3FA9] =	sst s3  }
0xc: {  	[smem:$0x3FAA] =	sst s4  }
0xd: {  	[smem:$0x3FAB] =	sst s5  }
0xe: {  	[smem:$0x3FAC] =	sst s6  }
0xf: {  	[smem:$0x3FAD] =	sst s7  }
0x10: {  	[smem:$0x3FAE] =	sst s8  }
0x11: {  	[smem:$0x3FAF] =	sst s9;
	s0 =	simm.s32 @!p0 $0x0  }
0x12: {  	s1 =	sld [smem:$0x3F95];
	s0 =	simm.s32 @p0 $0x1  }
0x13: {  	[smem:$0x3FB0] =	sst s0;
	s0 =	simm.s32 @!p1 $0x0  }
0x14: {  	s2 =	sld [smem:$0x3F94];
	s0 =	simm.s32 @p1 $0x1  }
0x15: {  	[smem:$0x3FB1] =	sst s0;
	s0 =	simm.s32 @!p2 $0x0  }
0x16: {  	s3 =	sld [smem:$0x3FDB];
	s0 =	simm.s32 @p2 $0x1  }
0x17: {  	s4 =	simm.s32 $0x1BF5;
	[smem:$0x3FB3] =	sst s0  }
0x18: {  	s0 =	sld [smem:$0x3F96];
	_ =	swait.ge [sflag:s4], $0x0  }
0x19: {  	s7 =	sld [smem:$0x3F97]  }
0x1a: {  	s8 =	sadd.s32 $0xFFFFE003, lr  }
0x1b: {  	s9 =	sadd.s32 $0xFFFFFEF7, lr;
	s5 =	simm.s32 $0xFFFFFFFF;
	p2 =	slt.u32 s8, $0xFFFFF086  }
0x1c: {  	p1 =	slt.u32 s9, $0xF7A;
	s5 =	simm.s32 @!p2 $0x0  }
0x1d: {  	s5 =	simm.s32 @p1 $0x1;
	p0 =	seq.s32 s7, s2  }
0x1e: {  	s7 =	smul.u32 @!p0 $0xF7A, s2;
	p2 =	seq.s32 @!p0 s5, $0x0  }
0x1f: {  	s9 =	smul.u32 $0xF7A, s1;
	s8 =	simm.s32 @!p0 $0x1BF5;
	p2 =	por !p2, p0  }
0x20: {  	[sflag:s8] =	ssyncset.s32 @!p0 $0xFFFFF086;
	s6 =	sadd.s32 @!p0 s3, s7;
	s7 =	simm.s32 @!p0 $0x108  }
0x21: {  	s3 =	sadd.s32 s3, s9;
	s6 =	sadd.s32 @!p0 $0x88, s6;
	s7 =	simm.s32 @p2 $0x1082  }
0x22: {  	[simem:s7], [sflag:s8] =	dma.local @!p0 [hbm:s6], $0xF7A  }
0x23: {  	s9 =	sor.u32 $0xD0000000, s2;
	s6 =	simm.s32 $0x108;
	_ =	swait.ge @!p0 [sflag:s8], $0x0  }
0x24: {  	s3 =	sadd.s32 $0x88, s3;
	s6 =	simm.s32 @!p1 $0x1082;
	[sflag:s4] =	ssyncset.s32 $0xFFFFF086  }
0x25: {  	[simem:s6], [sflag:s4] =	dma.local [hbm:s3], $0xF7A  }
0x26: {  	[smem:$0x3F97] =	sst s1;
	(tag) =	ssettag s2;
	_ =	strace s9  }
0x27: {  	s1 =	sld [smem:$0x3FA7]  }
0x28: {  	s2 =	sld [smem:$0x3FA8]  }
0x29: {  	s4 =	sld [smem:$0x3FAA]  }
0x2a: {  	p0 =	seq.s32 s5, $0x0;
	s5 =	sld [smem:$0x3FAB]  }
0x2b: {  	s6 =	sld [smem:$0x3FAC]  }
0x2c: {  	s7 =	sld [smem:$0x3FAD]  }
0x2d: {  	s3 =	simm.s32 $0x108;
	s8 =	sld [smem:$0x3FAE]  }
0x2e: {  	s3 =	simm.s32 @!p0 $0x1082;
	s9 =	sld [smem:$0x3FAF]  }
0x2f: {  	lr =	sadd.s32 s0, s3;
	s0 =	sld [smem:$0x3FA6]  }
0x30: {  	s3 =	sld [smem:$0x3FA9]  }
0x31: {  	[smem:$0x3FB2] =	sst s10  }
0x32: {  	s10 =	sld [smem:$0x3FB0];
	_ =	sdelay $0x3  }
0x33: {  	p0 =	seq.s32 s10, $0x1;
	s10 =	sld [smem:$0x3FB2];
	_ =	sdelay $0x3  }
0x34: {  	[smem:$0x3FB2] =	sst s10  }
0x35: {  	s10 =	sld [smem:$0x3FB1];
	_ =	sdelay $0x3  }
0x36: {  	p1 =	seq.s32 s10, $0x1;
	s10 =	sld [smem:$0x3FB2];
	_ =	sdelay $0x3  }
0x37: {  	[smem:$0x3FB2] =	sst s10  }
0x38: {  	s10 =	sld [smem:$0x3FB3]  }
0x39: {  	_ = 	snop;
	(pc) =	sbr.ind lr, $3  }
0x3a: {  	_ = 	snop  }
0x3b: {  	_ = 	snop  }
0x3c: {  	p2 =	seq.s32 s10, $0x1;
	s10 =	sld [smem:$0x3FB2]  }
0x3d: {  	_ =	shalt  }
0x3e: {  	_ =	shalt  }
0x3f: {  	_ =	shalt  }
0x40: {  	_ =	shalt  }
0x41: {  	_ =	shalt  }
0x42: {  	_ =	shalt  }
0x43: {  	_ =	shalt  }
0x44: {  	_ =	shalt  }
0x45: {  	_ =	shalt  }
0x46: {  	_ =	shalt  }
0x47: {  	_ =	shalt  }
0x48: {  	_ =	shalt  }
0x49: {  	_ =	shalt  }
0x4a: {  	_ =	shalt  }
0x4b: {  	_ =	shalt  }
0x4c: {  	_ =	shalt  }
0x4d: {  	_ =	shalt  }
0x4e: {  	_ =	shalt  }
0x4f: {  	_ =	shalt  }
0x50: {  	_ =	shalt  }
0x51: {  	_ =	shalt  }
0x52: {  	_ =	shalt  }
0x53: {  	_ =	shalt  }
0x54: {  	_ =	shalt  }
0x55: {  	_ =	shalt  }
0x56: {  	_ =	shalt  }
0x57: {  	_ =	shalt  }
0x58: {  	_ =	shalt  }
0x59: {  	_ =	shalt  }
0x5a: {  	_ =	shalt  }
0x5b: {  	_ =	shalt  }
0x5c: {  	_ =	shalt  }
0x5d: {  	_ =	shalt  }
0x5e: {  	_ =	shalt  }
0x5f: {  	_ =	shalt  }
0x60: {  	_ =	shalt  }
0x61: {  	_ =	shalt  }
0x62: {  	_ =	shalt  }
0x63: {  	_ =	shalt  }
0x64: {  	_ =	shalt  }
0x65: {  	_ =	shalt  }
0x66: {  	_ =	shalt  }
0x67: {  	_ =	shalt  }
0x68: {  	_ =	shalt  }
0x69: {  	_ =	shalt  }
0x6a: {  	_ =	shalt  }
0x6b: {  	_ =	shalt  }
0x6c: {  	_ =	shalt  }
0x6d: {  	_ =	shalt  }
0x6e: {  	_ =	shalt  }
0x6f: {  	_ =	shalt  }
0x70: {  	_ =	shalt  }
0x71: {  	_ =	shalt  }
0x72: {  	_ =	shalt  }
0x73: {  	_ =	shalt  }
0x74: {  	_ =	shalt  }
0x75: {  	_ =	shalt  }
0x76: {  	_ =	shalt  }
0x77: {  	_ =	shalt  }
0x78: {  	_ =	shalt  }
0x79: {  	_ =	shalt  }
0x7a: {  	_ =	shalt  }
0x7b: {  	_ =	shalt  }
0x7c: {  	_ =	shalt  }
0x7d: {  	_ =	shalt  }
0x7e: {  	_ =	shalt  }
0x7f: {  	_ =	shalt  }
0x80: {  	_ =	shalt  }
0x81: {  	_ =	shalt  }
0x82: {  	_ =	shalt  }
0x83: {  	_ =	shalt  }
0x84: {  	_ =	shalt  }
0x85: {  	_ =	shalt  }
0x86: {  	_ =	shalt  }
0x87: {  	_ =	shalt  }
.Lfunc_end0:
.L_simem_size_0:
called_computation.3_lowered:
.L_overlay_start_0:
0x88: {  	s2 =	sld [smem:$0x3FD9]  }
0x89: {  	s3 =	sld [smem:$0x3FFE];
	_ =	sdelay $0x1  }
0x8a: {  	s1 =	srdreg.scid  }
0x8b: {  	s0 =	sand.u32 $0x1, s1  }
0x8c: {  	s16 =	sshll.u32 s0, $0xA;
	s2 =	sadd.s32 s3, s2  }
0x8d: {  	s2 =	sadd.s32 s2, s16  }
0x8e: {  	[smem:$0x3FBE] =	sst s2  }
0x8f: {  	_ = 	snop  }
0x90: {  	(tm) =	ssettm $0x1  }
0x91: {  	s17 =	sld [smem:$0x3FFB];
	_ =	sdelay $0x3  }
0x92: {  	_ =	strace s17  }
0x93: {  	s2 =	sld [smem:$0x3FFC];
	_ =	sdelay $0x3  }
0x94: {  	_ =	strace s2  }
0x95: {  	s2 =	sld [smem:$0x3FFD];
	_ =	sdelay $0x3  }
0x96: {  	_ =	strace s2  }
0x97: {  	_ =	strace $0x8FFFFFFF  }
0x98: {  	s18 =	sld [smem:$0x3FDB];
	_ =	sdelay $0x1  }
0x99: {  	s19 =	simm.s32 $_scs_section_size  }
0x9a: {  	s4 =	simm.s32 $_size__tile_overlayer_lowered;
	s5 =	simm.s32 $_tile_overlayer_lowered  }
0x9b: {  	s22 =	simm.s32 $0x1BFF;
	s21 =	sshll.u32 s5, $0x1;
	s2 =	sadd.s32 s19, s18  }
0x9c: {  	s6 =	simm.s32 $0x0;
	s20 =	sshll.u32 s4, $0x1;
	s4 =	sadd.s32 s21, s2  }
0x9d: {  	[timem:s6], [sflag:s22] =	dma.local [hbm:s4], s20  }
0x9e: {  	_ =	swait.ge [sflag:s22], s20  }
0x9f: {  	s3 =	ssub.s32 $0x0, s20;
	[sflag:s22] =	ssyncset.done $0x0  }
0xa0: {  	[sflag:s22] =	ssyncadd.s32 s3;
	_ =	sdelay $0x1  }
0xa1: {  	s23 =	simm.s32 $0x1B8B  }
0xa2: {  	_ =	swait.ge [sflag:s23], $0x1  }
0xa3: {  	[sflag:s23] =	ssyncset.done $0x0  }
0xa4: {  	s25 =	simm.s32 $0x1B8E;
	s24 =	sld [smem:$0x3FFE];
	[sflag:s23] =	ssyncadd.s32 $0xFFFFFFFF  }
0xa5: {  	s26 =	simm.s32 $execute0_lowered;
	[smem:$0x3FD2] =	sst s25  }
0xa6: {  	s4 =	sshll.u32 s26, $0x1;
	_ =	strace $0x8000004F;
	[dreg:$0x1] =	wrdreg $0xFFFFFFFF  }
0xa7: {  	s28 =	simm.s32 $_size_execute0_lowered;
	s2 =	sadd.s32 s2, s4;
	[dreg:$0x0] =	wrdreg $0x0  }
0xa8: {  	s4 =	sshll.u32 s28, $0x1;
	[dreg:$0x2] =	wrdreg s2  }
0xa9: {  	[dreg:$0x3] =	wrdreg s4  }
0xaa: {  	[dreg:$0x4] =	wrdreg $0xC0  }
0xab: {  	_ =	task [dreg:s6], $0x5FFFF  }
0xac: {  	[dreg:$0x1] =	wrdreg $0xFFFFFFFF  }
0xad: {  	[dreg:$0x0] =	wrdreg $0x60  }
0xae: {  	[dreg:$0x2] =	wrdreg s24  }
0xaf: {  	[dreg:$0x3] =	wrdreg $0x0  }
0xb0: {  	[dreg:$0x4] =	wrdreg $0x9  }
0xb1: {  	_ =	task.clear_ibuf [dreg:s6], $0x5FFFF;
	_ =	strace $0x9000004F  }
0xb2: {  	s29 =	simm.s32 $0x9;
	_ =	strace $0x80000051  }
0xb3: {  	_ =	swait.ge [sflag:s29], $0x1  }
0xb4: {  	[sflag:s29] =	ssyncadd.s32 $0xFFFFFFFF  }
0xb5: {  	_ =	strace $0x90000051  }
0xb6: {  	_ =	sfence  }
0xb7: {  	s30 =	sld [smem:$0x0];
	_ =	sdelay $0x2  }
0xb8: {  	s31 =	sshll.u32 s1, $0xD;
	s1 =	sshrl.u32 s1, $0x2  }
0xb9: {  	s3 =	sand.u32 $0x4000, s31;
	s1 =	sadd.s32 s1, s30  }
0xba: {  	s0 =	sor.u32 s3, s0;
	s1 =	sshll.u32 s1, $0x11  }
0xbb: {  	s0 =	sor.u32 s1, s0  }
0xbc: {  	s0 =	sadd.s32 $0x8F2B, s0  }
0xbd: {  	[sflag:s0] =	ssyncadd.remote.s32 $0x1  }
0xbe: {  	_ =	sfence.sel $0xFFFF  }
0xbf: {  	[dreg:$0x0] =	wrdreg $0xFFFFFFFF;
	(pc) =	sbr.abs _section_cstart, $3  }
0xc0: {  	[dreg:$0x1] =	wrdreg $0xFFFFFFFF  }
0xc1: {  	_ =	task.clear_ibuf [dreg:s6], $0x2FFFF;
	_ =	strace $0x9FFFFFFF  }
0xc2: {  	(tm) =	ssettm $0x7FFFFFFF  }
0xc3: {  	_ =	shalt  }
tec
execute0_lowered:
.L_overlay_start_1:
0x0: {  	(tag) =	ssettag $0x1  }
0x1: {  	s8 =	rddreg [dreg:$0x0]  }
0x2: {  	s0 =	srdreg.scid;
	s2 =	rddreg [dreg:$0x1]  }
0x3: {  	s3 =	simm.s32 $0x0;
	s16 =	simm.s32 $0x13880;
	s17 =	simm.s32 $0x14C80  }
0x4: {  	s18 =	simm.s32 $0x7D;
	s19 =	simm.s32 $0x16080;
	s20 =	simm.s32 $0x1  }
0x5: {  	s21 =	simm.s32 $0x1A080;
	s22 =	simm.s32 $0x2;
	s23 =	simm.s32 $0x14C00  }
0x6: {  	s24 =	simm.s32 $0x15F80;
	s25 =	simm.s32 $0x16000;
	s26 =	simm.s32 $0x0  }
0x7: {  	s6 =	sand.u32 $0x1, s0;
	s0 =	stileid.u32;
	[smem:$0x7FF] =	sst s3  }
0x8: {  	s15 =	sadd.s32 $0x138000, s2;
	s1 =	sshll.u32 s6, $0x4;
	s7 =	smul.u32 $0x27100, s6  }
0x9: {  	s6 =	ssub.s32 $0x2, s6;
	s9 =	smul.u32 $0x4E000, s0;
	s31 =	sshll.u32 s0, $0x6  }
0xa: {  	p0 =	sne.s32 s0, $0xF;
	s4 =	sor.u32 s0, s1;
	s1 =	rddreg [dreg:$0x2]  }
0xb: {  	_ =	strace $0x80000050;
	s29 =	sshrl.u32 s6, $0x1;
	s5 =	smul.u32 $0x500, s4  }
0xc: {  	s15 =	sshrl.u32 @!p0 s15, $0x3;
	s4 =	smul.u32 $0x2700, s0;
	s12 =	sadd.s32 s7, s8  }
0xd: {  	s13 =	ssub.s32 s6, s29;
	s30 =	sshrl.u32 s9, $0x2;
	s7 =	sor.u32 $0x1C03, s31  }
0xe: {  	s14 =	sadd.s32 s30, s2;
	s10 =	sadd.s32 s5, s8;
	s11 =	sadd.s32 s4, s8  }
0xf: {  	s5 =	sadd.s32 $0x36800, s8;
	s8 =	sadd.s32 $0x36600, s8;
	s6 =	sadd.s32 $0xF600, s11  }
0x10: {  	s9 =	sadd.s32 $0x85200, s10;
	s10 =	sadd.s32 $0x5600, s10;
	s11 =	sadd.s32 $0x8F200, s12  }
0x11: {  	s12 =	smax.u32 s13, $0x1;
	s13 =	sshrl.u32 s14, $0x3;
	s14 =	simm.s32 $0x3  }
.LBB2_1:
0x12: {  	[spmem:s13], [sflag:s7] =	dma.local [hbm:s6], $0x2700  }
0x13: {  	_ =	swait.ge [sflag:s14], $0x2700  }
0x14: {  	[sflag:s14] =	ssyncset.done $0x0  }
0x15: {  	s28 =	simm.s32 @!p0 $0x3;
	[sflag:s14] =	ssyncadd.s32 $0xFFFFD900  }
0x16: {  	[spmem:s15], [sflag:s7] =	dma.local @!p0 [hbm:s8], $0x100  }
0x17: {  	_ =	swait.ge @!p0 [sflag:s28], $0x100  }
0x18: {  	[sflag:s28] =	ssyncset.done @!p0 $0x0  }
0x19: {  	[sflag:s28] =	ssyncadd.s32 @!p0 $0xFFFFFF00  }
0x1a: {  	[bflag:$0x0] =	sbarrier.arrive $0xFFFF  }
0x1b: {  	[tilespmem:s16], [sflag:$0x3] =	stream.linear.gather [hbm4b:s9+s3], $0x1400, $0x38;
	[tilespmem:$0x1E080] =	vst v63  }
0x1c: {  	_ =	swait.ge [sflag:s14], $0x1400  }
0x1d: {  	[sflag:s14] =	ssyncset.done $0x0  }
0x1e: {  	[sflag:s14] =	ssyncadd.s32 $0xFFFFEC00  }
0x1f: {  	[tilespmem:s17], [sflag:$0x3] =	stream.linear.gather [hbm4b:s10+s3], $0x1400, $0x38;
	[tilespmem:$0x1E080] =	vst v63  }
0x20: {  	_ =	swait.ge [sflag:s14], $0x1400  }
0x21: {  	[sflag:s14] =	ssyncset.done $0x0  }
0x22: {  	[sflag:s14] =	ssyncadd.s32 $0xFFFFEC00  }
0x23: {  	[tilespmem:s19], [sflag:$0x1] =	stream.indirect.gather [hbm4b:s5+s18], $0x80, s16, s18, $0xb8;
	[tilespmem:$0x1E080] =	vst v63  }
0x24: {  	_ =	swait.ge [sflag:s20], $0x3E80  }
0x25: {  	[sflag:s20] =	ssyncset.done $0x0  }
0x26: {  	s28 =	simm.s32 $0x13900;
	[sflag:s20] =	ssyncadd.s32 $0xFFFFC180  }
0x27: {  	[tilespmem:s21], [sflag:$0x2] =	stream.indirect.gather [hbm4b:s5+s18], $0x80, s28, s18, $0xb8;
	[tilespmem:$0x1E080] =	vst v63  }
0x28: {  	s28 =	simm.s32 $0x14C80  }
0x29: {  	[spmem:s2] =	stream.indirect.scatter.add.f32 [tilespmem:s19], [sflag:$0x3], $0x80, s28, s18, $0xb8;
	[tilespmem:$0x1E080] =	vst v63  }
0x2a: {  	_ =	swait.ge [sflag:s14], $0x3E80  }
0x2b: {  	[sflag:s14] =	ssyncset.done $0x0  }
0x2c: {  	[sflag:s14] =	ssyncadd.s32 $0xFFFFC180  }
0x2d: {  	_ =	swait.ge [sflag:s22], $0x3E80  }
0x2e: {  	[sflag:s22] =	ssyncset.done $0x0  }
0x2f: {  	s28 =	simm.s32 $0x13980;
	[sflag:s22] =	ssyncadd.s32 $0xFFFFC180  }
0x30: {  	[tilespmem:s19], [sflag:$0x1] =	stream.indirect.gather [hbm4b:s5+s18], $0x80, s28, s18, $0xb8;
	[tilespmem:$0x1E080] =	vst v63  }
0x31: {  	s28 =	simm.s32 $0x14D00  }
0x32: {  	[spmem:s2] =	stream.indirect.scatter.add.f32 [tilespmem:s21], [sflag:$0x3], $0x80, s28, s18, $0xb8;
	[tilespmem:$0x1E080] =	vst v63  }
0x33: {  	_ =	swait.ge [sflag:s14], $0x3E80  }
0x34: {  	s28 =	simm.s32 $0x400;
	[sflag:s14] =	ssyncset.done $0x0  }
.LBB2_2:
0x35: {  	p1 =	sne.s32 s28, $0x4800  }
0x36: {  	[sflag:s14] =	ssyncadd.s32 $0xFFFFC180;
	s29 =	smov.u32 s28;
	s28 =	sadd.s32 $0x400, s28  }
0x37: {  	_ = 	snop  }
0x38: {  	_ =	swait.ge [sflag:s20], $0x3E80  }
0x39: {  	s29 =	sshra.s32 s29, $0x2;
	[sflag:s20] =	ssyncset.done $0x0  }
0x3a: {  	s30 =	sadd.s32 $0x13900, s29;
	[sflag:s20] =	ssyncadd.s32 $0xFFFFC180  }
0x3b: {  	[tilespmem:s21], [sflag:$0x2] =	stream.indirect.gather [hbm4b:s5+s18], $0x80, s30, s18, $0xb8;
	[tilespmem:$0x1E080] =	vst v63  }
0x3c: {  	s30 =	sadd.s32 $0x14C80, s29  }
0x3d: {  	[spmem:s2] =	stream.indirect.scatter.add.f32 [tilespmem:s19], [sflag:$0x3], $0x80, s30, s18, $0xb8;
	[tilespmem:$0x1E080] =	vst v63  }
0x3e: {  	_ =	swait.ge [sflag:s14], $0x3E80  }
0x3f: {  	[sflag:s14] =	ssyncset.done $0x0  }
0x40: {  	[sflag:s14] =	ssyncadd.s32 $0xFFFFC180  }
0x41: {  	_ =	swait.ge [sflag:s22], $0x3E80  }
0x42: {  	[sflag:s22] =	ssyncset.done $0x0  }
0x43: {  	s30 =	sadd.s32 $0x13980, s29;
	[sflag:s22] =	ssyncadd.s32 $0xFFFFC180  }
0x44: {  	[tilespmem:s19], [sflag:$0x1] =	stream.indirect.gather [hbm4b:s5+s18], $0x80, s30, s18, $0xb8;
	[tilespmem:$0x1E080] =	vst v63  }
.Ltmp0:
0x45: {  	_ = 	snop;
	(pc) =	sbr.rel @p1 .LBB2_2-.Ltmp0, $4  }
0x46: {  	s29 =	sadd.s32 $0x14D00, s29  }
0x47: {  	[spmem:s2] =	stream.indirect.scatter.add.f32 [tilespmem:s21], [sflag:$0x3], $0x80, s29, s18, $0xb8;
	[tilespmem:$0x1E080] =	vst v63  }
0x48: {  	_ =	swait.ge [sflag:s14], $0x3E80  }
0x49: {  	[sflag:s14] =	ssyncset.done $0x0  }
0x4a: {  	[sflag:s14] =	ssyncadd.s32 $0xFFFFC180  }
0x4b: {  	_ =	swait.ge [sflag:s20], $0x3E80  }
0x4c: {  	[sflag:s20] =	ssyncset.done $0x0  }
0x4d: {  	[sflag:s20] =	ssyncadd.s32 $0xFFFFC180  }
0x4e: {  	[tilespmem:s21], [sflag:$0x2] =	stream.indirect.gather [hbm4b:s5+s18], $0x80, s23, s18, $0xb8;
	[tilespmem:$0x1E080] =	vst v63  }
0x4f: {  	_ = 	snop  }
0x50: {  	[spmem:s2] =	stream.indirect.scatter.add.f32 [tilespmem:s19], [sflag:$0x3], $0x80, s24, s18, $0xb8;
	[tilespmem:$0x1E080] =	vst v63  }
0x51: {  	_ =	swait.ge [sflag:s14], $0x3E80  }
0x52: {  	[sflag:s14] =	ssyncset.done $0x0  }
0x53: {  	[sflag:s14] =	ssyncadd.s32 $0xFFFFC180  }
0x54: {  	_ =	swait.ge [sflag:s22], $0x3E80  }
0x55: {  	[sflag:s22] =	ssyncset.done $0x0  }
0x56: {  	[sflag:s22] =	ssyncadd.s32 $0xFFFFC180  }
0x57: {  	[spmem:s2] =	stream.indirect.scatter.add.f32 [tilespmem:s21], [sflag:$0x3], $0x80, s25, s18, $0xb8;
	[tilespmem:$0x1E080] =	vst v63  }
0x58: {  	_ =	swait.ge [sflag:s14], $0x3E80  }
0x59: {  	[sflag:s14] =	ssyncset.done $0x0  }
0x5a: {  	s28 =	sadd.s32 $0x280, s9;
	s29 =	simm.s32 $0x0;
	[sflag:s14] =	ssyncadd.s32 $0xFFFFC180  }
0x5b: {  	[tilespmem:s16], [sflag:$0x3] =	stream.linear.gather [hbm4b:s28+s29], $0x1400, $0x38;
	[tilespmem:$0x1E080] =	vst v63  }
0x5c: {  	_ =	swait.ge [sflag:s14], $0x1400  }
0x5d: {  	[sflag:s14] =	ssyncset.done $0x0  }
0x5e: {  	s28 =	sadd.s32 $0x280, s10;
	[sflag:s14] =	ssyncadd.s32 $0xFFFFEC00  }
0x5f: {  	[tilespmem:s17], [sflag:$0x3] =	stream.linear.gather [hbm4b:s28+s29], $0x1400, $0x38;
	[tilespmem:$0x1E080] =	vst v63  }
0x60: {  	_ =	swait.ge [sflag:s14], $0x1400  }
0x61: {  	[sflag:s14] =	ssyncset.done $0x0  }
0x62: {  	[sflag:s14] =	ssyncadd.s32 $0xFFFFEC00  }
0x63: {  	[tilespmem:s19], [sflag:$0x1] =	stream.indirect.gather [hbm4b:s5+s18], $0x80, s16, s18, $0xb8;
	[tilespmem:$0x1E080] =	vst v63  }
0x64: {  	_ =	swait.ge [sflag:s20], $0x3E80  }
0x65: {  	[sflag:s20] =	ssyncset.done $0x0  }
0x66: {  	s28 =	simm.s32 $0x13900;
	[sflag:s20] =	ssyncadd.s32 $0xFFFFC180  }
0x67: {  	[tilespmem:s21], [sflag:$0x2] =	stream.indirect.gather [hbm4b:s5+s18], $0x80, s28, s18, $0xb8;
	[tilespmem:$0x1E080] =	vst v63  }
0x68: {  	s28 =	simm.s32 $0x14C80  }
0x69: {  	[spmem:s2] =	stream.indirect.scatter.add.f32 [tilespmem:s19], [sflag:$0x3], $0x80, s28, s18, $0xb8;
	[tilespmem:$0x1E080] =	vst v63  }
0x6a: {  	_ =	swait.ge [sflag:s14], $0x3E80  }
0x6b: {  	[sflag:s14] =	ssyncset.done $0x0  }
0x6c: {  	[sflag:s14] =	ssyncadd.s32 $0xFFFFC180  }
0x6d: {  	_ =	swait.ge [sflag:s22], $0x3E80  }
0x6e: {  	[sflag:s22] =	ssyncset.done $0x0  }
0x6f: {  	s28 =	simm.s32 $0x13980;
	[sflag:s22] =	ssyncadd.s32 $0xFFFFC180  }
0x70: {  	[tilespmem:s19], [sflag:$0x1] =	stream.indirect.gather [hbm4b:s5+s18], $0x80, s28, s18, $0xb8;
	[tilespmem:$0x1E080] =	vst v63  }
0x71: {  	s28 =	simm.s32 $0x14D00  }
0x72: {  	[spmem:s2] =	stream.indirect.scatter.add.f32 [tilespmem:s21], [sflag:$0x3], $0x80, s28, s18, $0xb8;
	[tilespmem:$0x1E080] =	vst v63  }
0x73: {  	_ =	swait.ge [sflag:s14], $0x3E80  }
0x74: {  	s28 =	simm.s32 $0x400;
	[sflag:s14] =	ssyncset.done $0x0  }
.LBB2_4:
0x75: {  	p1 =	sne.s32 s28, $0x4800  }
0x76: {  	[sflag:s14] =	ssyncadd.s32 $0xFFFFC180;
	s29 =	smov.u32 s28;
	s28 =	sadd.s32 $0x400, s28  }
0x77: {  	_ = 	snop  }
0x78: {  	_ =	swait.ge [sflag:s20], $0x3E80  }
0x79: {  	s29 =	sshra.s32 s29, $0x2;
	[sflag:s20] =	ssyncset.done $0x0  }
0x7a: {  	s30 =	sadd.s32 $0x13900, s29;
	[sflag:s20] =	ssyncadd.s32 $0xFFFFC180  }
0x7b: {  	[tilespmem:s21], [sflag:$0x2] =	stream.indirect.gather [hbm4b:s5+s18], $0x80, s30, s18, $0xb8;
	[tilespmem:$0x1E080] =	vst v63  }
0x7c: {  	s30 =	sadd.s32 $0x14C80, s29  }
0x7d: {  	[spmem:s2] =	stream.indirect.scatter.add.f32 [tilespmem:s19], [sflag:$0x3], $0x80, s30, s18, $0xb8;
	[tilespmem:$0x1E080] =	vst v63  }
0x7e: {  	_ =	swait.ge [sflag:s14], $0x3E80  }
0x7f: {  	[sflag:s14] =	ssyncset.done $0x0  }
0x80: {  	[sflag:s14] =	ssyncadd.s32 $0xFFFFC180  }
0x81: {  	_ =	swait.ge [sflag:s22], $0x3E80  }
0x82: {  	[sflag:s22] =	ssyncset.done $0x0  }
0x83: {  	s30 =	sadd.s32 $0x13980, s29;
	[sflag:s22] =	ssyncadd.s32 $0xFFFFC180  }
0x84: {  	[tilespmem:s19], [sflag:$0x1] =	stream.indirect.gather [hbm4b:s5+s18], $0x80, s30, s18, $0xb8;
	[tilespmem:$0x1E080] =	vst v63  }
.Ltmp1:
0x85: {  	_ = 	snop;
	(pc) =	sbr.rel @p1 .LBB2_4-.Ltmp1, $4  }
0x86: {  	s29 =	sadd.s32 $0x14D00, s29  }
0x87: {  	[spmem:s2] =	stream.indirect.scatter.add.f32 [tilespmem:s21], [sflag:$0x3], $0x80, s29, s18, $0xb8;
	[tilespmem:$0x1E080] =	vst v63  }
0x88: {  	_ =	swait.ge [sflag:s14], $0x3E80  }
0x89: {  	[sflag:s14] =	ssyncset.done $0x0  }
0x8a: {  	[sflag:s14] =	ssyncadd.s32 $0xFFFFC180  }
0x8b: {  	_ =	swait.ge [sflag:s20], $0x3E80  }
0x8c: {  	[sflag:s20] =	ssyncset.done $0x0  }
0x8d: {  	[sflag:s20] =	ssyncadd.s32 $0xFFFFC180  }
0x8e: {  	[tilespmem:s21], [sflag:$0x2] =	stream.indirect.gather [hbm4b:s5+s18], $0x80, s23, s18, $0xb8;
	[tilespmem:$0x1E080] =	vst v63  }
0x8f: {  	_ = 	snop  }
0x90: {  	[spmem:s2] =	stream.indirect.scatter.add.f32 [tilespmem:s19], [sflag:$0x3], $0x80, s24, s18, $0xb8;
	[tilespmem:$0x1E080] =	vst v63  }
0x91: {  	_ =	swait.ge [sflag:s14], $0x3E80  }
0x92: {  	[sflag:s14] =	ssyncset.done $0x0  }
0x93: {  	[sflag:s14] =	ssyncadd.s32 $0xFFFFC180  }
0x94: {  	_ =	swait.ge [sflag:s22], $0x3E80  }
0x95: {  	[sflag:s22] =	ssyncset.done $0x0  }
0x96: {  	[sflag:s22] =	ssyncadd.s32 $0xFFFFC180  }
0x97: {  	[spmem:s2] =	stream.indirect.scatter.add.f32 [tilespmem:s21], [sflag:$0x3], $0x80, s25, s18, $0xb8;
	[tilespmem:$0x1E080] =	vst v63  }
0x98: {  	_ =	swait.ge [sflag:s14], $0x3E80  }
0x99: {  	[sflag:s14] =	ssyncset.done $0x0  }
0x9a: {  	[sflag:s14] =	ssyncadd.s32 $0xFFFFC180  }
0x9b: {  	s28 =	sadd.s32 s4, s11;
	[bflag:$0x0] =	sbarrier.arrive $0xFFFF  }
0x9c: {  	[hbm:s28], [sflag:s7] =	dma.local [spmem:s13], $0x2700  }
0x9d: {  	_ =	swait.ge [sflag:s14], $0x2700  }
0x9e: {  	s26 =	sadd.s32 $0x1, s26;
	[sflag:s14] =	ssyncset.done $0x0  }
0x9f: {  	p1 =	sne.s32 s26, s12;
	s28 =	sadd.s32 @!p0 $0x27000, s11;
	[sflag:s14] =	ssyncadd.s32 $0xFFFFD900  }
0xa0: {  	[hbm:s28], [sflag:s7] =	dma.local @!p0 [spmem:s15], $0x100  }
.Ltmp2:
0xa1: {  	_ = 	snop;
	(pc) =	sbr.rel @p1 .LBB2_1-.Ltmp2, $4  }
0xa2: {  	s28 =	simm.s32 @!p0 $0x3  }
0xa3: {  	_ =	swait.ge @!p0 [sflag:s28], $0x100  }
0xa4: {  	[sflag:s28] =	ssyncset.done @!p0 $0x0  }
0xa5: {  	[sflag:s28] =	ssyncadd.s32 @!p0 $0xFFFFFF00  }
0xa6: {  	_ =	sfence.sel $0x180000  }
0xa7: {  	[bflag:$0x0] =	sbarrier.arrive $0xFFFF  }
0xa8: {  	p0 =	sne.s32 s0, $0x0;
	_ =	strace $0x90000050  }
0xa9: {  	s0 =	sadd.s32 @!p0 $0x100000, s1;
	[bflag:$0x2] =	sbarrier.arrive $0xFFFF  }
0xaa: {  	[sflag:s0] =	ssyncadd.tile.s32 @!p0 $0x1;
	_ =	shalt  }
.Lfunc_end2:
_tile_overlayer_lowered:
.L_overlay_start_2:
0xab: {  	(tag) =	ssettag $0x2  }
0xac: {  	s0 =	rddreg [dreg:$0x0];
	s2 =	stileid.u32  }
0xad: {  	s1 =	rddreg [dreg:$0x1];
	p0 =	sne.s32 s2, $0x0  }
0xae: {  	s3 =	rddreg [dreg:$0x2];
	[bflag:$0x3] =	sbarrier.arrive $0xFFFF;
	s2 =	simm.s32 @!p0 $0x1C03  }
0xaf: {  	[timem:s3], [sflag:s2] =	dma.local @!p0 [hbm:s0], s1  }
0xb0: {  	s0 =	simm.s32 @!p0 $0x3  }
0xb1: {  	_ =	swait.ge @!p0 [sflag:s0], s1  }
0xb2: {  	s1 =	ssub.s32 @!p0 $0x0, s1;
	[sflag:s0] =	ssyncset.done @!p0 $0x0  }
0xb3: {  	[sflag:s0] =	ssyncadd.s32 @!p0 s1  }
0xb4: {  	[bflag:$0x3] =	sbarrier.arrive $0xFFFF  }
0xb5: {  	_ =	shalt  }

// kernel: kernel.28.cloned.1.call-start
scs
__scs_entry_jumppad:
0x0: {  	(pc) =	sbr.rel $0x88, $3  }
0x1: {  	(tag) =	ssettag $0x0;
	lr =	simm.s32 $0x1  }
0x2: {  	[smem:$0x3F97] =	sst lr;
	_ =	strace $0xD0000000  }
0x3: {  	_ = 	snop  }
0x4: {  	_ = 	snop  }
0x5: {  	_ = 	snop  }
0x6: {  	_ = 	snop  }
0x7: {  	_ = 	snop  }
__scs_overlays_trampoline_lowered:
0x8: {  	[smem:$0x3FA6] =	sst s0  }
0x9: {  	[smem:$0x3FA7] =	sst s1  }
0xa: {  	[smem:$0x3FA8] =	sst s2  }
0xb: {  	[smem:$0x3FA9] =	sst s3  }
0xc: {  	[smem:$0x3FAA] =	sst s4  }
0xd: {  	[smem:$0x3FAB] =	sst s5  }
0xe: {  	[smem:$0x3FAC] =	sst s6  }
0xf: {  	[smem:$0x3FAD] =	sst s7  }
0x10: {  	[smem:$0x3FAE] =	sst s8  }
0x11: {  	[smem:$0x3FAF] =	sst s9;
	s0 =	simm.s32 @!p0 $0x0  }
0x12: {  	s1 =	sld [smem:$0x3F95];
	s0 =	simm.s32 @p0 $0x1  }
0x13: {  	[smem:$0x3FB0] =	sst s0;
	s0 =	simm.s32 @!p1 $0x0  }
0x14: {  	s2 =	sld [smem:$0x3F94];
	s0 =	simm.s32 @p1 $0x1  }
0x15: {  	[smem:$0x3FB1] =	sst s0;
	s0 =	simm.s32 @!p2 $0x0  }
0x16: {  	s3 =	sld [smem:$0x3FDB];
	s0 =	simm.s32 @p2 $0x1  }
0x17: {  	s4 =	simm.s32 $0x1BF5;
	[smem:$0x3FB3] =	sst s0  }
0x18: {  	s0 =	sld [smem:$0x3F96];
	_ =	swait.ge [sflag:s4], $0x0  }
0x19: {  	s7 =	sld [smem:$0x3F97]  }
0x1a: {  	s8 =	sadd.s32 $0xFFFFE003, lr  }
0x1b: {  	s9 =	sadd.s32 $0xFFFFFEF7, lr;
	s5 =	simm.s32 $0xFFFFFFFF;
	p2 =	slt.u32 s8, $0xFFFFF086  }
0x1c: {  	p1 =	slt.u32 s9, $0xF7A;
	s5 =	simm.s32 @!p2 $0x0  }
0x1d: {  	s5 =	simm.s32 @p1 $0x1;
	p0 =	seq.s32 s7, s2  }
0x1e: {  	s7 =	smul.u32 @!p0 $0xF7A, s2;
	p2 =	seq.s32 @!p0 s5, $0x0  }
0x1f: {  	s9 =	smul.u32 $0xF7A, s1;
	s8 =	simm.s32 @!p0 $0x1BF5;
	p2 =	por !p2, p0  }
0x20: {  	[sflag:s8] =	ssyncset.s32 @!p0 $0xFFFFF086;
	s6 =	sadd.s32 @!p0 s3, s7;
	s7 =	simm.s32 @!p0 $0x108  }
0x21: {  	s3 =	sadd.s32 s3, s9;
	s6 =	sadd.s32 @!p0 $0x88, s6;
	s7 =	simm.s32 @p2 $0x1082  }
0x22: {  	[simem:s7], [sflag:s8] =	dma.local @!p0 [hbm:s6], $0xF7A  }
0x23: {  	s9 =	sor.u32 $0xD0000000, s2;
	s6 =	simm.s32 $0x108;
	_ =	swait.ge @!p0 [sflag:s8], $0x0  }
0x24: {  	s3 =	sadd.s32 $0x88, s3;
	s6 =	simm.s32 @!p1 $0x1082;
	[sflag:s4] =	ssyncset.s32 $0xFFFFF086  }
0x25: {  	[simem:s6], [sflag:s4] =	dma.local [hbm:s3], $0xF7A  }
0x26: {  	[smem:$0x3F97] =	sst s1;
	(tag) =	ssettag s2;
	_ =	strace s9  }
0x27: {  	s1 =	sld [smem:$0x3FA7]  }
0x28: {  	s2 =	sld [smem:$0x3FA8]  }
0x29: {  	s4 =	sld [smem:$0x3FAA]  }
0x2a: {  	p0 =	seq.s32 s5, $0x0;
	s5 =	sld [smem:$0x3FAB]  }
0x2b: {  	s6 =	sld [smem:$0x3FAC]  }
0x2c: {  	s7 =	sld [smem:$0x3FAD]  }
0x2d: {  	s3 =	simm.s32 $0x108;
	s8 =	sld [smem:$0x3FAE]  }
0x2e: {  	s3 =	simm.s32 @!p0 $0x1082;
	s9 =	sld [smem:$0x3FAF]  }
0x2f: {  	lr =	sadd.s32 s0, s3;
	s0 =	sld [smem:$0x3FA6]  }
0x30: {  	s3 =	sld [smem:$0x3FA9]  }
0x31: {  	[smem:$0x3FB2] =	sst s10  }
0x32: {  	s10 =	sld [smem:$0x3FB0];
	_ =	sdelay $0x3  }
0x33: {  	p0 =	seq.s32 s10, $0x1;
	s10 =	sld [smem:$0x3FB2];
	_ =	sdelay $0x3  }
0x34: {  	[smem:$0x3FB2] =	sst s10  }
0x35: {  	s10 =	sld [smem:$0x3FB1];
	_ =	sdelay $0x3  }
0x36: {  	p1 =	seq.s32 s10, $0x1;
	s10 =	sld [smem:$0x3FB2];
	_ =	sdelay $0x3  }
0x37: {  	[smem:$0x3FB2] =	sst s10  }
0x38: {  	s10 =	sld [smem:$0x3FB3]  }
0x39: {  	_ = 	snop;
	(pc) =	sbr.ind lr, $3  }
0x3a: {  	_ = 	snop  }
0x3b: {  	_ = 	snop  }
0x3c: {  	p2 =	seq.s32 s10, $0x1;
	s10 =	sld [smem:$0x3FB2]  }
0x3d: {  	_ =	shalt  }
0x3e: {  	_ =	shalt  }
0x3f: {  	_ =	shalt  }
0x40: {  	_ =	shalt  }
0x41: {  	_ =	shalt  }
0x42: {  	_ =	shalt  }
0x43: {  	_ =	shalt  }
0x44: {  	_ =	shalt  }
0x45: {  	_ =	shalt  }
0x46: {  	_ =	shalt  }
0x47: {  	_ =	shalt  }
0x48: {  	_ =	shalt  }
0x49: {  	_ =	shalt  }
0x4a: {  	_ =	shalt  }
0x4b: {  	_ =	shalt  }
0x4c: {  	_ =	shalt  }
0x4d: {  	_ =	shalt  }
0x4e: {  	_ =	shalt  }
0x4f: {  	_ =	shalt  }
0x50: {  	_ =	shalt  }
0x51: {  	_ =	shalt  }
0x52: {  	_ =	shalt  }
0x53: {  	_ =	shalt  }
0x54: {  	_ =	shalt  }
0x55: {  	_ =	shalt  }
0x56: {  	_ =	shalt  }
0x57: {  	_ =	shalt  }
0x58: {  	_ =	shalt  }
0x59: {  	_ =	shalt  }
0x5a: {  	_ =	shalt  }
0x5b: {  	_ =	shalt  }
0x5c: {  	_ =	shalt  }
0x5d: {  	_ =	shalt  }
0x5e: {  	_ =	shalt  }
0x5f: {  	_ =	shalt  }
0x60: {  	_ =	shalt  }
0x61: {  	_ =	shalt  }
0x62: {  	_ =	shalt  }
0x63: {  	_ =	shalt  }
0x64: {  	_ =	shalt  }
0x65: {  	_ =	shalt  }
0x66: {  	_ =	shalt  }
0x67: {  	_ =	shalt  }
0x68: {  	_ =	shalt  }
0x69: {  	_ =	shalt  }
0x6a: {  	_ =	shalt  }
0x6b: {  	_ =	shalt  }
0x6c: {  	_ =	shalt  }
0x6d: {  	_ =	shalt  }
0x6e: {  	_ =	shalt  }
0x6f: {  	_ =	shalt  }
0x70: {  	_ =	shalt  }
0x71: {  	_ =	shalt  }
0x72: {  	_ =	shalt  }
0x73: {  	_ =	shalt  }
0x74: {  	_ =	shalt  }
0x75: {  	_ =	shalt  }
0x76: {  	_ =	shalt  }
0x77: {  	_ =	shalt  }
0x78: {  	_ =	shalt  }
0x79: {  	_ =	shalt  }
0x7a: {  	_ =	shalt  }
0x7b: {  	_ =	shalt  }
0x7c: {  	_ =	shalt  }
0x7d: {  	_ =	shalt  }
0x7e: {  	_ =	shalt  }
0x7f: {  	_ =	shalt  }
0x80: {  	_ =	shalt  }
0x81: {  	_ =	shalt  }
0x82: {  	_ =	shalt  }
0x83: {  	_ =	shalt  }
0x84: {  	_ =	shalt  }
0x85: {  	_ =	shalt  }
0x86: {  	_ =	shalt  }
0x87: {  	_ =	shalt  }
.Lfunc_end0:
.L_simem_size_0:
called_computation.4_lowered:
.L_overlay_start_0:
0x88: {  	s2 =	sld [smem:$0x3FD9]  }
0x89: {  	s3 =	sld [smem:$0x3FFE];
	_ =	sdelay $0x1  }
0x8a: {  	s1 =	srdreg.scid  }
0x8b: {  	s0 =	sand.u32 $0x1, s1  }
0x8c: {  	s16 =	sshll.u32 s0, $0xA;
	s2 =	sadd.s32 s3, s2  }
0x8d: {  	s2 =	sadd.s32 s2, s16  }
0x8e: {  	[smem:$0x3FBE] =	sst s2  }
0x8f: {  	_ = 	snop  }
0x90: {  	(tm) =	ssettm $0x1  }
0x91: {  	s17 =	sld [smem:$0x3FFB];
	_ =	sdelay $0x3  }
0x92: {  	_ =	strace s17  }
0x93: {  	s2 =	sld [smem:$0x3FFC];
	_ =	sdelay $0x3  }
0x94: {  	_ =	strace s2  }
0x95: {  	s2 =	sld [smem:$0x3FFD];
	_ =	sdelay $0x3  }
0x96: {  	_ =	strace s2  }
0x97: {  	_ =	strace $0x8FFFFFFF  }
0x98: {  	s18 =	sld [smem:$0x3FDB];
	_ =	sdelay $0x1  }
0x99: {  	s19 =	simm.s32 $_scs_section_size  }
0x9a: {  	s4 =	simm.s32 $_size__tile_overlayer_lowered;
	s5 =	simm.s32 $_tile_overlayer_lowered  }
0x9b: {  	s22 =	simm.s32 $0x1BFF;
	s21 =	sshll.u32 s5, $0x1;
	s2 =	sadd.s32 s19, s18  }
0x9c: {  	s6 =	simm.s32 $0x0;
	s20 =	sshll.u32 s4, $0x1;
	s4 =	sadd.s32 s21, s2  }
0x9d: {  	[timem:s6], [sflag:s22] =	dma.local [hbm:s4], s20  }
0x9e: {  	_ =	swait.ge [sflag:s22], s20  }
0x9f: {  	s3 =	ssub.s32 $0x0, s20;
	[sflag:s22] =	ssyncset.done $0x0  }
0xa0: {  	[sflag:s22] =	ssyncadd.s32 s3;
	_ =	sdelay $0x1  }
0xa1: {  	s23 =	simm.s32 $0x1B8B  }
0xa2: {  	_ =	swait.ge [sflag:s23], $0x1  }
0xa3: {  	[sflag:s23] =	ssyncset.done $0x0  }
0xa4: {  	s25 =	simm.s32 $0x1B8E;
	s24 =	sld [smem:$0x3FFE];
	[sflag:s23] =	ssyncadd.s32 $0xFFFFFFFF  }
0xa5: {  	s26 =	simm.s32 $execute0_lowered;
	[smem:$0x3FD2] =	sst s25  }
0xa6: {  	s4 =	sshll.u32 s26, $0x1;
	_ =	strace $0x80000052;
	[dreg:$0x1] =	wrdreg $0xFFFFFFFF  }
0xa7: {  	s28 =	simm.s32 $_size_execute0_lowered;
	s2 =	sadd.s32 s2, s4;
	[dreg:$0x0] =	wrdreg $0x0  }
0xa8: {  	s4 =	sshll.u32 s28, $0x1;
	[dreg:$0x2] =	wrdreg s2  }
0xa9: {  	[dreg:$0x3] =	wrdreg s4  }
0xaa: {  	[dreg:$0x4] =	wrdreg $0xC0  }
0xab: {  	_ =	task [dreg:s6], $0x5FFFF  }
0xac: {  	[dreg:$0x1] =	wrdreg $0xFFFFFFFF  }
0xad: {  	[dreg:$0x0] =	wrdreg $0x60  }
0xae: {  	[dreg:$0x2] =	wrdreg s24  }
0xaf: {  	[dreg:$0x3] =	wrdreg $0x0  }
0xb0: {  	[dreg:$0x4] =	wrdreg $0x9  }
0xb1: {  	_ =	task.clear_ibuf [dreg:s6], $0x5FFFF;
	_ =	strace $0x90000052  }
0xb2: {  	s29 =	simm.s32 $0x9;
	_ =	strace $0x80000054  }
0xb3: {  	_ =	swait.ge [sflag:s29], $0x1  }
0xb4: {  	[sflag:s29] =	ssyncadd.s32 $0xFFFFFFFF  }
0xb5: {  	_ =	strace $0x90000054  }
0xb6: {  	_ =	sfence  }
0xb7: {  	s30 =	sld [smem:$0x0];
	_ =	sdelay $0x2  }
0xb8: {  	s31 =	sshll.u32 s1, $0xD;
	s1 =	sshrl.u32 s1, $0x2  }
0xb9: {  	s3 =	sand.u32 $0x4000, s31;
	s1 =	sadd.s32 s1, s30  }
0xba: {  	s0 =	sor.u32 s3, s0;
	s1 =	sshll.u32 s1, $0x11  }
0xbb: {  	s0 =	sor.u32 s1, s0  }
0xbc: {  	s0 =	sadd.s32 $0x8F2B, s0  }
0xbd: {  	[sflag:s0] =	ssyncadd.remote.s32 $0x1  }
0xbe: {  	_ =	sfence.sel $0xFFFF  }
0xbf: {  	[dreg:$0x0] =	wrdreg $0xFFFFFFFF;
	(pc) =	sbr.abs _section_cstart, $3  }
0xc0: {  	[dreg:$0x1] =	wrdreg $0xFFFFFFFF  }
0xc1: {  	_ =	task.clear_ibuf [dreg:s6], $0x2FFFF;
	_ =	strace $0x9FFFFFFF  }
0xc2: {  	(tm) =	ssettm $0x7FFFFFFF  }
0xc3: {  	_ =	shalt  }
tec
execute0_lowered:
.L_overlay_start_1:
0x0: {  	(tag) =	ssettag $0x1  }
0x1: {  	s8 =	rddreg [dreg:$0x0]  }
0x2: {  	s0 =	srdreg.scid;
	s2 =	rddreg [dreg:$0x1]  }
0x3: {  	s3 =	simm.s32 $0x0;
	s16 =	simm.s32 $0x13880;
	s17 =	simm.s32 $0x14C80  }
0x4: {  	s18 =	simm.s32 $0x7D;
	s19 =	simm.s32 $0x16080;
	s20 =	simm.s32 $0x1  }
0x5: {  	s21 =	simm.s32 $0x1A080;
	s22 =	simm.s32 $0x2;
	s23 =	simm.s32 $0x14C00  }
0x6: {  	s24 =	simm.s32 $0x15F80;
	s25 =	simm.s32 $0x16000;
	s26 =	simm.s32 $0x0  }
0x7: {  	s6 =	sand.u32 $0x1, s0;
	s0 =	stileid.u32;
	[smem:$0x7FF] =	sst s3  }
0x8: {  	s15 =	sadd.s32 $0x138000, s2;
	s1 =	sshll.u32 s6, $0x4;
	s7 =	smul.u32 $0x27100, s6  }
0x9: {  	s6 =	ssub.s32 $0x2, s6;
	s9 =	smul.u32 $0x4E000, s0;
	s31 =	sshll.u32 s0, $0x6  }
0xa: {  	p0 =	sne.s32 s0, $0xF;
	s4 =	sor.u32 s0, s1;
	s1 =	rddreg [dreg:$0x2]  }
0xb: {  	_ =	strace $0x80000053;
	s29 =	sshrl.u32 s6, $0x1;
	s5 =	smul.u32 $0x500, s4  }
0xc: {  	s15 =	sshrl.u32 @!p0 s15, $0x3;
	s4 =	smul.u32 $0x2700, s0;
	s12 =	sadd.s32 s7, s8  }
0xd: {  	s13 =	ssub.s32 s6, s29;
	s30 =	sshrl.u32 s9, $0x2;
	s7 =	sor.u32 $0x1C03, s31  }
0xe: {  	s14 =	sadd.s32 s30, s2;
	s10 =	sadd.s32 s5, s8;
	s11 =	sadd.s32 s4, s8  }
0xf: {  	s5 =	sadd.s32 $0x36800, s8;
	s8 =	sadd.s32 $0x36600, s8;
	s6 =	sadd.s32 $0xF600, s11  }
0x10: {  	s9 =	sadd.s32 $0x85200, s10;
	s10 =	sadd.s32 $0x5600, s10;
	s11 =	sadd.s32 $0xDD400, s12  }
0x11: {  	s12 =	smax.u32 s13, $0x1;
	s13 =	sshrl.u32 s14, $0x3;
	s14 =	simm.s32 $0x3  }
.LBB2_1:
0x12: {  	[spmem:s13], [sflag:s7] =	dma.local [hbm:s6], $0x2700  }
0x13: {  	_ =	swait.ge [sflag:s14], $0x2700  }
0x14: {  	[sflag:s14] =	ssyncset.done $0x0  }
0x15: {  	s28 =	simm.s32 @!p0 $0x3;
	[sflag:s14] =	ssyncadd.s32 $0xFFFFD900  }
0x16: {  	[spmem:s15], [sflag:s7] =	dma.local @!p0 [hbm:s8], $0x100  }
0x17: {  	_ =	swait.ge @!p0 [sflag:s28], $0x100  }
0x18: {  	[sflag:s28] =	ssyncset.done @!p0 $0x0  }
0x19: {  	[sflag:s28] =	ssyncadd.s32 @!p0 $0xFFFFFF00  }
0x1a: {  	[bflag:$0x0] =	sbarrier.arrive $0xFFFF  }
0x1b: {  	[tilespmem:s16], [sflag:$0x3] =	stream.linear.gather [hbm4b:s9+s3], $0x1400, $0x38;
	[tilespmem:$0x1E080] =	vst v63  }
0x1c: {  	_ =	swait.ge [sflag:s14], $0x1400  }
0x1d: {  	[sflag:s14] =	ssyncset.done $0x0  }
0x1e: {  	[sflag:s14] =	ssyncadd.s32 $0xFFFFEC00  }
0x1f: {  	[tilespmem:s17], [sflag:$0x3] =	stream.linear.gather [hbm4b:s10+s3], $0x1400, $0x38;
	[tilespmem:$0x1E080] =	vst v63  }
0x20: {  	_ =	swait.ge [sflag:s14], $0x1400  }
0x21: {  	[sflag:s14] =	ssyncset.done $0x0  }
0x22: {  	[sflag:s14] =	ssyncadd.s32 $0xFFFFEC00  }
0x23: {  	[tilespmem:s19], [sflag:$0x1] =	stream.indirect.gather [hbm4b:s5+s18], $0x80, s16, s18, $0xb8;
	[tilespmem:$0x1E080] =	vst v63  }
0x24: {  	_ =	swait.ge [sflag:s20], $0x3E80  }
0x25: {  	[sflag:s20] =	ssyncset.done $0x0  }
0x26: {  	s28 =	simm.s32 $0x13900;
	[sflag:s20] =	ssyncadd.s32 $0xFFFFC180  }
0x27: {  	[tilespmem:s21], [sflag:$0x2] =	stream.indirect.gather [hbm4b:s5+s18], $0x80, s28, s18, $0xb8;
	[tilespmem:$0x1E080] =	vst v63  }
0x28: {  	s28 =	simm.s32 $0x14C80  }
0x29: {  	[spmem:s2] =	stream.indirect.scatter.add.f32 [tilespmem:s19], [sflag:$0x3], $0x80, s28, s18, $0xb8;
	[tilespmem:$0x1E080] =	vst v63  }
0x2a: {  	_ =	swait.ge [sflag:s14], $0x3E80  }
0x2b: {  	[sflag:s14] =	ssyncset.done $0x0  }
0x2c: {  	[sflag:s14] =	ssyncadd.s32 $0xFFFFC180  }
0x2d: {  	_ =	swait.ge [sflag:s22], $0x3E80  }
0x2e: {  	[sflag:s22] =	ssyncset.done $0x0  }
0x2f: {  	s28 =	simm.s32 $0x13980;
	[sflag:s22] =	ssyncadd.s32 $0xFFFFC180  }
0x30: {  	[tilespmem:s19], [sflag:$0x1] =	stream.indirect.gather [hbm4b:s5+s18], $0x80, s28, s18, $0xb8;
	[tilespmem:$0x1E080] =	vst v63  }
0x31: {  	s28 =	simm.s32 $0x14D00  }
0x32: {  	[spmem:s2] =	stream.indirect.scatter.add.f32 [tilespmem:s21], [sflag:$0x3], $0x80, s28, s18, $0xb8;
	[tilespmem:$0x1E080] =	vst v63  }
0x33: {  	_ =	swait.ge [sflag:s14], $0x3E80  }
0x34: {  	s28 =	simm.s32 $0x400;
	[sflag:s14] =	ssyncset.done $0x0  }
.LBB2_2:
0x35: {  	p1 =	sne.s32 s28, $0x4800  }
0x36: {  	[sflag:s14] =	ssyncadd.s32 $0xFFFFC180;
	s29 =	smov.u32 s28;
	s28 =	sadd.s32 $0x400, s28  }
0x37: {  	_ = 	snop  }
0x38: {  	_ =	swait.ge [sflag:s20], $0x3E80  }
0x39: {  	s29 =	sshra.s32 s29, $0x2;
	[sflag:s20] =	ssyncset.done $0x0  }
0x3a: {  	s30 =	sadd.s32 $0x13900, s29;
	[sflag:s20] =	ssyncadd.s32 $0xFFFFC180  }
0x3b: {  	[tilespmem:s21], [sflag:$0x2] =	stream.indirect.gather [hbm4b:s5+s18], $0x80, s30, s18, $0xb8;
	[tilespmem:$0x1E080] =	vst v63  }
0x3c: {  	s30 =	sadd.s32 $0x14C80, s29  }
0x3d: {  	[spmem:s2] =	stream.indirect.scatter.add.f32 [tilespmem:s19], [sflag:$0x3], $0x80, s30, s18, $0xb8;
	[tilespmem:$0x1E080] =	vst v63  }
0x3e: {  	_ =	swait.ge [sflag:s14], $0x3E80  }
0x3f: {  	[sflag:s14] =	ssyncset.done $0x0  }
0x40: {  	[sflag:s14] =	ssyncadd.s32 $0xFFFFC180  }
0x41: {  	_ =	swait.ge [sflag:s22], $0x3E80  }
0x42: {  	[sflag:s22] =	ssyncset.done $0x0  }
0x43: {  	s30 =	sadd.s32 $0x13980, s29;
	[sflag:s22] =	ssyncadd.s32 $0xFFFFC180  }
0x44: {  	[tilespmem:s19], [sflag:$0x1] =	stream.indirect.gather [hbm4b:s5+s18], $0x80, s30, s18, $0xb8;
	[tilespmem:$0x1E080] =	vst v63  }
.Ltmp0:
0x45: {  	_ = 	snop;
	(pc) =	sbr.rel @p1 .LBB2_2-.Ltmp0, $4  }
0x46: {  	s29 =	sadd.s32 $0x14D00, s29  }
0x47: {  	[spmem:s2] =	stream.indirect.scatter.add.f32 [tilespmem:s21], [sflag:$0x3], $0x80, s29, s18, $0xb8;
	[tilespmem:$0x1E080] =	vst v63  }
0x48: {  	_ =	swait.ge [sflag:s14], $0x3E80  }
0x49: {  	[sflag:s14] =	ssyncset.done $0x0  }
0x4a: {  	[sflag:s14] =	ssyncadd.s32 $0xFFFFC180  }
0x4b: {  	_ =	swait.ge [sflag:s20], $0x3E80  }
0x4c: {  	[sflag:s20] =	ssyncset.done $0x0  }
0x4d: {  	[sflag:s20] =	ssyncadd.s32 $0xFFFFC180  }
0x4e: {  	[tilespmem:s21], [sflag:$0x2] =	stream.indirect.gather [hbm4b:s5+s18], $0x80, s23, s18, $0xb8;
	[tilespmem:$0x1E080] =	vst v63  }
0x4f: {  	_ = 	snop  }
0x50: {  	[spmem:s2] =	stream.indirect.scatter.add.f32 [tilespmem:s19], [sflag:$0x3], $0x80, s24, s18, $0xb8;
	[tilespmem:$0x1E080] =	vst v63  }
0x51: {  	_ =	swait.ge [sflag:s14], $0x3E80  }
0x52: {  	[sflag:s14] =	ssyncset.done $0x0  }
0x53: {  	[sflag:s14] =	ssyncadd.s32 $0xFFFFC180  }
0x54: {  	_ =	swait.ge [sflag:s22], $0x3E80  }
0x55: {  	[sflag:s22] =	ssyncset.done $0x0  }
0x56: {  	[sflag:s22] =	ssyncadd.s32 $0xFFFFC180  }
0x57: {  	[spmem:s2] =	stream.indirect.scatter.add.f32 [tilespmem:s21], [sflag:$0x3], $0x80, s25, s18, $0xb8;
	[tilespmem:$0x1E080] =	vst v63  }
0x58: {  	_ =	swait.ge [sflag:s14], $0x3E80  }
0x59: {  	[sflag:s14] =	ssyncset.done $0x0  }
0x5a: {  	s28 =	sadd.s32 $0x280, s9;
	s29 =	simm.s32 $0x0;
	[sflag:s14] =	ssyncadd.s32 $0xFFFFC180  }
0x5b: {  	[tilespmem:s16], [sflag:$0x3] =	stream.linear.gather [hbm4b:s28+s29], $0x1400, $0x38;
	[tilespmem:$0x1E080] =	vst v63  }
0x5c: {  	_ =	swait.ge [sflag:s14], $0x1400  }
0x5d: {  	[sflag:s14] =	ssyncset.done $0x0  }
0x5e: {  	s28 =	sadd.s32 $0x280, s10;
	[sflag:s14] =	ssyncadd.s32 $0xFFFFEC00  }
0x5f: {  	[tilespmem:s17], [sflag:$0x3] =	stream.linear.gather [hbm4b:s28+s29], $0x1400, $0x38;
	[tilespmem:$0x1E080] =	vst v63  }
0x60: {  	_ =	swait.ge [sflag:s14], $0x1400  }
0x61: {  	[sflag:s14] =	ssyncset.done $0x0  }
0x62: {  	[sflag:s14] =	ssyncadd.s32 $0xFFFFEC00  }
0x63: {  	[tilespmem:s19], [sflag:$0x1] =	stream.indirect.gather [hbm4b:s5+s18], $0x80, s16, s18, $0xb8;
	[tilespmem:$0x1E080] =	vst v63  }
0x64: {  	_ =	swait.ge [sflag:s20], $0x3E80  }
0x65: {  	[sflag:s20] =	ssyncset.done $0x0  }
0x66: {  	s28 =	simm.s32 $0x13900;
	[sflag:s20] =	ssyncadd.s32 $0xFFFFC180  }
0x67: {  	[tilespmem:s21], [sflag:$0x2] =	stream.indirect.gather [hbm4b:s5+s18], $0x80, s28, s18, $0xb8;
	[tilespmem:$0x1E080] =	vst v63  }
0x68: {  	s28 =	simm.s32 $0x14C80  }
0x69: {  	[spmem:s2] =	stream.indirect.scatter.add.f32 [tilespmem:s19], [sflag:$0x3], $0x80, s28, s18, $0xb8;
	[tilespmem:$0x1E080] =	vst v63  }
0x6a: {  	_ =	swait.ge [sflag:s14], $0x3E80  }
0x6b: {  	[sflag:s14] =	ssyncset.done $0x0  }
0x6c: {  	[sflag:s14] =	ssyncadd.s32 $0xFFFFC180  }
0x6d: {  	_ =	swait.ge [sflag:s22], $0x3E80  }
0x6e: {  	[sflag:s22] =	ssyncset.done $0x0  }
0x6f: {  	s28 =	simm.s32 $0x13980;
	[sflag:s22] =	ssyncadd.s32 $0xFFFFC180  }
0x70: {  	[tilespmem:s19], [sflag:$0x1] =	stream.indirect.gather [hbm4b:s5+s18], $0x80, s28, s18, $0xb8;
	[tilespmem:$0x1E080] =	vst v63  }
0x71: {  	s28 =	simm.s32 $0x14D00  }
0x72: {  	[spmem:s2] =	stream.indirect.scatter.add.f32 [tilespmem:s21], [sflag:$0x3], $0x80, s28, s18, $0xb8;
	[tilespmem:$0x1E080] =	vst v63  }
0x73: {  	_ =	swait.ge [sflag:s14], $0x3E80  }
0x74: {  	s28 =	simm.s32 $0x400;
	[sflag:s14] =	ssyncset.done $0x0  }
.LBB2_4:
0x75: {  	p1 =	sne.s32 s28, $0x4800  }
0x76: {  	[sflag:s14] =	ssyncadd.s32 $0xFFFFC180;
	s29 =	smov.u32 s28;
	s28 =	sadd.s32 $0x400, s28  }
0x77: {  	_ = 	snop  }
0x78: {  	_ =	swait.ge [sflag:s20], $0x3E80  }
0x79: {  	s29 =	sshra.s32 s29, $0x2;
	[sflag:s20] =	ssyncset.done $0x0  }
0x7a: {  	s30 =	sadd.s32 $0x13900, s29;
	[sflag:s20] =	ssyncadd.s32 $0xFFFFC180  }
0x7b: {  	[tilespmem:s21], [sflag:$0x2] =	stream.indirect.gather [hbm4b:s5+s18], $0x80, s30, s18, $0xb8;
	[tilespmem:$0x1E080] =	vst v63  }
0x7c: {  	s30 =	sadd.s32 $0x14C80, s29  }
0x7d: {  	[spmem:s2] =	stream.indirect.scatter.add.f32 [tilespmem:s19], [sflag:$0x3], $0x80, s30, s18, $0xb8;
	[tilespmem:$0x1E080] =	vst v63  }
0x7e: {  	_ =	swait.ge [sflag:s14], $0x3E80  }
0x7f: {  	[sflag:s14] =	ssyncset.done $0x0  }
0x80: {  	[sflag:s14] =	ssyncadd.s32 $0xFFFFC180  }
0x81: {  	_ =	swait.ge [sflag:s22], $0x3E80  }
0x82: {  	[sflag:s22] =	ssyncset.done $0x0  }
0x83: {  	s30 =	sadd.s32 $0x13980, s29;
	[sflag:s22] =	ssyncadd.s32 $0xFFFFC180  }
0x84: {  	[tilespmem:s19], [sflag:$0x1] =	stream.indirect.gather [hbm4b:s5+s18], $0x80, s30, s18, $0xb8;
	[tilespmem:$0x1E080] =	vst v63  }
.Ltmp1:
0x85: {  	_ = 	snop;
	(pc) =	sbr.rel @p1 .LBB2_4-.Ltmp1, $4  }
0x86: {  	s29 =	sadd.s32 $0x14D00, s29  }
0x87: {  	[spmem:s2] =	stream.indirect.scatter.add.f32 [tilespmem:s21], [sflag:$0x3], $0x80, s29, s18, $0xb8;
	[tilespmem:$0x1E080] =	vst v63  }
0x88: {  	_ =	swait.ge [sflag:s14], $0x3E80  }
0x89: {  	[sflag:s14] =	ssyncset.done $0x0  }
0x8a: {  	[sflag:s14] =	ssyncadd.s32 $0xFFFFC180  }
0x8b: {  	_ =	swait.ge [sflag:s20], $0x3E80  }
0x8c: {  	[sflag:s20] =	ssyncset.done $0x0  }
0x8d: {  	[sflag:s20] =	ssyncadd.s32 $0xFFFFC180  }
0x8e: {  	[tilespmem:s21], [sflag:$0x2] =	stream.indirect.gather [hbm4b:s5+s18], $0x80, s23, s18, $0xb8;
	[tilespmem:$0x1E080] =	vst v63  }
0x8f: {  	_ = 	snop  }
0x90: {  	[spmem:s2] =	stream.indirect.scatter.add.f32 [tilespmem:s19], [sflag:$0x3], $0x80, s24, s18, $0xb8;
	[tilespmem:$0x1E080] =	vst v63  }
0x91: {  	_ =	swait.ge [sflag:s14], $0x3E80  }
0x92: {  	[sflag:s14] =	ssyncset.done $0x0  }
0x93: {  	[sflag:s14] =	ssyncadd.s32 $0xFFFFC180  }
0x94: {  	_ =	swait.ge [sflag:s22], $0x3E80  }
0x95: {  	[sflag:s22] =	ssyncset.done $0x0  }
0x96: {  	[sflag:s22] =	ssyncadd.s32 $0xFFFFC180  }
0x97: {  	[spmem:s2] =	stream.indirect.scatter.add.f32 [tilespmem:s21], [sflag:$0x3], $0x80, s25, s18, $0xb8;
	[tilespmem:$0x1E080] =	vst v63  }
0x98: {  	_ =	swait.ge [sflag:s14], $0x3E80  }
0x99: {  	[sflag:s14] =	ssyncset.done $0x0  }
0x9a: {  	[sflag:s14] =	ssyncadd.s32 $0xFFFFC180  }
0x9b: {  	s28 =	sadd.s32 s4, s11;
	[bflag:$0x0] =	sbarrier.arrive $0xFFFF  }
0x9c: {  	[hbm:s28], [sflag:s7] =	dma.local [spmem:s13], $0x2700  }
0x9d: {  	_ =	swait.ge [sflag:s14], $0x2700  }
0x9e: {  	s26 =	sadd.s32 $0x1, s26;
	[sflag:s14] =	ssyncset.done $0x0  }
0x9f: {  	p1 =	sne.s32 s26, s12;
	s28 =	sadd.s32 @!p0 $0x27000, s11;
	[sflag:s14] =	ssyncadd.s32 $0xFFFFD900  }
0xa0: {  	[hbm:s28], [sflag:s7] =	dma.local @!p0 [spmem:s15], $0x100  }
.Ltmp2:
0xa1: {  	_ = 	snop;
	(pc) =	sbr.rel @p1 .LBB2_1-.Ltmp2, $4  }
0xa2: {  	s28 =	simm.s32 @!p0 $0x3  }
0xa3: {  	_ =	swait.ge @!p0 [sflag:s28], $0x100  }
0xa4: {  	[sflag:s28] =	ssyncset.done @!p0 $0x0  }
0xa5: {  	[sflag:s28] =	ssyncadd.s32 @!p0 $0xFFFFFF00  }
0xa6: {  	_ =	sfence.sel $0x180000  }
0xa7: {  	[bflag:$0x0] =	sbarrier.arrive $0xFFFF  }
0xa8: {  	p0 =	sne.s32 s0, $0x0;
	_ =	strace $0x90000053  }
0xa9: {  	s0 =	sadd.s32 @!p0 $0x100000, s1;
	[bflag:$0x2] =	sbarrier.arrive $0xFFFF  }
0xaa: {  	[sflag:s0] =	ssyncadd.tile.s32 @!p0 $0x1;
	_ =	shalt  }
.Lfunc_end2:
_tile_overlayer_lowered:
.L_overlay_start_2:
0xab: {  	(tag) =	ssettag $0x2  }
0xac: {  	s0 =	rddreg [dreg:$0x0];
	s2 =	stileid.u32  }
0xad: {  	s1 =	rddreg [dreg:$0x1];
	p0 =	sne.s32 s2, $0x0  }
0xae: {  	s3 =	rddreg [dreg:$0x2];
	[bflag:$0x3] =	sbarrier.arrive $0xFFFF;
	s2 =	simm.s32 @!p0 $0x1C03  }
0xaf: {  	[timem:s3], [sflag:s2] =	dma.local @!p0 [hbm:s0], s1  }
0xb0: {  	s0 =	simm.s32 @!p0 $0x3  }
0xb1: {  	_ =	swait.ge @!p0 [sflag:s0], s1  }
0xb2: {  	s1 =	ssub.s32 @!p0 $0x0, s1;
	[sflag:s0] =	ssyncset.done @!p0 $0x0  }
0xb3: {  	[sflag:s0] =	ssyncadd.s32 @!p0 s1  }
0xb4: {  	[bflag:$0x3] =	sbarrier.arrive $0xFFFF  }
0xb5: {  	_ =	shalt  }

// kernel: kernel.31.cloned.1.call-start
scs
__scs_entry_jumppad:
0x0: {  	(pc) =	sbr.rel $0x88, $3  }
0x1: {  	(tag) =	ssettag $0x0;
	lr =	simm.s32 $0x1  }
0x2: {  	[smem:$0x3F97] =	sst lr;
	_ =	strace $0xD0000000  }
0x3: {  	_ = 	snop  }
0x4: {  	_ = 	snop  }
0x5: {  	_ = 	snop  }
0x6: {  	_ = 	snop  }
0x7: {  	_ = 	snop  }
__scs_overlays_trampoline_lowered:
0x8: {  	[smem:$0x3FA6] =	sst s0  }
0x9: {  	[smem:$0x3FA7] =	sst s1  }
0xa: {  	[smem:$0x3FA8] =	sst s2  }
0xb: {  	[smem:$0x3FA9] =	sst s3  }
0xc: {  	[smem:$0x3FAA] =	sst s4  }
0xd: {  	[smem:$0x3FAB] =	sst s5  }
0xe: {  	[smem:$0x3FAC] =	sst s6  }
0xf: {  	[smem:$0x3FAD] =	sst s7  }
0x10: {  	[smem:$0x3FAE] =	sst s8  }
0x11: {  	[smem:$0x3FAF] =	sst s9;
	s0 =	simm.s32 @!p0 $0x0  }
0x12: {  	s1 =	sld [smem:$0x3F95];
	s0 =	simm.s32 @p0 $0x1  }
0x13: {  	[smem:$0x3FB0] =	sst s0;
	s0 =	simm.s32 @!p1 $0x0  }
0x14: {  	s2 =	sld [smem:$0x3F94];
	s0 =	simm.s32 @p1 $0x1  }
0x15: {  	[smem:$0x3FB1] =	sst s0;
	s0 =	simm.s32 @!p2 $0x0  }
0x16: {  	s3 =	sld [smem:$0x3FDB];
	s0 =	simm.s32 @p2 $0x1  }
0x17: {  	s4 =	simm.s32 $0x1BF5;
	[smem:$0x3FB3] =	sst s0  }
0x18: {  	s0 =	sld [smem:$0x3F96];
	_ =	swait.ge [sflag:s4], $0x0  }
0x19: {  	s7 =	sld [smem:$0x3F97]  }
0x1a: {  	s8 =	sadd.s32 $0xFFFFE003, lr  }
0x1b: {  	s9 =	sadd.s32 $0xFFFFFEF7, lr;
	s5 =	simm.s32 $0xFFFFFFFF;
	p2 =	slt.u32 s8, $0xFFFFF086  }
0x1c: {  	p1 =	slt.u32 s9, $0xF7A;
	s5 =	simm.s32 @!p2 $0x0  }
0x1d: {  	s5 =	simm.s32 @p1 $0x1;
	p0 =	seq.s32 s7, s2  }
0x1e: {  	s7 =	smul.u32 @!p0 $0xF7A, s2;
	p2 =	seq.s32 @!p0 s5, $0x0  }
0x1f: {  	s9 =	smul.u32 $0xF7A, s1;
	s8 =	simm.s32 @!p0 $0x1BF5;
	p2 =	por !p2, p0  }
0x20: {  	[sflag:s8] =	ssyncset.s32 @!p0 $0xFFFFF086;
	s6 =	sadd.s32 @!p0 s3, s7;
	s7 =	simm.s32 @!p0 $0x108  }
0x21: {  	s3 =	sadd.s32 s3, s9;
	s6 =	sadd.s32 @!p0 $0x88, s6;
	s7 =	simm.s32 @p2 $0x1082  }
0x22: {  	[simem:s7], [sflag:s8] =	dma.local @!p0 [hbm:s6], $0xF7A  }
0x23: {  	s9 =	sor.u32 $0xD0000000, s2;
	s6 =	simm.s32 $0x108;
	_ =	swait.ge @!p0 [sflag:s8], $0x0  }
0x24: {  	s3 =	sadd.s32 $0x88, s3;
	s6 =	simm.s32 @!p1 $0x1082;
	[sflag:s4] =	ssyncset.s32 $0xFFFFF086  }
0x25: {  	[simem:s6], [sflag:s4] =	dma.local [hbm:s3], $0xF7A  }
0x26: {  	[smem:$0x3F97] =	sst s1;
	(tag) =	ssettag s2;
	_ =	strace s9  }
0x27: {  	s1 =	sld [smem:$0x3FA7]  }
0x28: {  	s2 =	sld [smem:$0x3FA8]  }
0x29: {  	s4 =	sld [smem:$0x3FAA]  }
0x2a: {  	p0 =	seq.s32 s5, $0x0;
	s5 =	sld [smem:$0x3FAB]  }
0x2b: {  	s6 =	sld [smem:$0x3FAC]  }
0x2c: {  	s7 =	sld [smem:$0x3FAD]  }
0x2d: {  	s3 =	simm.s32 $0x108;
	s8 =	sld [smem:$0x3FAE]  }
0x2e: {  	s3 =	simm.s32 @!p0 $0x1082;
	s9 =	sld [smem:$0x3FAF]  }
0x2f: {  	lr =	sadd.s32 s0, s3;
	s0 =	sld [smem:$0x3FA6]  }
0x30: {  	s3 =	sld [smem:$0x3FA9]  }
0x31: {  	[smem:$0x3FB2] =	sst s10  }
0x32: {  	s10 =	sld [smem:$0x3FB0];
	_ =	sdelay $0x3  }
0x33: {  	p0 =	seq.s32 s10, $0x1;
	s10 =	sld [smem:$0x3FB2];
	_ =	sdelay $0x3  }
0x34: {  	[smem:$0x3FB2] =	sst s10  }
0x35: {  	s10 =	sld [smem:$0x3FB1];
	_ =	sdelay $0x3  }
0x36: {  	p1 =	seq.s32 s10, $0x1;
	s10 =	sld [smem:$0x3FB2];
	_ =	sdelay $0x3  }
0x37: {  	[smem:$0x3FB2] =	sst s10  }
0x38: {  	s10 =	sld [smem:$0x3FB3]  }
0x39: {  	_ = 	snop;
	(pc) =	sbr.ind lr, $3  }
0x3a: {  	_ = 	snop  }
0x3b: {  	_ = 	snop  }
0x3c: {  	p2 =	seq.s32 s10, $0x1;
	s10 =	sld [smem:$0x3FB2]  }
0x3d: {  	_ =	shalt  }
0x3e: {  	_ =	shalt  }
0x3f: {  	_ =	shalt  }
0x40: {  	_ =	shalt  }
0x41: {  	_ =	shalt  }
0x42: {  	_ =	shalt  }
0x43: {  	_ =	shalt  }
0x44: {  	_ =	shalt  }
0x45: {  	_ =	shalt  }
0x46: {  	_ =	shalt  }
0x47: {  	_ =	shalt  }
0x48: {  	_ =	shalt  }
0x49: {  	_ =	shalt  }
0x4a: {  	_ =	shalt  }
0x4b: {  	_ =	shalt  }
0x4c: {  	_ =	shalt  }
0x4d: {  	_ =	shalt  }
0x4e: {  	_ =	shalt  }
0x4f: {  	_ =	shalt  }
0x50: {  	_ =	shalt  }
0x51: {  	_ =	shalt  }
0x52: {  	_ =	shalt  }
0x53: {  	_ =	shalt  }
0x54: {  	_ =	shalt  }
0x55: {  	_ =	shalt  }
0x56: {  	_ =	shalt  }
0x57: {  	_ =	shalt  }
0x58: {  	_ =	shalt  }
0x59: {  	_ =	shalt  }
0x5a: {  	_ =	shalt  }
0x5b: {  	_ =	shalt  }
0x5c: {  	_ =	shalt  }
0x5d: {  	_ =	shalt  }
0x5e: {  	_ =	shalt  }
0x5f: {  	_ =	shalt  }
0x60: {  	_ =	shalt  }
0x61: {  	_ =	shalt  }
0x62: {  	_ =	shalt  }
0x63: {  	_ =	shalt  }
0x64: {  	_ =	shalt  }
0x65: {  	_ =	shalt  }
0x66: {  	_ =	shalt  }
0x67: {  	_ =	shalt  }
0x68: {  	_ =	shalt  }
0x69: {  	_ =	shalt  }
0x6a: {  	_ =	shalt  }
0x6b: {  	_ =	shalt  }
0x6c: {  	_ =	shalt  }
0x6d: {  	_ =	shalt  }
0x6e: {  	_ =	shalt  }
0x6f: {  	_ =	shalt  }
0x70: {  	_ =	shalt  }
0x71: {  	_ =	shalt  }
0x72: {  	_ =	shalt  }
0x73: {  	_ =	shalt  }
0x74: {  	_ =	shalt  }
0x75: {  	_ =	shalt  }
0x76: {  	_ =	shalt  }
0x77: {  	_ =	shalt  }
0x78: {  	_ =	shalt  }
0x79: {  	_ =	shalt  }
0x7a: {  	_ =	shalt  }
0x7b: {  	_ =	shalt  }
0x7c: {  	_ =	shalt  }
0x7d: {  	_ =	shalt  }
0x7e: {  	_ =	shalt  }
0x7f: {  	_ =	shalt  }
0x80: {  	_ =	shalt  }
0x81: {  	_ =	shalt  }
0x82: {  	_ =	shalt  }
0x83: {  	_ =	shalt  }
0x84: {  	_ =	shalt  }
0x85: {  	_ =	shalt  }
0x86: {  	_ =	shalt  }
0x87: {  	_ =	shalt  }
.Lfunc_end0:
.L_simem_size_0:
called_computation.5_lowered:
.L_overlay_start_0:
0x88: {  	s2 =	sld [smem:$0x3FD9]  }
0x89: {  	s3 =	sld [smem:$0x3FFE];
	_ =	sdelay $0x1  }
0x8a: {  	s1 =	srdreg.scid  }
0x8b: {  	s0 =	sand.u32 $0x1, s1  }
0x8c: {  	s16 =	sshll.u32 s0, $0xA;
	s2 =	sadd.s32 s3, s2  }
0x8d: {  	s2 =	sadd.s32 s2, s16  }
0x8e: {  	[smem:$0x3FBE] =	sst s2  }
0x8f: {  	_ = 	snop  }
0x90: {  	(tm) =	ssettm $0x1  }
0x91: {  	s17 =	sld [smem:$0x3FFB];
	_ =	sdelay $0x3  }
0x92: {  	_ =	strace s17  }
0x93: {  	s2 =	sld [smem:$0x3FFC];
	_ =	sdelay $0x3  }
0x94: {  	_ =	strace s2  }
0x95: {  	s2 =	sld [smem:$0x3FFD];
	_ =	sdelay $0x3  }
0x96: {  	_ =	strace s2  }
0x97: {  	_ =	strace $0x8FFFFFFF  }
0x98: {  	s18 =	sld [smem:$0x3FDB];
	_ =	sdelay $0x1  }
0x99: {  	s19 =	simm.s32 $_scs_section_size  }
0x9a: {  	s4 =	simm.s32 $_size__tile_overlayer_lowered;
	s5 =	simm.s32 $_tile_overlayer_lowered  }
0x9b: {  	s22 =	simm.s32 $0x1BFF;
	s21 =	sshll.u32 s5, $0x1;
	s2 =	sadd.s32 s19, s18  }
0x9c: {  	s6 =	simm.s32 $0x0;
	s20 =	sshll.u32 s4, $0x1;
	s4 =	sadd.s32 s21, s2  }
0x9d: {  	[timem:s6], [sflag:s22] =	dma.local [hbm:s4], s20  }
0x9e: {  	_ =	swait.ge [sflag:s22], s20  }
0x9f: {  	s3 =	ssub.s32 $0x0, s20;
	[sflag:s22] =	ssyncset.done $0x0  }
0xa0: {  	[sflag:s22] =	ssyncadd.s32 s3;
	_ =	sdelay $0x1  }
0xa1: {  	s23 =	simm.s32 $0x1B8B  }
0xa2: {  	_ =	swait.ge [sflag:s23], $0x1  }
0xa3: {  	[sflag:s23] =	ssyncset.done $0x0  }
0xa4: {  	s25 =	simm.s32 $0x1B8E;
	s24 =	sld [smem:$0x3FFE];
	[sflag:s23] =	ssyncadd.s32 $0xFFFFFFFF  }
0xa5: {  	s26 =	simm.s32 $execute0_lowered;
	[smem:$0x3FD2] =	sst s25  }
0xa6: {  	s4 =	sshll.u32 s26, $0x1;
	_ =	strace $0x80000055;
	[dreg:$0x1] =	wrdreg $0xFFFFFFFF  }
0xa7: {  	s28 =	simm.s32 $_size_execute0_lowered;
	s2 =	sadd.s32 s2, s4;
	[dreg:$0x0] =	wrdreg $0x0  }
0xa8: {  	s4 =	sshll.u32 s28, $0x1;
	[dreg:$0x2] =	wrdreg s2  }
0xa9: {  	[dreg:$0x3] =	wrdreg s4  }
0xaa: {  	[dreg:$0x4] =	wrdreg $0xC0  }
0xab: {  	_ =	task [dreg:s6], $0x5FFFF  }
0xac: {  	[dreg:$0x1] =	wrdreg $0xFFFFFFFF  }
0xad: {  	[dreg:$0x0] =	wrdreg $0x60  }
0xae: {  	[dreg:$0x2] =	wrdreg s24  }
0xaf: {  	[dreg:$0x3] =	wrdreg $0x0  }
0xb0: {  	[dreg:$0x4] =	wrdreg $0x9  }
0xb1: {  	_ =	task.clear_ibuf [dreg:s6], $0x5FFFF;
	_ =	strace $0x90000055  }
0xb2: {  	s29 =	simm.s32 $0x9;
	_ =	strace $0x80000057  }
0xb3: {  	_ =	swait.ge [sflag:s29], $0x1  }
0xb4: {  	[sflag:s29] =	ssyncadd.s32 $0xFFFFFFFF  }
0xb5: {  	_ =	strace $0x90000057  }
0xb6: {  	_ =	sfence  }
0xb7: {  	s30 =	sld [smem:$0x0];
	_ =	sdelay $0x2  }
0xb8: {  	s31 =	sshll.u32 s1, $0xD;
	s1 =	sshrl.u32 s1, $0x2  }
0xb9: {  	s3 =	sand.u32 $0x4000, s31;
	s1 =	sadd.s32 s1, s30  }
0xba: {  	s0 =	sor.u32 s3, s0;
	s1 =	sshll.u32 s1, $0x11  }
0xbb: {  	s0 =	sor.u32 s1, s0  }
0xbc: {  	s0 =	sadd.s32 $0x8F2B, s0  }
0xbd: {  	[sflag:s0] =	ssyncadd.remote.s32 $0x1  }
0xbe: {  	_ =	sfence.sel $0xFFFF  }
0xbf: {  	[dreg:$0x0] =	wrdreg $0xFFFFFFFF;
	(pc) =	sbr.abs _section_cstart, $3  }
0xc0: {  	[dreg:$0x1] =	wrdreg $0xFFFFFFFF  }
0xc1: {  	_ =	task.clear_ibuf [dreg:s6], $0x2FFFF;
	_ =	strace $0x9FFFFFFF  }
0xc2: {  	(tm) =	ssettm $0x7FFFFFFF  }
0xc3: {  	_ =	shalt  }
tec
execute0_lowered:
.L_overlay_start_1:
0x0: {  	(tag) =	ssettag $0x1  }
0x1: {  	s8 =	rddreg [dreg:$0x0]  }
0x2: {  	s0 =	srdreg.scid;
	s2 =	rddreg [dreg:$0x1]  }
0x3: {  	s3 =	simm.s32 $0x0;
	s16 =	simm.s32 $0x13880;
	s17 =	simm.s32 $0x14C80  }
0x4: {  	s18 =	simm.s32 $0x7D;
	s19 =	simm.s32 $0x16080;
	s20 =	simm.s32 $0x1  }
0x5: {  	s21 =	simm.s32 $0x1A080;
	s22 =	simm.s32 $0x2;
	s23 =	simm.s32 $0x14C00  }
0x6: {  	s24 =	simm.s32 $0x15F80;
	s25 =	simm.s32 $0x16000;
	s26 =	simm.s32 $0x0  }
0x7: {  	s6 =	sand.u32 $0x1, s0;
	s0 =	stileid.u32;
	[smem:$0x7FF] =	sst s3  }
0x8: {  	s15 =	sadd.s32 $0x138000, s2;
	s1 =	sshll.u32 s6, $0x4;
	s7 =	smul.u32 $0x27100, s6  }
0x9: {  	s6 =	ssub.s32 $0x2, s6;
	s9 =	smul.u32 $0x4E000, s0;
	s31 =	sshll.u32 s0, $0x6  }
0xa: {  	p0 =	sne.s32 s0, $0xF;
	s4 =	sor.u32 s0, s1;
	s1 =	rddreg [dreg:$0x2]  }
0xb: {  	_ =	strace $0x80000056;
	s29 =	sshrl.u32 s6, $0x1;
	s5 =	smul.u32 $0x500, s4  }
0xc: {  	s15 =	sshrl.u32 @!p0 s15, $0x3;
	s4 =	smul.u32 $0x2700, s0;
	s12 =	sadd.s32 s7, s8  }
0xd: {  	s13 =	ssub.s32 s6, s29;
	s30 =	sshrl.u32 s9, $0x2;
	s7 =	sor.u32 $0x1C03, s31  }
0xe: {  	s14 =	sadd.s32 s30, s2;
	s10 =	sadd.s32 s5, s8;
	s11 =	sadd.s32 s4, s8  }
0xf: {  	s5 =	sadd.s32 $0x36800, s8;
	s8 =	sadd.s32 $0x36600, s8;
	s6 =	sadd.s32 $0xF600, s11  }
0x10: {  	s9 =	sadd.s32 $0x85200, s10;
	s10 =	sadd.s32 $0x5600, s10;
	s11 =	sadd.s32 $0x8F200, s12  }
0x11: {  	s12 =	smax.u32 s13, $0x1;
	s13 =	sshrl.u32 s14, $0x3;
	s14 =	simm.s32 $0x3  }
.LBB2_1:
0x12: {  	[spmem:s13], [sflag:s7] =	dma.local [hbm:s6], $0x2700  }
0x13: {  	_ =	swait.ge [sflag:s14], $0x2700  }
0x14: {  	[sflag:s14] =	ssyncset.done $0x0  }
0x15: {  	s28 =	simm.s32 @!p0 $0x3;
	[sflag:s14] =	ssyncadd.s32 $0xFFFFD900  }
0x16: {  	[spmem:s15], [sflag:s7] =	dma.local @!p0 [hbm:s8], $0x100  }
0x17: {  	_ =	swait.ge @!p0 [sflag:s28], $0x100  }
0x18: {  	[sflag:s28] =	ssyncset.done @!p0 $0x0  }
0x19: {  	[sflag:s28] =	ssyncadd.s32 @!p0 $0xFFFFFF00  }
0x1a: {  	[bflag:$0x0] =	sbarrier.arrive $0xFFFF  }
0x1b: {  	[tilespmem:s16], [sflag:$0x3] =	stream.linear.gather [hbm4b:s9+s3], $0x1400, $0x38;
	[tilespmem:$0x1E080] =	vst v63  }
0x1c: {  	_ =	swait.ge [sflag:s14], $0x1400  }
0x1d: {  	[sflag:s14] =	ssyncset.done $0x0  }
0x1e: {  	[sflag:s14] =	ssyncadd.s32 $0xFFFFEC00  }
0x1f: {  	[tilespmem:s17], [sflag:$0x3] =	stream.linear.gather [hbm4b:s10+s3], $0x1400, $0x38;
	[tilespmem:$0x1E080] =	vst v63  }
0x20: {  	_ =	swait.ge [sflag:s14], $0x1400  }
0x21: {  	[sflag:s14] =	ssyncset.done $0x0  }
0x22: {  	[sflag:s14] =	ssyncadd.s32 $0xFFFFEC00  }
0x23: {  	[tilespmem:s19], [sflag:$0x1] =	stream.indirect.gather [hbm4b:s5+s18], $0x80, s16, s18, $0xb8;
	[tilespmem:$0x1E080] =	vst v63  }
0x24: {  	_ =	swait.ge [sflag:s20], $0x3E80  }
0x25: {  	[sflag:s20] =	ssyncset.done $0x0  }
0x26: {  	s28 =	simm.s32 $0x13900;
	[sflag:s20] =	ssyncadd.s32 $0xFFFFC180  }
0x27: {  	[tilespmem:s21], [sflag:$0x2] =	stream.indirect.gather [hbm4b:s5+s18], $0x80, s28, s18, $0xb8;
	[tilespmem:$0x1E080] =	vst v63  }
0x28: {  	s28 =	simm.s32 $0x14C80  }
0x29: {  	[spmem:s2] =	stream.indirect.scatter.add.f32 [tilespmem:s19], [sflag:$0x3], $0x80, s28, s18, $0xb8;
	[tilespmem:$0x1E080] =	vst v63  }
0x2a: {  	_ =	swait.ge [sflag:s14], $0x3E80  }
0x2b: {  	[sflag:s14] =	ssyncset.done $0x0  }
0x2c: {  	[sflag:s14] =	ssyncadd.s32 $0xFFFFC180  }
0x2d: {  	_ =	swait.ge [sflag:s22], $0x3E80  }
0x2e: {  	[sflag:s22] =	ssyncset.done $0x0  }
0x2f: {  	s28 =	simm.s32 $0x13980;
	[sflag:s22] =	ssyncadd.s32 $0xFFFFC180  }
0x30: {  	[tilespmem:s19], [sflag:$0x1] =	stream.indirect.gather [hbm4b:s5+s18], $0x80, s28, s18, $0xb8;
	[tilespmem:$0x1E080] =	vst v63  }
0x31: {  	s28 =	simm.s32 $0x14D00  }
0x32: {  	[spmem:s2] =	stream.indirect.scatter.add.f32 [tilespmem:s21], [sflag:$0x3], $0x80, s28, s18, $0xb8;
	[tilespmem:$0x1E080] =	vst v63  }
0x33: {  	_ =	swait.ge [sflag:s14], $0x3E80  }
0x34: {  	s28 =	simm.s32 $0x400;
	[sflag:s14] =	ssyncset.done $0x0  }
.LBB2_2:
0x35: {  	p1 =	sne.s32 s28, $0x4800  }
0x36: {  	[sflag:s14] =	ssyncadd.s32 $0xFFFFC180;
	s29 =	smov.u32 s28;
	s28 =	sadd.s32 $0x400, s28  }
0x37: {  	_ = 	snop  }
0x38: {  	_ =	swait.ge [sflag:s20], $0x3E80  }
0x39: {  	s29 =	sshra.s32 s29, $0x2;
	[sflag:s20] =	ssyncset.done $0x0  }
0x3a: {  	s30 =	sadd.s32 $0x13900, s29;
	[sflag:s20] =	ssyncadd.s32 $0xFFFFC180  }
0x3b: {  	[tilespmem:s21], [sflag:$0x2] =	stream.indirect.gather [hbm4b:s5+s18], $0x80, s30, s18, $0xb8;
	[tilespmem:$0x1E080] =	vst v63  }
0x3c: {  	s30 =	sadd.s32 $0x14C80, s29  }
0x3d: {  	[spmem:s2] =	stream.indirect.scatter.add.f32 [tilespmem:s19], [sflag:$0x3], $0x80, s30, s18, $0xb8;
	[tilespmem:$0x1E080] =	vst v63  }
0x3e: {  	_ =	swait.ge [sflag:s14], $0x3E80  }
0x3f: {  	[sflag:s14] =	ssyncset.done $0x0  }
0x40: {  	[sflag:s14] =	ssyncadd.s32 $0xFFFFC180  }
0x41: {  	_ =	swait.ge [sflag:s22], $0x3E80  }
0x42: {  	[sflag:s22] =	ssyncset.done $0x0  }
0x43: {  	s30 =	sadd.s32 $0x13980, s29;
	[sflag:s22] =	ssyncadd.s32 $0xFFFFC180  }
0x44: {  	[tilespmem:s19], [sflag:$0x1] =	stream.indirect.gather [hbm4b:s5+s18], $0x80, s30, s18, $0xb8;
	[tilespmem:$0x1E080] =	vst v63  }
.Ltmp0:
0x45: {  	_ = 	snop;
	(pc) =	sbr.rel @p1 .LBB2_2-.Ltmp0, $4  }
0x46: {  	s29 =	sadd.s32 $0x14D00, s29  }
0x47: {  	[spmem:s2] =	stream.indirect.scatter.add.f32 [tilespmem:s21], [sflag:$0x3], $0x80, s29, s18, $0xb8;
	[tilespmem:$0x1E080] =	vst v63  }
0x48: {  	_ =	swait.ge [sflag:s14], $0x3E80  }
0x49: {  	[sflag:s14] =	ssyncset.done $0x0  }
0x4a: {  	[sflag:s14] =	ssyncadd.s32 $0xFFFFC180  }
0x4b: {  	_ =	swait.ge [sflag:s20], $0x3E80  }
0x4c: {  	[sflag:s20] =	ssyncset.done $0x0  }
0x4d: {  	[sflag:s20] =	ssyncadd.s32 $0xFFFFC180  }
0x4e: {  	[tilespmem:s21], [sflag:$0x2] =	stream.indirect.gather [hbm4b:s5+s18], $0x80, s23, s18, $0xb8;
	[tilespmem:$0x1E080] =	vst v63  }
0x4f: {  	_ = 	snop  }
0x50: {  	[spmem:s2] =	stream.indirect.scatter.add.f32 [tilespmem:s19], [sflag:$0x3], $0x80, s24, s18, $0xb8;
	[tilespmem:$0x1E080] =	vst v63  }
0x51: {  	_ =	swait.ge [sflag:s14], $0x3E80  }
0x52: {  	[sflag:s14] =	ssyncset.done $0x0  }
0x53: {  	[sflag:s14] =	ssyncadd.s32 $0xFFFFC180  }
0x54: {  	_ =	swait.ge [sflag:s22], $0x3E80  }
0x55: {  	[sflag:s22] =	ssyncset.done $0x0  }
0x56: {  	[sflag:s22] =	ssyncadd.s32 $0xFFFFC180  }
0x57: {  	[spmem:s2] =	stream.indirect.scatter.add.f32 [tilespmem:s21], [sflag:$0x3], $0x80, s25, s18, $0xb8;
	[tilespmem:$0x1E080] =	vst v63  }
0x58: {  	_ =	swait.ge [sflag:s14], $0x3E80  }
0x59: {  	[sflag:s14] =	ssyncset.done $0x0  }
0x5a: {  	s28 =	sadd.s32 $0x280, s9;
	s29 =	simm.s32 $0x0;
	[sflag:s14] =	ssyncadd.s32 $0xFFFFC180  }
0x5b: {  	[tilespmem:s16], [sflag:$0x3] =	stream.linear.gather [hbm4b:s28+s29], $0x1400, $0x38;
	[tilespmem:$0x1E080] =	vst v63  }
0x5c: {  	_ =	swait.ge [sflag:s14], $0x1400  }
0x5d: {  	[sflag:s14] =	ssyncset.done $0x0  }
0x5e: {  	s28 =	sadd.s32 $0x280, s10;
	[sflag:s14] =	ssyncadd.s32 $0xFFFFEC00  }
0x5f: {  	[tilespmem:s17], [sflag:$0x3] =	stream.linear.gather [hbm4b:s28+s29], $0x1400, $0x38;
	[tilespmem:$0x1E080] =	vst v63  }
0x60: {  	_ =	swait.ge [sflag:s14], $0x1400  }
0x61: {  	[sflag:s14] =	ssyncset.done $0x0  }
0x62: {  	[sflag:s14] =	ssyncadd.s32 $0xFFFFEC00  }
0x63: {  	[tilespmem:s19], [sflag:$0x1] =	stream.indirect.gather [hbm4b:s5+s18], $0x80, s16, s18, $0xb8;
	[tilespmem:$0x1E080] =	vst v63  }
0x64: {  	_ =	swait.ge [sflag:s20], $0x3E80  }
0x65: {  	[sflag:s20] =	ssyncset.done $0x0  }
0x66: {  	s28 =	simm.s32 $0x13900;
	[sflag:s20] =	ssyncadd.s32 $0xFFFFC180  }
0x67: {  	[tilespmem:s21], [sflag:$0x2] =	stream.indirect.gather [hbm4b:s5+s18], $0x80, s28, s18, $0xb8;
	[tilespmem:$0x1E080] =	vst v63  }
0x68: {  	s28 =	simm.s32 $0x14C80  }
0x69: {  	[spmem:s2] =	stream.indirect.scatter.add.f32 [tilespmem:s19], [sflag:$0x3], $0x80, s28, s18, $0xb8;
	[tilespmem:$0x1E080] =	vst v63  }
0x6a: {  	_ =	swait.ge [sflag:s14], $0x3E80  }
0x6b: {  	[sflag:s14] =	ssyncset.done $0x0  }
0x6c: {  	[sflag:s14] =	ssyncadd.s32 $0xFFFFC180  }
0x6d: {  	_ =	swait.ge [sflag:s22], $0x3E80  }
0x6e: {  	[sflag:s22] =	ssyncset.done $0x0  }
0x6f: {  	s28 =	simm.s32 $0x13980;
	[sflag:s22] =	ssyncadd.s32 $0xFFFFC180  }
0x70: {  	[tilespmem:s19], [sflag:$0x1] =	stream.indirect.gather [hbm4b:s5+s18], $0x80, s28, s18, $0xb8;
	[tilespmem:$0x1E080] =	vst v63  }
0x71: {  	s28 =	simm.s32 $0x14D00  }
0x72: {  	[spmem:s2] =	stream.indirect.scatter.add.f32 [tilespmem:s21], [sflag:$0x3], $0x80, s28, s18, $0xb8;
	[tilespmem:$0x1E080] =	vst v63  }
0x73: {  	_ =	swait.ge [sflag:s14], $0x3E80  }
0x74: {  	s28 =	simm.s32 $0x400;
	[sflag:s14] =	ssyncset.done $0x0  }
.LBB2_4:
0x75: {  	p1 =	sne.s32 s28, $0x4800  }
0x76: {  	[sflag:s14] =	ssyncadd.s32 $0xFFFFC180;
	s29 =	smov.u32 s28;
	s28 =	sadd.s32 $0x400, s28  }
0x77: {  	_ = 	snop  }
0x78: {  	_ =	swait.ge [sflag:s20], $0x3E80  }
0x79: {  	s29 =	sshra.s32 s29, $0x2;
	[sflag:s20] =	ssyncset.done $0x0  }
0x7a: {  	s30 =	sadd.s32 $0x13900, s29;
	[sflag:s20] =	ssyncadd.s32 $0xFFFFC180  }
0x7b: {  	[tilespmem:s21], [sflag:$0x2] =	stream.indirect.gather [hbm4b:s5+s18], $0x80, s30, s18, $0xb8;
	[tilespmem:$0x1E080] =	vst v63  }
0x7c: {  	s30 =	sadd.s32 $0x14C80, s29  }
0x7d: {  	[spmem:s2] =	stream.indirect.scatter.add.f32 [tilespmem:s19], [sflag:$0x3], $0x80, s30, s18, $0xb8;
	[tilespmem:$0x1E080] =	vst v63  }
0x7e: {  	_ =	swait.ge [sflag:s14], $0x3E80  }
0x7f: {  	[sflag:s14] =	ssyncset.done $0x0  }
0x80: {  	[sflag:s14] =	ssyncadd.s32 $0xFFFFC180  }
0x81: {  	_ =	swait.ge [sflag:s22], $0x3E80  }
0x82: {  	[sflag:s22] =	ssyncset.done $0x0  }
0x83: {  	s30 =	sadd.s32 $0x13980, s29;
	[sflag:s22] =	ssyncadd.s32 $0xFFFFC180  }
0x84: {  	[tilespmem:s19], [sflag:$0x1] =	stream.indirect.gather [hbm4b:s5+s18], $0x80, s30, s18, $0xb8;
	[tilespmem:$0x1E080] =	vst v63  }
.Ltmp1:
0x85: {  	_ = 	snop;
	(pc) =	sbr.rel @p1 .LBB2_4-.Ltmp1, $4  }
0x86: {  	s29 =	sadd.s32 $0x14D00, s29  }
0x87: {  	[spmem:s2] =	stream.indirect.scatter.add.f32 [tilespmem:s21], [sflag:$0x3], $0x80, s29, s18, $0xb8;
	[tilespmem:$0x1E080] =	vst v63  }
0x88: {  	_ =	swait.ge [sflag:s14], $0x3E80  }
0x89: {  	[sflag:s14] =	ssyncset.done $0x0  }
0x8a: {  	[sflag:s14] =	ssyncadd.s32 $0xFFFFC180  }
0x8b: {  	_ =	swait.ge [sflag:s20], $0x3E80  }
0x8c: {  	[sflag:s20] =	ssyncset.done $0x0  }
0x8d: {  	[sflag:s20] =	ssyncadd.s32 $0xFFFFC180  }
0x8e: {  	[tilespmem:s21], [sflag:$0x2] =	stream.indirect.gather [hbm4b:s5+s18], $0x80, s23, s18, $0xb8;
	[tilespmem:$0x1E080] =	vst v63  }
0x8f: {  	_ = 	snop  }
0x90: {  	[spmem:s2] =	stream.indirect.scatter.add.f32 [tilespmem:s19], [sflag:$0x3], $0x80, s24, s18, $0xb8;
	[tilespmem:$0x1E080] =	vst v63  }
0x91: {  	_ =	swait.ge [sflag:s14], $0x3E80  }
0x92: {  	[sflag:s14] =	ssyncset.done $0x0  }
0x93: {  	[sflag:s14] =	ssyncadd.s32 $0xFFFFC180  }
0x94: {  	_ =	swait.ge [sflag:s22], $0x3E80  }
0x95: {  	[sflag:s22] =	ssyncset.done $0x0  }
0x96: {  	[sflag:s22] =	ssyncadd.s32 $0xFFFFC180  }
0x97: {  	[spmem:s2] =	stream.indirect.scatter.add.f32 [tilespmem:s21], [sflag:$0x3], $0x80, s25, s18, $0xb8;
	[tilespmem:$0x1E080] =	vst v63  }
0x98: {  	_ =	swait.ge [sflag:s14], $0x3E80  }
0x99: {  	[sflag:s14] =	ssyncset.done $0x0  }
0x9a: {  	[sflag:s14] =	ssyncadd.s32 $0xFFFFC180  }
0x9b: {  	s28 =	sadd.s32 s4, s11;
	[bflag:$0x0] =	sbarrier.arrive $0xFFFF  }
0x9c: {  	[hbm:s28], [sflag:s7] =	dma.local [spmem:s13], $0x2700  }
0x9d: {  	_ =	swait.ge [sflag:s14], $0x2700  }
0x9e: {  	s26 =	sadd.s32 $0x1, s26;
	[sflag:s14] =	ssyncset.done $0x0  }
0x9f: {  	p1 =	sne.s32 s26, s12;
	s28 =	sadd.s32 @!p0 $0x27000, s11;
	[sflag:s14] =	ssyncadd.s32 $0xFFFFD900  }
0xa0: {  	[hbm:s28], [sflag:s7] =	dma.local @!p0 [spmem:s15], $0x100  }
.Ltmp2:
0xa1: {  	_ = 	snop;
	(pc) =	sbr.rel @p1 .LBB2_1-.Ltmp2, $4  }
0xa2: {  	s28 =	simm.s32 @!p0 $0x3  }
0xa3: {  	_ =	swait.ge @!p0 [sflag:s28], $0x100  }
0xa4: {  	[sflag:s28] =	ssyncset.done @!p0 $0x0  }
0xa5: {  	[sflag:s28] =	ssyncadd.s32 @!p0 $0xFFFFFF00  }
0xa6: {  	_ =	sfence.sel $0x180000  }
0xa7: {  	[bflag:$0x0] =	sbarrier.arrive $0xFFFF  }
0xa8: {  	p0 =	sne.s32 s0, $0x0;
	_ =	strace $0x90000056  }
0xa9: {  	s0 =	sadd.s32 @!p0 $0x100000, s1;
	[bflag:$0x2] =	sbarrier.arrive $0xFFFF  }
0xaa: {  	[sflag:s0] =	ssyncadd.tile.s32 @!p0 $0x1;
	_ =	shalt  }
.Lfunc_end2:
_tile_overlayer_lowered:
.L_overlay_start_2:
0xab: {  	(tag) =	ssettag $0x2  }
0xac: {  	s0 =	rddreg [dreg:$0x0];
	s2 =	stileid.u32  }
0xad: {  	s1 =	rddreg [dreg:$0x1];
	p0 =	sne.s32 s2, $0x0  }
0xae: {  	s3 =	rddreg [dreg:$0x2];
	[bflag:$0x3] =	sbarrier.arrive $0xFFFF;
	s2 =	simm.s32 @!p0 $0x1C03  }
0xaf: {  	[timem:s3], [sflag:s2] =	dma.local @!p0 [hbm:s0], s1  }
0xb0: {  	s0 =	simm.s32 @!p0 $0x3  }
0xb1: {  	_ =	swait.ge @!p0 [sflag:s0], s1  }
0xb2: {  	s1 =	ssub.s32 @!p0 $0x0, s1;
	[sflag:s0] =	ssyncset.done @!p0 $0x0  }
0xb3: {  	[sflag:s0] =	ssyncadd.s32 @!p0 s1  }
0xb4: {  	[bflag:$0x3] =	sbarrier.arrive $0xFFFF  }
0xb5: {  	_ =	shalt  }

// kernel: kernel.34.cloned.1.call-start
scs
__scs_entry_jumppad:
0x0: {  	(pc) =	sbr.rel $0x88, $3  }
0x1: {  	(tag) =	ssettag $0x0;
	lr =	simm.s32 $0x1  }
0x2: {  	[smem:$0x3F97] =	sst lr;
	_ =	strace $0xD0000000  }
0x3: {  	_ = 	snop  }
0x4: {  	_ = 	snop  }
0x5: {  	_ = 	snop  }
0x6: {  	_ = 	snop  }
0x7: {  	_ = 	snop  }
__scs_overlays_trampoline_lowered:
0x8: {  	[smem:$0x3FA6] =	sst s0  }
0x9: {  	[smem:$0x3FA7] =	sst s1  }
0xa: {  	[smem:$0x3FA8] =	sst s2  }
0xb: {  	[smem:$0x3FA9] =	sst s3  }
0xc: {  	[smem:$0x3FAA] =	sst s4  }
0xd: {  	[smem:$0x3FAB] =	sst s5  }
0xe: {  	[smem:$0x3FAC] =	sst s6  }
0xf: {  	[smem:$0x3FAD] =	sst s7  }
0x10: {  	[smem:$0x3FAE] =	sst s8  }
0x11: {  	[smem:$0x3FAF] =	sst s9;
	s0 =	simm.s32 @!p0 $0x0  }
0x12: {  	s1 =	sld [smem:$0x3F95];
	s0 =	simm.s32 @p0 $0x1  }
0x13: {  	[smem:$0x3FB0] =	sst s0;
	s0 =	simm.s32 @!p1 $0x0  }
0x14: {  	s2 =	sld [smem:$0x3F94];
	s0 =	simm.s32 @p1 $0x1  }
0x15: {  	[smem:$0x3FB1] =	sst s0;
	s0 =	simm.s32 @!p2 $0x0  }
0x16: {  	s3 =	sld [smem:$0x3FDB];
	s0 =	simm.s32 @p2 $0x1  }
0x17: {  	s4 =	simm.s32 $0x1BF5;
	[smem:$0x3FB3] =	sst s0  }
0x18: {  	s0 =	sld [smem:$0x3F96];
	_ =	swait.ge [sflag:s4], $0x0  }
0x19: {  	s7 =	sld [smem:$0x3F97]  }
0x1a: {  	s8 =	sadd.s32 $0xFFFFE003, lr  }
0x1b: {  	s9 =	sadd.s32 $0xFFFFFEF7, lr;
	s5 =	simm.s32 $0xFFFFFFFF;
	p2 =	slt.u32 s8, $0xFFFFF086  }
0x1c: {  	p1 =	slt.u32 s9, $0xF7A;
	s5 =	simm.s32 @!p2 $0x0  }
0x1d: {  	s5 =	simm.s32 @p1 $0x1;
	p0 =	seq.s32 s7, s2  }
0x1e: {  	s7 =	smul.u32 @!p0 $0xF7A, s2;
	p2 =	seq.s32 @!p0 s5, $0x0  }
0x1f: {  	s9 =	smul.u32 $0xF7A, s1;
	s8 =	simm.s32 @!p0 $0x1BF5;
	p2 =	por !p2, p0  }
0x20: {  	[sflag:s8] =	ssyncset.s32 @!p0 $0xFFFFF086;
	s6 =	sadd.s32 @!p0 s3, s7;
	s7 =	simm.s32 @!p0 $0x108  }
0x21: {  	s3 =	sadd.s32 s3, s9;
	s6 =	sadd.s32 @!p0 $0x88, s6;
	s7 =	simm.s32 @p2 $0x1082  }
0x22: {  	[simem:s7], [sflag:s8] =	dma.local @!p0 [hbm:s6], $0xF7A  }
0x23: {  	s9 =	sor.u32 $0xD0000000, s2;
	s6 =	simm.s32 $0x108;
	_ =	swait.ge @!p0 [sflag:s8], $0x0  }
0x24: {  	s3 =	sadd.s32 $0x88, s3;
	s6 =	simm.s32 @!p1 $0x1082;
	[sflag:s4] =	ssyncset.s32 $0xFFFFF086  }
0x25: {  	[simem:s6], [sflag:s4] =	dma.local [hbm:s3], $0xF7A  }
0x26: {  	[smem:$0x3F97] =	sst s1;
	(tag) =	ssettag s2;
	_ =	strace s9  }
0x27: {  	s1 =	sld [smem:$0x3FA7]  }
0x28: {  	s2 =	sld [smem:$0x3FA8]  }
0x29: {  	s4 =	sld [smem:$0x3FAA]  }
0x2a: {  	p0 =	seq.s32 s5, $0x0;
	s5 =	sld [smem:$0x3FAB]  }
0x2b: {  	s6 =	sld [smem:$0x3FAC]  }
0x2c: {  	s7 =	sld [smem:$0x3FAD]  }
0x2d: {  	s3 =	simm.s32 $0x108;
	s8 =	sld [smem:$0x3FAE]  }
0x2e: {  	s3 =	simm.s32 @!p0 $0x1082;
	s9 =	sld [smem:$0x3FAF]  }
0x2f: {  	lr =	sadd.s32 s0, s3;
	s0 =	sld [smem:$0x3FA6]  }
0x30: {  	s3 =	sld [smem:$0x3FA9]  }
0x31: {  	[smem:$0x3FB2] =	sst s10  }
0x32: {  	s10 =	sld [smem:$0x3FB0];
	_ =	sdelay $0x3  }
0x33: {  	p0 =	seq.s32 s10, $0x1;
	s10 =	sld [smem:$0x3FB2];
	_ =	sdelay $0x3  }
0x34: {  	[smem:$0x3FB2] =	sst s10  }
0x35: {  	s10 =	sld [smem:$0x3FB1];
	_ =	sdelay $0x3  }
0x36: {  	p1 =	seq.s32 s10, $0x1;
	s10 =	sld [smem:$0x3FB2];
	_ =	sdelay $0x3  }
0x37: {  	[smem:$0x3FB2] =	sst s10  }
0x38: {  	s10 =	sld [smem:$0x3FB3]  }
0x39: {  	_ = 	snop;
	(pc) =	sbr.ind lr, $3  }
0x3a: {  	_ = 	snop  }
0x3b: {  	_ = 	snop  }
0x3c: {  	p2 =	seq.s32 s10, $0x1;
	s10 =	sld [smem:$0x3FB2]  }
0x3d: {  	_ =	shalt  }
0x3e: {  	_ =	shalt  }
0x3f: {  	_ =	shalt  }
0x40: {  	_ =	shalt  }
0x41: {  	_ =	shalt  }
0x42: {  	_ =	shalt  }
0x43: {  	_ =	shalt  }
0x44: {  	_ =	shalt  }
0x45: {  	_ =	shalt  }
0x46: {  	_ =	shalt  }
0x47: {  	_ =	shalt  }
0x48: {  	_ =	shalt  }
0x49: {  	_ =	shalt  }
0x4a: {  	_ =	shalt  }
0x4b: {  	_ =	shalt  }
0x4c: {  	_ =	shalt  }
0x4d: {  	_ =	shalt  }
0x4e: {  	_ =	shalt  }
0x4f: {  	_ =	shalt  }
0x50: {  	_ =	shalt  }
0x51: {  	_ =	shalt  }
0x52: {  	_ =	shalt  }
0x53: {  	_ =	shalt  }
0x54: {  	_ =	shalt  }
0x55: {  	_ =	shalt  }
0x56: {  	_ =	shalt  }
0x57: {  	_ =	shalt  }
0x58: {  	_ =	shalt  }
0x59: {  	_ =	shalt  }
0x5a: {  	_ =	shalt  }
0x5b: {  	_ =	shalt  }
0x5c: {  	_ =	shalt  }
0x5d: {  	_ =	shalt  }
0x5e: {  	_ =	shalt  }
0x5f: {  	_ =	shalt  }
0x60: {  	_ =	shalt  }
0x61: {  	_ =	shalt  }
0x62: {  	_ =	shalt  }
0x63: {  	_ =	shalt  }
0x64: {  	_ =	shalt  }
0x65: {  	_ =	shalt  }
0x66: {  	_ =	shalt  }
0x67: {  	_ =	shalt  }
0x68: {  	_ =	shalt  }
0x69: {  	_ =	shalt  }
0x6a: {  	_ =	shalt  }
0x6b: {  	_ =	shalt  }
0x6c: {  	_ =	shalt  }
0x6d: {  	_ =	shalt  }
0x6e: {  	_ =	shalt  }
0x6f: {  	_ =	shalt  }
0x70: {  	_ =	shalt  }
0x71: {  	_ =	shalt  }
0x72: {  	_ =	shalt  }
0x73: {  	_ =	shalt  }
0x74: {  	_ =	shalt  }
0x75: {  	_ =	shalt  }
0x76: {  	_ =	shalt  }
0x77: {  	_ =	shalt  }
0x78: {  	_ =	shalt  }
0x79: {  	_ =	shalt  }
0x7a: {  	_ =	shalt  }
0x7b: {  	_ =	shalt  }
0x7c: {  	_ =	shalt  }
0x7d: {  	_ =	shalt  }
0x7e: {  	_ =	shalt  }
0x7f: {  	_ =	shalt  }
0x80: {  	_ =	shalt  }
0x81: {  	_ =	shalt  }
0x82: {  	_ =	shalt  }
0x83: {  	_ =	shalt  }
0x84: {  	_ =	shalt  }
0x85: {  	_ =	shalt  }
0x86: {  	_ =	shalt  }
0x87: {  	_ =	shalt  }
.Lfunc_end0:
.L_simem_size_0:
called_computation.6_lowered:
.L_overlay_start_0:
0x88: {  	s2 =	sld [smem:$0x3FD9]  }
0x89: {  	s3 =	sld [smem:$0x3FFE];
	_ =	sdelay $0x1  }
0x8a: {  	s1 =	srdreg.scid  }
0x8b: {  	s0 =	sand.u32 $0x1, s1  }
0x8c: {  	s16 =	sshll.u32 s0, $0xA;
	s2 =	sadd.s32 s3, s2  }
0x8d: {  	s2 =	sadd.s32 s2, s16  }
0x8e: {  	[smem:$0x3FBE] =	sst s2  }
0x8f: {  	_ = 	snop  }
0x90: {  	(tm) =	ssettm $0x1  }
0x91: {  	s17 =	sld [smem:$0x3FFB];
	_ =	sdelay $0x3  }
0x92: {  	_ =	strace s17  }
0x93: {  	s2 =	sld [smem:$0x3FFC];
	_ =	sdelay $0x3  }
0x94: {  	_ =	strace s2  }
0x95: {  	s2 =	sld [smem:$0x3FFD];
	_ =	sdelay $0x3  }
0x96: {  	_ =	strace s2  }
0x97: {  	_ =	strace $0x8FFFFFFF  }
0x98: {  	s18 =	sld [smem:$0x3FDB];
	_ =	sdelay $0x1  }
0x99: {  	s19 =	simm.s32 $_scs_section_size  }
0x9a: {  	s4 =	simm.s32 $_size__tile_overlayer_lowered;
	s5 =	simm.s32 $_tile_overlayer_lowered  }
0x9b: {  	s22 =	simm.s32 $0x1BFF;
	s21 =	sshll.u32 s5, $0x1;
	s2 =	sadd.s32 s19, s18  }
0x9c: {  	s6 =	simm.s32 $0x0;
	s20 =	sshll.u32 s4, $0x1;
	s4 =	sadd.s32 s21, s2  }
0x9d: {  	[timem:s6], [sflag:s22] =	dma.local [hbm:s4], s20  }
0x9e: {  	_ =	swait.ge [sflag:s22], s20  }
0x9f: {  	s3 =	ssub.s32 $0x0, s20;
	[sflag:s22] =	ssyncset.done $0x0  }
0xa0: {  	[sflag:s22] =	ssyncadd.s32 s3;
	_ =	sdelay $0x1  }
0xa1: {  	s23 =	simm.s32 $0x1B8B  }
0xa2: {  	_ =	swait.ge [sflag:s23], $0x1  }
0xa3: {  	[sflag:s23] =	ssyncset.done $0x0  }
0xa4: {  	s25 =	simm.s32 $0x1B8E;
	s24 =	sld [smem:$0x3FFE];
	[sflag:s23] =	ssyncadd.s32 $0xFFFFFFFF  }
0xa5: {  	s26 =	simm.s32 $execute0_lowered;
	[smem:$0x3FD2] =	sst s25  }
0xa6: {  	s4 =	sshll.u32 s26, $0x1;
	_ =	strace $0x80000058;
	[dreg:$0x1] =	wrdreg $0xFFFFFFFF  }
0xa7: {  	s28 =	simm.s32 $_size_execute0_lowered;
	s2 =	sadd.s32 s2, s4;
	[dreg:$0x0] =	wrdreg $0x0  }
0xa8: {  	s4 =	sshll.u32 s28, $0x1;
	[dreg:$0x2] =	wrdreg s2  }
0xa9: {  	[dreg:$0x3] =	wrdreg s4  }
0xaa: {  	[dreg:$0x4] =	wrdreg $0xC0  }
0xab: {  	_ =	task [dreg:s6], $0x5FFFF  }
0xac: {  	[dreg:$0x1] =	wrdreg $0xFFFFFFFF  }
0xad: {  	[dreg:$0x0] =	wrdreg $0x60  }
0xae: {  	[dreg:$0x2] =	wrdreg s24  }
0xaf: {  	[dreg:$0x3] =	wrdreg $0x0  }
0xb0: {  	[dreg:$0x4] =	wrdreg $0x9  }
0xb1: {  	_ =	task.clear_ibuf [dreg:s6], $0x5FFFF;
	_ =	strace $0x90000058  }
0xb2: {  	s29 =	simm.s32 $0x9;
	_ =	strace $0x8000005A  }
0xb3: {  	_ =	swait.ge [sflag:s29], $0x1  }
0xb4: {  	[sflag:s29] =	ssyncadd.s32 $0xFFFFFFFF  }
0xb5: {  	_ =	strace $0x9000005A  }
0xb6: {  	_ =	sfence  }
0xb7: {  	s30 =	sld [smem:$0x0];
	_ =	sdelay $0x2  }
0xb8: {  	s31 =	sshll.u32 s1, $0xD;
	s1 =	sshrl.u32 s1, $0x2  }
0xb9: {  	s3 =	sand.u32 $0x4000, s31;
	s1 =	sadd.s32 s1, s30  }
0xba: {  	s0 =	sor.u32 s3, s0;
	s1 =	sshll.u32 s1, $0x11  }
0xbb: {  	s0 =	sor.u32 s1, s0  }
0xbc: {  	s0 =	sadd.s32 $0x8F2B, s0  }
0xbd: {  	[sflag:s0] =	ssyncadd.remote.s32 $0x1  }
0xbe: {  	_ =	sfence.sel $0xFFFF  }
0xbf: {  	[dreg:$0x0] =	wrdreg $0xFFFFFFFF;
	(pc) =	sbr.abs _section_cstart, $3  }
0xc0: {  	[dreg:$0x1] =	wrdreg $0xFFFFFFFF  }
0xc1: {  	_ =	task.clear_ibuf [dreg:s6], $0x2FFFF;
	_ =	strace $0x9FFFFFFF  }
0xc2: {  	(tm) =	ssettm $0x7FFFFFFF  }
0xc3: {  	_ =	shalt  }
tec
execute0_lowered:
.L_overlay_start_1:
0x0: {  	(tag) =	ssettag $0x1  }
0x1: {  	s8 =	rddreg [dreg:$0x0]  }
0x2: {  	s0 =	srdreg.scid;
	s2 =	rddreg [dreg:$0x1]  }
0x3: {  	s3 =	simm.s32 $0x0;
	s16 =	simm.s32 $0x13880;
	s17 =	simm.s32 $0x14C80  }
0x4: {  	s18 =	simm.s32 $0x7D;
	s19 =	simm.s32 $0x16080;
	s20 =	simm.s32 $0x1  }
0x5: {  	s21 =	simm.s32 $0x1A080;
	s22 =	simm.s32 $0x2;
	s23 =	simm.s32 $0x14C00  }
0x6: {  	s24 =	simm.s32 $0x15F80;
	s25 =	simm.s32 $0x16000;
	s26 =	simm.s32 $0x0  }
0x7: {  	s6 =	sand.u32 $0x1, s0;
	s0 =	stileid.u32;
	[smem:$0x7FF] =	sst s3  }
0x8: {  	s15 =	sadd.s32 $0x138000, s2;
	s1 =	sshll.u32 s6, $0x4;
	s7 =	smul.u32 $0x27100, s6  }
0x9: {  	s6 =	ssub.s32 $0x2, s6;
	s9 =	smul.u32 $0x4E000, s0;
	s31 =	sshll.u32 s0, $0x6  }
0xa: {  	p0 =	sne.s32 s0, $0xF;
	s4 =	sor.u32 s0, s1;
	s1 =	rddreg [dreg:$0x2]  }
0xb: {  	_ =	strace $0x80000059;
	s29 =	sshrl.u32 s6, $0x1;
	s5 =	smul.u32 $0x500, s4  }
0xc: {  	s15 =	sshrl.u32 @!p0 s15, $0x3;
	s4 =	smul.u32 $0x2700, s0;
	s12 =	sadd.s32 s7, s8  }
0xd: {  	s13 =	ssub.s32 s6, s29;
	s30 =	sshrl.u32 s9, $0x2;
	s7 =	sor.u32 $0x1C03, s31  }
0xe: {  	s14 =	sadd.s32 s30, s2;
	s10 =	sadd.s32 s5, s8;
	s11 =	sadd.s32 s4, s8  }
0xf: {  	s5 =	sadd.s32 $0x36800, s8;
	s8 =	sadd.s32 $0x36600, s8;
	s6 =	sadd.s32 $0xF600, s11  }
0x10: {  	s9 =	sadd.s32 $0x85200, s10;
	s10 =	sadd.s32 $0x5600, s10;
	s11 =	sadd.s32 $0x8F200, s12  }
0x11: {  	s12 =	smax.u32 s13, $0x1;
	s13 =	sshrl.u32 s14, $0x3;
	s14 =	simm.s32 $0x3  }
.LBB2_1:
0x12: {  	[spmem:s13], [sflag:s7] =	dma.local [hbm:s6], $0x2700  }
0x13: {  	_ =	swait.ge [sflag:s14], $0x2700  }
0x14: {  	[sflag:s14] =	ssyncset.done $0x0  }
0x15: {  	s28 =	simm.s32 @!p0 $0x3;
	[sflag:s14] =	ssyncadd.s32 $0xFFFFD900  }
0x16: {  	[spmem:s15], [sflag:s7] =	dma.local @!p0 [hbm:s8], $0x100  }
0x17: {  	_ =	swait.ge @!p0 [sflag:s28], $0x100  }
0x18: {  	[sflag:s28] =	ssyncset.done @!p0 $0x0  }
0x19: {  	[sflag:s28] =	ssyncadd.s32 @!p0 $0xFFFFFF00  }
0x1a: {  	[bflag:$0x0] =	sbarrier.arrive $0xFFFF  }
0x1b: {  	[tilespmem:s16], [sflag:$0x3] =	stream.linear.gather [hbm4b:s9+s3], $0x1400, $0x38;
	[tilespmem:$0x1E080] =	vst v63  }
0x1c: {  	_ =	swait.ge [sflag:s14], $0x1400  }
0x1d: {  	[sflag:s14] =	ssyncset.done $0x0  }
0x1e: {  	[sflag:s14] =	ssyncadd.s32 $0xFFFFEC00  }
0x1f: {  	[tilespmem:s17], [sflag:$0x3] =	stream.linear.gather [hbm4b:s10+s3], $0x1400, $0x38;
	[tilespmem:$0x1E080] =	vst v63  }
0x20: {  	_ =	swait.ge [sflag:s14], $0x1400  }
0x21: {  	[sflag:s14] =	ssyncset.done $0x0  }
0x22: {  	[sflag:s14] =	ssyncadd.s32 $0xFFFFEC00  }
0x23: {  	[tilespmem:s19], [sflag:$0x1] =	stream.indirect.gather [hbm4b:s5+s18], $0x80, s16, s18, $0xb8;
	[tilespmem:$0x1E080] =	vst v63  }
0x24: {  	_ =	swait.ge [sflag:s20], $0x3E80  }
0x25: {  	[sflag:s20] =	ssyncset.done $0x0  }
0x26: {  	s28 =	simm.s32 $0x13900;
	[sflag:s20] =	ssyncadd.s32 $0xFFFFC180  }
0x27: {  	[tilespmem:s21], [sflag:$0x2] =	stream.indirect.gather [hbm4b:s5+s18], $0x80, s28, s18, $0xb8;
	[tilespmem:$0x1E080] =	vst v63  }
0x28: {  	s28 =	simm.s32 $0x14C80  }
0x29: {  	[spmem:s2] =	stream.indirect.scatter.add.f32 [tilespmem:s19], [sflag:$0x3], $0x80, s28, s18, $0xb8;
	[tilespmem:$0x1E080] =	vst v63  }
0x2a: {  	_ =	swait.ge [sflag:s14], $0x3E80  }
0x2b: {  	[sflag:s14] =	ssyncset.done $0x0  }
0x2c: {  	[sflag:s14] =	ssyncadd.s32 $0xFFFFC180  }
0x2d: {  	_ =	swait.ge [sflag:s22], $0x3E80  }
0x2e: {  	[sflag:s22] =	ssyncset.done $0x0  }
0x2f: {  	s28 =	simm.s32 $0x13980;
	[sflag:s22] =	ssyncadd.s32 $0xFFFFC180  }
0x30: {  	[tilespmem:s19], [sflag:$0x1] =	stream.indirect.gather [hbm4b:s5+s18], $0x80, s28, s18, $0xb8;
	[tilespmem:$0x1E080] =	vst v63  }
0x31: {  	s28 =	simm.s32 $0x14D00  }
0x32: {  	[spmem:s2] =	stream.indirect.scatter.add.f32 [tilespmem:s21], [sflag:$0x3], $0x80, s28, s18, $0xb8;
	[tilespmem:$0x1E080] =	vst v63  }
0x33: {  	_ =	swait.ge [sflag:s14], $0x3E80  }
0x34: {  	s28 =	simm.s32 $0x400;
	[sflag:s14] =	ssyncset.done $0x0  }
.LBB2_2:
0x35: {  	p1 =	sne.s32 s28, $0x4800  }
0x36: {  	[sflag:s14] =	ssyncadd.s32 $0xFFFFC180;
	s29 =	smov.u32 s28;
	s28 =	sadd.s32 $0x400, s28  }
0x37: {  	_ = 	snop  }
0x38: {  	_ =	swait.ge [sflag:s20], $0x3E80  }
0x39: {  	s29 =	sshra.s32 s29, $0x2;
	[sflag:s20] =	ssyncset.done $0x0  }
0x3a: {  	s30 =	sadd.s32 $0x13900, s29;
	[sflag:s20] =	ssyncadd.s32 $0xFFFFC180  }
0x3b: {  	[tilespmem:s21], [sflag:$0x2] =	stream.indirect.gather [hbm4b:s5+s18], $0x80, s30, s18, $0xb8;
	[tilespmem:$0x1E080] =	vst v63  }
0x3c: {  	s30 =	sadd.s32 $0x14C80, s29  }
0x3d: {  	[spmem:s2] =	stream.indirect.scatter.add.f32 [tilespmem:s19], [sflag:$0x3], $0x80, s30, s18, $0xb8;
	[tilespmem:$0x1E080] =	vst v63  }
0x3e: {  	_ =	swait.ge [sflag:s14], $0x3E80  }
0x3f: {  	[sflag:s14] =	ssyncset.done $0x0  }
0x40: {  	[sflag:s14] =	ssyncadd.s32 $0xFFFFC180  }
0x41: {  	_ =	swait.ge [sflag:s22], $0x3E80  }
0x42: {  	[sflag:s22] =	ssyncset.done $0x0  }
0x43: {  	s30 =	sadd.s32 $0x13980, s29;
	[sflag:s22] =	ssyncadd.s32 $0xFFFFC180  }
0x44: {  	[tilespmem:s19], [sflag:$0x1] =	stream.indirect.gather [hbm4b:s5+s18], $0x80, s30, s18, $0xb8;
	[tilespmem:$0x1E080] =	vst v63  }
.Ltmp0:
0x45: {  	_ = 	snop;
	(pc) =	sbr.rel @p1 .LBB2_2-.Ltmp0, $4  }
0x46: {  	s29 =	sadd.s32 $0x14D00, s29  }
0x47: {  	[spmem:s2] =	stream.indirect.scatter.add.f32 [tilespmem:s21], [sflag:$0x3], $0x80, s29, s18, $0xb8;
	[tilespmem:$0x1E080] =	vst v63  }
0x48: {  	_ =	swait.ge [sflag:s14], $0x3E80  }
0x49: {  	[sflag:s14] =	ssyncset.done $0x0  }
0x4a: {  	[sflag:s14] =	ssyncadd.s32 $0xFFFFC180  }
0x4b: {  	_ =	swait.ge [sflag:s20], $0x3E80  }
0x4c: {  	[sflag:s20] =	ssyncset.done $0x0  }
0x4d: {  	[sflag:s20] =	ssyncadd.s32 $0xFFFFC180  }
0x4e: {  	[tilespmem:s21], [sflag:$0x2] =	stream.indirect.gather [hbm4b:s5+s18], $0x80, s23, s18, $0xb8;
	[tilespmem:$0x1E080] =	vst v63  }
0x4f: {  	_ = 	snop  }
0x50: {  	[spmem:s2] =	stream.indirect.scatter.add.f32 [tilespmem:s19], [sflag:$0x3], $0x80, s24, s18, $0xb8;
	[tilespmem:$0x1E080] =	vst v63  }
0x51: {  	_ =	swait.ge [sflag:s14], $0x3E80  }
0x52: {  	[sflag:s14] =	ssyncset.done $0x0  }
0x53: {  	[sflag:s14] =	ssyncadd.s32 $0xFFFFC180  }
0x54: {  	_ =	swait.ge [sflag:s22], $0x3E80  }
0x55: {  	[sflag:s22] =	ssyncset.done $0x0  }
0x56: {  	[sflag:s22] =	ssyncadd.s32 $0xFFFFC180  }
0x57: {  	[spmem:s2] =	stream.indirect.scatter.add.f32 [tilespmem:s21], [sflag:$0x3], $0x80, s25, s18, $0xb8;
	[tilespmem:$0x1E080] =	vst v63  }
0x58: {  	_ =	swait.ge [sflag:s14], $0x3E80  }
0x59: {  	[sflag:s14] =	ssyncset.done $0x0  }
0x5a: {  	s28 =	sadd.s32 $0x280, s9;
	s29 =	simm.s32 $0x0;
	[sflag:s14] =	ssyncadd.s32 $0xFFFFC180  }
0x5b: {  	[tilespmem:s16], [sflag:$0x3] =	stream.linear.gather [hbm4b:s28+s29], $0x1400, $0x38;
	[tilespmem:$0x1E080] =	vst v63  }
0x5c: {  	_ =	swait.ge [sflag:s14], $0x1400  }
0x5d: {  	[sflag:s14] =	ssyncset.done $0x0  }
0x5e: {  	s28 =	sadd.s32 $0x280, s10;
	[sflag:s14] =	ssyncadd.s32 $0xFFFFEC00  }
0x5f: {  	[tilespmem:s17], [sflag:$0x3] =	stream.linear.gather [hbm4b:s28+s29], $0x1400, $0x38;
	[tilespmem:$0x1E080] =	vst v63  }
0x60: {  	_ =	swait.ge [sflag:s14], $0x1400  }
0x61: {  	[sflag:s14] =	ssyncset.done $0x0  }
0x62: {  	[sflag:s14] =	ssyncadd.s32 $0xFFFFEC00  }
0x63: {  	[tilespmem:s19], [sflag:$0x1] =	stream.indirect.gather [hbm4b:s5+s18], $0x80, s16, s18, $0xb8;
	[tilespmem:$0x1E080] =	vst v63  }
0x64: {  	_ =	swait.ge [sflag:s20], $0x3E80  }
0x65: {  	[sflag:s20] =	ssyncset.done $0x0  }
0x66: {  	s28 =	simm.s32 $0x13900;
	[sflag:s20] =	ssyncadd.s32 $0xFFFFC180  }
0x67: {  	[tilespmem:s21], [sflag:$0x2] =	stream.indirect.gather [hbm4b:s5+s18], $0x80, s28, s18, $0xb8;
	[tilespmem:$0x1E080] =	vst v63  }
0x68: {  	s28 =	simm.s32 $0x14C80  }
0x69: {  	[spmem:s2] =	stream.indirect.scatter.add.f32 [tilespmem:s19], [sflag:$0x3], $0x80, s28, s18, $0xb8;
	[tilespmem:$0x1E080] =	vst v63  }
0x6a: {  	_ =	swait.ge [sflag:s14], $0x3E80  }
0x6b: {  	[sflag:s14] =	ssyncset.done $0x0  }
0x6c: {  	[sflag:s14] =	ssyncadd.s32 $0xFFFFC180  }
0x6d: {  	_ =	swait.ge [sflag:s22], $0x3E80  }
0x6e: {  	[sflag:s22] =	ssyncset.done $0x0  }
0x6f: {  	s28 =	simm.s32 $0x13980;
	[sflag:s22] =	ssyncadd.s32 $0xFFFFC180  }
0x70: {  	[tilespmem:s19], [sflag:$0x1] =	stream.indirect.gather [hbm4b:s5+s18], $0x80, s28, s18, $0xb8;
	[tilespmem:$0x1E080] =	vst v63  }
0x71: {  	s28 =	simm.s32 $0x14D00  }
0x72: {  	[spmem:s2] =	stream.indirect.scatter.add.f32 [tilespmem:s21], [sflag:$0x3], $0x80, s28, s18, $0xb8;
	[tilespmem:$0x1E080] =	vst v63  }
0x73: {  	_ =	swait.ge [sflag:s14], $0x3E80  }
0x74: {  	s28 =	simm.s32 $0x400;
	[sflag:s14] =	ssyncset.done $0x0  }
.LBB2_4:
0x75: {  	p1 =	sne.s32 s28, $0x4800  }
0x76: {  	[sflag:s14] =	ssyncadd.s32 $0xFFFFC180;
	s29 =	smov.u32 s28;
	s28 =	sadd.s32 $0x400, s28  }
0x77: {  	_ = 	snop  }
0x78: {  	_ =	swait.ge [sflag:s20], $0x3E80  }
0x79: {  	s29 =	sshra.s32 s29, $0x2;
	[sflag:s20] =	ssyncset.done $0x0  }
0x7a: {  	s30 =	sadd.s32 $0x13900, s29;
	[sflag:s20] =	ssyncadd.s32 $0xFFFFC180  }
0x7b: {  	[tilespmem:s21], [sflag:$0x2] =	stream.indirect.gather [hbm4b:s5+s18], $0x80, s30, s18, $0xb8;
	[tilespmem:$0x1E080] =	vst v63  }
0x7c: {  	s30 =	sadd.s32 $0x14C80, s29  }
0x7d: {  	[spmem:s2] =	stream.indirect.scatter.add.f32 [tilespmem:s19], [sflag:$0x3], $0x80, s30, s18, $0xb8;
	[tilespmem:$0x1E080] =	vst v63  }
0x7e: {  	_ =	swait.ge [sflag:s14], $0x3E80  }
0x7f: {  	[sflag:s14] =	ssyncset.done $0x0  }
0x80: {  	[sflag:s14] =	ssyncadd.s32 $0xFFFFC180  }
0x81: {  	_ =	swait.ge [sflag:s22], $0x3E80  }
0x82: {  	[sflag:s22] =	ssyncset.done $0x0  }
0x83: {  	s30 =	sadd.s32 $0x13980, s29;
	[sflag:s22] =	ssyncadd.s32 $0xFFFFC180  }
0x84: {  	[tilespmem:s19], [sflag:$0x1] =	stream.indirect.gather [hbm4b:s5+s18], $0x80, s30, s18, $0xb8;
	[tilespmem:$0x1E080] =	vst v63  }
.Ltmp1:
0x85: {  	_ = 	snop;
	(pc) =	sbr.rel @p1 .LBB2_4-.Ltmp1, $4  }
0x86: {  	s29 =	sadd.s32 $0x14D00, s29  }
0x87: {  	[spmem:s2] =	stream.indirect.scatter.add.f32 [tilespmem:s21], [sflag:$0x3], $0x80, s29, s18, $0xb8;
	[tilespmem:$0x1E080] =	vst v63  }
0x88: {  	_ =	swait.ge [sflag:s14], $0x3E80  }
0x89: {  	[sflag:s14] =	ssyncset.done $0x0  }
0x8a: {  	[sflag:s14] =	ssyncadd.s32 $0xFFFFC180  }
0x8b: {  	_ =	swait.ge [sflag:s20], $0x3E80  }
0x8c: {  	[sflag:s20] =	ssyncset.done $0x0  }
0x8d: {  	[sflag:s20] =	ssyncadd.s32 $0xFFFFC180  }
0x8e: {  	[tilespmem:s21], [sflag:$0x2] =	stream.indirect.gather [hbm4b:s5+s18], $0x80, s23, s18, $0xb8;
	[tilespmem:$0x1E080] =	vst v63  }
0x8f: {  	_ = 	snop  }
0x90: {  	[spmem:s2] =	stream.indirect.scatter.add.f32 [tilespmem:s19], [sflag:$0x3], $0x80, s24, s18, $0xb8;
	[tilespmem:$0x1E080] =	vst v63  }
0x91: {  	_ =	swait.ge [sflag:s14], $0x3E80  }
0x92: {  	[sflag:s14] =	ssyncset.done $0x0  }
0x93: {  	[sflag:s14] =	ssyncadd.s32 $0xFFFFC180  }
0x94: {  	_ =	swait.ge [sflag:s22], $0x3E80  }
0x95: {  	[sflag:s22] =	ssyncset.done $0x0  }
0x96: {  	[sflag:s22] =	ssyncadd.s32 $0xFFFFC180  }
0x97: {  	[spmem:s2] =	stream.indirect.scatter.add.f32 [tilespmem:s21], [sflag:$0x3], $0x80, s25, s18, $0xb8;
	[tilespmem:$0x1E080] =	vst v63  }
0x98: {  	_ =	swait.ge [sflag:s14], $0x3E80  }
0x99: {  	[sflag:s14] =	ssyncset.done $0x0  }
0x9a: {  	[sflag:s14] =	ssyncadd.s32 $0xFFFFC180  }
0x9b: {  	s28 =	sadd.s32 s4, s11;
	[bflag:$0x0] =	sbarrier.arrive $0xFFFF  }
0x9c: {  	[hbm:s28], [sflag:s7] =	dma.local [spmem:s13], $0x2700  }
0x9d: {  	_ =	swait.ge [sflag:s14], $0x2700  }
0x9e: {  	s26 =	sadd.s32 $0x1, s26;
	[sflag:s14] =	ssyncset.done $0x0  }
0x9f: {  	p1 =	sne.s32 s26, s12;
	s28 =	sadd.s32 @!p0 $0x27000, s11;
	[sflag:s14] =	ssyncadd.s32 $0xFFFFD900  }
0xa0: {  	[hbm:s28], [sflag:s7] =	dma.local @!p0 [spmem:s15], $0x100  }
.Ltmp2:
0xa1: {  	_ = 	snop;
	(pc) =	sbr.rel @p1 .LBB2_1-.Ltmp2, $4  }
0xa2: {  	s28 =	simm.s32 @!p0 $0x3  }
0xa3: {  	_ =	swait.ge @!p0 [sflag:s28], $0x100  }
0xa4: {  	[sflag:s28] =	ssyncset.done @!p0 $0x0  }
0xa5: {  	[sflag:s28] =	ssyncadd.s32 @!p0 $0xFFFFFF00  }
0xa6: {  	_ =	sfence.sel $0x180000  }
0xa7: {  	[bflag:$0x0] =	sbarrier.arrive $0xFFFF  }
0xa8: {  	p0 =	sne.s32 s0, $0x0;
	_ =	strace $0x90000059  }
0xa9: {  	s0 =	sadd.s32 @!p0 $0x100000, s1;
	[bflag:$0x2] =	sbarrier.arrive $0xFFFF  }
0xaa: {  	[sflag:s0] =	ssyncadd.tile.s32 @!p0 $0x1;
	_ =	shalt  }
.Lfunc_end2:
_tile_overlayer_lowered:
.L_overlay_start_2:
0xab: {  	(tag) =	ssettag $0x2  }
0xac: {  	s0 =	rddreg [dreg:$0x0];
	s2 =	stileid.u32  }
0xad: {  	s1 =	rddreg [dreg:$0x1];
	p0 =	sne.s32 s2, $0x0  }
0xae: {  	s3 =	rddreg [dreg:$0x2];
	[bflag:$0x3] =	sbarrier.arrive $0xFFFF;
	s2 =	simm.s32 @!p0 $0x1C03  }
0xaf: {  	[timem:s3], [sflag:s2] =	dma.local @!p0 [hbm:s0], s1  }
0xb0: {  	s0 =	simm.s32 @!p0 $0x3  }
0xb1: {  	_ =	swait.ge @!p0 [sflag:s0], s1  }
0xb2: {  	s1 =	ssub.s32 @!p0 $0x0, s1;
	[sflag:s0] =	ssyncset.done @!p0 $0x0  }
0xb3: {  	[sflag:s0] =	ssyncadd.s32 @!p0 s1  }
0xb4: {  	[bflag:$0x3] =	sbarrier.arrive $0xFFFF  }
0xb5: {  	_ =	shalt  }

</sc_bundles>
